<compile_context>
chip_gen: v7x
topology: tpu7x:2x2x1
jax: 0.10.2.dev20260603
libtpu: 0.0.44.dev20260713+nightly
codegen_flags: <defaults>
</compile_context>

<pallas_src>
import functools

import jax
import jax.numpy as jnp
import numpy as np
from jax import lax
from jax.experimental import pallas as pl
from jax.experimental.pallas import tpu as pltpu
from jax.experimental.pallas import tpu_sc as plsc

F32 = jnp.float32
I32 = jnp.int32

NC, NS, NW = 2, 16, 32
N = 10000
Q4 = N // 4
E1, E2, E3 = 80000, 10000, 70000
E1P, E2P, E3P = 80640, 10240, 70400
CB1, CB2, CB3 = E1P // NW, E2P // NW, E3P // NW
CBS1, CBS3 = E1P // NS, E3P // NS
CBG2, CBSC2 = E2P // NS, E2P // NS
ACCR = 2504
ACCS = 2560
RPW = 79
OUTR = RPW * NW
BATCH = 512

L = 4
SZ = 7
AXIS_LEN = L * (1 + 2 * SZ)


def _mesh():
    return plsc.VectorSubcoreMesh(core_axis_name="c", subcore_axis_name="s")


_SC_PARAMS = pltpu.CompilerParams(use_tc_tiling_on_sc=False,
                                  needs_layout_passes=False)



def _make_sc_gather(specs):
    n = len(specs)
    cbmax = max(cb for cb, _ in specs)
    wmax = max(w for _, w in specs)
    out_type = tuple(jax.ShapeDtypeStruct((cb * NW, w), F32) for cb, w in specs)
    if n == 1:
        out_type = out_type[0]
    scratch = [pltpu.VMEM((cbmax,), I32), pltpu.VMEM((cbmax, wmax), F32),
               pltpu.SemaphoreType.DMA]

    @functools.partial(pl.kernel, mesh=_mesh(), out_type=out_type,
                       scratch_types=scratch, compiler_params=_SC_PARAMS)
    def k(*refs):
        tables = refs[:n]
        idxs = refs[n:2 * n]
        outs = refs[2 * n:3 * n]
        idx_v, rows_v, sem = refs[3 * n:3 * n + 3]
        wid = lax.axis_index("s") * NC + lax.axis_index("c")
        for g, (cb, w) in enumerate(specs):
            base = wid * cb
            iv = idx_v.at[pl.ds(0, cb)]
            rv = rows_v.at[pl.ds(0, cb), pl.ds(0, w)]
            pltpu.sync_copy(idxs[g].at[pl.ds(base, cb)], iv)
            pltpu.async_copy(tables[g].at[iv], rv, sem).wait()
            pltpu.sync_copy(rv, outs[g].at[pl.ds(base, cb)])

    return k


def _make_sc_scatter_gather(cbs, cbg, side_specs):
    cbmax = max([cbs] + list(side_specs))
    out_type = (jax.ShapeDtypeStruct((ACCR, 16), F32),
                jax.ShapeDtypeStruct((cbg * NS, 16), F32)) + tuple(
        jax.ShapeDtypeStruct((cb * NS, 16), F32) for cb in side_specs)
    nside = len(side_specs)
    scratch = [pltpu.VMEM((cbmax, 16), F32), pltpu.VMEM((cbmax,), I32),
               pltpu.VMEM((cbg,), I32), pltpu.VMEM((cbg, 16), F32),
               pltpu.VMEM_SHARED((ACCR, 16), F32), pltpu.SemaphoreType.DMA]

    @functools.partial(pl.kernel, mesh=_mesh(), out_type=out_type,
                       scratch_types=scratch, compiler_params=_SC_PARAMS)
    def k(*refs):
        (vals_hbm, dstl_hbm, gidx_hbm, zeros_hbm, table_hbm) = refs[:5]
        sidx_hbm = refs[5:5 + nside]
        acc_out, g_out = refs[5 + nside], refs[6 + nside]
        souts = refs[7 + nside:7 + 2 * nside]
        vals_v, idx_v, gi_v, gr_v, acc_sh, sem = refs[7 + 2 * nside:]
        cid = lax.axis_index("c")
        sid = lax.axis_index("s")

        @pl.when(cid == 0)
        def _():
            @pl.when(sid == 0)
            def _():
                pltpu.sync_copy(zeros_hbm, acc_sh)

            plsc.subcore_barrier()
            base = sid * cbs
            pltpu.sync_copy(vals_hbm.at[pl.ds(base, cbs)],
                            vals_v.at[pl.ds(0, cbs), :])
            pltpu.sync_copy(dstl_hbm.at[pl.ds(base, cbs)],
                            idx_v.at[pl.ds(0, cbs)])
            pltpu.sync_copy(vals_v.at[pl.ds(0, cbs), :],
                            acc_sh.at[idx_v.at[pl.ds(0, cbs)]], add=True)
            plsc.subcore_barrier()
            gbase = sid * cbg
            pltpu.sync_copy(gidx_hbm.at[pl.ds(gbase, cbg)], gi_v)
            pltpu.async_copy(acc_sh.at[gi_v], gr_v, sem).wait()
            pltpu.sync_copy(gr_v, g_out.at[pl.ds(gbase, cbg)])

            @pl.when(sid == 0)
            def _():
                pltpu.sync_copy(acc_sh, acc_out)

        @pl.when(cid == 1)
        def _():
            for g in range(nside):
                cb = side_specs[g]
                gb = sid * cb
                iv = idx_v.at[pl.ds(0, cb)]
                rv = vals_v.at[pl.ds(0, cb), :]
                pltpu.sync_copy(sidx_hbm[g].at[pl.ds(gb, cb)], iv)
                pltpu.async_copy(table_hbm.at[iv], rv, sem).wait()
                pltpu.sync_copy(rv, souts[g].at[pl.ds(gb, cb)])

    return k


def _make_sc_scatter_single(cbs):
    scratch = [pltpu.VMEM((cbs, 16), F32), pltpu.VMEM((cbs,), I32),
               pltpu.VMEM_SHARED((ACCR, 16), F32)]

    @functools.partial(pl.kernel, mesh=_mesh(),
                       out_type=jax.ShapeDtypeStruct((ACCR, 16), F32),
                       scratch_types=scratch, compiler_params=_SC_PARAMS)
    def k(vals_hbm, dstl_hbm, zeros_hbm, acc_out, vals_v, idx_v, acc_sh):
        cid = lax.axis_index("c")
        sid = lax.axis_index("s")

        @pl.when(cid == 0)
        def _():
            @pl.when(sid == 0)
            def _():
                pltpu.sync_copy(zeros_hbm, acc_sh)

            plsc.subcore_barrier()
            base = sid * cbs
            pltpu.sync_copy(vals_hbm.at[pl.ds(base, cbs)], vals_v)
            pltpu.sync_copy(dstl_hbm.at[pl.ds(base, cbs)], idx_v)
            pltpu.sync_copy(vals_v, acc_sh.at[idx_v], add=True)
            plsc.subcore_barrier()

            @pl.when(sid == 0)
            def _():
                pltpu.sync_copy(acc_sh, acc_out)

    return k


def _make_sc_reduce2():
    EH = E2P // 2
    CBH = EH // NS
    NVEC = EH // 16
    RPW2 = OUTR // NS
    scratch = [
        pltpu.VMEM((EH,), I32),
        pltpu.VMEM((EH + BATCH + 16,), I32),
        pltpu.VMEM((EH + 16,), I32),
        pltpu.VMEM((BATCH, 32), F32),
        pltpu.VMEM((RPW2, 32), F32),
        pltpu.VMEM((CBH, 48), F32),
        pltpu.VMEM((CBH,), I32),
        pltpu.VMEM_SHARED((ACCS, 48), F32),
        pltpu.SemaphoreType.DMA,
    ]

    @functools.partial(pl.kernel, mesh=_mesh(),
                       out_type=(jax.ShapeDtypeStruct((NC * ACCS, 48), F32),
                                 jax.ShapeDtypeStruct((NC * OUTR, 32), F32)),
                       scratch_types=scratch, compiler_params=_SC_PARAMS)
    def k(efc1_hbm, efc2_hbm, dstl_hbm, zeros_hbm, sum_out, max_out,
          dst_v, hit_ids, hit_dst, rows_v, acc, svals, sidx, acc_sh, sem):
        cid = lax.axis_index("c")
        sid = lax.axis_index("s")
        ebase = cid * EH

        @pl.when(sid == 0)
        def _():
            pltpu.sync_copy(zeros_hbm, acc_sh)

        plsc.subcore_barrier()
        base = ebase + sid * CBH
        pltpu.sync_copy(efc1_hbm.at[pl.ds(base, CBH)], svals)
        pltpu.sync_copy(dstl_hbm.at[pl.ds(base, CBH)], sidx)
        pltpu.sync_copy(svals, acc_sh.at[sidx], add=True)
        plsc.subcore_barrier()

        @pl.when(sid == 0)
        def _():
            pltpu.sync_copy(acc_sh, sum_out.at[pl.ds(cid * ACCS, ACCS)])

        lo = sid * RPW2
        hi = lo + RPW2
        pltpu.sync_copy(dstl_hbm.at[pl.ds(ebase, EH)], dst_v)

        ninf = jnp.full((16,), -3.4e38, F32)
        zi = jnp.zeros((16,), I32)

        def init_r(r, c):
            acc[r, pl.ds(0, 16)] = ninf
            acc[r, pl.ds(16, 16)] = ninf
            return c

        lax.fori_loop(0, RPW2, init_r, 0)

        iota16 = lax.iota(I32, 16)

        def scan_b(v, off_v):
            dv = dst_v[pl.ds(v * 16, 16)]
            m = (dv >= lo) & (dv < hi)
            pc = plsc.cumsum(m.astype(I32))
            pos = off_v + pc - 1
            plsc.store_scatter(hit_ids, [pos], ebase + iota16 + v * 16, mask=m)
            plsc.store_scatter(hit_dst, [pos], dv, mask=m)
            return off_v + plsc.all_reduce_population_count(m)

        off_v = lax.fori_loop(0, NVEC, scan_b, jnp.zeros((16,), I32))
        nh = off_v[0]

        def zt(i, c):
            hit_ids[pl.ds(nh + i * 16, 16)] = zi
            return c

        lax.fori_loop(0, BATCH // 16 + 1, zt, 0)

        nbt = (nh + BATCH - 1) // BATCH

        def batch_b(b, c):
            ids = hit_ids.at[pl.ds(b * BATCH, BATCH)]
            pltpu.async_copy(efc2_hbm.at[ids], rows_v, sem).wait()
            nb = jnp.minimum(BATCH, nh - b * BATCH)

            def e_b(j, cc):
                dvec = hit_dst[pl.ds(b * BATCH + j, 16)]
                r = dvec[0] - lo
                acc[r, pl.ds(0, 16)] = jnp.maximum(acc[r, pl.ds(0, 16)],
                                                   rows_v[j, pl.ds(0, 16)])
                acc[r, pl.ds(16, 16)] = jnp.maximum(acc[r, pl.ds(16, 16)],
                                                    rows_v[j, pl.ds(16, 16)])
                return cc

            lax.fori_loop(0, nb, e_b, 0)
            return c

        lax.fori_loop(0, nbt, batch_b, 0)
        pltpu.sync_copy(acc, max_out.at[pl.ds(cid * OUTR + lo, RPW2)])

    return k



def _run_net_mlp(parts, w1_parts, b1, mids, wlast, blast, res_mask, be):
    ep = parts[0].shape[0]
    nblk = ep // be
    npart = len(parts)

    def body(*refs):
        ins = refs[:npart]
        i = npart
        w1r = refs[i:i + npart]; i += npart
        b1r = refs[i]; i += 1
        midr = refs[i:i + 6]; i += 6
        wlr, blr, mr = refs[i], refs[i + 1], refs[i + 2]
        out = refs[-1]
        x0 = ins[0][...]
        s = jnp.dot(x0, w1r[0][...], preferred_element_type=F32)
        for p in range(1, npart):
            s = s + jnp.dot(ins[p][...], w1r[p][...], preferred_element_type=F32)
        h = jax.nn.relu(s + b1r[...])
        for m in range(3):
            h = jax.nn.relu(jnp.dot(h, midr[2 * m][...],
                                    preferred_element_type=F32) + midr[2 * m + 1][...])
        y = jnp.dot(h, wlr[...], preferred_element_type=F32) + blr[...]
        out[...] = y + x0 * mr[...]

    in_specs = [pl.BlockSpec((be, p.shape[1]), lambda i: (i, 0)) for p in parts]
    wargs = list(w1_parts) + [b1]
    for (w, b) in mids:
        wargs += [w, b]
    wargs += [wlast, blast, res_mask]
    in_specs += [pl.BlockSpec(w.shape, lambda i: (0, 0)) for w in wargs]
    return pl.pallas_call(
        body,
        grid=(nblk,),
        in_specs=in_specs,
        out_specs=pl.BlockSpec((be, wlast.shape[1]), lambda i: (i, 0)),
        out_shape=jax.ShapeDtypeStruct((ep, wlast.shape[1]), F32),
    )(*parts, *wargs)


def _run_level2(g_l2, g_s2, g_d2, efp, lq_w, ca_w, be):
    nblk = E2P // be
    lq_flat = [lq_w[0], lq_w[1], lq_w[2], lq_w[3]]
    for (w, b) in lq_w[4]:
        lq_flat += [w, b]
    lq_flat += [lq_w[5], lq_w[6]]
    ca_flat = [ca_w[0], ca_w[1], ca_w[2], ca_w[3], ca_w[4]]
    for (w, b) in ca_w[5]:
        ca_flat += [w, b]
    ca_flat += [ca_w[6], ca_w[7]]
    nlq = len(lq_flat)

    def body(*refs):
        gl, gs, gd, eft = (r[...] for r in refs[:4])
        i = 4
        lw = refs[i:i + nlq]; i += nlq
        cw = refs[i:i + len(ca_flat)]; i += len(ca_flat)
        o1c, o2, oce = refs[-3], refs[-2], refs[-1]

        def mm(a, b):
            return jnp.dot(a, b, preferred_element_type=F32)

        h = jax.nn.relu(mm(gl, lw[0][...]) + mm(gs, lw[1][...]) +
                        mm(gd, lw[2][...]) + lw[3][...])
        for m in range(3):
            h = jax.nn.relu(mm(h, lw[4 + 2 * m][...]) + lw[5 + 2 * m][...])
        s = mm(h, lw[10][...]) + lw[11][...]
        st = jnp.transpose(s)

        trows = []
        for l in range(L):
            k1t = eft[15 * l + 1:15 * l + 8, :]
            k2t = eft[15 * l + 8:15 * l + 15, :]
            tabt = eft[AXIS_LEN + 49 * l:AXIS_LEN + 49 * l + 49, :]
            kmt = jnp.concatenate([k1t[i2:i2 + 1, :] * k2t for i2 in range(SZ)],
                                  axis=0)
            for hh in range(4):
                lg = st[4 * l + hh:4 * l + hh + 1, :] * kmt
                mx = jnp.max(lg, axis=0, keepdims=True)
                p = jnp.exp(lg - mx)
                z = jnp.sum(p, axis=0, keepdims=True)
                trows.append(jnp.sum(p * tabt, axis=0, keepdims=True) / z)
        t = jnp.transpose(jnp.concatenate(trows, axis=0))

        h2 = jax.nn.relu(mm(gl, cw[0][...]) + mm(gs, cw[1][...]) +
                         mm(gd, cw[2][...]) + mm(t, cw[3][...]) + cw[4][...])
        for m in range(3):
            h2 = jax.nn.relu(mm(h2, cw[5 + 2 * m][...]) + cw[6 + 2 * m][...])
        x80 = mm(h2, cw[11][...]) + cw[12][...]
        kk = jax.nn.sigmoid(x80[:, 0:1])
        ones = jnp.ones((x80.shape[0], 1), F32)
        zer = jnp.zeros((x80.shape[0], 15), F32)
        o1c[...] = jnp.concatenate([x80[:, 1:33] * kk, ones, zer], axis=1)
        o2[...] = x80[:, 33:65] * kk
        oce[...] = x80[:, 65:69]

    in_specs = [
        pl.BlockSpec((be, 16), lambda i: (i, 0)),
        pl.BlockSpec((be, 16), lambda i: (i, 0)),
        pl.BlockSpec((be, 16), lambda i: (i, 0)),
        pl.BlockSpec((256, be), lambda i: (0, i)),
    ]
    wargs = lq_flat + ca_flat
    in_specs += [pl.BlockSpec(w.shape, lambda i: (0, 0)) for w in wargs]
    return pl.pallas_call(
        body,
        grid=(nblk,),
        in_specs=in_specs,
        out_specs=[pl.BlockSpec((be, 48), lambda i: (i, 0)),
                   pl.BlockSpec((be, 32), lambda i: (i, 0)),
                   pl.BlockSpec((be, 4), lambda i: (i, 0))],
        out_shape=[jax.ShapeDtypeStruct((E2P, 48), F32),
                   jax.ShapeDtypeStruct((E2P, 32), F32),
                   jax.ShapeDtypeStruct((E2P, 4), F32)],
    )(g_l2, g_s2, g_d2, efp, *wargs)


def _run_cellreduce(nfq3, s0, s1, m0, m1, wa, wb, wc, b1, mids, wlast, blast,
                    be):
    ep = nfq3.shape[0]
    nblk = ep // be
    wargs = [wa, wb, wc, b1]
    for (w, b) in mids:
        wargs += [w, b]
    wargs += [wlast, blast]

    def body(*refs):
        xn, xs0, xs1, xm0, xm1 = (r[...] for r in refs[:5])
        w = refs[5:-1]
        out = refs[-1]
        xs = xs0 + xs1
        xm = jnp.maximum(xm0, xm1)
        cnt = xs[:, 32:33]
        fixed = jnp.where(((xm - xm) == 0.0) & (cnt > 0.0), xm, 0.0)
        h = jax.nn.relu(jnp.dot(xn, w[0][...], preferred_element_type=F32) +
                        jnp.dot(xs, w[1][...], preferred_element_type=F32) +
                        jnp.dot(fixed, w[2][...], preferred_element_type=F32) +
                        w[3][...])
        for m in range(3):
            h = jax.nn.relu(jnp.dot(h, w[4 + 2 * m][...],
                                    preferred_element_type=F32) + w[5 + 2 * m][...])
        out[...] = jnp.dot(h, w[10][...], preferred_element_type=F32) + w[11][...]

    in_specs = [pl.BlockSpec((be, 16), lambda i: (i, 0)),
                pl.BlockSpec((be, 48), lambda i: (i, 0)),
                pl.BlockSpec((be, 48), lambda i: (i, 0)),
                pl.BlockSpec((be, 32), lambda i: (i, 0)),
                pl.BlockSpec((be, 32), lambda i: (i, 0))]
    in_specs += [pl.BlockSpec(w.shape, lambda i: (0, 0)) for w in wargs]
    return pl.pallas_call(
        body,
        grid=(nblk,),
        in_specs=in_specs,
        out_specs=pl.BlockSpec((be, 16), lambda i: (i, 0)),
        out_shape=jax.ShapeDtypeStruct((ep, 16), F32),
    )(nfq3, s0, s1, m0, m1, *wargs)



def _fold_weights(params):
    npp = params['netprop']
    lq = params['lut_query']
    ca = params['cellarc']
    cr = params['cellreduce']
    msa = params['msa']

    def bias(b):
        return b.reshape(1, -1)

    W1 = npp[0][0]
    w1_src1 = jnp.zeros((16, 64), F32).at[0:4].set(W1[:, 0:4].T).at[4:14].set(W1[:, 4:14].T)
    w1_dst = jnp.zeros((16, 64), F32).at[0:10].set(W1[:, 14:24].T)
    w1_l3 = jnp.zeros((16, 64), F32).at[0:4].set(W1[:, 0:4].T)
    w1_s3 = jnp.zeros((16, 64), F32).at[0:10].set(W1[:, 4:14].T)
    net_mids = [(npp[i][0].T, bias(npp[i][1])) for i in (1, 2, 3)]
    net_wl = jnp.zeros((64, 16), F32).at[:, 0:4].set(npp[4][0].T)
    net_bl = jnp.zeros((1, 16), F32).at[0, 0:4].set(npp[4][1])
    res_mask = jnp.zeros((1, 16), F32).at[0, 0:4].set(1.0)

    def fold_base(W):
        wl = jnp.zeros((16, W.shape[0]), F32).at[0:4].set(W[:, 0:4].T)
        ws = jnp.zeros((16, W.shape[0]), F32).at[0:10].set(W[:, 4:14].T)
        wd = jnp.zeros((16, W.shape[0]), F32).at[0:10].set(W[:, 14:24].T)
        return wl, ws, wd

    inv = np.float32(1.0 / np.sqrt(8.0))
    kw = msa['k_w'][:, 0]
    A = (kw[:, None] * msa['q_w']).reshape(4, 8, 32).sum(1) * inv
    c_att = (kw * msa['q_b']).reshape(4, 8).sum(1) * inv
    Wq, bq = lq[4]
    ws_att = jnp.einsum('hd,ldk->lhk', A, Wq.reshape(4, 32, 64)).reshape(16, 64)
    bs_att = (jnp.einsum('hd,ld->lh', A, bq.reshape(4, 32)) + c_att[None, :]).reshape(16)
    vw = msa['v_w'][:, 0]
    M = jnp.einsum('nhj,hj->nh', msa['o_w'].reshape(32, 4, 8), vw.reshape(4, 8))
    o_c = msa['o_w'] @ msa['v_b'] + msa['o_b']

    lq1a, lq1b, lq1c = fold_base(lq[0][0])
    lq_mids = [(lq[i][0].T, bias(lq[i][1])) for i in (1, 2, 3)]
    lq_w = (lq1a, lq1b, lq1c, bias(lq[0][1]), lq_mids, ws_att.T, bias(bs_att))

    Wc1, bc1 = ca[0]
    ca1a, ca1b, ca1c = fold_base(Wc1[:, 0:24])
    Wout = Wc1[:, 24:].reshape(64, 4, 32)
    wt = jnp.einsum('nlq,qh->nlh', Wout, M).reshape(64, 16).T
    bc1e = bias(bc1 + jnp.einsum('nlq,q->n', Wout, o_c))
    ca_mids = [(ca[i][0].T, bias(ca[i][1])) for i in (1, 2, 3)]
    ca_w5 = jnp.zeros((64, 80), F32).at[:, 0:69].set(ca[4][0].T)
    ca_b5 = jnp.zeros((1, 80), F32).at[0, 0:69].set(ca[4][1])
    ca_w = (ca1a, ca1b, ca1c, wt, bc1e, ca_mids, ca_w5, ca_b5)

    Wr1 = cr[0][0]
    wr_a = jnp.zeros((16, 64), F32).at[0:10].set(Wr1[:, 0:10].T)
    wr_b = jnp.zeros((48, 64), F32).at[0:32].set(Wr1[:, 10:42].T)
    wr_c = Wr1[:, 42:74].T
    cr_mids = [(cr[i][0].T, bias(cr[i][1])) for i in (1, 2, 3)]
    cr_wl = jnp.zeros((64, 16), F32).at[:, 0:4].set(cr[4][0].T)
    cr_bl = jnp.zeros((1, 16), F32).at[0, 0:4].set(cr[4][1])

    def bd(w):
        z = jnp.zeros_like(w)
        return jnp.concatenate([jnp.concatenate([w, z], 1),
                                jnp.concatenate([z, w], 1)], 0)

    def t2(b):
        return jnp.concatenate([b, b], 1)

    net_mids_p = [(bd(w), t2(b)) for (w, b) in net_mids]

    return dict(
        w1_src1=bd(w1_src1), w1_dst=bd(w1_dst), w1_l3=bd(w1_l3),
        w1_s3=bd(w1_s3),
        net_mids=net_mids_p, net_wl=bd(net_wl), net_bl=t2(net_bl),
        net_b1=t2(bias(npp[0][1])),
        res_mask=t2(res_mask),
        lq_w=lq_w, ca_w=ca_w,
        wr_a=wr_a, wr_b=wr_b, wr_c=wr_c, cr_mids=cr_mids, cr_wl=cr_wl,
        cr_bl=cr_bl, cr_b1=bias(cr[0][1]),
    )



def _padi(x, n, val):
    return jnp.concatenate([x, jnp.full((n - x.shape[0],), val, I32)])


def kernel(nf, n_atslew, ef_cell, params, edge_index_net1, edge_index_cell,
           edge_index_net3):
    fw = _fold_weights(params)

    nf16 = jnp.pad(nf, ((0, 0), (0, 6)))
    a16 = jnp.pad(jnp.concatenate([n_atslew, nf], axis=1), ((0, 0), (0, 2)))
    efpt = ef_cell.T

    s1p = _padi(edge_index_net1[0], E1P, 0)
    d1p = _padi(edge_index_net1[1], E1P, 0)
    s2p = _padi(edge_index_cell[0], E2P, 0)
    d2p = _padi(edge_index_cell[1], E2P, 0)
    s3p = _padi(edge_index_net3[0], E3P, 0)
    d3p = _padi(edge_index_net3[1], E3P, 0)
    dl1 = _padi(edge_index_net1[1] - Q4, E1P, ACCR - 1)
    sl2 = _padi(edge_index_cell[0] - Q4, E2P, 0)
    dl2 = _padi(edge_index_cell[1] - 2 * Q4, E2P, ACCS - 1)
    sl3 = _padi(edge_index_net3[0] - 2 * Q4, E3P, 0)
    dl3 = _padi(edge_index_net3[1] - 3 * Q4, E3P, ACCR - 1)

    zeros_acc = jnp.zeros((ACCR, 16), F32)
    zeros_acc48 = jnp.zeros((ACCS, 48), F32)

    g_s1, g_d1 = _make_sc_gather([(CB1, 16), (CB1, 16)])(
        a16, nf16, s1p, d1p)

    efn1 = _run_net_mlp([g_s1.reshape(E1P // 2, 32),
                         g_d1.reshape(E1P // 2, 32)],
                        [fw['w1_src1'], fw['w1_dst']],
                        fw['net_b1'], fw['net_mids'], fw['net_wl'],
                        fw['net_bl'], fw['res_mask'], 1120).reshape(E1P, 16)
    agg1, g_l2, g_s2, g_d2, g_s3, g_d3 = _make_sc_scatter_gather(
        CBS1, CBG2, [E2P // NS, E2P // NS, E3P // NS, E3P // NS])(
        efn1, dl1, sl2, zeros_acc, nf16, s2p, d2p, s3p, d3p)

    efc1c, efc2, efce_p = _run_level2(g_l2, g_s2, g_d2, efpt, fw['lq_w'],
                                      fw['ca_w'], 512)
    sum48, max32 = _make_sc_reduce2()(efc1c, efc2, dl2, zeros_acc48)

    nfq3 = jnp.pad(nf16[2 * Q4:3 * Q4], ((0, 60), (0, 0)))
    m0 = jnp.pad(max32[:OUTR], ((0, 2560 - OUTR), (0, 0)))
    m1 = jnp.pad(max32[OUTR:], ((0, 2560 - OUTR), (0, 0)))
    red16 = _run_cellreduce(nfq3, sum48[:ACCS], sum48[ACCS:], m0, m1,
                            fw['wr_a'], fw['wr_b'], fw['wr_c'], fw['cr_b1'],
                            fw['cr_mids'], fw['cr_wl'], fw['cr_bl'], 2560)

    g_l3 = _make_sc_gather([(CB3, 16)])(red16, sl3)
    efn3 = _run_net_mlp([g_l3.reshape(E3P // 2, 32),
                         g_s3.reshape(E3P // 2, 32),
                         g_d3.reshape(E3P // 2, 32)],
                        [fw['w1_l3'], fw['w1_s3'], fw['w1_dst']],
                        fw['net_b1'], fw['net_mids'], fw['net_wl'],
                        fw['net_bl'], fw['res_mask'], 880).reshape(E3P, 16)
    agg3 = _make_sc_scatter_single(CBS3)(efn3, dl3, zeros_acc)

    new_nf = jnp.concatenate([
        n_atslew[:Q4],
        agg1[:Q4, 0:4],
        red16[:Q4, 0:4],
        agg3[:Q4, 0:4],
    ], axis=0)
    return new_nf, efce_p[:E2]

# --- scband reference (transcript-rebuilt; emitter-appended) ---
"""Pipeline reference for scband-signal-prop-attn5-63660005261517 (READ-ONLY COPY).

The authoritative reference and input builder live on the scoring server;
editing this copy changes nothing except your own understanding.
"""

import jax, jax.numpy as jnp
import numpy as np

IN_NF = 10
OUT_NF = 4
L = 4
SZ = 7
H1 = 32
H2 = 32
OUT_CEF = 4
QDIM = 32
HEADS = 4
HID = 64
AXIS_LEN = L * (1 + 2 * SZ)
TAB_LEN = L * SZ * SZ
EF_DIM = AXIS_LEN + TAB_LEN


def _mlp_init(key, dims):
    params = []
    for i in range(len(dims) - 1):
        key, k1 = jax.random.split(key)
        W = jax.random.normal(k1, (dims[i + 1], dims[i]), dtype=jnp.float32) * (1.0 / np.sqrt(dims[i]))
        b = jnp.zeros((dims[i + 1],), dtype=jnp.float32)
        params.append((W, b))
    return params


def _mlp(params, x):
    for (W, b) in params[:-1]:
        x = jax.nn.relu(x @ W.T + b)
    W, b = params[-1]
    return x @ W.T + b


def _mha(q, k, v, p):
    B = q.shape[0]
    Dh = QDIM // HEADS
    qp = q @ p['q_w'].T + p['q_b']
    kp = k @ p['k_w'].T + p['k_b']
    vp = v @ p['v_w'].T + p['v_b']
    qh = qp.reshape(B, -1, HEADS, Dh).transpose(0, 2, 1, 3)
    kh = kp.reshape(B, -1, HEADS, Dh).transpose(0, 2, 1, 3)
    vh = vp.reshape(B, -1, HEADS, Dh).transpose(0, 2, 1, 3)
    scores = (qh @ kh.transpose(0, 1, 3, 2)) / np.sqrt(Dh)
    attn = jax.nn.softmax(scores, axis=-1)
    out = attn @ vh
    out = out.transpose(0, 2, 1, 3).reshape(B, -1, QDIM)
    return out @ p['o_w'].T + p['o_b']


def _forward(nf, n_atslew, ef_cell, params, ei1, eic, ei3):
    N = nf.shape[0]
    Q4 = N // 4
    ar = jnp.arange(N)
    new_nf = jnp.zeros((N, OUT_NF), dtype=nf.dtype)
    # primary inputs (topo level 0): new_nf <- n_atslew
    new_nf = jnp.where((ar < Q4)[:, None], n_atslew, new_nf)

    def net_prop(new_nf, src, dst, lo, hi):
        last = new_nf[src]
        x = jnp.concatenate([last, nf[src], nf[dst]], axis=1)
        efn = _mlp(params['netprop'], x) + last
        agg = jax.ops.segment_sum(efn, dst, num_segments=N)
        mask = (ar >= lo) & (ar < hi)
        return jnp.where(mask[:, None], agg, new_nf)

    # topo level 1: net_out propagation
    new_nf = net_prop(new_nf, ei1[0], ei1[1], Q4, 2 * Q4)

    # topo level 2: cell_out propagation with LUT attention
    src, dst = eic[0], eic[1]
    last = new_nf[src]
    base = jnp.concatenate([last, nf[src], nf[dst]], axis=1)
    q = _mlp(params['lut_query'], base).reshape(-1, 1, QDIM)
    axis = ef_cell[:, :AXIS_LEN].reshape(-1, L, 1 + 2 * SZ)
    key1 = axis[:, :, 1:1 + SZ]
    key2 = axis[:, :, 1 + SZ:1 + 2 * SZ]
    kmat = jnp.einsum('eli,elj->elij', key1, key2).reshape(-1, SZ * SZ, 1)
    tables = ef_cell[:, AXIS_LEN:AXIS_LEN + TAB_LEN].reshape(-1, SZ * SZ, 1)
    out = _mha(q, kmat, tables, params['msa']).reshape(-1, QDIM * L)
    x = jnp.concatenate([base, out], axis=1)
    x = _mlp(params['cellarc'], x)
    kk = jax.nn.sigmoid(x[:, :1])
    f1 = x[:, 1:1 + H1]
    f2 = x[:, 1 + H1:1 + H1 + H2]
    efce = x[:, 1 + H1 + H2:]
    efc1 = f1 * kk
    efc2 = f2 * kk
    nfc1 = jax.ops.segment_sum(efc1, dst, num_segments=N)
    nfc2 = jax.ops.segment_max(efc2, dst, num_segments=N)
    nfc2 = jnp.where(jnp.isfinite(nfc2), nfc2, 0.0)
    xr = jnp.concatenate([nf, nfc1, nfc2], axis=1)
    red = _mlp(params['cellreduce'], xr)
    mask2 = (ar >= 2 * Q4) & (ar < 3 * Q4)
    new_nf = jnp.where(mask2[:, None], red, new_nf)

    # topo level 3: net_out propagation
    new_nf = net_prop(new_nf, ei3[0], ei3[1], 3 * Q4, N)
    return new_nf, efce


def setup_inputs(seed: int = 0):
    key = jax.random.key(seed)
    ks = jax.random.split(key, 16)
    N = 10000
    Q4 = N // 4
    E1, E2, E3 = 80000, 10000, 70000
    nf = jax.random.normal(ks[0], (N, IN_NF), dtype=jnp.float32)
    n_atslew = jax.random.normal(ks[1], (N, OUT_NF), dtype=jnp.float32)
    ei1 = jnp.stack([jax.random.randint(ks[2], (E1,), 0, Q4),
                     Q4 + jax.random.randint(ks[3], (E1,), 0, Q4)]).astype(jnp.int32)
    eic = jnp.stack([Q4 + jax.random.randint(ks[4], (E2,), 0, Q4),
                     2 * Q4 + jax.random.randint(ks[5], (E2,), 0, Q4)]).astype(jnp.int32)
    ei3 = jnp.stack([2 * Q4 + jax.random.randint(ks[6], (E3,), 0, Q4),
                     3 * Q4 + jax.random.randint(ks[7], (E3,), 0, Q4)]).astype(jnp.int32)
    ef_cell = jax.random.uniform(ks[8], (E2, EF_DIM), dtype=jnp.float32)
    kp = jax.random.split(ks[9], 8)
    params = {
        'netprop': _mlp_init(kp[0], [OUT_NF + 2 * IN_NF, HID, HID, HID, HID, OUT_NF]),
        'lut_query': _mlp_init(kp[1], [OUT_NF + 2 * IN_NF, HID, HID, HID, HID, L * QDIM]),
        'cellarc': _mlp_init(kp[2], [OUT_NF + 2 * IN_NF + L * QDIM, HID, HID, HID, HID, 1 + H1 + H2 + OUT_CEF]),
        'cellreduce': _mlp_init(kp[3], [IN_NF + H1 + H2, HID, HID, HID, HID, OUT_NF]),
        'msa': {
            'q_w': jax.random.normal(kp[4], (QDIM, QDIM), dtype=jnp.float32) * 0.05,
            'k_w': jax.random.normal(kp[5], (QDIM, 1), dtype=jnp.float32) * 0.05,
            'v_w': jax.random.normal(kp[6], (QDIM, 1), dtype=jnp.float32) * 0.05,
            'q_b': jnp.zeros((QDIM,), dtype=jnp.float32),
            'k_b': jnp.zeros((QDIM,), dtype=jnp.float32),
            'v_b': jnp.zeros((QDIM,), dtype=jnp.float32),
            'o_w': jax.random.normal(kp[7], (QDIM, QDIM), dtype=jnp.float32) * 0.05,
            'o_b': jnp.zeros((QDIM,), dtype=jnp.float32),
        },
    }
    return {'nf': nf, 'n_atslew': n_atslew, 'ef_cell': ef_cell, 'params': params,
            'edge_index_net1': ei1, 'edge_index_cell': eic, 'edge_index_net3': ei3}


def reference(nf, n_atslew, ef_cell, params, edge_index_net1, edge_index_cell, edge_index_net3):
    return _forward(nf, n_atslew, ef_cell, params, edge_index_net1, edge_index_cell, edge_index_net3)

if __name__ == "__main__":
    import jax
    _d = setup_inputs()
    print(jax.jit(kernel)(*tuple(_d.values())))

</pallas_src>

<mosaic_0001>
#map = affine_map<(d0, d1) -> (0, 0)>
#map1 = affine_map<(d0, d1) -> (0)>
module attributes {stable_mosaic.version = 14 : i64} {
  func.func @k(%arg0: i32, %arg1: i32, %arg2: memref<2560x16xf32, #tpu.memory_space<hbm>>, %arg3: memref<70400xi32, #tpu.memory_space<hbm>>, %arg4: memref<70400x16xf32, #tpu.memory_space<hbm>>, %arg5: memref<2200xi32, #tpu.memory_space<vmem>>, %arg6: memref<2200x16xf32, #tpu.memory_space<vmem>>, %arg7: memref<!tpu.dma_semaphore, #tpu.memory_space<semaphore_mem>>) attributes {dimension_semantics = [#tpu.dimension_semantics<core_parallel>, #tpu.dimension_semantics<subcore_parallel>], iteration_bounds = array<i64: 2, 16>, scalar_prefetch = 0 : i64, scratch_operands = 3 : i64, tpu.core_type = #tpu.core_type<sc_vector_subcore>, window_params = [{transform_indices = #map}, {transform_indices = #map1}, {transform_indices = #map}]} {
    %mul3A = arith.constant 2 : i32
    %mul3A_0 = arith.muli %arg1, %mul3A : i32
    %add3A = arith.addi %mul3A_0, %arg0 : i32
    %mul3A_1 = arith.constant 2200 : i32
    %mul3A_2 = arith.muli %add3A, %mul3A_1 : i32
    "tpu.region"() ({
      %run_scoped3A = tpu.sem_alloc : memref<!tpu.dma_semaphore, #tpu.memory_space<semaphore_mem>>
      %dma_start3A_17 = arith.constant 0 : i32
      %dma_start3A_18 = tpu.memref_slice %arg5[%dma_start3A_17] : memref<2200xi32, #tpu.memory_space<vmem>> -> memref<2200xi32, #tpu.memory_space<vmem>>
      %dma_start3A_19 = tpu.memref_slice %arg3[%mul3A_2] : memref<70400xi32, #tpu.memory_space<hbm>> -> memref<2200xi32, #tpu.memory_space<hbm>>
      %dma_start3A_20 = arith.constant 0 : i32
      %dma_start3A_21 = tpu.memref_slice %arg5[%dma_start3A_20] : memref<2200xi32, #tpu.memory_space<vmem>> -> memref<2200xi32, #tpu.memory_space<vmem>>
      %dma_start3A_22 = tpu.memref_slice %arg3[%mul3A_2] : memref<70400xi32, #tpu.memory_space<hbm>> -> memref<2200xi32, #tpu.memory_space<hbm>>
      tpu.enqueue_dma source(%dma_start3A_22 : memref<2200xi32, #tpu.memory_space<hbm>>) target(%dma_start3A_21 : memref<2200xi32, #tpu.memory_space<vmem>>) target_semaphore(%run_scoped3A : memref<!tpu.dma_semaphore, #tpu.memory_space<semaphore_mem>>)
      %dma_wait3A_23 = arith.constant 0 : i32
      %dma_wait3A_24 = tpu.memref_slice %arg5[%dma_wait3A_23] : memref<2200xi32, #tpu.memory_space<vmem>> -> memref<2200xi32, #tpu.memory_space<vmem>>
      %dma_wait3A_25 = tpu.memref_slice %arg3[%mul3A_2] : memref<70400xi32, #tpu.memory_space<hbm>> -> memref<2200xi32, #tpu.memory_space<hbm>>
      %dma_wait3A_26 = arith.constant 0 : i32
      %dma_wait3A_27 = tpu.memref_slice %arg5[%dma_wait3A_26] : memref<2200xi32, #tpu.memory_space<vmem>> -> memref<2200xi32, #tpu.memory_space<vmem>>
      %dma_wait3A_28 = tpu.memref_slice %arg3[%mul3A_2] : memref<70400xi32, #tpu.memory_space<hbm>> -> memref<2200xi32, #tpu.memory_space<hbm>>
      tpu.wait_dma2 semaphore(%run_scoped3A : memref<!tpu.dma_semaphore, #tpu.memory_space<semaphore_mem>>) src(%dma_wait3A_28 : memref<2200xi32, #tpu.memory_space<hbm>>) dst(%dma_wait3A_27 : memref<2200xi32, #tpu.memory_space<vmem>>)
      tpu.yield
    }) : () -> ()
    %dma_start3A = arith.constant 0 : i32
    %dma_start3A_3 = arith.constant 0 : i32
    %dma_start3A_4 = tpu.memref_slice %arg6[%dma_start3A, %dma_start3A_3] : memref<2200x16xf32, #tpu.memory_space<vmem>> -> memref<2200x16xf32, #tpu.memory_space<vmem>>
    %dma_start3A_5 = arith.constant 0 : i32
    %dma_start3A_6 = tpu.memref_slice %arg5[%dma_start3A_5] : memref<2200xi32, #tpu.memory_space<vmem>> -> memref<2200xi32, #tpu.memory_space<vmem>>
    %dma_start3A_7 = arith.constant 0 : i32
    %dma_start3A_8 = arith.constant 0 : i32
    %dma_start3A_9 = tpu.memref_slice %arg2[%dma_start3A_7, %dma_start3A_8] : memref<2560x16xf32, #tpu.memory_space<hbm>> -> memref<2560x16xf32, #tpu.memory_space<hbm>>
    tpu.enqueue_indirect_dma source(%dma_start3A_9 : memref<2560x16xf32, #tpu.memory_space<hbm>>) target(%dma_start3A_4 : memref<2200x16xf32, #tpu.memory_space<vmem>>) offsets(%dma_start3A_6 : memref<2200xi32, #tpu.memory_space<vmem>>) semaphore(%arg7 : memref<!tpu.dma_semaphore, #tpu.memory_space<semaphore_mem>>)
    %dma_wait3A = arith.constant 0 : i32
    %dma_wait3A_10 = arith.constant 0 : i32
    %dma_wait3A_11 = tpu.memref_slice %arg6[%dma_wait3A, %dma_wait3A_10] : memref<2200x16xf32, #tpu.memory_space<vmem>> -> memref<2200x16xf32, #tpu.memory_space<vmem>>
    %dma_wait3A_12 = arith.constant 0 : i32
    %dma_wait3A_13 = tpu.memref_slice %arg5[%dma_wait3A_12] : memref<2200xi32, #tpu.memory_space<vmem>> -> memref<2200xi32, #tpu.memory_space<vmem>>
    %dma_wait3A_14 = arith.constant 0 : i32
    %dma_wait3A_15 = arith.constant 0 : i32
    %dma_wait3A_16 = tpu.memref_slice %arg2[%dma_wait3A_14, %dma_wait3A_15] : memref<2560x16xf32, #tpu.memory_space<hbm>> -> memref<2560x16xf32, #tpu.memory_space<hbm>>
    tpu.wait_indirect_dma semaphore(%arg7 : memref<!tpu.dma_semaphore, #tpu.memory_space<semaphore_mem>>) src(%dma_wait3A_16 : memref<2560x16xf32, #tpu.memory_space<hbm>>) dst(%dma_wait3A_11 : memref<2200x16xf32, #tpu.memory_space<vmem>>)
    "tpu.region"() ({
      %run_scoped3A = tpu.sem_alloc : memref<!tpu.dma_semaphore, #tpu.memory_space<semaphore_mem>>
      %dma_start3A_17 = arith.constant 0 : i32
      %dma_start3A_18 = arith.constant 0 : i32
      %dma_start3A_19 = tpu.memref_slice %arg6[%dma_start3A_17, %dma_start3A_18] : memref<2200x16xf32, #tpu.memory_space<vmem>> -> memref<2200x16xf32, #tpu.memory_space<vmem>>
      %dma_start3A_20 = arith.constant 0 : i32
      %dma_start3A_21 = tpu.memref_slice %arg4[%mul3A_2, %dma_start3A_20] : memref<70400x16xf32, #tpu.memory_space<hbm>> -> memref<2200x16xf32, #tpu.memory_space<hbm>>
      %dma_start3A_22 = arith.constant 0 : i32
      %dma_start3A_23 = tpu.memref_slice %arg4[%mul3A_2, %dma_start3A_22] : memref<70400x16xf32, #tpu.memory_space<hbm>> -> memref<2200x16xf32, #tpu.memory_space<hbm>>
      %dma_start3A_24 = arith.constant 0 : i32
      %dma_start3A_25 = arith.constant 0 : i32
      %dma_start3A_26 = tpu.memref_slice %arg6[%dma_start3A_24, %dma_start3A_25] : memref<2200x16xf32, #tpu.memory_space<vmem>> -> memref<2200x16xf32, #tpu.memory_space<vmem>>
      tpu.enqueue_dma source(%dma_start3A_26 : memref<2200x16xf32, #tpu.memory_space<vmem>>) target(%dma_start3A_23 : memref<2200x16xf32, #tpu.memory_space<hbm>>) target_semaphore(%run_scoped3A : memref<!tpu.dma_semaphore, #tpu.memory_space<semaphore_mem>>)
      %dma_wait3A_27 = arith.constant 0 : i32
      %dma_wait3A_28 = arith.constant 0 : i32
      %dma_wait3A_29 = tpu.memref_slice %arg6[%dma_wait3A_27, %dma_wait3A_28] : memref<2200x16xf32, #tpu.memory_space<vmem>> -> memref<2200x16xf32, #tpu.memory_space<vmem>>
      %dma_wait3A_30 = arith.constant 0 : i32
      %dma_wait3A_31 = tpu.memref_slice %arg4[%mul3A_2, %dma_wait3A_30] : memref<70400x16xf32, #tpu.memory_space<hbm>> -> memref<2200x16xf32, #tpu.memory_space<hbm>>
      %dma_wait3A_32 = arith.constant 0 : i32
      %dma_wait3A_33 = tpu.memref_slice %arg4[%mul3A_2, %dma_wait3A_32] : memref<70400x16xf32, #tpu.memory_space<hbm>> -> memref<2200x16xf32, #tpu.memory_space<hbm>>
      %dma_wait3A_34 = arith.constant 0 : i32
      %dma_wait3A_35 = arith.constant 0 : i32
      %dma_wait3A_36 = tpu.memref_slice %arg6[%dma_wait3A_34, %dma_wait3A_35] : memref<2200x16xf32, #tpu.memory_space<vmem>> -> memref<2200x16xf32, #tpu.memory_space<vmem>>
      tpu.wait_dma2 semaphore(%run_scoped3A : memref<!tpu.dma_semaphore, #tpu.memory_space<semaphore_mem>>) src(%dma_wait3A_36 : memref<2200x16xf32, #tpu.memory_space<vmem>>) dst(%dma_wait3A_33 : memref<2200x16xf32, #tpu.memory_space<hbm>>)
      tpu.yield
    }) : () -> ()
    return
  }
}

#map = affine_map<(d0, d1) -> (0, 0)>
#map1 = affine_map<(d0, d1) -> (0)>
module attributes {stable_mosaic.version = 14 : i64} {
  func.func @k(%arg0: i32, %arg1: i32, %arg2: memref<10240x48xf32, #tpu.memory_space<hbm>>, %arg3: memref<10240x32xf32, #tpu.memory_space<hbm>>, %arg4: memref<10240xi32, #tpu.memory_space<hbm>>, %arg5: memref<2560x48xf32, #tpu.memory_space<hbm>>, %arg6: memref<5120x48xf32, #tpu.memory_space<hbm>>, %arg7: memref<5056x32xf32, #tpu.memory_space<hbm>>, %arg8: memref<5120xi32, #tpu.memory_space<vmem>>, %arg9: memref<5648xi32, #tpu.memory_space<vmem>>, %arg10: memref<5136xi32, #tpu.memory_space<vmem>>, %arg11: memref<512x32xf32, #tpu.memory_space<vmem>>, %arg12: memref<158x32xf32, #tpu.memory_space<vmem>>, %arg13: memref<320x48xf32, #tpu.memory_space<vmem>>, %arg14: memref<320xi32, #tpu.memory_space<vmem>>, %arg15: memref<2560x48xf32, #tpu.memory_space<vmem_shared>>, %arg16: memref<!tpu.dma_semaphore, #tpu.memory_space<semaphore_mem>>) attributes {dimension_semantics = [#tpu.dimension_semantics<core_parallel>, #tpu.dimension_semantics<subcore_parallel>], iteration_bounds = array<i64: 2, 16>, scalar_prefetch = 0 : i64, scratch_operands = 9 : i64, tpu.core_type = #tpu.core_type<sc_vector_subcore>, window_params = [{transform_indices = #map}, {transform_indices = #map}, {transform_indices = #map1}, {transform_indices = #map}, {transform_indices = #map}, {transform_indices = #map}]} {
    %mul3A = arith.constant 5120 : i32
    %mul3A_0 = arith.muli %arg0, %mul3A : i32
    %eq3A = arith.constant 0 : i32
    %eq3A_1 = arith.cmpi eq, %arg1, %eq3A : i32
    %convert_element_type3A = arith.extui %eq3A_1 : i1 to i32
    %cond3A = arith.constant 0 : i32
    %cond3A_2 = arith.cmpi ne, %convert_element_type3A, %cond3A : i32
    scf.if %cond3A_2 {
      "tpu.region"() ({
        %run_scoped3A = tpu.sem_alloc : memref<!tpu.dma_semaphore, #tpu.memory_space<semaphore_mem>>
        tpu.enqueue_dma source(%arg5 : memref<2560x48xf32, #tpu.memory_space<hbm>>) target(%arg15 : memref<2560x48xf32, #tpu.memory_space<vmem_shared>>) target_semaphore(%run_scoped3A : memref<!tpu.dma_semaphore, #tpu.memory_space<semaphore_mem>>)
        tpu.wait_dma2 semaphore(%run_scoped3A : memref<!tpu.dma_semaphore, #tpu.memory_space<semaphore_mem>>) src(%arg5 : memref<2560x48xf32, #tpu.memory_space<hbm>>) dst(%arg15 : memref<2560x48xf32, #tpu.memory_space<vmem_shared>>)
        tpu.yield
      }) : () -> ()
    } else {
    }
    %barrier3A = arith.constant 0 : index
    tpu.barrier barrier_id(%barrier3A)
    %mul3A_3 = arith.constant 320 : i32
    %mul3A_4 = arith.muli %arg1, %mul3A_3 : i32
    %add3A = arith.addi %mul3A_0, %mul3A_4 : i32
    "tpu.region"() ({
      %run_scoped3A = tpu.sem_alloc : memref<!tpu.dma_semaphore, #tpu.memory_space<semaphore_mem>>
      %dma_start3A = arith.constant 0 : i32
      %dma_start3A_69 = tpu.memref_slice %arg2[%add3A, %dma_start3A] : memref<10240x48xf32, #tpu.memory_space<hbm>> -> memref<320x48xf32, #tpu.memory_space<hbm>>
      %dma_start3A_70 = arith.constant 0 : i32
      %dma_start3A_71 = tpu.memref_slice %arg2[%add3A, %dma_start3A_70] : memref<10240x48xf32, #tpu.memory_space<hbm>> -> memref<320x48xf32, #tpu.memory_space<hbm>>
      tpu.enqueue_dma source(%dma_start3A_71 : memref<320x48xf32, #tpu.memory_space<hbm>>) target(%arg13 : memref<320x48xf32, #tpu.memory_space<vmem>>) target_semaphore(%run_scoped3A : memref<!tpu.dma_semaphore, #tpu.memory_space<semaphore_mem>>)
      %dma_wait3A = arith.constant 0 : i32
      %dma_wait3A_72 = tpu.memref_slice %arg2[%add3A, %dma_wait3A] : memref<10240x48xf32, #tpu.memory_space<hbm>> -> memref<320x48xf32, #tpu.memory_space<hbm>>
      %dma_wait3A_73 = arith.constant 0 : i32
      %dma_wait3A_74 = tpu.memref_slice %arg2[%add3A, %dma_wait3A_73] : memref<10240x48xf32, #tpu.memory_space<hbm>> -> memref<320x48xf32, #tpu.memory_space<hbm>>
      tpu.wait_dma2 semaphore(%run_scoped3A : memref<!tpu.dma_semaphore, #tpu.memory_space<semaphore_mem>>) src(%dma_wait3A_74 : memref<320x48xf32, #tpu.memory_space<hbm>>) dst(%arg13 : memref<320x48xf32, #tpu.memory_space<vmem>>)
      tpu.yield
    }) : () -> ()
    "tpu.region"() ({
      %run_scoped3A = tpu.sem_alloc : memref<!tpu.dma_semaphore, #tpu.memory_space<semaphore_mem>>
      %dma_start3A = tpu.memref_slice %arg4[%add3A] : memref<10240xi32, #tpu.memory_space<hbm>> -> memref<320xi32, #tpu.memory_space<hbm>>
      %dma_start3A_69 = tpu.memref_slice %arg4[%add3A] : memref<10240xi32, #tpu.memory_space<hbm>> -> memref<320xi32, #tpu.memory_space<hbm>>
      tpu.enqueue_dma source(%dma_start3A_69 : memref<320xi32, #tpu.memory_space<hbm>>) target(%arg14 : memref<320xi32, #tpu.memory_space<vmem>>) target_semaphore(%run_scoped3A : memref<!tpu.dma_semaphore, #tpu.memory_space<semaphore_mem>>)
      %dma_wait3A = tpu.memref_slice %arg4[%add3A] : memref<10240xi32, #tpu.memory_space<hbm>> -> memref<320xi32, #tpu.memory_space<hbm>>
      %dma_wait3A_70 = tpu.memref_slice %arg4[%add3A] : memref<10240xi32, #tpu.memory_space<hbm>> -> memref<320xi32, #tpu.memory_space<hbm>>
      tpu.wait_dma2 semaphore(%run_scoped3A : memref<!tpu.dma_semaphore, #tpu.memory_space<semaphore_mem>>) src(%dma_wait3A_70 : memref<320xi32, #tpu.memory_space<hbm>>) dst(%arg14 : memref<320xi32, #tpu.memory_space<vmem>>)
      tpu.yield
    }) : () -> ()
    "tpu.region"() ({
      %run_scoped3A = tpu.sem_alloc : memref<!tpu.dma_semaphore, #tpu.memory_space<semaphore_mem>>
      %dma_start3A = arith.constant 0 : i32
      %dma_start3A_69 = arith.constant 0 : i32
      %dma_start3A_70 = tpu.memref_slice %arg15[%dma_start3A, %dma_start3A_69] : memref<2560x48xf32, #tpu.memory_space<vmem_shared>> -> memref<2560x48xf32, #tpu.memory_space<vmem_shared>>
      tpu.enqueue_indirect_dma source(%arg13 : memref<320x48xf32, #tpu.memory_space<vmem>>) target(%dma_start3A_70 : memref<2560x48xf32, #tpu.memory_space<vmem_shared>>) offsets(%arg14 : memref<320xi32, #tpu.memory_space<vmem>>) semaphore(%run_scoped3A : memref<!tpu.dma_semaphore, #tpu.memory_space<semaphore_mem>>) {add = true}
      %dma_wait3A = arith.constant 0 : i32
      %dma_wait3A_71 = arith.constant 0 : i32
      %dma_wait3A_72 = tpu.memref_slice %arg15[%dma_wait3A, %dma_wait3A_71] : memref<2560x48xf32, #tpu.memory_space<vmem_shared>> -> memref<2560x48xf32, #tpu.memory_space<vmem_shared>>
      tpu.wait_indirect_dma semaphore(%run_scoped3A : memref<!tpu.dma_semaphore, #tpu.memory_space<semaphore_mem>>) src(%arg13 : memref<320x48xf32, #tpu.memory_space<vmem>>) dst(%dma_wait3A_72 : memref<2560x48xf32, #tpu.memory_space<vmem_shared>>)
      tpu.yield
    }) : () -> ()
    %barrier3A_5 = arith.constant 0 : index
    tpu.barrier barrier_id(%barrier3A_5)
    %eq3A_6 = arith.constant 0 : i32
    %eq3A_7 = arith.cmpi eq, %arg1, %eq3A_6 : i32
    %convert_element_type3A_8 = arith.extui %eq3A_7 : i1 to i32
    %cond3A_9 = arith.constant 0 : i32
    %cond3A_10 = arith.cmpi ne, %convert_element_type3A_8, %cond3A_9 : i32
    scf.if %cond3A_10 {
      %mul3A_69 = arith.constant 2560 : i32
      %mul3A_70 = arith.muli %arg0, %mul3A_69 : i32
      "tpu.region"() ({
        %run_scoped3A = tpu.sem_alloc : memref<!tpu.dma_semaphore, #tpu.memory_space<semaphore_mem>>
        %dma_start3A = arith.constant 0 : i32
        %dma_start3A_71 = tpu.memref_slice %arg6[%mul3A_70, %dma_start3A] : memref<5120x48xf32, #tpu.memory_space<hbm>> -> memref<2560x48xf32, #tpu.memory_space<hbm>>
        tpu.enqueue_dma source(%arg15 : memref<2560x48xf32, #tpu.memory_space<vmem_shared>>) target(%dma_start3A_71 : memref<2560x48xf32, #tpu.memory_space<hbm>>) target_semaphore(%run_scoped3A : memref<!tpu.dma_semaphore, #tpu.memory_space<semaphore_mem>>)
        %dma_wait3A = arith.constant 0 : i32
        %dma_wait3A_72 = tpu.memref_slice %arg6[%mul3A_70, %dma_wait3A] : memref<5120x48xf32, #tpu.memory_space<hbm>> -> memref<2560x48xf32, #tpu.memory_space<hbm>>
        tpu.wait_dma2 semaphore(%run_scoped3A : memref<!tpu.dma_semaphore, #tpu.memory_space<semaphore_mem>>) src(%arg15 : memref<2560x48xf32, #tpu.memory_space<vmem_shared>>) dst(%dma_wait3A_72 : memref<2560x48xf32, #tpu.memory_space<hbm>>)
        tpu.yield
      }) : () -> ()
    } else {
    }
    %mul3A_11 = arith.constant 158 : i32
    %mul3A_12 = arith.muli %arg1, %mul3A_11 : i32
    %add3A_13 = arith.constant 158 : i32
    %add3A_14 = arith.addi %mul3A_12, %add3A_13 : i32
    "tpu.region"() ({
      %run_scoped3A = tpu.sem_alloc : memref<!tpu.dma_semaphore, #tpu.memory_space<semaphore_mem>>
      %dma_start3A = tpu.memref_slice %arg4[%mul3A_0] : memref<10240xi32, #tpu.memory_space<hbm>> -> memref<5120xi32, #tpu.memory_space<hbm>>
      %dma_start3A_69 = tpu.memref_slice %arg4[%mul3A_0] : memref<10240xi32, #tpu.memory_space<hbm>> -> memref<5120xi32, #tpu.memory_space<hbm>>
      tpu.enqueue_dma source(%dma_start3A_69 : memref<5120xi32, #tpu.memory_space<hbm>>) target(%arg8 : memref<5120xi32, #tpu.memory_space<vmem>>) target_semaphore(%run_scoped3A : memref<!tpu.dma_semaphore, #tpu.memory_space<semaphore_mem>>)
      %dma_wait3A = tpu.memref_slice %arg4[%mul3A_0] : memref<10240xi32, #tpu.memory_space<hbm>> -> memref<5120xi32, #tpu.memory_space<hbm>>
      %dma_wait3A_70 = tpu.memref_slice %arg4[%mul3A_0] : memref<10240xi32, #tpu.memory_space<hbm>> -> memref<5120xi32, #tpu.memory_space<hbm>>
      tpu.wait_dma2 semaphore(%run_scoped3A : memref<!tpu.dma_semaphore, #tpu.memory_space<semaphore_mem>>) src(%dma_wait3A_70 : memref<5120xi32, #tpu.memory_space<hbm>>) dst(%arg8 : memref<5120xi32, #tpu.memory_space<vmem>>)
      tpu.yield
    }) : () -> ()
    %broadcast_in_dim3A = arith.constant -3.400000e+38 : f32
    %broadcast_in_dim3A_15 = vector.broadcast %broadcast_in_dim3A : f32 to vector<16xf32>
    %broadcast_in_dim3A_16 = arith.constant 0 : i32
    %broadcast_in_dim3A_17 = vector.broadcast %broadcast_in_dim3A_16 : i32 to vector<16xi32>
    %scan3A = arith.constant 0 : i32
    %scan3A_18 = arith.constant 0 : i32
    %scan3A_19 = arith.constant 158 : i32
    %scan3A_20 = arith.addi %scan3A_18, %scan3A_19 : i32
    %scan3A_21 = arith.constant 1 : i32
    scf.for %scan3A_69 = %scan3A_18 to %scan3A_20 step %scan3A_21  : i32 {
      %swap3A = arith.index_cast %scan3A_69 : i32 to index
      %swap3A_70 = arith.constant 0 : index
      %swap3A_71 = tpu.vector_load %arg12[%swap3A, %swap3A_70] {strides = array<i32>} : memref<158x32xf32, #tpu.memory_space<vmem>>, vector<16xf32>,
      tpu.vector_store %arg12[%swap3A, %swap3A_70], %broadcast_in_dim3A_15 {strides = array<i32>} : memref<158x32xf32, #tpu.memory_space<vmem>>, vector<16xf32>,
      %swap3A_72 = arith.index_cast %scan3A_69 : i32 to index
      %swap3A_73 = arith.constant 16 : index
      %swap3A_74 = tpu.vector_load %arg12[%swap3A_72, %swap3A_73] {strides = array<i32>} : memref<158x32xf32, #tpu.memory_space<vmem>>, vector<16xf32>,
      tpu.vector_store %arg12[%swap3A_72, %swap3A_73], %broadcast_in_dim3A_15 {strides = array<i32>} : memref<158x32xf32, #tpu.memory_space<vmem>>, vector<16xf32>,
    }
    %scan3A_22 = arith.constant 158 : i32
    %iota3A = tpu.iota {dimensions = array<i32: 0>} : vector<16xi32>
    %broadcast_in_dim3A_23 = arith.constant 0 : i32
    %broadcast_in_dim3A_24 = vector.broadcast %broadcast_in_dim3A_23 : i32 to vector<16xi32>
    %scan3A_25 = arith.constant 0 : i32
    %scan3A_26 = arith.constant 320 : i32
    %scan3A_27 = arith.addi %scan3A_25, %scan3A_26 : i32
    %scan3A_28 = arith.constant 1 : i32
    %scan3A_29 = scf.for %scan3A_69 = %scan3A_25 to %scan3A_27 step %scan3A_28 iter_args(%scan3A_70 = %broadcast_in_dim3A_24) -> (vector<16xi32>)  : i32 {
      %mul3A_71 = arith.constant 16 : i32
      %mul3A_72 = arith.muli %scan3A_69, %mul3A_71 : i32
      %get3A = arith.index_cast %mul3A_72 : i32 to index
      %get3A_73 = tpu.vector_load %arg8[%get3A] {strides = array<i32>} : memref<5120xi32, #tpu.memory_space<vmem>>, vector<16xi32>,
      %ge3A = vector.broadcast %mul3A_12 : i32 to vector<16xi32>
      %ge3A_74 = arith.cmpi sge, %get3A_73, %ge3A : vector<16xi32>
      %lt3A = vector.broadcast %add3A_14 : i32 to vector<16xi32>
      %lt3A_75 = arith.cmpi slt, %get3A_73, %lt3A : vector<16xi32>
      %and3A_76 = arith.andi %ge3A_74, %lt3A_75 : vector<16xi1>
      %convert_element_type3A_77 = arith.extui %and3A_76 : vector<16xi1> to vector<16xi32>
      %broadcast_in_dim3A_78 = arith.constant true
      %broadcast_in_dim3A_79 = vector.broadcast %broadcast_in_dim3A_78 : i1 to vector<16xi1>
      %masked_cumsum3A = tpu.scan <sum>, %convert_element_type3A_77 masked %broadcast_in_dim3A_79 : vector<16xi32>, vector<16xi1> -> vector<16xi32>
      %add3A_80 = arith.addi %scan3A_70, %masked_cumsum3A : vector<16xi32>
      %sub3A_81 = arith.constant 1 : i32
      %sub3A_82 = vector.broadcast %sub3A_81 : i32 to vector<16xi32>
      %sub3A_83 = arith.subi %add3A_80, %sub3A_82 : vector<16xi32>
      %add3A_84 = vector.broadcast %mul3A_0 : i32 to vector<16xi32>
      %add3A_85 = arith.addi %add3A_84, %iota3A : vector<16xi32>
      %mul3A_86 = arith.constant 16 : i32
      %mul3A_87 = arith.muli %scan3A_69, %mul3A_86 : i32
      %add3A_88 = vector.broadcast %mul3A_87 : i32 to vector<16xi32>
      %add3A_89 = arith.addi %add3A_85, %add3A_88 : vector<16xi32>
      tpu.vector_store_idx %arg9[%sub3A_83], %add3A_89 masked %and3A_76 : memref<5648xi32, #tpu.memory_space<vmem>>[vector<16xi32>], vector<16xi32>, vector<16xi1>
      tpu.vector_store_idx %arg10[%sub3A_83], %get3A_73 masked %and3A_76 : memref<5136xi32, #tpu.memory_space<vmem>>[vector<16xi32>], vector<16xi32>, vector<16xi1>
      %all_reduce_population_count3A = tpu.all_reduce %and3A_76 {dim = 0 : i64, kind = #tpu.reduction_kind<sum>} : vector<16xi1> -> vector<16xi32>
      %add3A_90 = arith.addi %scan3A_70, %all_reduce_population_count3A : vector<16xi32>
      scf.yield %add3A_90 : vector<16xi32>
    }
    %scan3A_30 = arith.constant 320 : i32
    %slice3A = vector.extract_strided_slice %scan3A_29 {offsets = [0], sizes = [1], strides = [1]} : vector<16xi32> to vector<1xi32>
    %squeeze3A = vector.extract %slice3A[0] : i32 from vector<1xi32>
    %scan3A_31 = arith.constant 0 : i32
    %scan3A_32 = arith.constant 0 : i32
    %scan3A_33 = arith.constant 33 : i32
    %scan3A_34 = arith.addi %scan3A_32, %scan3A_33 : i32
    %scan3A_35 = arith.constant 1 : i32
    scf.for %scan3A_69 = %scan3A_32 to %scan3A_34 step %scan3A_35  : i32 {
      %mul3A_70 = arith.constant 16 : i32
      %mul3A_71 = arith.muli %scan3A_69, %mul3A_70 : i32
      %add3A_72 = arith.addi %squeeze3A, %mul3A_71 : i32
      %swap3A = arith.index_cast %add3A_72 : i32 to index
      %swap3A_73 = tpu.vector_load %arg9[%swap3A] {strides = array<i32>} : memref<5648xi32, #tpu.memory_space<vmem>>, vector<16xi32>,
      tpu.vector_store %arg9[%swap3A], %broadcast_in_dim3A_17 {strides = array<i32>} : memref<5648xi32, #tpu.memory_space<vmem>>, vector<16xi32>,
    }
    %scan3A_36 = arith.constant 33 : i32
    %add3A_37 = arith.constant 512 : i32
    %add3A_38 = arith.addi %squeeze3A, %add3A_37 : i32
    %sub3A = arith.constant 1 : i32
    %sub3A_39 = arith.subi %add3A_38, %sub3A : i32
    %jit3A = arith.constant 512 : i32
    %div3A = arith.divsi %sub3A_39, %jit3A : i32
    %sign3A = arith.constant 0 : i32
    %sign3A_40 = arith.cmpi sgt, %sub3A_39, %sign3A : i32
    %sign3A_41 = arith.extui %sign3A_40 : i1 to i32
    %sign3A_42 = arith.constant 0 : i32
    %sign3A_43 = arith.cmpi slt, %sub3A_39, %sign3A_42 : i32
    %sign3A_44 = arith.extui %sign3A_43 : i1 to i32
    %sign3A_45 = arith.subi %sign3A_41, %sign3A_44 : i32
    %sign3A_46 = arith.constant 0 : i32
    %sign3A_47 = arith.cmpi sgt, %jit3A, %sign3A_46 : i32
    %sign3A_48 = arith.extui %sign3A_47 : i1 to i32
    %sign3A_49 = arith.constant 0 : i32
    %sign3A_50 = arith.cmpi slt, %jit3A, %sign3A_49 : i32
    %sign3A_51 = arith.extui %sign3A_50 : i1 to i32
    %sign3A_52 = arith.subi %sign3A_48, %sign3A_51 : i32
    %ne3A = arith.cmpi ne, %sign3A_45, %sign3A_52 : i32
    %rem3A = arith.remsi %sub3A_39, %jit3A : i32
    %ne3A_53 = arith.constant 0 : i32
    %ne3A_54 = arith.cmpi ne, %rem3A, %ne3A_53 : i32
    %and3A = arith.andi %ne3A, %ne3A_54 : i1
    %sub3A_55 = arith.constant 1 : i32
    %sub3A_56 = arith.subi %div3A, %sub3A_55 : i32
    %select_n3A = arith.select %and3A, %sub3A_56, %div3A : i32
    %while3A = arith.constant 0 : i32
    %while3A_57 = arith.constant 0 : i32
    %while3A_58 = arith.subi %select_n3A, %while3A_57 : i32
    %while3A_59 = arith.addi %while3A_57, %while3A_58 : i32
    %while3A_60 = arith.constant 1 : i32
    %while3A_61 = arith.divsi %while3A_58, %while3A_60 : i32
    %while3A_62 = arith.muli %while3A_61, %while3A_60 : i32
    %while3A_63 = arith.addi %while3A_57, %while3A_62 : i32
    %while3A_64 = arith.constant 1 : i32
    scf.for %while3A_69 = %while3A_57 to %while3A_63 step %while3A_64  : i32 {
      %mul3A_70 = arith.constant 512 : i32
      %mul3A_71 = arith.muli %while3A_69, %mul3A_70 : i32
      %dma_start3A = tpu.memref_slice %arg9[%mul3A_71] : memref<5648xi32, #tpu.memory_space<vmem>> -> memref<512xi32, #tpu.memory_space<vmem>>
      %dma_start3A_72 = arith.constant 0 : i32
      %dma_start3A_73 = arith.constant 0 : i32
      %dma_start3A_74 = tpu.memref_slice %arg3[%dma_start3A_72, %dma_start3A_73] : memref<10240x32xf32, #tpu.memory_space<hbm>> -> memref<10240x32xf32, #tpu.memory_space<hbm>>
      tpu.enqueue_indirect_dma source(%dma_start3A_74 : memref<10240x32xf32, #tpu.memory_space<hbm>>) target(%arg11 : memref<512x32xf32, #tpu.memory_space<vmem>>) offsets(%dma_start3A : memref<512xi32, #tpu.memory_space<vmem>>) semaphore(%arg16 : memref<!tpu.dma_semaphore, #tpu.memory_space<semaphore_mem>>)
      %dma_wait3A = tpu.memref_slice %arg9[%mul3A_71] : memref<5648xi32, #tpu.memory_space<vmem>> -> memref<512xi32, #tpu.memory_space<vmem>>
      %dma_wait3A_75 = arith.constant 0 : i32
      %dma_wait3A_76 = arith.constant 0 : i32
      %dma_wait3A_77 = tpu.memref_slice %arg3[%dma_wait3A_75, %dma_wait3A_76] : memref<10240x32xf32, #tpu.memory_space<hbm>> -> memref<10240x32xf32, #tpu.memory_space<hbm>>
      tpu.wait_indirect_dma semaphore(%arg16 : memref<!tpu.dma_semaphore, #tpu.memory_space<semaphore_mem>>) src(%dma_wait3A_77 : memref<10240x32xf32, #tpu.memory_space<hbm>>) dst(%arg11 : memref<512x32xf32, #tpu.memory_space<vmem>>)
      %mul3A_78 = arith.constant 512 : i32
      %mul3A_79 = arith.muli %while3A_69, %mul3A_78 : i32
      %sub3A_80 = arith.subi %squeeze3A, %mul3A_79 : i32
      %min3A = arith.constant 512 : i32
      %min3A_81 = arith.minsi %min3A, %sub3A_80 : i32
      %while3A_82 = arith.constant 0 : i32
      %while3A_83 = arith.constant 0 : i32
      %while3A_84 = arith.subi %min3A_81, %while3A_83 : i32
      %while3A_85 = arith.addi %while3A_83, %while3A_84 : i32
      %while3A_86 = arith.constant 1 : i32
      %while3A_87 = arith.divsi %while3A_84, %while3A_86 : i32
      %while3A_88 = arith.muli %while3A_87, %while3A_86 : i32
      %while3A_89 = arith.addi %while3A_83, %while3A_88 : i32
      %while3A_90 = arith.constant 1 : i32
      scf.for %while3A_92 = %while3A_83 to %while3A_89 step %while3A_90  : i32 {
        %mul3A_93 = arith.constant 512 : i32
        %mul3A_94 = arith.muli %while3A_69, %mul3A_93 : i32
        %add3A_95 = arith.addi %mul3A_94, %while3A_92 : i32
        %get3A = arith.index_cast %add3A_95 : i32 to index
        %get3A_96 = tpu.vector_load %arg10[%get3A] {strides = array<i32>} : memref<5136xi32, #tpu.memory_space<vmem>>, vector<16xi32>,
        %slice3A_97 = vector.extract_strided_slice %get3A_96 {offsets = [0], sizes = [1], strides = [1]} : vector<16xi32> to vector<1xi32>
        %squeeze3A_98 = vector.extract %slice3A_97[0] : i32 from vector<1xi32>
        %sub3A_99 = arith.subi %squeeze3A_98, %mul3A_12 : i32
        %get3A_100 = arith.index_cast %sub3A_99 : i32 to index
        %get3A_101 = arith.constant 0 : index
        %get3A_102 = tpu.vector_load %arg12[%get3A_100, %get3A_101] {strides = array<i32>} : memref<158x32xf32, #tpu.memory_space<vmem>>, vector<16xf32>,
        %get3A_103 = arith.index_cast %while3A_92 : i32 to index
        %get3A_104 = arith.constant 0 : index
        %get3A_105 = tpu.vector_load %arg11[%get3A_103, %get3A_104] {strides = array<i32>} : memref<512x32xf32, #tpu.memory_space<vmem>>, vector<16xf32>,
        %max3A = arith.maximumf %get3A_102, %get3A_105 : vector<16xf32>
        %swap3A = arith.index_cast %sub3A_99 : i32 to index
        %swap3A_106 = arith.constant 0 : index
        %swap3A_107 = tpu.vector_load %arg12[%swap3A, %swap3A_106] {strides = array<i32>} : memref<158x32xf32, #tpu.memory_space<vmem>>, vector<16xf32>,
        tpu.vector_store %arg12[%swap3A, %swap3A_106], %max3A {strides = array<i32>} : memref<158x32xf32, #tpu.memory_space<vmem>>, vector<16xf32>,
        %get3A_108 = arith.index_cast %sub3A_99 : i32 to index
        %get3A_109 = arith.constant 16 : index
        %get3A_110 = tpu.vector_load %arg12[%get3A_108, %get3A_109] {strides = array<i32>} : memref<158x32xf32, #tpu.memory_space<vmem>>, vector<16xf32>,
        %get3A_111 = arith.index_cast %while3A_92 : i32 to index
        %get3A_112 = arith.constant 16 : index
        %get3A_113 = tpu.vector_load %arg11[%get3A_111, %get3A_112] {strides = array<i32>} : memref<512x32xf32, #tpu.memory_space<vmem>>, vector<16xf32>,
        %max3A_114 = arith.maximumf %get3A_110, %get3A_113 : vector<16xf32>
        %swap3A_115 = arith.index_cast %sub3A_99 : i32 to index
        %swap3A_116 = arith.constant 16 : index
        %swap3A_117 = tpu.vector_load %arg12[%swap3A_115, %swap3A_116] {strides = array<i32>} : memref<158x32xf32, #tpu.memory_space<vmem>>, vector<16xf32>,
        tpu.vector_store %arg12[%swap3A_115, %swap3A_116], %max3A_114 {strides = array<i32>} : memref<158x32xf32, #tpu.memory_space<vmem>>, vector<16xf32>,
      }
      %while3A_91 = arith.constant 1 : i32
      scf.for %while3A_92 = %while3A_89 to %while3A_85 step %while3A_91  : i32 {
        %mul3A_93 = arith.constant 512 : i32
        %mul3A_94 = arith.muli %while3A_69, %mul3A_93 : i32
        %add3A_95 = arith.addi %mul3A_94, %while3A_92 : i32
        %get3A = arith.index_cast %add3A_95 : i32 to index
        %get3A_96 = tpu.vector_load %arg10[%get3A] {strides = array<i32>} : memref<5136xi32, #tpu.memory_space<vmem>>, vector<16xi32>,
        %slice3A_97 = vector.extract_strided_slice %get3A_96 {offsets = [0], sizes = [1], strides = [1]} : vector<16xi32> to vector<1xi32>
        %squeeze3A_98 = vector.extract %slice3A_97[0] : i32 from vector<1xi32>
        %sub3A_99 = arith.subi %squeeze3A_98, %mul3A_12 : i32
        %get3A_100 = arith.index_cast %sub3A_99 : i32 to index
        %get3A_101 = arith.constant 0 : index
        %get3A_102 = tpu.vector_load %arg12[%get3A_100, %get3A_101] {strides = array<i32>} : memref<158x32xf32, #tpu.memory_space<vmem>>, vector<16xf32>,
        %get3A_103 = arith.index_cast %while3A_92 : i32 to index
        %get3A_104 = arith.constant 0 : index
        %get3A_105 = tpu.vector_load %arg11[%get3A_103, %get3A_104] {strides = array<i32>} : memref<512x32xf32, #tpu.memory_space<vmem>>, vector<16xf32>,
        %max3A = arith.maximumf %get3A_102, %get3A_105 : vector<16xf32>
        %swap3A = arith.index_cast %sub3A_99 : i32 to index
        %swap3A_106 = arith.constant 0 : index
        %swap3A_107 = tpu.vector_load %arg12[%swap3A, %swap3A_106] {strides = array<i32>} : memref<158x32xf32, #tpu.memory_space<vmem>>, vector<16xf32>,
        tpu.vector_store %arg12[%swap3A, %swap3A_106], %max3A {strides = array<i32>} : memref<158x32xf32, #tpu.memory_space<vmem>>, vector<16xf32>,
        %get3A_108 = arith.index_cast %sub3A_99 : i32 to index
        %get3A_109 = arith.constant 16 : index
        %get3A_110 = tpu.vector_load %arg12[%get3A_108, %get3A_109] {strides = array<i32>} : memref<158x32xf32, #tpu.memory_space<vmem>>, vector<16xf32>,
        %get3A_111 = arith.index_cast %while3A_92 : i32 to index
        %get3A_112 = arith.constant 16 : index
        %get3A_113 = tpu.vector_load %arg11[%get3A_111, %get3A_112] {strides = array<i32>} : memref<512x32xf32, #tpu.memory_space<vmem>>, vector<16xf32>,
        %max3A_114 = arith.maximumf %get3A_110, %get3A_113 : vector<16xf32>
        %swap3A_115 = arith.index_cast %sub3A_99 : i32 to index
        %swap3A_116 = arith.constant 16 : index
        %swap3A_117 = tpu.vector_load %arg12[%swap3A_115, %swap3A_116] {strides = array<i32>} : memref<158x32xf32, #tpu.memory_space<vmem>>, vector<16xf32>,
        tpu.vector_store %arg12[%swap3A_115, %swap3A_116], %max3A_114 {strides = array<i32>} : memref<158x32xf32, #tpu.memory_space<vmem>>, vector<16xf32>,
      }
    }
    %while3A_65 = arith.constant 1 : i32
    scf.for %while3A_69 = %while3A_63 to %while3A_59 step %while3A_65  : i32 {
      %mul3A_70 = arith.constant 512 : i32
      %mul3A_71 = arith.muli %while3A_69, %mul3A_70 : i32
      %dma_start3A = tpu.memref_slice %arg9[%mul3A_71] : memref<5648xi32, #tpu.memory_space<vmem>> -> memref<512xi32, #tpu.memory_space<vmem>>
      %dma_start3A_72 = arith.constant 0 : i32
      %dma_start3A_73 = arith.constant 0 : i32
      %dma_start3A_74 = tpu.memref_slice %arg3[%dma_start3A_72, %dma_start3A_73] : memref<10240x32xf32, #tpu.memory_space<hbm>> -> memref<10240x32xf32, #tpu.memory_space<hbm>>
      tpu.enqueue_indirect_dma source(%dma_start3A_74 : memref<10240x32xf32, #tpu.memory_space<hbm>>) target(%arg11 : memref<512x32xf32, #tpu.memory_space<vmem>>) offsets(%dma_start3A : memref<512xi32, #tpu.memory_space<vmem>>) semaphore(%arg16 : memref<!tpu.dma_semaphore, #tpu.memory_space<semaphore_mem>>)
      %dma_wait3A = tpu.memref_slice %arg9[%mul3A_71] : memref<5648xi32, #tpu.memory_space<vmem>> -> memref<512xi32, #tpu.memory_space<vmem>>
      %dma_wait3A_75 = arith.constant 0 : i32
      %dma_wait3A_76 = arith.constant 0 : i32
      %dma_wait3A_77 = tpu.memref_slice %arg3[%dma_wait3A_75, %dma_wait3A_76] : memref<10240x32xf32, #tpu.memory_space<hbm>> -> memref<10240x32xf32, #tpu.memory_space<hbm>>
      tpu.wait_indirect_dma semaphore(%arg16 : memref<!tpu.dma_semaphore, #tpu.memory_space<semaphore_mem>>) src(%dma_wait3A_77 : memref<10240x32xf32, #tpu.memory_space<hbm>>) dst(%arg11 : memref<512x32xf32, #tpu.memory_space<vmem>>)
      %mul3A_78 = arith.constant 512 : i32
      %mul3A_79 = arith.muli %while3A_69, %mul3A_78 : i32
      %sub3A_80 = arith.subi %squeeze3A, %mul3A_79 : i32
      %min3A = arith.constant 512 : i32
      %min3A_81 = arith.minsi %min3A, %sub3A_80 : i32
      %while3A_82 = arith.constant 0 : i32
      %while3A_83 = arith.constant 0 : i32
      %while3A_84 = arith.subi %min3A_81, %while3A_83 : i32
      %while3A_85 = arith.addi %while3A_83, %while3A_84 : i32
      %while3A_86 = arith.constant 1 : i32
      %while3A_87 = arith.divsi %while3A_84, %while3A_86 : i32
      %while3A_88 = arith.muli %while3A_87, %while3A_86 : i32
      %while3A_89 = arith.addi %while3A_83, %while3A_88 : i32
      %while3A_90 = arith.constant 1 : i32
      scf.for %while3A_92 = %while3A_83 to %while3A_89 step %while3A_90  : i32 {
        %mul3A_93 = arith.constant 512 : i32
        %mul3A_94 = arith.muli %while3A_69, %mul3A_93 : i32
        %add3A_95 = arith.addi %mul3A_94, %while3A_92 : i32
        %get3A = arith.index_cast %add3A_95 : i32 to index
        %get3A_96 = tpu.vector_load %arg10[%get3A] {strides = array<i32>} : memref<5136xi32, #tpu.memory_space<vmem>>, vector<16xi32>,
        %slice3A_97 = vector.extract_strided_slice %get3A_96 {offsets = [0], sizes = [1], strides = [1]} : vector<16xi32> to vector<1xi32>
        %squeeze3A_98 = vector.extract %slice3A_97[0] : i32 from vector<1xi32>
        %sub3A_99 = arith.subi %squeeze3A_98, %mul3A_12 : i32
        %get3A_100 = arith.index_cast %sub3A_99 : i32 to index
        %get3A_101 = arith.constant 0 : index
        %get3A_102 = tpu.vector_load %arg12[%get3A_100, %get3A_101] {strides = array<i32>} : memref<158x32xf32, #tpu.memory_space<vmem>>, vector<16xf32>,
        %get3A_103 = arith.index_cast %while3A_92 : i32 to index
        %get3A_104 = arith.constant 0 : index
        %get3A_105 = tpu.vector_load %arg11[%get3A_103, %get3A_104] {strides = array<i32>} : memref<512x32xf32, #tpu.memory_space<vmem>>, vector<16xf32>,
        %max3A = arith.maximumf %get3A_102, %get3A_105 : vector<16xf32>
        %swap3A = arith.index_cast %sub3A_99 : i32 to index
        %swap3A_106 = arith.constant 0 : index
        %swap3A_107 = tpu.vector_load %arg12[%swap3A, %swap3A_106] {strides = array<i32>} : memref<158x32xf32, #tpu.memory_space<vmem>>, vector<16xf32>,
        tpu.vector_store %arg12[%swap3A, %swap3A_106], %max3A {strides = array<i32>} : memref<158x32xf32, #tpu.memory_space<vmem>>, vector<16xf32>,
        %get3A_108 = arith.index_cast %sub3A_99 : i32 to index
        %get3A_109 = arith.constant 16 : index
        %get3A_110 = tpu.vector_load %arg12[%get3A_108, %get3A_109] {strides = array<i32>} : memref<158x32xf32, #tpu.memory_space<vmem>>, vector<16xf32>,
        %get3A_111 = arith.index_cast %while3A_92 : i32 to index
        %get3A_112 = arith.constant 16 : index
        %get3A_113 = tpu.vector_load %arg11[%get3A_111, %get3A_112] {strides = array<i32>} : memref<512x32xf32, #tpu.memory_space<vmem>>, vector<16xf32>,
        %max3A_114 = arith.maximumf %get3A_110, %get3A_113 : vector<16xf32>
        %swap3A_115 = arith.index_cast %sub3A_99 : i32 to index
        %swap3A_116 = arith.constant 16 : index
        %swap3A_117 = tpu.vector_load %arg12[%swap3A_115, %swap3A_116] {strides = array<i32>} : memref<158x32xf32, #tpu.memory_space<vmem>>, vector<16xf32>,
        tpu.vector_store %arg12[%swap3A_115, %swap3A_116], %max3A_114 {strides = array<i32>} : memref<158x32xf32, #tpu.memory_space<vmem>>, vector<16xf32>,
      }
      %while3A_91 = arith.constant 1 : i32
      scf.for %while3A_92 = %while3A_89 to %while3A_85 step %while3A_91  : i32 {
        %mul3A_93 = arith.constant 512 : i32
        %mul3A_94 = arith.muli %while3A_69, %mul3A_93 : i32
        %add3A_95 = arith.addi %mul3A_94, %while3A_92 : i32
        %get3A = arith.index_cast %add3A_95 : i32 to index
        %get3A_96 = tpu.vector_load %arg10[%get3A] {strides = array<i32>} : memref<5136xi32, #tpu.memory_space<vmem>>, vector<16xi32>,
        %slice3A_97 = vector.extract_strided_slice %get3A_96 {offsets = [0], sizes = [1], strides = [1]} : vector<16xi32> to vector<1xi32>
        %squeeze3A_98 = vector.extract %slice3A_97[0] : i32 from vector<1xi32>
        %sub3A_99 = arith.subi %squeeze3A_98, %mul3A_12 : i32
        %get3A_100 = arith.index_cast %sub3A_99 : i32 to index
        %get3A_101 = arith.constant 0 : index
        %get3A_102 = tpu.vector_load %arg12[%get3A_100, %get3A_101] {strides = array<i32>} : memref<158x32xf32, #tpu.memory_space<vmem>>, vector<16xf32>,
        %get3A_103 = arith.index_cast %while3A_92 : i32 to index
        %get3A_104 = arith.constant 0 : index
        %get3A_105 = tpu.vector_load %arg11[%get3A_103, %get3A_104] {strides = array<i32>} : memref<512x32xf32, #tpu.memory_space<vmem>>, vector<16xf32>,
        %max3A = arith.maximumf %get3A_102, %get3A_105 : vector<16xf32>
        %swap3A = arith.index_cast %sub3A_99 : i32 to index
        %swap3A_106 = arith.constant 0 : index
        %swap3A_107 = tpu.vector_load %arg12[%swap3A, %swap3A_106] {strides = array<i32>} : memref<158x32xf32, #tpu.memory_space<vmem>>, vector<16xf32>,
        tpu.vector_store %arg12[%swap3A, %swap3A_106], %max3A {strides = array<i32>} : memref<158x32xf32, #tpu.memory_space<vmem>>, vector<16xf32>,
        %get3A_108 = arith.index_cast %sub3A_99 : i32 to index
        %get3A_109 = arith.constant 16 : index
        %get3A_110 = tpu.vector_load %arg12[%get3A_108, %get3A_109] {strides = array<i32>} : memref<158x32xf32, #tpu.memory_space<vmem>>, vector<16xf32>,
        %get3A_111 = arith.index_cast %while3A_92 : i32 to index
        %get3A_112 = arith.constant 16 : index
        %get3A_113 = tpu.vector_load %arg11[%get3A_111, %get3A_112] {strides = array<i32>} : memref<512x32xf32, #tpu.memory_space<vmem>>, vector<16xf32>,
        %max3A_114 = arith.maximumf %get3A_110, %get3A_113 : vector<16xf32>
        %swap3A_115 = arith.index_cast %sub3A_99 : i32 to index
        %swap3A_116 = arith.constant 16 : index
        %swap3A_117 = tpu.vector_load %arg12[%swap3A_115, %swap3A_116] {strides = array<i32>} : memref<158x32xf32, #tpu.memory_space<vmem>>, vector<16xf32>,
        tpu.vector_store %arg12[%swap3A_115, %swap3A_116], %max3A_114 {strides = array<i32>} : memref<158x32xf32, #tpu.memory_space<vmem>>, vector<16xf32>,
      }
    }
    %mul3A_66 = arith.constant 2528 : i32
    %mul3A_67 = arith.muli %arg0, %mul3A_66 : i32
    %add3A_68 = arith.addi %mul3A_67, %mul3A_12 : i32
    "tpu.region"() ({
      %run_scoped3A = tpu.sem_alloc : memref<!tpu.dma_semaphore, #tpu.memory_space<semaphore_mem>>
      %dma_start3A = arith.constant 0 : i32
      %dma_start3A_69 = tpu.memref_slice %arg7[%add3A_68, %dma_start3A] : memref<5056x32xf32, #tpu.memory_space<hbm>> -> memref<158x32xf32, #tpu.memory_space<hbm>>
      %dma_start3A_70 = arith.constant 0 : i32
      %dma_start3A_71 = tpu.memref_slice %arg7[%add3A_68, %dma_start3A_70] : memref<5056x32xf32, #tpu.memory_space<hbm>> -> memref<158x32xf32, #tpu.memory_space<hbm>>
      tpu.enqueue_dma source(%arg12 : memref<158x32xf32, #tpu.memory_space<vmem>>) target(%dma_start3A_71 : memref<158x32xf32, #tpu.memory_space<hbm>>) target_semaphore(%run_scoped3A : memref<!tpu.dma_semaphore, #tpu.memory_space<semaphore_mem>>)
      %dma_wait3A = arith.constant 0 : i32
      %dma_wait3A_72 = tpu.memref_slice %arg7[%add3A_68, %dma_wait3A] : memref<5056x32xf32, #tpu.memory_space<hbm>> -> memref<158x32xf32, #tpu.memory_space<hbm>>
      %dma_wait3A_73 = arith.constant 0 : i32
      %dma_wait3A_74 = tpu.memref_slice %arg7[%add3A_68, %dma_wait3A_73] : memref<5056x32xf32, #tpu.memory_space<hbm>> -> memref<158x32xf32, #tpu.memory_space<hbm>>
      tpu.wait_dma2 semaphore(%run_scoped3A : memref<!tpu.dma_semaphore, #tpu.memory_space<semaphore_mem>>) src(%arg12 : memref<158x32xf32, #tpu.memory_space<vmem>>) dst(%dma_wait3A_74 : memref<158x32xf32, #tpu.memory_space<hbm>>)
      tpu.yield
    }) : () -> ()
    return
  }
}

#map = affine_map<(d0, d1) -> (0, 0)>
#map1 = affine_map<(d0, d1) -> (0)>
module attributes {stable_mosaic.version = 14 : i64} {
  func.func @k(%arg0: i32, %arg1: i32, %arg2: memref<10000x16xf32, #tpu.memory_space<hbm>>, %arg3: memref<10000x16xf32, #tpu.memory_space<hbm>>, %arg4: memref<80640xi32, #tpu.memory_space<hbm>>, %arg5: memref<80640xi32, #tpu.memory_space<hbm>>, %arg6: memref<80640x16xf32, #tpu.memory_space<hbm>>, %arg7: memref<80640x16xf32, #tpu.memory_space<hbm>>, %arg8: memref<2520xi32, #tpu.memory_space<vmem>>, %arg9: memref<2520x16xf32, #tpu.memory_space<vmem>>, %arg10: memref<!tpu.dma_semaphore, #tpu.memory_space<semaphore_mem>>) attributes {dimension_semantics = [#tpu.dimension_semantics<core_parallel>, #tpu.dimension_semantics<subcore_parallel>], iteration_bounds = array<i64: 2, 16>, scalar_prefetch = 0 : i64, scratch_operands = 3 : i64, tpu.core_type = #tpu.core_type<sc_vector_subcore>, window_params = [{transform_indices = #map}, {transform_indices = #map}, {transform_indices = #map1}, {transform_indices = #map1}, {transform_indices = #map}, {transform_indices = #map}]} {
    %mul3A = arith.constant 2 : i32
    %mul3A_0 = arith.muli %arg1, %mul3A : i32
    %add3A = arith.addi %mul3A_0, %arg0 : i32
    %mul3A_1 = arith.constant 2520 : i32
    %mul3A_2 = arith.muli %add3A, %mul3A_1 : i32
    "tpu.region"() ({
      %run_scoped3A = tpu.sem_alloc : memref<!tpu.dma_semaphore, #tpu.memory_space<semaphore_mem>>
      %dma_start3A_35 = arith.constant 0 : i32
      %dma_start3A_36 = tpu.memref_slice %arg8[%dma_start3A_35] : memref<2520xi32, #tpu.memory_space<vmem>> -> memref<2520xi32, #tpu.memory_space<vmem>>
      %dma_start3A_37 = tpu.memref_slice %arg4[%mul3A_2] : memref<80640xi32, #tpu.memory_space<hbm>> -> memref<2520xi32, #tpu.memory_space<hbm>>
      %dma_start3A_38 = arith.constant 0 : i32
      %dma_start3A_39 = tpu.memref_slice %arg8[%dma_start3A_38] : memref<2520xi32, #tpu.memory_space<vmem>> -> memref<2520xi32, #tpu.memory_space<vmem>>
      %dma_start3A_40 = tpu.memref_slice %arg4[%mul3A_2] : memref<80640xi32, #tpu.memory_space<hbm>> -> memref<2520xi32, #tpu.memory_space<hbm>>
      tpu.enqueue_dma source(%dma_start3A_40 : memref<2520xi32, #tpu.memory_space<hbm>>) target(%dma_start3A_39 : memref<2520xi32, #tpu.memory_space<vmem>>) target_semaphore(%run_scoped3A : memref<!tpu.dma_semaphore, #tpu.memory_space<semaphore_mem>>)
      %dma_wait3A_41 = arith.constant 0 : i32
      %dma_wait3A_42 = tpu.memref_slice %arg8[%dma_wait3A_41] : memref<2520xi32, #tpu.memory_space<vmem>> -> memref<2520xi32, #tpu.memory_space<vmem>>
      %dma_wait3A_43 = tpu.memref_slice %arg4[%mul3A_2] : memref<80640xi32, #tpu.memory_space<hbm>> -> memref<2520xi32, #tpu.memory_space<hbm>>
      %dma_wait3A_44 = arith.constant 0 : i32
      %dma_wait3A_45 = tpu.memref_slice %arg8[%dma_wait3A_44] : memref<2520xi32, #tpu.memory_space<vmem>> -> memref<2520xi32, #tpu.memory_space<vmem>>
      %dma_wait3A_46 = tpu.memref_slice %arg4[%mul3A_2] : memref<80640xi32, #tpu.memory_space<hbm>> -> memref<2520xi32, #tpu.memory_space<hbm>>
      tpu.wait_dma2 semaphore(%run_scoped3A : memref<!tpu.dma_semaphore, #tpu.memory_space<semaphore_mem>>) src(%dma_wait3A_46 : memref<2520xi32, #tpu.memory_space<hbm>>) dst(%dma_wait3A_45 : memref<2520xi32, #tpu.memory_space<vmem>>)
      tpu.yield
    }) : () -> ()
    %dma_start3A = arith.constant 0 : i32
    %dma_start3A_3 = arith.constant 0 : i32
    %dma_start3A_4 = tpu.memref_slice %arg9[%dma_start3A, %dma_start3A_3] : memref<2520x16xf32, #tpu.memory_space<vmem>> -> memref<2520x16xf32, #tpu.memory_space<vmem>>
    %dma_start3A_5 = arith.constant 0 : i32
    %dma_start3A_6 = tpu.memref_slice %arg8[%dma_start3A_5] : memref<2520xi32, #tpu.memory_space<vmem>> -> memref<2520xi32, #tpu.memory_space<vmem>>
    %dma_start3A_7 = arith.constant 0 : i32
    %dma_start3A_8 = arith.constant 0 : i32
    %dma_start3A_9 = tpu.memref_slice %arg2[%dma_start3A_7, %dma_start3A_8] : memref<10000x16xf32, #tpu.memory_space<hbm>> -> memref<10000x16xf32, #tpu.memory_space<hbm>>
    tpu.enqueue_indirect_dma source(%dma_start3A_9 : memref<10000x16xf32, #tpu.memory_space<hbm>>) target(%dma_start3A_4 : memref<2520x16xf32, #tpu.memory_space<vmem>>) offsets(%dma_start3A_6 : memref<2520xi32, #tpu.memory_space<vmem>>) semaphore(%arg10 : memref<!tpu.dma_semaphore, #tpu.memory_space<semaphore_mem>>)
    %dma_wait3A = arith.constant 0 : i32
    %dma_wait3A_10 = arith.constant 0 : i32
    %dma_wait3A_11 = tpu.memref_slice %arg9[%dma_wait3A, %dma_wait3A_10] : memref<2520x16xf32, #tpu.memory_space<vmem>> -> memref<2520x16xf32, #tpu.memory_space<vmem>>
    %dma_wait3A_12 = arith.constant 0 : i32
    %dma_wait3A_13 = tpu.memref_slice %arg8[%dma_wait3A_12] : memref<2520xi32, #tpu.memory_space<vmem>> -> memref<2520xi32, #tpu.memory_space<vmem>>
    %dma_wait3A_14 = arith.constant 0 : i32
    %dma_wait3A_15 = arith.constant 0 : i32
    %dma_wait3A_16 = tpu.memref_slice %arg2[%dma_wait3A_14, %dma_wait3A_15] : memref<10000x16xf32, #tpu.memory_space<hbm>> -> memref<10000x16xf32, #tpu.memory_space<hbm>>
    tpu.wait_indirect_dma semaphore(%arg10 : memref<!tpu.dma_semaphore, #tpu.memory_space<semaphore_mem>>) src(%dma_wait3A_16 : memref<10000x16xf32, #tpu.memory_space<hbm>>) dst(%dma_wait3A_11 : memref<2520x16xf32, #tpu.memory_space<vmem>>)
    "tpu.region"() ({
      %run_scoped3A = tpu.sem_alloc : memref<!tpu.dma_semaphore, #tpu.memory_space<semaphore_mem>>
      %dma_start3A_35 = arith.constant 0 : i32
      %dma_start3A_36 = arith.constant 0 : i32
      %dma_start3A_37 = tpu.memref_slice %arg9[%dma_start3A_35, %dma_start3A_36] : memref<2520x16xf32, #tpu.memory_space<vmem>> -> memref<2520x16xf32, #tpu.memory_space<vmem>>
      %dma_start3A_38 = arith.constant 0 : i32
      %dma_start3A_39 = tpu.memref_slice %arg6[%mul3A_2, %dma_start3A_38] : memref<80640x16xf32, #tpu.memory_space<hbm>> -> memref<2520x16xf32, #tpu.memory_space<hbm>>
      %dma_start3A_40 = arith.constant 0 : i32
      %dma_start3A_41 = tpu.memref_slice %arg6[%mul3A_2, %dma_start3A_40] : memref<80640x16xf32, #tpu.memory_space<hbm>> -> memref<2520x16xf32, #tpu.memory_space<hbm>>
      %dma_start3A_42 = arith.constant 0 : i32
      %dma_start3A_43 = arith.constant 0 : i32
      %dma_start3A_44 = tpu.memref_slice %arg9[%dma_start3A_42, %dma_start3A_43] : memref<2520x16xf32, #tpu.memory_space<vmem>> -> memref<2520x16xf32, #tpu.memory_space<vmem>>
      tpu.enqueue_dma source(%dma_start3A_44 : memref<2520x16xf32, #tpu.memory_space<vmem>>) target(%dma_start3A_41 : memref<2520x16xf32, #tpu.memory_space<hbm>>) target_semaphore(%run_scoped3A : memref<!tpu.dma_semaphore, #tpu.memory_space<semaphore_mem>>)
      %dma_wait3A_45 = arith.constant 0 : i32
      %dma_wait3A_46 = arith.constant 0 : i32
      %dma_wait3A_47 = tpu.memref_slice %arg9[%dma_wait3A_45, %dma_wait3A_46] : memref<2520x16xf32, #tpu.memory_space<vmem>> -> memref<2520x16xf32, #tpu.memory_space<vmem>>
      %dma_wait3A_48 = arith.constant 0 : i32
      %dma_wait3A_49 = tpu.memref_slice %arg6[%mul3A_2, %dma_wait3A_48] : memref<80640x16xf32, #tpu.memory_space<hbm>> -> memref<2520x16xf32, #tpu.memory_space<hbm>>
      %dma_wait3A_50 = arith.constant 0 : i32
      %dma_wait3A_51 = tpu.memref_slice %arg6[%mul3A_2, %dma_wait3A_50] : memref<80640x16xf32, #tpu.memory_space<hbm>> -> memref<2520x16xf32, #tpu.memory_space<hbm>>
      %dma_wait3A_52 = arith.constant 0 : i32
      %dma_wait3A_53 = arith.constant 0 : i32
      %dma_wait3A_54 = tpu.memref_slice %arg9[%dma_wait3A_52, %dma_wait3A_53] : memref<2520x16xf32, #tpu.memory_space<vmem>> -> memref<2520x16xf32, #tpu.memory_space<vmem>>
      tpu.wait_dma2 semaphore(%run_scoped3A : memref<!tpu.dma_semaphore, #tpu.memory_space<semaphore_mem>>) src(%dma_wait3A_54 : memref<2520x16xf32, #tpu.memory_space<vmem>>) dst(%dma_wait3A_51 : memref<2520x16xf32, #tpu.memory_space<hbm>>)
      tpu.yield
    }) : () -> ()
    %mul3A_17 = arith.constant 2520 : i32
    %mul3A_18 = arith.muli %add3A, %mul3A_17 : i32
    "tpu.region"() ({
      %run_scoped3A = tpu.sem_alloc : memref<!tpu.dma_semaphore, #tpu.memory_space<semaphore_mem>>
      %dma_start3A_35 = arith.constant 0 : i32
      %dma_start3A_36 = tpu.memref_slice %arg8[%dma_start3A_35] : memref<2520xi32, #tpu.memory_space<vmem>> -> memref<2520xi32, #tpu.memory_space<vmem>>
      %dma_start3A_37 = tpu.memref_slice %arg5[%mul3A_18] : memref<80640xi32, #tpu.memory_space<hbm>> -> memref<2520xi32, #tpu.memory_space<hbm>>
      %dma_start3A_38 = arith.constant 0 : i32
      %dma_start3A_39 = tpu.memref_slice %arg8[%dma_start3A_38] : memref<2520xi32, #tpu.memory_space<vmem>> -> memref<2520xi32, #tpu.memory_space<vmem>>
      %dma_start3A_40 = tpu.memref_slice %arg5[%mul3A_18] : memref<80640xi32, #tpu.memory_space<hbm>> -> memref<2520xi32, #tpu.memory_space<hbm>>
      tpu.enqueue_dma source(%dma_start3A_40 : memref<2520xi32, #tpu.memory_space<hbm>>) target(%dma_start3A_39 : memref<2520xi32, #tpu.memory_space<vmem>>) target_semaphore(%run_scoped3A : memref<!tpu.dma_semaphore, #tpu.memory_space<semaphore_mem>>)
      %dma_wait3A_41 = arith.constant 0 : i32
      %dma_wait3A_42 = tpu.memref_slice %arg8[%dma_wait3A_41] : memref<2520xi32, #tpu.memory_space<vmem>> -> memref<2520xi32, #tpu.memory_space<vmem>>
      %dma_wait3A_43 = tpu.memref_slice %arg5[%mul3A_18] : memref<80640xi32, #tpu.memory_space<hbm>> -> memref<2520xi32, #tpu.memory_space<hbm>>
      %dma_wait3A_44 = arith.constant 0 : i32
      %dma_wait3A_45 = tpu.memref_slice %arg8[%dma_wait3A_44] : memref<2520xi32, #tpu.memory_space<vmem>> -> memref<2520xi32, #tpu.memory_space<vmem>>
      %dma_wait3A_46 = tpu.memref_slice %arg5[%mul3A_18] : memref<80640xi32, #tpu.memory_space<hbm>> -> memref<2520xi32, #tpu.memory_space<hbm>>
      tpu.wait_dma2 semaphore(%run_scoped3A : memref<!tpu.dma_semaphore, #tpu.memory_space<semaphore_mem>>) src(%dma_wait3A_46 : memref<2520xi32, #tpu.memory_space<hbm>>) dst(%dma_wait3A_45 : memref<2520xi32, #tpu.memory_space<vmem>>)
      tpu.yield
    }) : () -> ()
    %dma_start3A_19 = arith.constant 0 : i32
    %dma_start3A_20 = arith.constant 0 : i32
    %dma_start3A_21 = tpu.memref_slice %arg9[%dma_start3A_19, %dma_start3A_20] : memref<2520x16xf32, #tpu.memory_space<vmem>> -> memref<2520x16xf32, #tpu.memory_space<vmem>>
    %dma_start3A_22 = arith.constant 0 : i32
    %dma_start3A_23 = tpu.memref_slice %arg8[%dma_start3A_22] : memref<2520xi32, #tpu.memory_space<vmem>> -> memref<2520xi32, #tpu.memory_space<vmem>>
    %dma_start3A_24 = arith.constant 0 : i32
    %dma_start3A_25 = arith.constant 0 : i32
    %dma_start3A_26 = tpu.memref_slice %arg3[%dma_start3A_24, %dma_start3A_25] : memref<10000x16xf32, #tpu.memory_space<hbm>> -> memref<10000x16xf32, #tpu.memory_space<hbm>>
    tpu.enqueue_indirect_dma source(%dma_start3A_26 : memref<10000x16xf32, #tpu.memory_space<hbm>>) target(%dma_start3A_21 : memref<2520x16xf32, #tpu.memory_space<vmem>>) offsets(%dma_start3A_23 : memref<2520xi32, #tpu.memory_space<vmem>>) semaphore(%arg10 : memref<!tpu.dma_semaphore, #tpu.memory_space<semaphore_mem>>)
    %dma_wait3A_27 = arith.constant 0 : i32
    %dma_wait3A_28 = arith.constant 0 : i32
    %dma_wait3A_29 = tpu.memref_slice %arg9[%dma_wait3A_27, %dma_wait3A_28] : memref<2520x16xf32, #tpu.memory_space<vmem>> -> memref<2520x16xf32, #tpu.memory_space<vmem>>
    %dma_wait3A_30 = arith.constant 0 : i32
    %dma_wait3A_31 = tpu.memref_slice %arg8[%dma_wait3A_30] : memref<2520xi32, #tpu.memory_space<vmem>> -> memref<2520xi32, #tpu.memory_space<vmem>>
    %dma_wait3A_32 = arith.constant 0 : i32
    %dma_wait3A_33 = arith.constant 0 : i32
    %dma_wait3A_34 = tpu.memref_slice %arg3[%dma_wait3A_32, %dma_wait3A_33] : memref<10000x16xf32, #tpu.memory_space<hbm>> -> memref<10000x16xf32, #tpu.memory_space<hbm>>
    tpu.wait_indirect_dma semaphore(%arg10 : memref<!tpu.dma_semaphore, #tpu.memory_space<semaphore_mem>>) src(%dma_wait3A_34 : memref<10000x16xf32, #tpu.memory_space<hbm>>) dst(%dma_wait3A_29 : memref<2520x16xf32, #tpu.memory_space<vmem>>)
    "tpu.region"() ({
      %run_scoped3A = tpu.sem_alloc : memref<!tpu.dma_semaphore, #tpu.memory_space<semaphore_mem>>
      %dma_start3A_35 = arith.constant 0 : i32
      %dma_start3A_36 = arith.constant 0 : i32
      %dma_start3A_37 = tpu.memref_slice %arg9[%dma_start3A_35, %dma_start3A_36] : memref<2520x16xf32, #tpu.memory_space<vmem>> -> memref<2520x16xf32, #tpu.memory_space<vmem>>
      %dma_start3A_38 = arith.constant 0 : i32
      %dma_start3A_39 = tpu.memref_slice %arg7[%mul3A_18, %dma_start3A_38] : memref<80640x16xf32, #tpu.memory_space<hbm>> -> memref<2520x16xf32, #tpu.memory_space<hbm>>
      %dma_start3A_40 = arith.constant 0 : i32
      %dma_start3A_41 = tpu.memref_slice %arg7[%mul3A_18, %dma_start3A_40] : memref<80640x16xf32, #tpu.memory_space<hbm>> -> memref<2520x16xf32, #tpu.memory_space<hbm>>
      %dma_start3A_42 = arith.constant 0 : i32
      %dma_start3A_43 = arith.constant 0 : i32
      %dma_start3A_44 = tpu.memref_slice %arg9[%dma_start3A_42, %dma_start3A_43] : memref<2520x16xf32, #tpu.memory_space<vmem>> -> memref<2520x16xf32, #tpu.memory_space<vmem>>
      tpu.enqueue_dma source(%dma_start3A_44 : memref<2520x16xf32, #tpu.memory_space<vmem>>) target(%dma_start3A_41 : memref<2520x16xf32, #tpu.memory_space<hbm>>) target_semaphore(%run_scoped3A : memref<!tpu.dma_semaphore, #tpu.memory_space<semaphore_mem>>)
      %dma_wait3A_45 = arith.constant 0 : i32
      %dma_wait3A_46 = arith.constant 0 : i32
      %dma_wait3A_47 = tpu.memref_slice %arg9[%dma_wait3A_45, %dma_wait3A_46] : memref<2520x16xf32, #tpu.memory_space<vmem>> -> memref<2520x16xf32, #tpu.memory_space<vmem>>
      %dma_wait3A_48 = arith.constant 0 : i32
      %dma_wait3A_49 = tpu.memref_slice %arg7[%mul3A_18, %dma_wait3A_48] : memref<80640x16xf32, #tpu.memory_space<hbm>> -> memref<2520x16xf32, #tpu.memory_space<hbm>>
      %dma_wait3A_50 = arith.constant 0 : i32
      %dma_wait3A_51 = tpu.memref_slice %arg7[%mul3A_18, %dma_wait3A_50] : memref<80640x16xf32, #tpu.memory_space<hbm>> -> memref<2520x16xf32, #tpu.memory_space<hbm>>
      %dma_wait3A_52 = arith.constant 0 : i32
      %dma_wait3A_53 = arith.constant 0 : i32
      %dma_wait3A_54 = tpu.memref_slice %arg9[%dma_wait3A_52, %dma_wait3A_53] : memref<2520x16xf32, #tpu.memory_space<vmem>> -> memref<2520x16xf32, #tpu.memory_space<vmem>>
      tpu.wait_dma2 semaphore(%run_scoped3A : memref<!tpu.dma_semaphore, #tpu.memory_space<semaphore_mem>>) src(%dma_wait3A_54 : memref<2520x16xf32, #tpu.memory_space<vmem>>) dst(%dma_wait3A_51 : memref<2520x16xf32, #tpu.memory_space<hbm>>)
      tpu.yield
    }) : () -> ()
    return
  }
}

#map = affine_map<(d0, d1) -> (0, 0)>
#map1 = affine_map<(d0, d1) -> (0)>
module attributes {stable_mosaic.version = 14 : i64} {
  func.func @k(%arg0: i32, %arg1: i32, %arg2: memref<80640x16xf32, #tpu.memory_space<hbm>>, %arg3: memref<80640xi32, #tpu.memory_space<hbm>>, %arg4: memref<10240xi32, #tpu.memory_space<hbm>>, %arg5: memref<2504x16xf32, #tpu.memory_space<hbm>>, %arg6: memref<10000x16xf32, #tpu.memory_space<hbm>>, %arg7: memref<10240xi32, #tpu.memory_space<hbm>>, %arg8: memref<10240xi32, #tpu.memory_space<hbm>>, %arg9: memref<70400xi32, #tpu.memory_space<hbm>>, %arg10: memref<70400xi32, #tpu.memory_space<hbm>>, %arg11: memref<2504x16xf32, #tpu.memory_space<hbm>>, %arg12: memref<10240x16xf32, #tpu.memory_space<hbm>>, %arg13: memref<10240x16xf32, #tpu.memory_space<hbm>>, %arg14: memref<10240x16xf32, #tpu.memory_space<hbm>>, %arg15: memref<70400x16xf32, #tpu.memory_space<hbm>>, %arg16: memref<70400x16xf32, #tpu.memory_space<hbm>>, %arg17: memref<5040x16xf32, #tpu.memory_space<vmem>>, %arg18: memref<5040xi32, #tpu.memory_space<vmem>>, %arg19: memref<640xi32, #tpu.memory_space<vmem>>, %arg20: memref<640x16xf32, #tpu.memory_space<vmem>>, %arg21: memref<2504x16xf32, #tpu.memory_space<vmem_shared>>, %arg22: memref<!tpu.dma_semaphore, #tpu.memory_space<semaphore_mem>>) attributes {dimension_semantics = [#tpu.dimension_semantics<core_parallel>, #tpu.dimension_semantics<subcore_parallel>], iteration_bounds = array<i64: 2, 16>, scalar_prefetch = 0 : i64, scratch_operands = 6 : i64, tpu.core_type = #tpu.core_type<sc_vector_subcore>, window_params = [{transform_indices = #map}, {transform_indices = #map1}, {transform_indices = #map1}, {transform_indices = #map}, {transform_indices = #map}, {transform_indices = #map1}, {transform_indices = #map1}, {transform_indices = #map1}, {transform_indices = #map1}, {transform_indices = #map}, {transform_indices = #map}, {transform_indices = #map}, {transform_indices = #map}, {transform_indices = #map}, {transform_indices = #map}]} {
    %eq3A = arith.constant 0 : i32
    %eq3A_0 = arith.cmpi eq, %arg0, %eq3A : i32
    %convert_element_type3A = arith.extui %eq3A_0 : i1 to i32
    %cond3A = arith.constant 0 : i32
    %cond3A_1 = arith.cmpi ne, %convert_element_type3A, %cond3A : i32
    scf.if %cond3A_1 {
      %eq3A_7 = arith.constant 0 : i32
      %eq3A_8 = arith.cmpi eq, %arg1, %eq3A_7 : i32
      %convert_element_type3A_9 = arith.extui %eq3A_8 : i1 to i32
      %cond3A_10 = arith.constant 0 : i32
      %cond3A_11 = arith.cmpi ne, %convert_element_type3A_9, %cond3A_10 : i32
      scf.if %cond3A_11 {
        "tpu.region"() ({
          %run_scoped3A = tpu.sem_alloc : memref<!tpu.dma_semaphore, #tpu.memory_space<semaphore_mem>>
          tpu.enqueue_dma source(%arg5 : memref<2504x16xf32, #tpu.memory_space<hbm>>) target(%arg21 : memref<2504x16xf32, #tpu.memory_space<vmem_shared>>) target_semaphore(%run_scoped3A : memref<!tpu.dma_semaphore, #tpu.memory_space<semaphore_mem>>)
          tpu.wait_dma2 semaphore(%run_scoped3A : memref<!tpu.dma_semaphore, #tpu.memory_space<semaphore_mem>>) src(%arg5 : memref<2504x16xf32, #tpu.memory_space<hbm>>) dst(%arg21 : memref<2504x16xf32, #tpu.memory_space<vmem_shared>>)
          tpu.yield
        }) : () -> ()
      } else {
      }
      %barrier3A = arith.constant 0 : index
      tpu.barrier barrier_id(%barrier3A)
      %mul3A = arith.constant 5040 : i32
      %mul3A_12 = arith.muli %arg1, %mul3A : i32
      "tpu.region"() ({
        %run_scoped3A = tpu.sem_alloc : memref<!tpu.dma_semaphore, #tpu.memory_space<semaphore_mem>>
        %dma_start3A_25 = arith.constant 0 : i32
        %dma_start3A_26 = arith.constant 0 : i32
        %dma_start3A_27 = tpu.memref_slice %arg17[%dma_start3A_25, %dma_start3A_26] : memref<5040x16xf32, #tpu.memory_space<vmem>> -> memref<5040x16xf32, #tpu.memory_space<vmem>>
        %dma_start3A_28 = arith.constant 0 : i32
        %dma_start3A_29 = tpu.memref_slice %arg2[%mul3A_12, %dma_start3A_28] : memref<80640x16xf32, #tpu.memory_space<hbm>> -> memref<5040x16xf32, #tpu.memory_space<hbm>>
        %dma_start3A_30 = arith.constant 0 : i32
        %dma_start3A_31 = arith.constant 0 : i32
        %dma_start3A_32 = tpu.memref_slice %arg17[%dma_start3A_30, %dma_start3A_31] : memref<5040x16xf32, #tpu.memory_space<vmem>> -> memref<5040x16xf32, #tpu.memory_space<vmem>>
        %dma_start3A_33 = arith.constant 0 : i32
        %dma_start3A_34 = tpu.memref_slice %arg2[%mul3A_12, %dma_start3A_33] : memref<80640x16xf32, #tpu.memory_space<hbm>> -> memref<5040x16xf32, #tpu.memory_space<hbm>>
        tpu.enqueue_dma source(%dma_start3A_34 : memref<5040x16xf32, #tpu.memory_space<hbm>>) target(%dma_start3A_32 : memref<5040x16xf32, #tpu.memory_space<vmem>>) target_semaphore(%run_scoped3A : memref<!tpu.dma_semaphore, #tpu.memory_space<semaphore_mem>>)
        %dma_wait3A_35 = arith.constant 0 : i32
        %dma_wait3A_36 = arith.constant 0 : i32
        %dma_wait3A_37 = tpu.memref_slice %arg17[%dma_wait3A_35, %dma_wait3A_36] : memref<5040x16xf32, #tpu.memory_space<vmem>> -> memref<5040x16xf32, #tpu.memory_space<vmem>>
        %dma_wait3A_38 = arith.constant 0 : i32
        %dma_wait3A_39 = tpu.memref_slice %arg2[%mul3A_12, %dma_wait3A_38] : memref<80640x16xf32, #tpu.memory_space<hbm>> -> memref<5040x16xf32, #tpu.memory_space<hbm>>
        %dma_wait3A_40 = arith.constant 0 : i32
        %dma_wait3A_41 = arith.constant 0 : i32
        %dma_wait3A_42 = tpu.memref_slice %arg17[%dma_wait3A_40, %dma_wait3A_41] : memref<5040x16xf32, #tpu.memory_space<vmem>> -> memref<5040x16xf32, #tpu.memory_space<vmem>>
        %dma_wait3A_43 = arith.constant 0 : i32
        %dma_wait3A_44 = tpu.memref_slice %arg2[%mul3A_12, %dma_wait3A_43] : memref<80640x16xf32, #tpu.memory_space<hbm>> -> memref<5040x16xf32, #tpu.memory_space<hbm>>
        tpu.wait_dma2 semaphore(%run_scoped3A : memref<!tpu.dma_semaphore, #tpu.memory_space<semaphore_mem>>) src(%dma_wait3A_44 : memref<5040x16xf32, #tpu.memory_space<hbm>>) dst(%dma_wait3A_42 : memref<5040x16xf32, #tpu.memory_space<vmem>>)
        tpu.yield
      }) : () -> ()
      "tpu.region"() ({
        %run_scoped3A = tpu.sem_alloc : memref<!tpu.dma_semaphore, #tpu.memory_space<semaphore_mem>>
        %dma_start3A_25 = arith.constant 0 : i32
        %dma_start3A_26 = tpu.memref_slice %arg18[%dma_start3A_25] : memref<5040xi32, #tpu.memory_space<vmem>> -> memref<5040xi32, #tpu.memory_space<vmem>>
        %dma_start3A_27 = tpu.memref_slice %arg3[%mul3A_12] : memref<80640xi32, #tpu.memory_space<hbm>> -> memref<5040xi32, #tpu.memory_space<hbm>>
        %dma_start3A_28 = arith.constant 0 : i32
        %dma_start3A_29 = tpu.memref_slice %arg18[%dma_start3A_28] : memref<5040xi32, #tpu.memory_space<vmem>> -> memref<5040xi32, #tpu.memory_space<vmem>>
        %dma_start3A_30 = tpu.memref_slice %arg3[%mul3A_12] : memref<80640xi32, #tpu.memory_space<hbm>> -> memref<5040xi32, #tpu.memory_space<hbm>>
        tpu.enqueue_dma source(%dma_start3A_30 : memref<5040xi32, #tpu.memory_space<hbm>>) target(%dma_start3A_29 : memref<5040xi32, #tpu.memory_space<vmem>>) target_semaphore(%run_scoped3A : memref<!tpu.dma_semaphore, #tpu.memory_space<semaphore_mem>>)
        %dma_wait3A_31 = arith.constant 0 : i32
        %dma_wait3A_32 = tpu.memref_slice %arg18[%dma_wait3A_31] : memref<5040xi32, #tpu.memory_space<vmem>> -> memref<5040xi32, #tpu.memory_space<vmem>>
        %dma_wait3A_33 = tpu.memref_slice %arg3[%mul3A_12] : memref<80640xi32, #tpu.memory_space<hbm>> -> memref<5040xi32, #tpu.memory_space<hbm>>
        %dma_wait3A_34 = arith.constant 0 : i32
        %dma_wait3A_35 = tpu.memref_slice %arg18[%dma_wait3A_34] : memref<5040xi32, #tpu.memory_space<vmem>> -> memref<5040xi32, #tpu.memory_space<vmem>>
        %dma_wait3A_36 = tpu.memref_slice %arg3[%mul3A_12] : memref<80640xi32, #tpu.memory_space<hbm>> -> memref<5040xi32, #tpu.memory_space<hbm>>
        tpu.wait_dma2 semaphore(%run_scoped3A : memref<!tpu.dma_semaphore, #tpu.memory_space<semaphore_mem>>) src(%dma_wait3A_36 : memref<5040xi32, #tpu.memory_space<hbm>>) dst(%dma_wait3A_35 : memref<5040xi32, #tpu.memory_space<vmem>>)
        tpu.yield
      }) : () -> ()
      "tpu.region"() ({
        %run_scoped3A = tpu.sem_alloc : memref<!tpu.dma_semaphore, #tpu.memory_space<semaphore_mem>>
        %dma_start3A_25 = arith.constant 0 : i32
        %dma_start3A_26 = arith.constant 0 : i32
        %dma_start3A_27 = tpu.memref_slice %arg17[%dma_start3A_25, %dma_start3A_26] : memref<5040x16xf32, #tpu.memory_space<vmem>> -> memref<5040x16xf32, #tpu.memory_space<vmem>>
        %dma_start3A_28 = arith.constant 0 : i32
        %dma_start3A_29 = tpu.memref_slice %arg18[%dma_start3A_28] : memref<5040xi32, #tpu.memory_space<vmem>> -> memref<5040xi32, #tpu.memory_space<vmem>>
        %dma_start3A_30 = arith.constant 0 : i32
        %dma_start3A_31 = arith.constant 0 : i32
        %dma_start3A_32 = tpu.memref_slice %arg21[%dma_start3A_30, %dma_start3A_31] : memref<2504x16xf32, #tpu.memory_space<vmem_shared>> -> memref<2504x16xf32, #tpu.memory_space<vmem_shared>>
        tpu.enqueue_indirect_dma source(%dma_start3A_27 : memref<5040x16xf32, #tpu.memory_space<vmem>>) target(%dma_start3A_32 : memref<2504x16xf32, #tpu.memory_space<vmem_shared>>) offsets(%dma_start3A_29 : memref<5040xi32, #tpu.memory_space<vmem>>) semaphore(%run_scoped3A : memref<!tpu.dma_semaphore, #tpu.memory_space<semaphore_mem>>) {add = true}
        %dma_wait3A_33 = arith.constant 0 : i32
        %dma_wait3A_34 = arith.constant 0 : i32
        %dma_wait3A_35 = tpu.memref_slice %arg17[%dma_wait3A_33, %dma_wait3A_34] : memref<5040x16xf32, #tpu.memory_space<vmem>> -> memref<5040x16xf32, #tpu.memory_space<vmem>>
        %dma_wait3A_36 = arith.constant 0 : i32
        %dma_wait3A_37 = tpu.memref_slice %arg18[%dma_wait3A_36] : memref<5040xi32, #tpu.memory_space<vmem>> -> memref<5040xi32, #tpu.memory_space<vmem>>
        %dma_wait3A_38 = arith.constant 0 : i32
        %dma_wait3A_39 = arith.constant 0 : i32
        %dma_wait3A_40 = tpu.memref_slice %arg21[%dma_wait3A_38, %dma_wait3A_39] : memref<2504x16xf32, #tpu.memory_space<vmem_shared>> -> memref<2504x16xf32, #tpu.memory_space<vmem_shared>>
        tpu.wait_indirect_dma semaphore(%run_scoped3A : memref<!tpu.dma_semaphore, #tpu.memory_space<semaphore_mem>>) src(%dma_wait3A_35 : memref<5040x16xf32, #tpu.memory_space<vmem>>) dst(%dma_wait3A_40 : memref<2504x16xf32, #tpu.memory_space<vmem_shared>>)
        tpu.yield
      }) : () -> ()
      %barrier3A_13 = arith.constant 0 : index
      tpu.barrier barrier_id(%barrier3A_13)
      %mul3A_14 = arith.constant 640 : i32
      %mul3A_15 = arith.muli %arg1, %mul3A_14 : i32
      "tpu.region"() ({
        %run_scoped3A = tpu.sem_alloc : memref<!tpu.dma_semaphore, #tpu.memory_space<semaphore_mem>>
        %dma_start3A_25 = tpu.memref_slice %arg4[%mul3A_15] : memref<10240xi32, #tpu.memory_space<hbm>> -> memref<640xi32, #tpu.memory_space<hbm>>
        %dma_start3A_26 = tpu.memref_slice %arg4[%mul3A_15] : memref<10240xi32, #tpu.memory_space<hbm>> -> memref<640xi32, #tpu.memory_space<hbm>>
        tpu.enqueue_dma source(%dma_start3A_26 : memref<640xi32, #tpu.memory_space<hbm>>) target(%arg19 : memref<640xi32, #tpu.memory_space<vmem>>) target_semaphore(%run_scoped3A : memref<!tpu.dma_semaphore, #tpu.memory_space<semaphore_mem>>)
        %dma_wait3A_27 = tpu.memref_slice %arg4[%mul3A_15] : memref<10240xi32, #tpu.memory_space<hbm>> -> memref<640xi32, #tpu.memory_space<hbm>>
        %dma_wait3A_28 = tpu.memref_slice %arg4[%mul3A_15] : memref<10240xi32, #tpu.memory_space<hbm>> -> memref<640xi32, #tpu.memory_space<hbm>>
        tpu.wait_dma2 semaphore(%run_scoped3A : memref<!tpu.dma_semaphore, #tpu.memory_space<semaphore_mem>>) src(%dma_wait3A_28 : memref<640xi32, #tpu.memory_space<hbm>>) dst(%arg19 : memref<640xi32, #tpu.memory_space<vmem>>)
        tpu.yield
      }) : () -> ()
      %dma_start3A = arith.constant 0 : i32
      %dma_start3A_16 = arith.constant 0 : i32
      %dma_start3A_17 = tpu.memref_slice %arg21[%dma_start3A, %dma_start3A_16] : memref<2504x16xf32, #tpu.memory_space<vmem_shared>> -> memref<2504x16xf32, #tpu.memory_space<vmem_shared>>
      tpu.enqueue_indirect_dma source(%dma_start3A_17 : memref<2504x16xf32, #tpu.memory_space<vmem_shared>>) target(%arg20 : memref<640x16xf32, #tpu.memory_space<vmem>>) offsets(%arg19 : memref<640xi32, #tpu.memory_space<vmem>>) semaphore(%arg22 : memref<!tpu.dma_semaphore, #tpu.memory_space<semaphore_mem>>)
      %dma_wait3A = arith.constant 0 : i32
      %dma_wait3A_18 = arith.constant 0 : i32
      %dma_wait3A_19 = tpu.memref_slice %arg21[%dma_wait3A, %dma_wait3A_18] : memref<2504x16xf32, #tpu.memory_space<vmem_shared>> -> memref<2504x16xf32, #tpu.memory_space<vmem_shared>>
      tpu.wait_indirect_dma semaphore(%arg22 : memref<!tpu.dma_semaphore, #tpu.memory_space<semaphore_mem>>) src(%dma_wait3A_19 : memref<2504x16xf32, #tpu.memory_space<vmem_shared>>) dst(%arg20 : memref<640x16xf32, #tpu.memory_space<vmem>>)
      "tpu.region"() ({
        %run_scoped3A = tpu.sem_alloc : memref<!tpu.dma_semaphore, #tpu.memory_space<semaphore_mem>>
        %dma_start3A_25 = arith.constant 0 : i32
        %dma_start3A_26 = tpu.memref_slice %arg12[%mul3A_15, %dma_start3A_25] : memref<10240x16xf32, #tpu.memory_space<hbm>> -> memref<640x16xf32, #tpu.memory_space<hbm>>
        %dma_start3A_27 = arith.constant 0 : i32
        %dma_start3A_28 = tpu.memref_slice %arg12[%mul3A_15, %dma_start3A_27] : memref<10240x16xf32, #tpu.memory_space<hbm>> -> memref<640x16xf32, #tpu.memory_space<hbm>>
        tpu.enqueue_dma source(%arg20 : memref<640x16xf32, #tpu.memory_space<vmem>>) target(%dma_start3A_28 : memref<640x16xf32, #tpu.memory_space<hbm>>) target_semaphore(%run_scoped3A : memref<!tpu.dma_semaphore, #tpu.memory_space<semaphore_mem>>)
        %dma_wait3A_29 = arith.constant 0 : i32
        %dma_wait3A_30 = tpu.memref_slice %arg12[%mul3A_15, %dma_wait3A_29] : memref<10240x16xf32, #tpu.memory_space<hbm>> -> memref<640x16xf32, #tpu.memory_space<hbm>>
        %dma_wait3A_31 = arith.constant 0 : i32
        %dma_wait3A_32 = tpu.memref_slice %arg12[%mul3A_15, %dma_wait3A_31] : memref<10240x16xf32, #tpu.memory_space<hbm>> -> memref<640x16xf32, #tpu.memory_space<hbm>>
        tpu.wait_dma2 semaphore(%run_scoped3A : memref<!tpu.dma_semaphore, #tpu.memory_space<semaphore_mem>>) src(%arg20 : memref<640x16xf32, #tpu.memory_space<vmem>>) dst(%dma_wait3A_32 : memref<640x16xf32, #tpu.memory_space<hbm>>)
        tpu.yield
      }) : () -> ()
      %eq3A_20 = arith.constant 0 : i32
      %eq3A_21 = arith.cmpi eq, %arg1, %eq3A_20 : i32
      %convert_element_type3A_22 = arith.extui %eq3A_21 : i1 to i32
      %cond3A_23 = arith.constant 0 : i32
      %cond3A_24 = arith.cmpi ne, %convert_element_type3A_22, %cond3A_23 : i32
      scf.if %cond3A_24 {
        "tpu.region"() ({
          %run_scoped3A = tpu.sem_alloc : memref<!tpu.dma_semaphore, #tpu.memory_space<semaphore_mem>>
          tpu.enqueue_dma source(%arg21 : memref<2504x16xf32, #tpu.memory_space<vmem_shared>>) target(%arg11 : memref<2504x16xf32, #tpu.memory_space<hbm>>) target_semaphore(%run_scoped3A : memref<!tpu.dma_semaphore, #tpu.memory_space<semaphore_mem>>)
          tpu.wait_dma2 semaphore(%run_scoped3A : memref<!tpu.dma_semaphore, #tpu.memory_space<semaphore_mem>>) src(%arg21 : memref<2504x16xf32, #tpu.memory_space<vmem_shared>>) dst(%arg11 : memref<2504x16xf32, #tpu.memory_space<hbm>>)
          tpu.yield
        }) : () -> ()
      } else {
      }
    } else {
    }
    %eq3A_2 = arith.constant 1 : i32
    %eq3A_3 = arith.cmpi eq, %arg0, %eq3A_2 : i32
    %convert_element_type3A_4 = arith.extui %eq3A_3 : i1 to i32
    %cond3A_5 = arith.constant 0 : i32
    %cond3A_6 = arith.cmpi ne, %convert_element_type3A_4, %cond3A_5 : i32
    scf.if %cond3A_6 {
      %mul3A = arith.constant 640 : i32
      %mul3A_7 = arith.muli %arg1, %mul3A : i32
      "tpu.region"() ({
        %run_scoped3A = tpu.sem_alloc : memref<!tpu.dma_semaphore, #tpu.memory_space<semaphore_mem>>
        %dma_start3A_76 = arith.constant 0 : i32
        %dma_start3A_77 = tpu.memref_slice %arg18[%dma_start3A_76] : memref<5040xi32, #tpu.memory_space<vmem>> -> memref<640xi32, #tpu.memory_space<vmem>>
        %dma_start3A_78 = tpu.memref_slice %arg7[%mul3A_7] : memref<10240xi32, #tpu.memory_space<hbm>> -> memref<640xi32, #tpu.memory_space<hbm>>
        %dma_start3A_79 = arith.constant 0 : i32
        %dma_start3A_80 = tpu.memref_slice %arg18[%dma_start3A_79] : memref<5040xi32, #tpu.memory_space<vmem>> -> memref<640xi32, #tpu.memory_space<vmem>>
        %dma_start3A_81 = tpu.memref_slice %arg7[%mul3A_7] : memref<10240xi32, #tpu.memory_space<hbm>> -> memref<640xi32, #tpu.memory_space<hbm>>
        tpu.enqueue_dma source(%dma_start3A_81 : memref<640xi32, #tpu.memory_space<hbm>>) target(%dma_start3A_80 : memref<640xi32, #tpu.memory_space<vmem>>) target_semaphore(%run_scoped3A : memref<!tpu.dma_semaphore, #tpu.memory_space<semaphore_mem>>)
        %dma_wait3A_82 = arith.constant 0 : i32
        %dma_wait3A_83 = tpu.memref_slice %arg18[%dma_wait3A_82] : memref<5040xi32, #tpu.memory_space<vmem>> -> memref<640xi32, #tpu.memory_space<vmem>>
        %dma_wait3A_84 = tpu.memref_slice %arg7[%mul3A_7] : memref<10240xi32, #tpu.memory_space<hbm>> -> memref<640xi32, #tpu.memory_space<hbm>>
        %dma_wait3A_85 = arith.constant 0 : i32
        %dma_wait3A_86 = tpu.memref_slice %arg18[%dma_wait3A_85] : memref<5040xi32, #tpu.memory_space<vmem>> -> memref<640xi32, #tpu.memory_space<vmem>>
        %dma_wait3A_87 = tpu.memref_slice %arg7[%mul3A_7] : memref<10240xi32, #tpu.memory_space<hbm>> -> memref<640xi32, #tpu.memory_space<hbm>>
        tpu.wait_dma2 semaphore(%run_scoped3A : memref<!tpu.dma_semaphore, #tpu.memory_space<semaphore_mem>>) src(%dma_wait3A_87 : memref<640xi32, #tpu.memory_space<hbm>>) dst(%dma_wait3A_86 : memref<640xi32, #tpu.memory_space<vmem>>)
        tpu.yield
      }) : () -> ()
      %dma_start3A = arith.constant 0 : i32
      %dma_start3A_8 = arith.constant 0 : i32
      %dma_start3A_9 = tpu.memref_slice %arg17[%dma_start3A, %dma_start3A_8] : memref<5040x16xf32, #tpu.memory_space<vmem>> -> memref<640x16xf32, #tpu.memory_space<vmem>>
      %dma_start3A_10 = arith.constant 0 : i32
      %dma_start3A_11 = tpu.memref_slice %arg18[%dma_start3A_10] : memref<5040xi32, #tpu.memory_space<vmem>> -> memref<640xi32, #tpu.memory_space<vmem>>
      %dma_start3A_12 = arith.constant 0 : i32
      %dma_start3A_13 = arith.constant 0 : i32
      %dma_start3A_14 = tpu.memref_slice %arg6[%dma_start3A_12, %dma_start3A_13] : memref<10000x16xf32, #tpu.memory_space<hbm>> -> memref<10000x16xf32, #tpu.memory_space<hbm>>
      tpu.enqueue_indirect_dma source(%dma_start3A_14 : memref<10000x16xf32, #tpu.memory_space<hbm>>) target(%dma_start3A_9 : memref<640x16xf32, #tpu.memory_space<vmem>>) offsets(%dma_start3A_11 : memref<640xi32, #tpu.memory_space<vmem>>) semaphore(%arg22 : memref<!tpu.dma_semaphore, #tpu.memory_space<semaphore_mem>>)
      %dma_wait3A = arith.constant 0 : i32
      %dma_wait3A_15 = arith.constant 0 : i32
      %dma_wait3A_16 = tpu.memref_slice %arg17[%dma_wait3A, %dma_wait3A_15] : memref<5040x16xf32, #tpu.memory_space<vmem>> -> memref<640x16xf32, #tpu.memory_space<vmem>>
      %dma_wait3A_17 = arith.constant 0 : i32
      %dma_wait3A_18 = tpu.memref_slice %arg18[%dma_wait3A_17] : memref<5040xi32, #tpu.memory_space<vmem>> -> memref<640xi32, #tpu.memory_space<vmem>>
      %dma_wait3A_19 = arith.constant 0 : i32
      %dma_wait3A_20 = arith.constant 0 : i32
      %dma_wait3A_21 = tpu.memref_slice %arg6[%dma_wait3A_19, %dma_wait3A_20] : memref<10000x16xf32, #tpu.memory_space<hbm>> -> memref<10000x16xf32, #tpu.memory_space<hbm>>
      tpu.wait_indirect_dma semaphore(%arg22 : memref<!tpu.dma_semaphore, #tpu.memory_space<semaphore_mem>>) src(%dma_wait3A_21 : memref<10000x16xf32, #tpu.memory_space<hbm>>) dst(%dma_wait3A_16 : memref<640x16xf32, #tpu.memory_space<vmem>>)
      "tpu.region"() ({
        %run_scoped3A = tpu.sem_alloc : memref<!tpu.dma_semaphore, #tpu.memory_space<semaphore_mem>>
        %dma_start3A_76 = arith.constant 0 : i32
        %dma_start3A_77 = arith.constant 0 : i32
        %dma_start3A_78 = tpu.memref_slice %arg17[%dma_start3A_76, %dma_start3A_77] : memref<5040x16xf32, #tpu.memory_space<vmem>> -> memref<640x16xf32, #tpu.memory_space<vmem>>
        %dma_start3A_79 = arith.constant 0 : i32
        %dma_start3A_80 = tpu.memref_slice %arg13[%mul3A_7, %dma_start3A_79] : memref<10240x16xf32, #tpu.memory_space<hbm>> -> memref<640x16xf32, #tpu.memory_space<hbm>>
        %dma_start3A_81 = arith.constant 0 : i32
        %dma_start3A_82 = tpu.memref_slice %arg13[%mul3A_7, %dma_start3A_81] : memref<10240x16xf32, #tpu.memory_space<hbm>> -> memref<640x16xf32, #tpu.memory_space<hbm>>
        %dma_start3A_83 = arith.constant 0 : i32
        %dma_start3A_84 = arith.constant 0 : i32
        %dma_start3A_85 = tpu.memref_slice %arg17[%dma_start3A_83, %dma_start3A_84] : memref<5040x16xf32, #tpu.memory_space<vmem>> -> memref<640x16xf32, #tpu.memory_space<vmem>>
        tpu.enqueue_dma source(%dma_start3A_85 : memref<640x16xf32, #tpu.memory_space<vmem>>) target(%dma_start3A_82 : memref<640x16xf32, #tpu.memory_space<hbm>>) target_semaphore(%run_scoped3A : memref<!tpu.dma_semaphore, #tpu.memory_space<semaphore_mem>>)
        %dma_wait3A_86 = arith.constant 0 : i32
        %dma_wait3A_87 = arith.constant 0 : i32
        %dma_wait3A_88 = tpu.memref_slice %arg17[%dma_wait3A_86, %dma_wait3A_87] : memref<5040x16xf32, #tpu.memory_space<vmem>> -> memref<640x16xf32, #tpu.memory_space<vmem>>
        %dma_wait3A_89 = arith.constant 0 : i32
        %dma_wait3A_90 = tpu.memref_slice %arg13[%mul3A_7, %dma_wait3A_89] : memref<10240x16xf32, #tpu.memory_space<hbm>> -> memref<640x16xf32, #tpu.memory_space<hbm>>
        %dma_wait3A_91 = arith.constant 0 : i32
        %dma_wait3A_92 = tpu.memref_slice %arg13[%mul3A_7, %dma_wait3A_91] : memref<10240x16xf32, #tpu.memory_space<hbm>> -> memref<640x16xf32, #tpu.memory_space<hbm>>
        %dma_wait3A_93 = arith.constant 0 : i32
        %dma_wait3A_94 = arith.constant 0 : i32
        %dma_wait3A_95 = tpu.memref_slice %arg17[%dma_wait3A_93, %dma_wait3A_94] : memref<5040x16xf32, #tpu.memory_space<vmem>> -> memref<640x16xf32, #tpu.memory_space<vmem>>
        tpu.wait_dma2 semaphore(%run_scoped3A : memref<!tpu.dma_semaphore, #tpu.memory_space<semaphore_mem>>) src(%dma_wait3A_95 : memref<640x16xf32, #tpu.memory_space<vmem>>) dst(%dma_wait3A_92 : memref<640x16xf32, #tpu.memory_space<hbm>>)
        tpu.yield
      }) : () -> ()
      %mul3A_22 = arith.constant 640 : i32
      %mul3A_23 = arith.muli %arg1, %mul3A_22 : i32
      "tpu.region"() ({
        %run_scoped3A = tpu.sem_alloc : memref<!tpu.dma_semaphore, #tpu.memory_space<semaphore_mem>>
        %dma_start3A_76 = arith.constant 0 : i32
        %dma_start3A_77 = tpu.memref_slice %arg18[%dma_start3A_76] : memref<5040xi32, #tpu.memory_space<vmem>> -> memref<640xi32, #tpu.memory_space<vmem>>
        %dma_start3A_78 = tpu.memref_slice %arg8[%mul3A_23] : memref<10240xi32, #tpu.memory_space<hbm>> -> memref<640xi32, #tpu.memory_space<hbm>>
        %dma_start3A_79 = arith.constant 0 : i32
        %dma_start3A_80 = tpu.memref_slice %arg18[%dma_start3A_79] : memref<5040xi32, #tpu.memory_space<vmem>> -> memref<640xi32, #tpu.memory_space<vmem>>
        %dma_start3A_81 = tpu.memref_slice %arg8[%mul3A_23] : memref<10240xi32, #tpu.memory_space<hbm>> -> memref<640xi32, #tpu.memory_space<hbm>>
        tpu.enqueue_dma source(%dma_start3A_81 : memref<640xi32, #tpu.memory_space<hbm>>) target(%dma_start3A_80 : memref<640xi32, #tpu.memory_space<vmem>>) target_semaphore(%run_scoped3A : memref<!tpu.dma_semaphore, #tpu.memory_space<semaphore_mem>>)
        %dma_wait3A_82 = arith.constant 0 : i32
        %dma_wait3A_83 = tpu.memref_slice %arg18[%dma_wait3A_82] : memref<5040xi32, #tpu.memory_space<vmem>> -> memref<640xi32, #tpu.memory_space<vmem>>
        %dma_wait3A_84 = tpu.memref_slice %arg8[%mul3A_23] : memref<10240xi32, #tpu.memory_space<hbm>> -> memref<640xi32, #tpu.memory_space<hbm>>
        %dma_wait3A_85 = arith.constant 0 : i32
        %dma_wait3A_86 = tpu.memref_slice %arg18[%dma_wait3A_85] : memref<5040xi32, #tpu.memory_space<vmem>> -> memref<640xi32, #tpu.memory_space<vmem>>
        %dma_wait3A_87 = tpu.memref_slice %arg8[%mul3A_23] : memref<10240xi32, #tpu.memory_space<hbm>> -> memref<640xi32, #tpu.memory_space<hbm>>
        tpu.wait_dma2 semaphore(%run_scoped3A : memref<!tpu.dma_semaphore, #tpu.memory_space<semaphore_mem>>) src(%dma_wait3A_87 : memref<640xi32, #tpu.memory_space<hbm>>) dst(%dma_wait3A_86 : memref<640xi32, #tpu.memory_space<vmem>>)
        tpu.yield
      }) : () -> ()
      %dma_start3A_24 = arith.constant 0 : i32
      %dma_start3A_25 = arith.constant 0 : i32
      %dma_start3A_26 = tpu.memref_slice %arg17[%dma_start3A_24, %dma_start3A_25] : memref<5040x16xf32, #tpu.memory_space<vmem>> -> memref<640x16xf32, #tpu.memory_space<vmem>>
      %dma_start3A_27 = arith.constant 0 : i32
      %dma_start3A_28 = tpu.memref_slice %arg18[%dma_start3A_27] : memref<5040xi32, #tpu.memory_space<vmem>> -> memref<640xi32, #tpu.memory_space<vmem>>
      %dma_start3A_29 = arith.constant 0 : i32
      %dma_start3A_30 = arith.constant 0 : i32
      %dma_start3A_31 = tpu.memref_slice %arg6[%dma_start3A_29, %dma_start3A_30] : memref<10000x16xf32, #tpu.memory_space<hbm>> -> memref<10000x16xf32, #tpu.memory_space<hbm>>
      tpu.enqueue_indirect_dma source(%dma_start3A_31 : memref<10000x16xf32, #tpu.memory_space<hbm>>) target(%dma_start3A_26 : memref<640x16xf32, #tpu.memory_space<vmem>>) offsets(%dma_start3A_28 : memref<640xi32, #tpu.memory_space<vmem>>) semaphore(%arg22 : memref<!tpu.dma_semaphore, #tpu.memory_space<semaphore_mem>>)
      %dma_wait3A_32 = arith.constant 0 : i32
      %dma_wait3A_33 = arith.constant 0 : i32
      %dma_wait3A_34 = tpu.memref_slice %arg17[%dma_wait3A_32, %dma_wait3A_33] : memref<5040x16xf32, #tpu.memory_space<vmem>> -> memref<640x16xf32, #tpu.memory_space<vmem>>
      %dma_wait3A_35 = arith.constant 0 : i32
      %dma_wait3A_36 = tpu.memref_slice %arg18[%dma_wait3A_35] : memref<5040xi32, #tpu.memory_space<vmem>> -> memref<640xi32, #tpu.memory_space<vmem>>
      %dma_wait3A_37 = arith.constant 0 : i32
      %dma_wait3A_38 = arith.constant 0 : i32
      %dma_wait3A_39 = tpu.memref_slice %arg6[%dma_wait3A_37, %dma_wait3A_38] : memref<10000x16xf32, #tpu.memory_space<hbm>> -> memref<10000x16xf32, #tpu.memory_space<hbm>>
      tpu.wait_indirect_dma semaphore(%arg22 : memref<!tpu.dma_semaphore, #tpu.memory_space<semaphore_mem>>) src(%dma_wait3A_39 : memref<10000x16xf32, #tpu.memory_space<hbm>>) dst(%dma_wait3A_34 : memref<640x16xf32, #tpu.memory_space<vmem>>)
      "tpu.region"() ({
        %run_scoped3A = tpu.sem_alloc : memref<!tpu.dma_semaphore, #tpu.memory_space<semaphore_mem>>
        %dma_start3A_76 = arith.constant 0 : i32
        %dma_start3A_77 = arith.constant 0 : i32
        %dma_start3A_78 = tpu.memref_slice %arg17[%dma_start3A_76, %dma_start3A_77] : memref<5040x16xf32, #tpu.memory_space<vmem>> -> memref<640x16xf32, #tpu.memory_space<vmem>>
        %dma_start3A_79 = arith.constant 0 : i32
        %dma_start3A_80 = tpu.memref_slice %arg14[%mul3A_23, %dma_start3A_79] : memref<10240x16xf32, #tpu.memory_space<hbm>> -> memref<640x16xf32, #tpu.memory_space<hbm>>
        %dma_start3A_81 = arith.constant 0 : i32
        %dma_start3A_82 = tpu.memref_slice %arg14[%mul3A_23, %dma_start3A_81] : memref<10240x16xf32, #tpu.memory_space<hbm>> -> memref<640x16xf32, #tpu.memory_space<hbm>>
        %dma_start3A_83 = arith.constant 0 : i32
        %dma_start3A_84 = arith.constant 0 : i32
        %dma_start3A_85 = tpu.memref_slice %arg17[%dma_start3A_83, %dma_start3A_84] : memref<5040x16xf32, #tpu.memory_space<vmem>> -> memref<640x16xf32, #tpu.memory_space<vmem>>
        tpu.enqueue_dma source(%dma_start3A_85 : memref<640x16xf32, #tpu.memory_space<vmem>>) target(%dma_start3A_82 : memref<640x16xf32, #tpu.memory_space<hbm>>) target_semaphore(%run_scoped3A : memref<!tpu.dma_semaphore, #tpu.memory_space<semaphore_mem>>)
        %dma_wait3A_86 = arith.constant 0 : i32
        %dma_wait3A_87 = arith.constant 0 : i32
        %dma_wait3A_88 = tpu.memref_slice %arg17[%dma_wait3A_86, %dma_wait3A_87] : memref<5040x16xf32, #tpu.memory_space<vmem>> -> memref<640x16xf32, #tpu.memory_space<vmem>>
        %dma_wait3A_89 = arith.constant 0 : i32
        %dma_wait3A_90 = tpu.memref_slice %arg14[%mul3A_23, %dma_wait3A_89] : memref<10240x16xf32, #tpu.memory_space<hbm>> -> memref<640x16xf32, #tpu.memory_space<hbm>>
        %dma_wait3A_91 = arith.constant 0 : i32
        %dma_wait3A_92 = tpu.memref_slice %arg14[%mul3A_23, %dma_wait3A_91] : memref<10240x16xf32, #tpu.memory_space<hbm>> -> memref<640x16xf32, #tpu.memory_space<hbm>>
        %dma_wait3A_93 = arith.constant 0 : i32
        %dma_wait3A_94 = arith.constant 0 : i32
        %dma_wait3A_95 = tpu.memref_slice %arg17[%dma_wait3A_93, %dma_wait3A_94] : memref<5040x16xf32, #tpu.memory_space<vmem>> -> memref<640x16xf32, #tpu.memory_space<vmem>>
        tpu.wait_dma2 semaphore(%run_scoped3A : memref<!tpu.dma_semaphore, #tpu.memory_space<semaphore_mem>>) src(%dma_wait3A_95 : memref<640x16xf32, #tpu.memory_space<vmem>>) dst(%dma_wait3A_92 : memref<640x16xf32, #tpu.memory_space<hbm>>)
        tpu.yield
      }) : () -> ()
      %mul3A_40 = arith.constant 4400 : i32
      %mul3A_41 = arith.muli %arg1, %mul3A_40 : i32
      "tpu.region"() ({
        %run_scoped3A = tpu.sem_alloc : memref<!tpu.dma_semaphore, #tpu.memory_space<semaphore_mem>>
        %dma_start3A_76 = arith.constant 0 : i32
        %dma_start3A_77 = tpu.memref_slice %arg18[%dma_start3A_76] : memref<5040xi32, #tpu.memory_space<vmem>> -> memref<4400xi32, #tpu.memory_space<vmem>>
        %dma_start3A_78 = tpu.memref_slice %arg9[%mul3A_41] : memref<70400xi32, #tpu.memory_space<hbm>> -> memref<4400xi32, #tpu.memory_space<hbm>>
        %dma_start3A_79 = arith.constant 0 : i32
        %dma_start3A_80 = tpu.memref_slice %arg18[%dma_start3A_79] : memref<5040xi32, #tpu.memory_space<vmem>> -> memref<4400xi32, #tpu.memory_space<vmem>>
        %dma_start3A_81 = tpu.memref_slice %arg9[%mul3A_41] : memref<70400xi32, #tpu.memory_space<hbm>> -> memref<4400xi32, #tpu.memory_space<hbm>>
        tpu.enqueue_dma source(%dma_start3A_81 : memref<4400xi32, #tpu.memory_space<hbm>>) target(%dma_start3A_80 : memref<4400xi32, #tpu.memory_space<vmem>>) target_semaphore(%run_scoped3A : memref<!tpu.dma_semaphore, #tpu.memory_space<semaphore_mem>>)
        %dma_wait3A_82 = arith.constant 0 : i32
        %dma_wait3A_83 = tpu.memref_slice %arg18[%dma_wait3A_82] : memref<5040xi32, #tpu.memory_space<vmem>> -> memref<4400xi32, #tpu.memory_space<vmem>>
        %dma_wait3A_84 = tpu.memref_slice %arg9[%mul3A_41] : memref<70400xi32, #tpu.memory_space<hbm>> -> memref<4400xi32, #tpu.memory_space<hbm>>
        %dma_wait3A_85 = arith.constant 0 : i32
        %dma_wait3A_86 = tpu.memref_slice %arg18[%dma_wait3A_85] : memref<5040xi32, #tpu.memory_space<vmem>> -> memref<4400xi32, #tpu.memory_space<vmem>>
        %dma_wait3A_87 = tpu.memref_slice %arg9[%mul3A_41] : memref<70400xi32, #tpu.memory_space<hbm>> -> memref<4400xi32, #tpu.memory_space<hbm>>
        tpu.wait_dma2 semaphore(%run_scoped3A : memref<!tpu.dma_semaphore, #tpu.memory_space<semaphore_mem>>) src(%dma_wait3A_87 : memref<4400xi32, #tpu.memory_space<hbm>>) dst(%dma_wait3A_86 : memref<4400xi32, #tpu.memory_space<vmem>>)
        tpu.yield
      }) : () -> ()
      %dma_start3A_42 = arith.constant 0 : i32
      %dma_start3A_43 = arith.constant 0 : i32
      %dma_start3A_44 = tpu.memref_slice %arg17[%dma_start3A_42, %dma_start3A_43] : memref<5040x16xf32, #tpu.memory_space<vmem>> -> memref<4400x16xf32, #tpu.memory_space<vmem>>
      %dma_start3A_45 = arith.constant 0 : i32
      %dma_start3A_46 = tpu.memref_slice %arg18[%dma_start3A_45] : memref<5040xi32, #tpu.memory_space<vmem>> -> memref<4400xi32, #tpu.memory_space<vmem>>
      %dma_start3A_47 = arith.constant 0 : i32
      %dma_start3A_48 = arith.constant 0 : i32
      %dma_start3A_49 = tpu.memref_slice %arg6[%dma_start3A_47, %dma_start3A_48] : memref<10000x16xf32, #tpu.memory_space<hbm>> -> memref<10000x16xf32, #tpu.memory_space<hbm>>
      tpu.enqueue_indirect_dma source(%dma_start3A_49 : memref<10000x16xf32, #tpu.memory_space<hbm>>) target(%dma_start3A_44 : memref<4400x16xf32, #tpu.memory_space<vmem>>) offsets(%dma_start3A_46 : memref<4400xi32, #tpu.memory_space<vmem>>) semaphore(%arg22 : memref<!tpu.dma_semaphore, #tpu.memory_space<semaphore_mem>>)
      %dma_wait3A_50 = arith.constant 0 : i32
      %dma_wait3A_51 = arith.constant 0 : i32
      %dma_wait3A_52 = tpu.memref_slice %arg17[%dma_wait3A_50, %dma_wait3A_51] : memref<5040x16xf32, #tpu.memory_space<vmem>> -> memref<4400x16xf32, #tpu.memory_space<vmem>>
      %dma_wait3A_53 = arith.constant 0 : i32
      %dma_wait3A_54 = tpu.memref_slice %arg18[%dma_wait3A_53] : memref<5040xi32, #tpu.memory_space<vmem>> -> memref<4400xi32, #tpu.memory_space<vmem>>
      %dma_wait3A_55 = arith.constant 0 : i32
      %dma_wait3A_56 = arith.constant 0 : i32
      %dma_wait3A_57 = tpu.memref_slice %arg6[%dma_wait3A_55, %dma_wait3A_56] : memref<10000x16xf32, #tpu.memory_space<hbm>> -> memref<10000x16xf32, #tpu.memory_space<hbm>>
      tpu.wait_indirect_dma semaphore(%arg22 : memref<!tpu.dma_semaphore, #tpu.memory_space<semaphore_mem>>) src(%dma_wait3A_57 : memref<10000x16xf32, #tpu.memory_space<hbm>>) dst(%dma_wait3A_52 : memref<4400x16xf32, #tpu.memory_space<vmem>>)
      "tpu.region"() ({
        %run_scoped3A = tpu.sem_alloc : memref<!tpu.dma_semaphore, #tpu.memory_space<semaphore_mem>>
        %dma_start3A_76 = arith.constant 0 : i32
        %dma_start3A_77 = arith.constant 0 : i32
        %dma_start3A_78 = tpu.memref_slice %arg17[%dma_start3A_76, %dma_start3A_77] : memref<5040x16xf32, #tpu.memory_space<vmem>> -> memref<4400x16xf32, #tpu.memory_space<vmem>>
        %dma_start3A_79 = arith.constant 0 : i32
        %dma_start3A_80 = tpu.memref_slice %arg15[%mul3A_41, %dma_start3A_79] : memref<70400x16xf32, #tpu.memory_space<hbm>> -> memref<4400x16xf32, #tpu.memory_space<hbm>>
        %dma_start3A_81 = arith.constant 0 : i32
        %dma_start3A_82 = tpu.memref_slice %arg15[%mul3A_41, %dma_start3A_81] : memref<70400x16xf32, #tpu.memory_space<hbm>> -> memref<4400x16xf32, #tpu.memory_space<hbm>>
        %dma_start3A_83 = arith.constant 0 : i32
        %dma_start3A_84 = arith.constant 0 : i32
        %dma_start3A_85 = tpu.memref_slice %arg17[%dma_start3A_83, %dma_start3A_84] : memref<5040x16xf32, #tpu.memory_space<vmem>> -> memref<4400x16xf32, #tpu.memory_space<vmem>>
        tpu.enqueue_dma source(%dma_start3A_85 : memref<4400x16xf32, #tpu.memory_space<vmem>>) target(%dma_start3A_82 : memref<4400x16xf32, #tpu.memory_space<hbm>>) target_semaphore(%run_scoped3A : memref<!tpu.dma_semaphore, #tpu.memory_space<semaphore_mem>>)
        %dma_wait3A_86 = arith.constant 0 : i32
        %dma_wait3A_87 = arith.constant 0 : i32
        %dma_wait3A_88 = tpu.memref_slice %arg17[%dma_wait3A_86, %dma_wait3A_87] : memref<5040x16xf32, #tpu.memory_space<vmem>> -> memref<4400x16xf32, #tpu.memory_space<vmem>>
        %dma_wait3A_89 = arith.constant 0 : i32
        %dma_wait3A_90 = tpu.memref_slice %arg15[%mul3A_41, %dma_wait3A_89] : memref<70400x16xf32, #tpu.memory_space<hbm>> -> memref<4400x16xf32, #tpu.memory_space<hbm>>
        %dma_wait3A_91 = arith.constant 0 : i32
        %dma_wait3A_92 = tpu.memref_slice %arg15[%mul3A_41, %dma_wait3A_91] : memref<70400x16xf32, #tpu.memory_space<hbm>> -> memref<4400x16xf32, #tpu.memory_space<hbm>>
        %dma_wait3A_93 = arith.constant 0 : i32
        %dma_wait3A_94 = arith.constant 0 : i32
        %dma_wait3A_95 = tpu.memref_slice %arg17[%dma_wait3A_93, %dma_wait3A_94] : memref<5040x16xf32, #tpu.memory_space<vmem>> -> memref<4400x16xf32, #tpu.memory_space<vmem>>
        tpu.wait_dma2 semaphore(%run_scoped3A : memref<!tpu.dma_semaphore, #tpu.memory_space<semaphore_mem>>) src(%dma_wait3A_95 : memref<4400x16xf32, #tpu.memory_space<vmem>>) dst(%dma_wait3A_92 : memref<4400x16xf32, #tpu.memory_space<hbm>>)
        tpu.yield
      }) : () -> ()
      %mul3A_58 = arith.constant 4400 : i32
      %mul3A_59 = arith.muli %arg1, %mul3A_58 : i32
      "tpu.region"() ({
        %run_scoped3A = tpu.sem_alloc : memref<!tpu.dma_semaphore, #tpu.memory_space<semaphore_mem>>
        %dma_start3A_76 = arith.constant 0 : i32
        %dma_start3A_77 = tpu.memref_slice %arg18[%dma_start3A_76] : memref<5040xi32, #tpu.memory_space<vmem>> -> memref<4400xi32, #tpu.memory_space<vmem>>
        %dma_start3A_78 = tpu.memref_slice %arg10[%mul3A_59] : memref<70400xi32, #tpu.memory_space<hbm>> -> memref<4400xi32, #tpu.memory_space<hbm>>
        %dma_start3A_79 = arith.constant 0 : i32
        %dma_start3A_80 = tpu.memref_slice %arg18[%dma_start3A_79] : memref<5040xi32, #tpu.memory_space<vmem>> -> memref<4400xi32, #tpu.memory_space<vmem>>
        %dma_start3A_81 = tpu.memref_slice %arg10[%mul3A_59] : memref<70400xi32, #tpu.memory_space<hbm>> -> memref<4400xi32, #tpu.memory_space<hbm>>
        tpu.enqueue_dma source(%dma_start3A_81 : memref<4400xi32, #tpu.memory_space<hbm>>) target(%dma_start3A_80 : memref<4400xi32, #tpu.memory_space<vmem>>) target_semaphore(%run_scoped3A : memref<!tpu.dma_semaphore, #tpu.memory_space<semaphore_mem>>)
        %dma_wait3A_82 = arith.constant 0 : i32
        %dma_wait3A_83 = tpu.memref_slice %arg18[%dma_wait3A_82] : memref<5040xi32, #tpu.memory_space<vmem>> -> memref<4400xi32, #tpu.memory_space<vmem>>
        %dma_wait3A_84 = tpu.memref_slice %arg10[%mul3A_59] : memref<70400xi32, #tpu.memory_space<hbm>> -> memref<4400xi32, #tpu.memory_space<hbm>>
        %dma_wait3A_85 = arith.constant 0 : i32
        %dma_wait3A_86 = tpu.memref_slice %arg18[%dma_wait3A_85] : memref<5040xi32, #tpu.memory_space<vmem>> -> memref<4400xi32, #tpu.memory_space<vmem>>
        %dma_wait3A_87 = tpu.memref_slice %arg10[%mul3A_59] : memref<70400xi32, #tpu.memory_space<hbm>> -> memref<4400xi32, #tpu.memory_space<hbm>>
        tpu.wait_dma2 semaphore(%run_scoped3A : memref<!tpu.dma_semaphore, #tpu.memory_space<semaphore_mem>>) src(%dma_wait3A_87 : memref<4400xi32, #tpu.memory_space<hbm>>) dst(%dma_wait3A_86 : memref<4400xi32, #tpu.memory_space<vmem>>)
        tpu.yield
      }) : () -> ()
      %dma_start3A_60 = arith.constant 0 : i32
      %dma_start3A_61 = arith.constant 0 : i32
      %dma_start3A_62 = tpu.memref_slice %arg17[%dma_start3A_60, %dma_start3A_61] : memref<5040x16xf32, #tpu.memory_space<vmem>> -> memref<4400x16xf32, #tpu.memory_space<vmem>>
      %dma_start3A_63 = arith.constant 0 : i32
      %dma_start3A_64 = tpu.memref_slice %arg18[%dma_start3A_63] : memref<5040xi32, #tpu.memory_space<vmem>> -> memref<4400xi32, #tpu.memory_space<vmem>>
      %dma_start3A_65 = arith.constant 0 : i32
      %dma_start3A_66 = arith.constant 0 : i32
      %dma_start3A_67 = tpu.memref_slice %arg6[%dma_start3A_65, %dma_start3A_66] : memref<10000x16xf32, #tpu.memory_space<hbm>> -> memref<10000x16xf32, #tpu.memory_space<hbm>>
      tpu.enqueue_indirect_dma source(%dma_start3A_67 : memref<10000x16xf32, #tpu.memory_space<hbm>>) target(%dma_start3A_62 : memref<4400x16xf32, #tpu.memory_space<vmem>>) offsets(%dma_start3A_64 : memref<4400xi32, #tpu.memory_space<vmem>>) semaphore(%arg22 : memref<!tpu.dma_semaphore, #tpu.memory_space<semaphore_mem>>)
      %dma_wait3A_68 = arith.constant 0 : i32
      %dma_wait3A_69 = arith.constant 0 : i32
      %dma_wait3A_70 = tpu.memref_slice %arg17[%dma_wait3A_68, %dma_wait3A_69] : memref<5040x16xf32, #tpu.memory_space<vmem>> -> memref<4400x16xf32, #tpu.memory_space<vmem>>
      %dma_wait3A_71 = arith.constant 0 : i32
      %dma_wait3A_72 = tpu.memref_slice %arg18[%dma_wait3A_71] : memref<5040xi32, #tpu.memory_space<vmem>> -> memref<4400xi32, #tpu.memory_space<vmem>>
      %dma_wait3A_73 = arith.constant 0 : i32
      %dma_wait3A_74 = arith.constant 0 : i32
      %dma_wait3A_75 = tpu.memref_slice %arg6[%dma_wait3A_73, %dma_wait3A_74] : memref<10000x16xf32, #tpu.memory_space<hbm>> -> memref<10000x16xf32, #tpu.memory_space<hbm>>
      tpu.wait_indirect_dma semaphore(%arg22 : memref<!tpu.dma_semaphore, #tpu.memory_space<semaphore_mem>>) src(%dma_wait3A_75 : memref<10000x16xf32, #tpu.memory_space<hbm>>) dst(%dma_wait3A_70 : memref<4400x16xf32, #tpu.memory_space<vmem>>)
      "tpu.region"() ({
        %run_scoped3A = tpu.sem_alloc : memref<!tpu.dma_semaphore, #tpu.memory_space<semaphore_mem>>
        %dma_start3A_76 = arith.constant 0 : i32
        %dma_start3A_77 = arith.constant 0 : i32
        %dma_start3A_78 = tpu.memref_slice %arg17[%dma_start3A_76, %dma_start3A_77] : memref<5040x16xf32, #tpu.memory_space<vmem>> -> memref<4400x16xf32, #tpu.memory_space<vmem>>
        %dma_start3A_79 = arith.constant 0 : i32
        %dma_start3A_80 = tpu.memref_slice %arg16[%mul3A_59, %dma_start3A_79] : memref<70400x16xf32, #tpu.memory_space<hbm>> -> memref<4400x16xf32, #tpu.memory_space<hbm>>
        %dma_start3A_81 = arith.constant 0 : i32
        %dma_start3A_82 = tpu.memref_slice %arg16[%mul3A_59, %dma_start3A_81] : memref<70400x16xf32, #tpu.memory_space<hbm>> -> memref<4400x16xf32, #tpu.memory_space<hbm>>
        %dma_start3A_83 = arith.constant 0 : i32
        %dma_start3A_84 = arith.constant 0 : i32
        %dma_start3A_85 = tpu.memref_slice %arg17[%dma_start3A_83, %dma_start3A_84] : memref<5040x16xf32, #tpu.memory_space<vmem>> -> memref<4400x16xf32, #tpu.memory_space<vmem>>
        tpu.enqueue_dma source(%dma_start3A_85 : memref<4400x16xf32, #tpu.memory_space<vmem>>) target(%dma_start3A_82 : memref<4400x16xf32, #tpu.memory_space<hbm>>) target_semaphore(%run_scoped3A : memref<!tpu.dma_semaphore, #tpu.memory_space<semaphore_mem>>)
        %dma_wait3A_86 = arith.constant 0 : i32
        %dma_wait3A_87 = arith.constant 0 : i32
        %dma_wait3A_88 = tpu.memref_slice %arg17[%dma_wait3A_86, %dma_wait3A_87] : memref<5040x16xf32, #tpu.memory_space<vmem>> -> memref<4400x16xf32, #tpu.memory_space<vmem>>
        %dma_wait3A_89 = arith.constant 0 : i32
        %dma_wait3A_90 = tpu.memref_slice %arg16[%mul3A_59, %dma_wait3A_89] : memref<70400x16xf32, #tpu.memory_space<hbm>> -> memref<4400x16xf32, #tpu.memory_space<hbm>>
        %dma_wait3A_91 = arith.constant 0 : i32
        %dma_wait3A_92 = tpu.memref_slice %arg16[%mul3A_59, %dma_wait3A_91] : memref<70400x16xf32, #tpu.memory_space<hbm>> -> memref<4400x16xf32, #tpu.memory_space<hbm>>
        %dma_wait3A_93 = arith.constant 0 : i32
        %dma_wait3A_94 = arith.constant 0 : i32
        %dma_wait3A_95 = tpu.memref_slice %arg17[%dma_wait3A_93, %dma_wait3A_94] : memref<5040x16xf32, #tpu.memory_space<vmem>> -> memref<4400x16xf32, #tpu.memory_space<vmem>>
        tpu.wait_dma2 semaphore(%run_scoped3A : memref<!tpu.dma_semaphore, #tpu.memory_space<semaphore_mem>>) src(%dma_wait3A_95 : memref<4400x16xf32, #tpu.memory_space<vmem>>) dst(%dma_wait3A_92 : memref<4400x16xf32, #tpu.memory_space<hbm>>)
        tpu.yield
      }) : () -> ()
    } else {
    }
    return
  }
}

#map = affine_map<(d0, d1) -> (0, 0)>
#map1 = affine_map<(d0, d1) -> (0)>
module attributes {stable_mosaic.version = 14 : i64} {
  func.func @k(%arg0: i32, %arg1: i32, %arg2: memref<70400x16xf32, #tpu.memory_space<hbm>>, %arg3: memref<70400xi32, #tpu.memory_space<hbm>>, %arg4: memref<2504x16xf32, #tpu.memory_space<hbm>>, %arg5: memref<2504x16xf32, #tpu.memory_space<hbm>>, %arg6: memref<4400x16xf32, #tpu.memory_space<vmem>>, %arg7: memref<4400xi32, #tpu.memory_space<vmem>>, %arg8: memref<2504x16xf32, #tpu.memory_space<vmem_shared>>) attributes {dimension_semantics = [#tpu.dimension_semantics<core_parallel>, #tpu.dimension_semantics<subcore_parallel>], iteration_bounds = array<i64: 2, 16>, scalar_prefetch = 0 : i64, scratch_operands = 3 : i64, tpu.core_type = #tpu.core_type<sc_vector_subcore>, window_params = [{transform_indices = #map}, {transform_indices = #map1}, {transform_indices = #map}, {transform_indices = #map}]} {
    %eq3A = arith.constant 0 : i32
    %eq3A_0 = arith.cmpi eq, %arg0, %eq3A : i32
    %convert_element_type3A = arith.extui %eq3A_0 : i1 to i32
    %cond3A = arith.constant 0 : i32
    %cond3A_1 = arith.cmpi ne, %convert_element_type3A, %cond3A : i32
    scf.if %cond3A_1 {
      %eq3A_2 = arith.constant 0 : i32
      %eq3A_3 = arith.cmpi eq, %arg1, %eq3A_2 : i32
      %convert_element_type3A_4 = arith.extui %eq3A_3 : i1 to i32
      %cond3A_5 = arith.constant 0 : i32
      %cond3A_6 = arith.cmpi ne, %convert_element_type3A_4, %cond3A_5 : i32
      scf.if %cond3A_6 {
        "tpu.region"() ({
          %run_scoped3A = tpu.sem_alloc : memref<!tpu.dma_semaphore, #tpu.memory_space<semaphore_mem>>
          tpu.enqueue_dma source(%arg4 : memref<2504x16xf32, #tpu.memory_space<hbm>>) target(%arg8 : memref<2504x16xf32, #tpu.memory_space<vmem_shared>>) target_semaphore(%run_scoped3A : memref<!tpu.dma_semaphore, #tpu.memory_space<semaphore_mem>>)
          tpu.wait_dma2 semaphore(%run_scoped3A : memref<!tpu.dma_semaphore, #tpu.memory_space<semaphore_mem>>) src(%arg4 : memref<2504x16xf32, #tpu.memory_space<hbm>>) dst(%arg8 : memref<2504x16xf32, #tpu.memory_space<vmem_shared>>)
          tpu.yield
        }) : () -> ()
      } else {
      }
      %barrier3A = arith.constant 0 : index
      tpu.barrier barrier_id(%barrier3A)
      %mul3A = arith.constant 4400 : i32
      %mul3A_7 = arith.muli %arg1, %mul3A : i32
      "tpu.region"() ({
        %run_scoped3A = tpu.sem_alloc : memref<!tpu.dma_semaphore, #tpu.memory_space<semaphore_mem>>
        %dma_start3A = arith.constant 0 : i32
        %dma_start3A_14 = tpu.memref_slice %arg2[%mul3A_7, %dma_start3A] : memref<70400x16xf32, #tpu.memory_space<hbm>> -> memref<4400x16xf32, #tpu.memory_space<hbm>>
        %dma_start3A_15 = arith.constant 0 : i32
        %dma_start3A_16 = tpu.memref_slice %arg2[%mul3A_7, %dma_start3A_15] : memref<70400x16xf32, #tpu.memory_space<hbm>> -> memref<4400x16xf32, #tpu.memory_space<hbm>>
        tpu.enqueue_dma source(%dma_start3A_16 : memref<4400x16xf32, #tpu.memory_space<hbm>>) target(%arg6 : memref<4400x16xf32, #tpu.memory_space<vmem>>) target_semaphore(%run_scoped3A : memref<!tpu.dma_semaphore, #tpu.memory_space<semaphore_mem>>)
        %dma_wait3A = arith.constant 0 : i32
        %dma_wait3A_17 = tpu.memref_slice %arg2[%mul3A_7, %dma_wait3A] : memref<70400x16xf32, #tpu.memory_space<hbm>> -> memref<4400x16xf32, #tpu.memory_space<hbm>>
        %dma_wait3A_18 = arith.constant 0 : i32
        %dma_wait3A_19 = tpu.memref_slice %arg2[%mul3A_7, %dma_wait3A_18] : memref<70400x16xf32, #tpu.memory_space<hbm>> -> memref<4400x16xf32, #tpu.memory_space<hbm>>
        tpu.wait_dma2 semaphore(%run_scoped3A : memref<!tpu.dma_semaphore, #tpu.memory_space<semaphore_mem>>) src(%dma_wait3A_19 : memref<4400x16xf32, #tpu.memory_space<hbm>>) dst(%arg6 : memref<4400x16xf32, #tpu.memory_space<vmem>>)
        tpu.yield
      }) : () -> ()
      "tpu.region"() ({
        %run_scoped3A = tpu.sem_alloc : memref<!tpu.dma_semaphore, #tpu.memory_space<semaphore_mem>>
        %dma_start3A = tpu.memref_slice %arg3[%mul3A_7] : memref<70400xi32, #tpu.memory_space<hbm>> -> memref<4400xi32, #tpu.memory_space<hbm>>
        %dma_start3A_14 = tpu.memref_slice %arg3[%mul3A_7] : memref<70400xi32, #tpu.memory_space<hbm>> -> memref<4400xi32, #tpu.memory_space<hbm>>
        tpu.enqueue_dma source(%dma_start3A_14 : memref<4400xi32, #tpu.memory_space<hbm>>) target(%arg7 : memref<4400xi32, #tpu.memory_space<vmem>>) target_semaphore(%run_scoped3A : memref<!tpu.dma_semaphore, #tpu.memory_space<semaphore_mem>>)
        %dma_wait3A = tpu.memref_slice %arg3[%mul3A_7] : memref<70400xi32, #tpu.memory_space<hbm>> -> memref<4400xi32, #tpu.memory_space<hbm>>
        %dma_wait3A_15 = tpu.memref_slice %arg3[%mul3A_7] : memref<70400xi32, #tpu.memory_space<hbm>> -> memref<4400xi32, #tpu.memory_space<hbm>>
        tpu.wait_dma2 semaphore(%run_scoped3A : memref<!tpu.dma_semaphore, #tpu.memory_space<semaphore_mem>>) src(%dma_wait3A_15 : memref<4400xi32, #tpu.memory_space<hbm>>) dst(%arg7 : memref<4400xi32, #tpu.memory_space<vmem>>)
        tpu.yield
      }) : () -> ()
      "tpu.region"() ({
        %run_scoped3A = tpu.sem_alloc : memref<!tpu.dma_semaphore, #tpu.memory_space<semaphore_mem>>
        %dma_start3A = arith.constant 0 : i32
        %dma_start3A_14 = arith.constant 0 : i32
        %dma_start3A_15 = tpu.memref_slice %arg8[%dma_start3A, %dma_start3A_14] : memref<2504x16xf32, #tpu.memory_space<vmem_shared>> -> memref<2504x16xf32, #tpu.memory_space<vmem_shared>>
        tpu.enqueue_indirect_dma source(%arg6 : memref<4400x16xf32, #tpu.memory_space<vmem>>) target(%dma_start3A_15 : memref<2504x16xf32, #tpu.memory_space<vmem_shared>>) offsets(%arg7 : memref<4400xi32, #tpu.memory_space<vmem>>) semaphore(%run_scoped3A : memref<!tpu.dma_semaphore, #tpu.memory_space<semaphore_mem>>) {add = true}
        %dma_wait3A = arith.constant 0 : i32
        %dma_wait3A_16 = arith.constant 0 : i32
        %dma_wait3A_17 = tpu.memref_slice %arg8[%dma_wait3A, %dma_wait3A_16] : memref<2504x16xf32, #tpu.memory_space<vmem_shared>> -> memref<2504x16xf32, #tpu.memory_space<vmem_shared>>
        tpu.wait_indirect_dma semaphore(%run_scoped3A : memref<!tpu.dma_semaphore, #tpu.memory_space<semaphore_mem>>) src(%arg6 : memref<4400x16xf32, #tpu.memory_space<vmem>>) dst(%dma_wait3A_17 : memref<2504x16xf32, #tpu.memory_space<vmem_shared>>)
        tpu.yield
      }) : () -> ()
      %barrier3A_8 = arith.constant 0 : index
      tpu.barrier barrier_id(%barrier3A_8)
      %eq3A_9 = arith.constant 0 : i32
      %eq3A_10 = arith.cmpi eq, %arg1, %eq3A_9 : i32
      %convert_element_type3A_11 = arith.extui %eq3A_10 : i1 to i32
      %cond3A_12 = arith.constant 0 : i32
      %cond3A_13 = arith.cmpi ne, %convert_element_type3A_11, %cond3A_12 : i32
      scf.if %cond3A_13 {
        "tpu.region"() ({
          %run_scoped3A = tpu.sem_alloc : memref<!tpu.dma_semaphore, #tpu.memory_space<semaphore_mem>>
          tpu.enqueue_dma source(%arg8 : memref<2504x16xf32, #tpu.memory_space<vmem_shared>>) target(%arg5 : memref<2504x16xf32, #tpu.memory_space<hbm>>) target_semaphore(%run_scoped3A : memref<!tpu.dma_semaphore, #tpu.memory_space<semaphore_mem>>)
          tpu.wait_dma2 semaphore(%run_scoped3A : memref<!tpu.dma_semaphore, #tpu.memory_space<semaphore_mem>>) src(%arg8 : memref<2504x16xf32, #tpu.memory_space<vmem_shared>>) dst(%arg5 : memref<2504x16xf32, #tpu.memory_space<hbm>>)
          tpu.yield
        }) : () -> ()
      } else {
      }
    } else {
    }
    return
  }
}

module attributes {stable_mosaic.version = 14 : i64} {
  func.func @body(%arg0: i32, %arg1: memref<1120x32xf32, #tpu.memory_space<vmem>>, %arg2: memref<1120x32xf32, #tpu.memory_space<vmem>>, %arg3: memref<32x128xf32, #tpu.memory_space<vmem>>, %arg4: memref<32x128xf32, #tpu.memory_space<vmem>>, %arg5: memref<1x128xf32, #tpu.memory_space<vmem>>, %arg6: memref<128x128xf32, #tpu.memory_space<vmem>>, %arg7: memref<1x128xf32, #tpu.memory_space<vmem>>, %arg8: memref<128x128xf32, #tpu.memory_space<vmem>>, %arg9: memref<1x128xf32, #tpu.memory_space<vmem>>, %arg10: memref<128x128xf32, #tpu.memory_space<vmem>>, %arg11: memref<1x128xf32, #tpu.memory_space<vmem>>, %arg12: memref<128x32xf32, #tpu.memory_space<vmem>>, %arg13: memref<1x32xf32, #tpu.memory_space<vmem>>, %arg14: memref<1x32xf32, #tpu.memory_space<vmem>>, %arg15: memref<1120x32xf32, #tpu.memory_space<vmem>>) attributes {dimension_semantics = [#tpu.dimension_semantics<arbitrary>], iteration_bounds = array<i64: 36>, scalar_prefetch = 0 : i64, scratch_operands = 0 : i64, tpu.core_type = #tpu.core_type<tc>, window_params = [{transform_indices = @transform_0, window_bounds = array<i64: 1120, 32>}, {transform_indices = @transform_1, window_bounds = array<i64: 1120, 32>}, {pipeline_mode = #tpu.pipeline_mode<synchronous>, transform_indices = @transform_2, window_bounds = array<i64: 32, 128>}, {pipeline_mode = #tpu.pipeline_mode<synchronous>, transform_indices = @transform_3, window_bounds = array<i64: 32, 128>}, {pipeline_mode = #tpu.pipeline_mode<synchronous>, transform_indices = @transform_4, window_bounds = array<i64: 1, 128>}, {pipeline_mode = #tpu.pipeline_mode<synchronous>, transform_indices = @transform_5, window_bounds = array<i64: 128, 128>}, {pipeline_mode = #tpu.pipeline_mode<synchronous>, transform_indices = @transform_6, window_bounds = array<i64: 1, 128>}, {pipeline_mode = #tpu.pipeline_mode<synchronous>, transform_indices = @transform_7, window_bounds = array<i64: 128, 128>}, {pipeline_mode = #tpu.pipeline_mode<synchronous>, transform_indices = @transform_8, window_bounds = array<i64: 1, 128>}, {pipeline_mode = #tpu.pipeline_mode<synchronous>, transform_indices = @transform_9, window_bounds = array<i64: 128, 128>}, {pipeline_mode = #tpu.pipeline_mode<synchronous>, transform_indices = @transform_10, window_bounds = array<i64: 1, 128>}, {pipeline_mode = #tpu.pipeline_mode<synchronous>, transform_indices = @transform_11, window_bounds = array<i64: 128, 32>}, {pipeline_mode = #tpu.pipeline_mode<synchronous>, transform_indices = @transform_12, window_bounds = array<i64: 1, 32>}, {pipeline_mode = #tpu.pipeline_mode<synchronous>, transform_indices = @transform_13, window_bounds = array<i64: 1, 32>}, {transform_indices = @transform_14, window_bounds = array<i64: 1120, 32>}]} {
    %get3A = arith.constant 0 : index
    %get3A_0 = arith.constant 0 : index
    %get3A_1 = vector.load %arg1[%get3A, %get3A_0] : memref<1120x32xf32, #tpu.memory_space<vmem>>, vector<1120x32xf32>
    %get3A_2 = arith.constant 0 : index
    %get3A_3 = arith.constant 0 : index
    %get3A_4 = vector.load %arg3[%get3A_2, %get3A_3] : memref<32x128xf32, #tpu.memory_space<vmem>>, vector<32x128xf32>
    %dot_general3A = arith.constant dense<0.000000e+00> : vector<1120x128xf32>
    %dot_general3A_5 = tpu.matmul %get3A_1, %get3A_4, %dot_general3A {dimension_numbers = #tpu.dot_dimension_numbers<[1], [0], [0], [1], [0, 0, 1, 1], [], []>, transpose_lhs_hint = false} : vector<1120x32xf32>, vector<32x128xf32>, vector<1120x128xf32> -> vector<1120x128xf32>
    %get3A_6 = arith.constant 0 : index
    %get3A_7 = arith.constant 0 : index
    %get3A_8 = vector.load %arg2[%get3A_6, %get3A_7] : memref<1120x32xf32, #tpu.memory_space<vmem>>, vector<1120x32xf32>
    %get3A_9 = arith.constant 0 : index
    %get3A_10 = arith.constant 0 : index
    %get3A_11 = vector.load %arg4[%get3A_9, %get3A_10] : memref<32x128xf32, #tpu.memory_space<vmem>>, vector<32x128xf32>
    %dot_general3A_12 = arith.constant dense<0.000000e+00> : vector<1120x128xf32>
    %dot_general3A_13 = tpu.matmul %get3A_8, %get3A_11, %dot_general3A_12 {dimension_numbers = #tpu.dot_dimension_numbers<[1], [0], [0], [1], [0, 0, 1, 1], [], []>, transpose_lhs_hint = false} : vector<1120x32xf32>, vector<32x128xf32>, vector<1120x128xf32> -> vector<1120x128xf32>
    %add3A = arith.addf %dot_general3A_5, %dot_general3A_13 : vector<1120x128xf32>
    %get3A_14 = arith.constant 0 : index
    %get3A_15 = arith.constant 0 : index
    %get3A_16 = vector.load %arg5[%get3A_14, %get3A_15] : memref<1x128xf32, #tpu.memory_space<vmem>>, vector<1x128xf32>
    %add3A_17 = vector.broadcast %get3A_16 : vector<1x128xf32> to vector<1120x128xf32>
    %add3A_18 = arith.addf %add3A, %add3A_17 : vector<1120x128xf32>
    %max3A = arith.constant 0.000000e+00 : f32
    %max3A_19 = vector.broadcast %max3A : f32 to vector<1120x128xf32>
    %max3A_20 = arith.maximumf %add3A_18, %max3A_19 : vector<1120x128xf32>
    %get3A_21 = arith.constant 0 : index
    %get3A_22 = arith.constant 0 : index
    %get3A_23 = vector.load %arg6[%get3A_21, %get3A_22] : memref<128x128xf32, #tpu.memory_space<vmem>>, vector<128x128xf32>
    %dot_general3A_24 = arith.constant dense<0.000000e+00> : vector<1120x128xf32>
    %dot_general3A_25 = tpu.matmul %max3A_20, %get3A_23, %dot_general3A_24 {dimension_numbers = #tpu.dot_dimension_numbers<[1], [0], [0], [1], [0, 0, 1, 1], [], []>, transpose_lhs_hint = false} : vector<1120x128xf32>, vector<128x128xf32>, vector<1120x128xf32> -> vector<1120x128xf32>
    %get3A_26 = arith.constant 0 : index
    %get3A_27 = arith.constant 0 : index
    %get3A_28 = vector.load %arg7[%get3A_26, %get3A_27] : memref<1x128xf32, #tpu.memory_space<vmem>>, vector<1x128xf32>
    %add3A_29 = vector.broadcast %get3A_28 : vector<1x128xf32> to vector<1120x128xf32>
    %add3A_30 = arith.addf %dot_general3A_25, %add3A_29 : vector<1120x128xf32>
    %max3A_31 = arith.constant 0.000000e+00 : f32
    %max3A_32 = vector.broadcast %max3A_31 : f32 to vector<1120x128xf32>
    %max3A_33 = arith.maximumf %add3A_30, %max3A_32 : vector<1120x128xf32>
    %get3A_34 = arith.constant 0 : index
    %get3A_35 = arith.constant 0 : index
    %get3A_36 = vector.load %arg8[%get3A_34, %get3A_35] : memref<128x128xf32, #tpu.memory_space<vmem>>, vector<128x128xf32>
    %dot_general3A_37 = arith.constant dense<0.000000e+00> : vector<1120x128xf32>
    %dot_general3A_38 = tpu.matmul %max3A_33, %get3A_36, %dot_general3A_37 {dimension_numbers = #tpu.dot_dimension_numbers<[1], [0], [0], [1], [0, 0, 1, 1], [], []>, transpose_lhs_hint = false} : vector<1120x128xf32>, vector<128x128xf32>, vector<1120x128xf32> -> vector<1120x128xf32>
    %get3A_39 = arith.constant 0 : index
    %get3A_40 = arith.constant 0 : index
    %get3A_41 = vector.load %arg9[%get3A_39, %get3A_40] : memref<1x128xf32, #tpu.memory_space<vmem>>, vector<1x128xf32>
    %add3A_42 = vector.broadcast %get3A_41 : vector<1x128xf32> to vector<1120x128xf32>
    %add3A_43 = arith.addf %dot_general3A_38, %add3A_42 : vector<1120x128xf32>
    %max3A_44 = arith.constant 0.000000e+00 : f32
    %max3A_45 = vector.broadcast %max3A_44 : f32 to vector<1120x128xf32>
    %max3A_46 = arith.maximumf %add3A_43, %max3A_45 : vector<1120x128xf32>
    %get3A_47 = arith.constant 0 : index
    %get3A_48 = arith.constant 0 : index
    %get3A_49 = vector.load %arg10[%get3A_47, %get3A_48] : memref<128x128xf32, #tpu.memory_space<vmem>>, vector<128x128xf32>
    %dot_general3A_50 = arith.constant dense<0.000000e+00> : vector<1120x128xf32>
    %dot_general3A_51 = tpu.matmul %max3A_46, %get3A_49, %dot_general3A_50 {dimension_numbers = #tpu.dot_dimension_numbers<[1], [0], [0], [1], [0, 0, 1, 1], [], []>, transpose_lhs_hint = false} : vector<1120x128xf32>, vector<128x128xf32>, vector<1120x128xf32> -> vector<1120x128xf32>
    %get3A_52 = arith.constant 0 : index
    %get3A_53 = arith.constant 0 : index
    %get3A_54 = vector.load %arg11[%get3A_52, %get3A_53] : memref<1x128xf32, #tpu.memory_space<vmem>>, vector<1x128xf32>
    %add3A_55 = vector.broadcast %get3A_54 : vector<1x128xf32> to vector<1120x128xf32>
    %add3A_56 = arith.addf %dot_general3A_51, %add3A_55 : vector<1120x128xf32>
    %max3A_57 = arith.constant 0.000000e+00 : f32
    %max3A_58 = vector.broadcast %max3A_57 : f32 to vector<1120x128xf32>
    %max3A_59 = arith.maximumf %add3A_56, %max3A_58 : vector<1120x128xf32>
    %get3A_60 = arith.constant 0 : index
    %get3A_61 = arith.constant 0 : index
    %get3A_62 = vector.load %arg12[%get3A_60, %get3A_61] : memref<128x32xf32, #tpu.memory_space<vmem>>, vector<128x32xf32>
    %dot_general3A_63 = arith.constant dense<0.000000e+00> : vector<1120x32xf32>
    %dot_general3A_64 = tpu.matmul %max3A_59, %get3A_62, %dot_general3A_63 {dimension_numbers = #tpu.dot_dimension_numbers<[1], [0], [0], [1], [0, 0, 1, 1], [], []>, transpose_lhs_hint = false} : vector<1120x128xf32>, vector<128x32xf32>, vector<1120x32xf32> -> vector<1120x32xf32>
    %get3A_65 = arith.constant 0 : index
    %get3A_66 = arith.constant 0 : index
    %get3A_67 = vector.load %arg13[%get3A_65, %get3A_66] : memref<1x32xf32, #tpu.memory_space<vmem>>, vector<1x32xf32>
    %add3A_68 = vector.broadcast %get3A_67 : vector<1x32xf32> to vector<1120x32xf32>
    %add3A_69 = arith.addf %dot_general3A_64, %add3A_68 : vector<1120x32xf32>
    %get3A_70 = arith.constant 0 : index
    %get3A_71 = arith.constant 0 : index
    %get3A_72 = vector.load %arg14[%get3A_70, %get3A_71] : memref<1x32xf32, #tpu.memory_space<vmem>>, vector<1x32xf32>
    %mul3A = vector.broadcast %get3A_72 : vector<1x32xf32> to vector<1120x32xf32>
    %mul3A_73 = arith.mulf %get3A_1, %mul3A : vector<1120x32xf32>
    %add3A_74 = arith.addf %add3A_69, %mul3A_73 : vector<1120x32xf32>
    %swap3A = arith.constant 0 : index
    %swap3A_75 = arith.constant 0 : index
    %swap3A_76 = vector.load %arg15[%swap3A, %swap3A_75] : memref<1120x32xf32, #tpu.memory_space<vmem>>, vector<1120x32xf32>
    tpu.vector_store %arg15[%swap3A, %swap3A_75], %add3A_74 {strides = array<i32>} : memref<1120x32xf32, #tpu.memory_space<vmem>>, vector<1120x32xf32>,
    return
  }
  func.func @transform_0(%arg0: i32) -> (i32, i32) {
    %c0_i32 = arith.constant 0 : i32
    %c0_i32_0 = arith.constant 0 : i32
    return %arg0, %c0_i32 : i32, i32
  }
  func.func @transform_1(%arg0: i32) -> (i32, i32) {
    %c0_i32 = arith.constant 0 : i32
    %c0_i32_0 = arith.constant 0 : i32
    return %arg0, %c0_i32 : i32, i32
  }
  func.func @transform_2(%arg0: i32) -> (i32, i32) {
    %c0_i32 = arith.constant 0 : i32
    %c0_i32_0 = arith.constant 0 : i32
    %c0_i32_1 = arith.constant 0 : i32
    return %c0_i32, %c0_i32_0 : i32, i32
  }
  func.func @transform_3(%arg0: i32) -> (i32, i32) {
    %c0_i32 = arith.constant 0 : i32
    %c0_i32_0 = arith.constant 0 : i32
    %c0_i32_1 = arith.constant 0 : i32
    return %c0_i32, %c0_i32_0 : i32, i32
  }
  func.func @transform_4(%arg0: i32) -> (i32, i32) {
    %c0_i32 = arith.constant 0 : i32
    %c0_i32_0 = arith.constant 0 : i32
    %c0_i32_1 = arith.constant 0 : i32
    return %c0_i32, %c0_i32_0 : i32, i32
  }
  func.func @transform_5(%arg0: i32) -> (i32, i32) {
    %c0_i32 = arith.constant 0 : i32
    %c0_i32_0 = arith.constant 0 : i32
    %c0_i32_1 = arith.constant 0 : i32
    return %c0_i32, %c0_i32_0 : i32, i32
  }
  func.func @transform_6(%arg0: i32) -> (i32, i32) {
    %c0_i32 = arith.constant 0 : i32
    %c0_i32_0 = arith.constant 0 : i32
    %c0_i32_1 = arith.constant 0 : i32
    return %c0_i32, %c0_i32_0 : i32, i32
  }
  func.func @transform_7(%arg0: i32) -> (i32, i32) {
    %c0_i32 = arith.constant 0 : i32
    %c0_i32_0 = arith.constant 0 : i32
    %c0_i32_1 = arith.constant 0 : i32
    return %c0_i32, %c0_i32_0 : i32, i32
  }
  func.func @transform_8(%arg0: i32) -> (i32, i32) {
    %c0_i32 = arith.constant 0 : i32
    %c0_i32_0 = arith.constant 0 : i32
    %c0_i32_1 = arith.constant 0 : i32
    return %c0_i32, %c0_i32_0 : i32, i32
  }
  func.func @transform_9(%arg0: i32) -> (i32, i32) {
    %c0_i32 = arith.constant 0 : i32
    %c0_i32_0 = arith.constant 0 : i32
    %c0_i32_1 = arith.constant 0 : i32
    return %c0_i32, %c0_i32_0 : i32, i32
  }
  func.func @transform_10(%arg0: i32) -> (i32, i32) {
    %c0_i32 = arith.constant 0 : i32
    %c0_i32_0 = arith.constant 0 : i32
    %c0_i32_1 = arith.constant 0 : i32
    return %c0_i32, %c0_i32_0 : i32, i32
  }
  func.func @transform_11(%arg0: i32) -> (i32, i32) {
    %c0_i32 = arith.constant 0 : i32
    %c0_i32_0 = arith.constant 0 : i32
    %c0_i32_1 = arith.constant 0 : i32
    return %c0_i32, %c0_i32_0 : i32, i32
  }
  func.func @transform_12(%arg0: i32) -> (i32, i32) {
    %c0_i32 = arith.constant 0 : i32
    %c0_i32_0 = arith.constant 0 : i32
    %c0_i32_1 = arith.constant 0 : i32
    return %c0_i32, %c0_i32_0 : i32, i32
  }
  func.func @transform_13(%arg0: i32) -> (i32, i32) {
    %c0_i32 = arith.constant 0 : i32
    %c0_i32_0 = arith.constant 0 : i32
    %c0_i32_1 = arith.constant 0 : i32
    return %c0_i32, %c0_i32_0 : i32, i32
  }
  func.func @transform_14(%arg0: i32) -> (i32, i32) {
    %c0_i32 = arith.constant 0 : i32
    %c0_i32_0 = arith.constant 0 : i32
    return %arg0, %c0_i32 : i32, i32
  }
}

module attributes {stable_mosaic.version = 14 : i64} {
  func.func @body(%arg0: i32, %arg1: memref<512x16xf32, #tpu.memory_space<vmem>>, %arg2: memref<512x16xf32, #tpu.memory_space<vmem>>, %arg3: memref<512x16xf32, #tpu.memory_space<vmem>>, %arg4: memref<256x512xf32, #tpu.memory_space<vmem>>, %arg5: memref<16x64xf32, #tpu.memory_space<vmem>>, %arg6: memref<16x64xf32, #tpu.memory_space<vmem>>, %arg7: memref<16x64xf32, #tpu.memory_space<vmem>>, %arg8: memref<1x64xf32, #tpu.memory_space<vmem>>, %arg9: memref<64x64xf32, #tpu.memory_space<vmem>>, %arg10: memref<1x64xf32, #tpu.memory_space<vmem>>, %arg11: memref<64x64xf32, #tpu.memory_space<vmem>>, %arg12: memref<1x64xf32, #tpu.memory_space<vmem>>, %arg13: memref<64x64xf32, #tpu.memory_space<vmem>>, %arg14: memref<1x64xf32, #tpu.memory_space<vmem>>, %arg15: memref<64x16xf32, #tpu.memory_space<vmem>>, %arg16: memref<1x16xf32, #tpu.memory_space<vmem>>, %arg17: memref<16x64xf32, #tpu.memory_space<vmem>>, %arg18: memref<16x64xf32, #tpu.memory_space<vmem>>, %arg19: memref<16x64xf32, #tpu.memory_space<vmem>>, %arg20: memref<16x64xf32, #tpu.memory_space<vmem>>, %arg21: memref<1x64xf32, #tpu.memory_space<vmem>>, %arg22: memref<64x64xf32, #tpu.memory_space<vmem>>, %arg23: memref<1x64xf32, #tpu.memory_space<vmem>>, %arg24: memref<64x64xf32, #tpu.memory_space<vmem>>, %arg25: memref<1x64xf32, #tpu.memory_space<vmem>>, %arg26: memref<64x64xf32, #tpu.memory_space<vmem>>, %arg27: memref<1x64xf32, #tpu.memory_space<vmem>>, %arg28: memref<64x80xf32, #tpu.memory_space<vmem>>, %arg29: memref<1x80xf32, #tpu.memory_space<vmem>>, %arg30: memref<512x48xf32, #tpu.memory_space<vmem>>, %arg31: memref<512x32xf32, #tpu.memory_space<vmem>>, %arg32: memref<512x4xf32, #tpu.memory_space<vmem>>) attributes {dimension_semantics = [#tpu.dimension_semantics<arbitrary>], iteration_bounds = array<i64: 20>, scalar_prefetch = 0 : i64, scratch_operands = 0 : i64, tpu.core_type = #tpu.core_type<tc>, window_params = [{transform_indices = @transform_0, window_bounds = array<i64: 512, 16>}, {transform_indices = @transform_1, window_bounds = array<i64: 512, 16>}, {transform_indices = @transform_2, window_bounds = array<i64: 512, 16>}, {transform_indices = @transform_3, window_bounds = array<i64: 256, 512>}, {pipeline_mode = #tpu.pipeline_mode<synchronous>, transform_indices = @transform_4, window_bounds = array<i64: 16, 64>}, {pipeline_mode = #tpu.pipeline_mode<synchronous>, transform_indices = @transform_5, window_bounds = array<i64: 16, 64>}, {pipeline_mode = #tpu.pipeline_mode<synchronous>, transform_indices = @transform_6, window_bounds = array<i64: 16, 64>}, {pipeline_mode = #tpu.pipeline_mode<synchronous>, transform_indices = @transform_7, window_bounds = array<i64: 1, 64>}, {pipeline_mode = #tpu.pipeline_mode<synchronous>, transform_indices = @transform_8, window_bounds = array<i64: 64, 64>}, {pipeline_mode = #tpu.pipeline_mode<synchronous>, transform_indices = @transform_9, window_bounds = array<i64: 1, 64>}, {pipeline_mode = #tpu.pipeline_mode<synchronous>, transform_indices = @transform_10, window_bounds = array<i64: 64, 64>}, {pipeline_mode = #tpu.pipeline_mode<synchronous>, transform_indices = @transform_11, window_bounds = array<i64: 1, 64>}, {pipeline_mode = #tpu.pipeline_mode<synchronous>, transform_indices = @transform_12, window_bounds = array<i64: 64, 64>}, {pipeline_mode = #tpu.pipeline_mode<synchronous>, transform_indices = @transform_13, window_bounds = array<i64: 1, 64>}, {pipeline_mode = #tpu.pipeline_mode<synchronous>, transform_indices = @transform_14, window_bounds = array<i64: 64, 16>}, {pipeline_mode = #tpu.pipeline_mode<synchronous>, transform_indices = @transform_15, window_bounds = array<i64: 1, 16>}, {pipeline_mode = #tpu.pipeline_mode<synchronous>, transform_indices = @transform_16, window_bounds = array<i64: 16, 64>}, {pipeline_mode = #tpu.pipeline_mode<synchronous>, transform_indices = @transform_17, window_bounds = array<i64: 16, 64>}, {pipeline_mode = #tpu.pipeline_mode<synchronous>, transform_indices = @transform_18, window_bounds = array<i64: 16, 64>}, {pipeline_mode = #tpu.pipeline_mode<synchronous>, transform_indices = @transform_19, window_bounds = array<i64: 16, 64>}, {pipeline_mode = #tpu.pipeline_mode<synchronous>, transform_indices = @transform_20, window_bounds = array<i64: 1, 64>}, {pipeline_mode = #tpu.pipeline_mode<synchronous>, transform_indices = @transform_21, window_bounds = array<i64: 64, 64>}, {pipeline_mode = #tpu.pipeline_mode<synchronous>, transform_indices = @transform_22, window_bounds = array<i64: 1, 64>}, {pipeline_mode = #tpu.pipeline_mode<synchronous>, transform_indices = @transform_23, window_bounds = array<i64: 64, 64>}, {pipeline_mode = #tpu.pipeline_mode<synchronous>, transform_indices = @transform_24, window_bounds = array<i64: 1, 64>}, {pipeline_mode = #tpu.pipeline_mode<synchronous>, transform_indices = @transform_25, window_bounds = array<i64: 64, 64>}, {pipeline_mode = #tpu.pipeline_mode<synchronous>, transform_indices = @transform_26, window_bounds = array<i64: 1, 64>}, {pipeline_mode = #tpu.pipeline_mode<synchronous>, transform_indices = @transform_27, window_bounds = array<i64: 64, 80>}, {pipeline_mode = #tpu.pipeline_mode<synchronous>, transform_indices = @transform_28, window_bounds = array<i64: 1, 80>}, {transform_indices = @transform_29, window_bounds = array<i64: 512, 48>}, {transform_indices = @transform_30, window_bounds = array<i64: 512, 32>}, {transform_indices = @transform_31, window_bounds = array<i64: 512, 4>}]} {
    %get3A = arith.constant 0 : index
    %get3A_0 = arith.constant 0 : index
    %get3A_1 = vector.load %arg1[%get3A, %get3A_0] : memref<512x16xf32, #tpu.memory_space<vmem>>, vector<512x16xf32>
    %get3A_2 = arith.constant 0 : index
    %get3A_3 = arith.constant 0 : index
    %get3A_4 = vector.load %arg2[%get3A_2, %get3A_3] : memref<512x16xf32, #tpu.memory_space<vmem>>, vector<512x16xf32>
    %get3A_5 = arith.constant 0 : index
    %get3A_6 = arith.constant 0 : index
    %get3A_7 = vector.load %arg3[%get3A_5, %get3A_6] : memref<512x16xf32, #tpu.memory_space<vmem>>, vector<512x16xf32>
    %get3A_8 = arith.constant 0 : index
    %get3A_9 = arith.constant 0 : index
    %get3A_10 = vector.load %arg4[%get3A_8, %get3A_9] : memref<256x512xf32, #tpu.memory_space<vmem>>, vector<256x512xf32>
    %get3A_11 = arith.constant 0 : index
    %get3A_12 = arith.constant 0 : index
    %get3A_13 = vector.load %arg5[%get3A_11, %get3A_12] : memref<16x64xf32, #tpu.memory_space<vmem>>, vector<16x64xf32>
    %dot_general3A = arith.constant dense<0.000000e+00> : vector<512x64xf32>
    %dot_general3A_14 = tpu.matmul %get3A_1, %get3A_13, %dot_general3A {dimension_numbers = #tpu.dot_dimension_numbers<[1], [0], [0], [1], [0, 0, 1, 1], [], []>, transpose_lhs_hint = false} : vector<512x16xf32>, vector<16x64xf32>, vector<512x64xf32> -> vector<512x64xf32>
    %get3A_15 = arith.constant 0 : index
    %get3A_16 = arith.constant 0 : index
    %get3A_17 = vector.load %arg6[%get3A_15, %get3A_16] : memref<16x64xf32, #tpu.memory_space<vmem>>, vector<16x64xf32>
    %dot_general3A_18 = arith.constant dense<0.000000e+00> : vector<512x64xf32>
    %dot_general3A_19 = tpu.matmul %get3A_4, %get3A_17, %dot_general3A_18 {dimension_numbers = #tpu.dot_dimension_numbers<[1], [0], [0], [1], [0, 0, 1, 1], [], []>, transpose_lhs_hint = false} : vector<512x16xf32>, vector<16x64xf32>, vector<512x64xf32> -> vector<512x64xf32>
    %add3A = arith.addf %dot_general3A_14, %dot_general3A_19 : vector<512x64xf32>
    %get3A_20 = arith.constant 0 : index
    %get3A_21 = arith.constant 0 : index
    %get3A_22 = vector.load %arg7[%get3A_20, %get3A_21] : memref<16x64xf32, #tpu.memory_space<vmem>>, vector<16x64xf32>
    %dot_general3A_23 = arith.constant dense<0.000000e+00> : vector<512x64xf32>
    %dot_general3A_24 = tpu.matmul %get3A_7, %get3A_22, %dot_general3A_23 {dimension_numbers = #tpu.dot_dimension_numbers<[1], [0], [0], [1], [0, 0, 1, 1], [], []>, transpose_lhs_hint = false} : vector<512x16xf32>, vector<16x64xf32>, vector<512x64xf32> -> vector<512x64xf32>
    %add3A_25 = arith.addf %add3A, %dot_general3A_24 : vector<512x64xf32>
    %get3A_26 = arith.constant 0 : index
    %get3A_27 = arith.constant 0 : index
    %get3A_28 = vector.load %arg8[%get3A_26, %get3A_27] : memref<1x64xf32, #tpu.memory_space<vmem>>, vector<1x64xf32>
    %add3A_29 = vector.broadcast %get3A_28 : vector<1x64xf32> to vector<512x64xf32>
    %add3A_30 = arith.addf %add3A_25, %add3A_29 : vector<512x64xf32>
    %max3A = arith.constant 0.000000e+00 : f32
    %max3A_31 = vector.broadcast %max3A : f32 to vector<512x64xf32>
    %max3A_32 = arith.maximumf %add3A_30, %max3A_31 : vector<512x64xf32>
    %get3A_33 = arith.constant 0 : index
    %get3A_34 = arith.constant 0 : index
    %get3A_35 = vector.load %arg9[%get3A_33, %get3A_34] : memref<64x64xf32, #tpu.memory_space<vmem>>, vector<64x64xf32>
    %dot_general3A_36 = arith.constant dense<0.000000e+00> : vector<512x64xf32>
    %dot_general3A_37 = tpu.matmul %max3A_32, %get3A_35, %dot_general3A_36 {dimension_numbers = #tpu.dot_dimension_numbers<[1], [0], [0], [1], [0, 0, 1, 1], [], []>, transpose_lhs_hint = false} : vector<512x64xf32>, vector<64x64xf32>, vector<512x64xf32> -> vector<512x64xf32>
    %get3A_38 = arith.constant 0 : index
    %get3A_39 = arith.constant 0 : index
    %get3A_40 = vector.load %arg10[%get3A_38, %get3A_39] : memref<1x64xf32, #tpu.memory_space<vmem>>, vector<1x64xf32>
    %add3A_41 = vector.broadcast %get3A_40 : vector<1x64xf32> to vector<512x64xf32>
    %add3A_42 = arith.addf %dot_general3A_37, %add3A_41 : vector<512x64xf32>
    %max3A_43 = arith.constant 0.000000e+00 : f32
    %max3A_44 = vector.broadcast %max3A_43 : f32 to vector<512x64xf32>
    %max3A_45 = arith.maximumf %add3A_42, %max3A_44 : vector<512x64xf32>
    %get3A_46 = arith.constant 0 : index
    %get3A_47 = arith.constant 0 : index
    %get3A_48 = vector.load %arg11[%get3A_46, %get3A_47] : memref<64x64xf32, #tpu.memory_space<vmem>>, vector<64x64xf32>
    %dot_general3A_49 = arith.constant dense<0.000000e+00> : vector<512x64xf32>
    %dot_general3A_50 = tpu.matmul %max3A_45, %get3A_48, %dot_general3A_49 {dimension_numbers = #tpu.dot_dimension_numbers<[1], [0], [0], [1], [0, 0, 1, 1], [], []>, transpose_lhs_hint = false} : vector<512x64xf32>, vector<64x64xf32>, vector<512x64xf32> -> vector<512x64xf32>
    %get3A_51 = arith.constant 0 : index
    %get3A_52 = arith.constant 0 : index
    %get3A_53 = vector.load %arg12[%get3A_51, %get3A_52] : memref<1x64xf32, #tpu.memory_space<vmem>>, vector<1x64xf32>
    %add3A_54 = vector.broadcast %get3A_53 : vector<1x64xf32> to vector<512x64xf32>
    %add3A_55 = arith.addf %dot_general3A_50, %add3A_54 : vector<512x64xf32>
    %max3A_56 = arith.constant 0.000000e+00 : f32
    %max3A_57 = vector.broadcast %max3A_56 : f32 to vector<512x64xf32>
    %max3A_58 = arith.maximumf %add3A_55, %max3A_57 : vector<512x64xf32>
    %get3A_59 = arith.constant 0 : index
    %get3A_60 = arith.constant 0 : index
    %get3A_61 = vector.load %arg13[%get3A_59, %get3A_60] : memref<64x64xf32, #tpu.memory_space<vmem>>, vector<64x64xf32>
    %dot_general3A_62 = arith.constant dense<0.000000e+00> : vector<512x64xf32>
    %dot_general3A_63 = tpu.matmul %max3A_58, %get3A_61, %dot_general3A_62 {dimension_numbers = #tpu.dot_dimension_numbers<[1], [0], [0], [1], [0, 0, 1, 1], [], []>, transpose_lhs_hint = false} : vector<512x64xf32>, vector<64x64xf32>, vector<512x64xf32> -> vector<512x64xf32>
    %get3A_64 = arith.constant 0 : index
    %get3A_65 = arith.constant 0 : index
    %get3A_66 = vector.load %arg14[%get3A_64, %get3A_65] : memref<1x64xf32, #tpu.memory_space<vmem>>, vector<1x64xf32>
    %add3A_67 = vector.broadcast %get3A_66 : vector<1x64xf32> to vector<512x64xf32>
    %add3A_68 = arith.addf %dot_general3A_63, %add3A_67 : vector<512x64xf32>
    %max3A_69 = arith.constant 0.000000e+00 : f32
    %max3A_70 = vector.broadcast %max3A_69 : f32 to vector<512x64xf32>
    %max3A_71 = arith.maximumf %add3A_68, %max3A_70 : vector<512x64xf32>
    %get3A_72 = arith.constant 0 : index
    %get3A_73 = arith.constant 0 : index
    %get3A_74 = vector.load %arg15[%get3A_72, %get3A_73] : memref<64x16xf32, #tpu.memory_space<vmem>>, vector<64x16xf32>
    %dot_general3A_75 = arith.constant dense<0.000000e+00> : vector<512x16xf32>
    %dot_general3A_76 = tpu.matmul %max3A_71, %get3A_74, %dot_general3A_75 {dimension_numbers = #tpu.dot_dimension_numbers<[1], [0], [0], [1], [0, 0, 1, 1], [], []>, transpose_lhs_hint = false} : vector<512x64xf32>, vector<64x16xf32>, vector<512x16xf32> -> vector<512x16xf32>
    %get3A_77 = arith.constant 0 : index
    %get3A_78 = arith.constant 0 : index
    %get3A_79 = vector.load %arg16[%get3A_77, %get3A_78] : memref<1x16xf32, #tpu.memory_space<vmem>>, vector<1x16xf32>
    %add3A_80 = vector.broadcast %get3A_79 : vector<1x16xf32> to vector<512x16xf32>
    %add3A_81 = arith.addf %dot_general3A_76, %add3A_80 : vector<512x16xf32>
    %transpose3A = tpu.transpose %add3A_81, [1, 0] : vector<512x16xf32> -> vector<16x512xf32>
    %slice3A = vector.extract_strided_slice %get3A_10 {offsets = [1, 0], sizes = [7, 512], strides = [1, 1]} : vector<256x512xf32> to vector<7x512xf32>
    %slice3A_82 = vector.extract_strided_slice %get3A_10 {offsets = [8, 0], sizes = [7, 512], strides = [1, 1]} : vector<256x512xf32> to vector<7x512xf32>
    %slice3A_83 = vector.extract_strided_slice %get3A_10 {offsets = [60, 0], sizes = [49, 512], strides = [1, 1]} : vector<256x512xf32> to vector<49x512xf32>
    %slice3A_84 = vector.extract_strided_slice %slice3A {offsets = [0, 0], sizes = [1, 512], strides = [1, 1]} : vector<7x512xf32> to vector<1x512xf32>
    %mul3A = vector.broadcast %slice3A_84 : vector<1x512xf32> to vector<7x512xf32>
    %mul3A_85 = arith.mulf %mul3A, %slice3A_82 : vector<7x512xf32>
    %slice3A_86 = vector.extract_strided_slice %slice3A {offsets = [1, 0], sizes = [1, 512], strides = [1, 1]} : vector<7x512xf32> to vector<1x512xf32>
    %mul3A_87 = vector.broadcast %slice3A_86 : vector<1x512xf32> to vector<7x512xf32>
    %mul3A_88 = arith.mulf %mul3A_87, %slice3A_82 : vector<7x512xf32>
    %slice3A_89 = vector.extract_strided_slice %slice3A {offsets = [2, 0], sizes = [1, 512], strides = [1, 1]} : vector<7x512xf32> to vector<1x512xf32>
    %mul3A_90 = vector.broadcast %slice3A_89 : vector<1x512xf32> to vector<7x512xf32>
    %mul3A_91 = arith.mulf %mul3A_90, %slice3A_82 : vector<7x512xf32>
    %slice3A_92 = vector.extract_strided_slice %slice3A {offsets = [3, 0], sizes = [1, 512], strides = [1, 1]} : vector<7x512xf32> to vector<1x512xf32>
    %mul3A_93 = vector.broadcast %slice3A_92 : vector<1x512xf32> to vector<7x512xf32>
    %mul3A_94 = arith.mulf %mul3A_93, %slice3A_82 : vector<7x512xf32>
    %slice3A_95 = vector.extract_strided_slice %slice3A {offsets = [4, 0], sizes = [1, 512], strides = [1, 1]} : vector<7x512xf32> to vector<1x512xf32>
    %mul3A_96 = vector.broadcast %slice3A_95 : vector<1x512xf32> to vector<7x512xf32>
    %mul3A_97 = arith.mulf %mul3A_96, %slice3A_82 : vector<7x512xf32>
    %slice3A_98 = vector.extract_strided_slice %slice3A {offsets = [5, 0], sizes = [1, 512], strides = [1, 1]} : vector<7x512xf32> to vector<1x512xf32>
    %mul3A_99 = vector.broadcast %slice3A_98 : vector<1x512xf32> to vector<7x512xf32>
    %mul3A_100 = arith.mulf %mul3A_99, %slice3A_82 : vector<7x512xf32>
    %slice3A_101 = vector.extract_strided_slice %slice3A {offsets = [6, 0], sizes = [1, 512], strides = [1, 1]} : vector<7x512xf32> to vector<1x512xf32>
    %mul3A_102 = vector.broadcast %slice3A_101 : vector<1x512xf32> to vector<7x512xf32>
    %mul3A_103 = arith.mulf %mul3A_102, %slice3A_82 : vector<7x512xf32>
    %concatenate3A = tpu.concatenate %mul3A_85, %mul3A_88, %mul3A_91, %mul3A_94, %mul3A_97, %mul3A_100, %mul3A_103 in 0 : vector<7x512xf32>, vector<7x512xf32>, vector<7x512xf32>, vector<7x512xf32>, vector<7x512xf32>, vector<7x512xf32>, vector<7x512xf32> -> vector<49x512xf32>
    %slice3A_104 = vector.extract_strided_slice %transpose3A {offsets = [0, 0], sizes = [1, 512], strides = [1, 1]} : vector<16x512xf32> to vector<1x512xf32>
    %mul3A_105 = vector.broadcast %slice3A_104 : vector<1x512xf32> to vector<49x512xf32>
    %mul3A_106 = arith.mulf %mul3A_105, %concatenate3A : vector<49x512xf32>
    %reduce_max3A = arith.constant dense<0xFF800000> : vector<512xf32>
    %reduce_max3A_107 = vector.multi_reduction <maximumf>, %mul3A_106, %reduce_max3A [0] : vector<49x512xf32> to vector<512xf32>
    %broadcast_in_dim3A = vector.shape_cast %reduce_max3A_107 : vector<512xf32> to vector<1x512xf32>
    %sub3A = vector.broadcast %broadcast_in_dim3A : vector<1x512xf32> to vector<49x512xf32>
    %sub3A_108 = arith.subf %mul3A_106, %sub3A : vector<49x512xf32>
    %exp3A = math.exp %sub3A_108 : vector<49x512xf32>
    %reduce_sum3A = arith.constant dense<0.000000e+00> : vector<512xf32>
    %reduce_sum3A_109 = vector.multi_reduction <add>, %exp3A, %reduce_sum3A [0] : vector<49x512xf32> to vector<512xf32>
    %broadcast_in_dim3A_110 = vector.shape_cast %reduce_sum3A_109 : vector<512xf32> to vector<1x512xf32>
    %mul3A_111 = arith.mulf %exp3A, %slice3A_83 : vector<49x512xf32>
    %reduce_sum3A_112 = arith.constant dense<0.000000e+00> : vector<512xf32>
    %reduce_sum3A_113 = vector.multi_reduction <add>, %mul3A_111, %reduce_sum3A_112 [0] : vector<49x512xf32> to vector<512xf32>
    %broadcast_in_dim3A_114 = vector.shape_cast %reduce_sum3A_113 : vector<512xf32> to vector<1x512xf32>
    %div3A = arith.divf %broadcast_in_dim3A_114, %broadcast_in_dim3A_110 : vector<1x512xf32>
    %slice3A_115 = vector.extract_strided_slice %transpose3A {offsets = [1, 0], sizes = [1, 512], strides = [1, 1]} : vector<16x512xf32> to vector<1x512xf32>
    %mul3A_116 = vector.broadcast %slice3A_115 : vector<1x512xf32> to vector<49x512xf32>
    %mul3A_117 = arith.mulf %mul3A_116, %concatenate3A : vector<49x512xf32>
    %reduce_max3A_118 = arith.constant dense<0xFF800000> : vector<512xf32>
    %reduce_max3A_119 = vector.multi_reduction <maximumf>, %mul3A_117, %reduce_max3A_118 [0] : vector<49x512xf32> to vector<512xf32>
    %broadcast_in_dim3A_120 = vector.shape_cast %reduce_max3A_119 : vector<512xf32> to vector<1x512xf32>
    %sub3A_121 = vector.broadcast %broadcast_in_dim3A_120 : vector<1x512xf32> to vector<49x512xf32>
    %sub3A_122 = arith.subf %mul3A_117, %sub3A_121 : vector<49x512xf32>
    %exp3A_123 = math.exp %sub3A_122 : vector<49x512xf32>
    %reduce_sum3A_124 = arith.constant dense<0.000000e+00> : vector<512xf32>
    %reduce_sum3A_125 = vector.multi_reduction <add>, %exp3A_123, %reduce_sum3A_124 [0] : vector<49x512xf32> to vector<512xf32>
    %broadcast_in_dim3A_126 = vector.shape_cast %reduce_sum3A_125 : vector<512xf32> to vector<1x512xf32>
    %mul3A_127 = arith.mulf %exp3A_123, %slice3A_83 : vector<49x512xf32>
    %reduce_sum3A_128 = arith.constant dense<0.000000e+00> : vector<512xf32>
    %reduce_sum3A_129 = vector.multi_reduction <add>, %mul3A_127, %reduce_sum3A_128 [0] : vector<49x512xf32> to vector<512xf32>
    %broadcast_in_dim3A_130 = vector.shape_cast %reduce_sum3A_129 : vector<512xf32> to vector<1x512xf32>
    %div3A_131 = arith.divf %broadcast_in_dim3A_130, %broadcast_in_dim3A_126 : vector<1x512xf32>
    %slice3A_132 = vector.extract_strided_slice %transpose3A {offsets = [2, 0], sizes = [1, 512], strides = [1, 1]} : vector<16x512xf32> to vector<1x512xf32>
    %mul3A_133 = vector.broadcast %slice3A_132 : vector<1x512xf32> to vector<49x512xf32>
    %mul3A_134 = arith.mulf %mul3A_133, %concatenate3A : vector<49x512xf32>
    %reduce_max3A_135 = arith.constant dense<0xFF800000> : vector<512xf32>
    %reduce_max3A_136 = vector.multi_reduction <maximumf>, %mul3A_134, %reduce_max3A_135 [0] : vector<49x512xf32> to vector<512xf32>
    %broadcast_in_dim3A_137 = vector.shape_cast %reduce_max3A_136 : vector<512xf32> to vector<1x512xf32>
    %sub3A_138 = vector.broadcast %broadcast_in_dim3A_137 : vector<1x512xf32> to vector<49x512xf32>
    %sub3A_139 = arith.subf %mul3A_134, %sub3A_138 : vector<49x512xf32>
    %exp3A_140 = math.exp %sub3A_139 : vector<49x512xf32>
    %reduce_sum3A_141 = arith.constant dense<0.000000e+00> : vector<512xf32>
    %reduce_sum3A_142 = vector.multi_reduction <add>, %exp3A_140, %reduce_sum3A_141 [0] : vector<49x512xf32> to vector<512xf32>
    %broadcast_in_dim3A_143 = vector.shape_cast %reduce_sum3A_142 : vector<512xf32> to vector<1x512xf32>
    %mul3A_144 = arith.mulf %exp3A_140, %slice3A_83 : vector<49x512xf32>
    %reduce_sum3A_145 = arith.constant dense<0.000000e+00> : vector<512xf32>
    %reduce_sum3A_146 = vector.multi_reduction <add>, %mul3A_144, %reduce_sum3A_145 [0] : vector<49x512xf32> to vector<512xf32>
    %broadcast_in_dim3A_147 = vector.shape_cast %reduce_sum3A_146 : vector<512xf32> to vector<1x512xf32>
    %div3A_148 = arith.divf %broadcast_in_dim3A_147, %broadcast_in_dim3A_143 : vector<1x512xf32>
    %slice3A_149 = vector.extract_strided_slice %transpose3A {offsets = [3, 0], sizes = [1, 512], strides = [1, 1]} : vector<16x512xf32> to vector<1x512xf32>
    %mul3A_150 = vector.broadcast %slice3A_149 : vector<1x512xf32> to vector<49x512xf32>
    %mul3A_151 = arith.mulf %mul3A_150, %concatenate3A : vector<49x512xf32>
    %reduce_max3A_152 = arith.constant dense<0xFF800000> : vector<512xf32>
    %reduce_max3A_153 = vector.multi_reduction <maximumf>, %mul3A_151, %reduce_max3A_152 [0] : vector<49x512xf32> to vector<512xf32>
    %broadcast_in_dim3A_154 = vector.shape_cast %reduce_max3A_153 : vector<512xf32> to vector<1x512xf32>
    %sub3A_155 = vector.broadcast %broadcast_in_dim3A_154 : vector<1x512xf32> to vector<49x512xf32>
    %sub3A_156 = arith.subf %mul3A_151, %sub3A_155 : vector<49x512xf32>
    %exp3A_157 = math.exp %sub3A_156 : vector<49x512xf32>
    %reduce_sum3A_158 = arith.constant dense<0.000000e+00> : vector<512xf32>
    %reduce_sum3A_159 = vector.multi_reduction <add>, %exp3A_157, %reduce_sum3A_158 [0] : vector<49x512xf32> to vector<512xf32>
    %broadcast_in_dim3A_160 = vector.shape_cast %reduce_sum3A_159 : vector<512xf32> to vector<1x512xf32>
    %mul3A_161 = arith.mulf %exp3A_157, %slice3A_83 : vector<49x512xf32>
    %reduce_sum3A_162 = arith.constant dense<0.000000e+00> : vector<512xf32>
    %reduce_sum3A_163 = vector.multi_reduction <add>, %mul3A_161, %reduce_sum3A_162 [0] : vector<49x512xf32> to vector<512xf32>
    %broadcast_in_dim3A_164 = vector.shape_cast %reduce_sum3A_163 : vector<512xf32> to vector<1x512xf32>
    %div3A_165 = arith.divf %broadcast_in_dim3A_164, %broadcast_in_dim3A_160 : vector<1x512xf32>
    %slice3A_166 = vector.extract_strided_slice %get3A_10 {offsets = [16, 0], sizes = [7, 512], strides = [1, 1]} : vector<256x512xf32> to vector<7x512xf32>
    %slice3A_167 = vector.extract_strided_slice %get3A_10 {offsets = [23, 0], sizes = [7, 512], strides = [1, 1]} : vector<256x512xf32> to vector<7x512xf32>
    %slice3A_168 = vector.extract_strided_slice %get3A_10 {offsets = [109, 0], sizes = [49, 512], strides = [1, 1]} : vector<256x512xf32> to vector<49x512xf32>
    %slice3A_169 = vector.extract_strided_slice %slice3A_166 {offsets = [0, 0], sizes = [1, 512], strides = [1, 1]} : vector<7x512xf32> to vector<1x512xf32>
    %mul3A_170 = vector.broadcast %slice3A_169 : vector<1x512xf32> to vector<7x512xf32>
    %mul3A_171 = arith.mulf %mul3A_170, %slice3A_167 : vector<7x512xf32>
    %slice3A_172 = vector.extract_strided_slice %slice3A_166 {offsets = [1, 0], sizes = [1, 512], strides = [1, 1]} : vector<7x512xf32> to vector<1x512xf32>
    %mul3A_173 = vector.broadcast %slice3A_172 : vector<1x512xf32> to vector<7x512xf32>
    %mul3A_174 = arith.mulf %mul3A_173, %slice3A_167 : vector<7x512xf32>
    %slice3A_175 = vector.extract_strided_slice %slice3A_166 {offsets = [2, 0], sizes = [1, 512], strides = [1, 1]} : vector<7x512xf32> to vector<1x512xf32>
    %mul3A_176 = vector.broadcast %slice3A_175 : vector<1x512xf32> to vector<7x512xf32>
    %mul3A_177 = arith.mulf %mul3A_176, %slice3A_167 : vector<7x512xf32>
    %slice3A_178 = vector.extract_strided_slice %slice3A_166 {offsets = [3, 0], sizes = [1, 512], strides = [1, 1]} : vector<7x512xf32> to vector<1x512xf32>
    %mul3A_179 = vector.broadcast %slice3A_178 : vector<1x512xf32> to vector<7x512xf32>
    %mul3A_180 = arith.mulf %mul3A_179, %slice3A_167 : vector<7x512xf32>
    %slice3A_181 = vector.extract_strided_slice %slice3A_166 {offsets = [4, 0], sizes = [1, 512], strides = [1, 1]} : vector<7x512xf32> to vector<1x512xf32>
    %mul3A_182 = vector.broadcast %slice3A_181 : vector<1x512xf32> to vector<7x512xf32>
    %mul3A_183 = arith.mulf %mul3A_182, %slice3A_167 : vector<7x512xf32>
    %slice3A_184 = vector.extract_strided_slice %slice3A_166 {offsets = [5, 0], sizes = [1, 512], strides = [1, 1]} : vector<7x512xf32> to vector<1x512xf32>
    %mul3A_185 = vector.broadcast %slice3A_184 : vector<1x512xf32> to vector<7x512xf32>
    %mul3A_186 = arith.mulf %mul3A_185, %slice3A_167 : vector<7x512xf32>
    %slice3A_187 = vector.extract_strided_slice %slice3A_166 {offsets = [6, 0], sizes = [1, 512], strides = [1, 1]} : vector<7x512xf32> to vector<1x512xf32>
    %mul3A_188 = vector.broadcast %slice3A_187 : vector<1x512xf32> to vector<7x512xf32>
    %mul3A_189 = arith.mulf %mul3A_188, %slice3A_167 : vector<7x512xf32>
    %concatenate3A_190 = tpu.concatenate %mul3A_171, %mul3A_174, %mul3A_177, %mul3A_180, %mul3A_183, %mul3A_186, %mul3A_189 in 0 : vector<7x512xf32>, vector<7x512xf32>, vector<7x512xf32>, vector<7x512xf32>, vector<7x512xf32>, vector<7x512xf32>, vector<7x512xf32> -> vector<49x512xf32>
    %slice3A_191 = vector.extract_strided_slice %transpose3A {offsets = [4, 0], sizes = [1, 512], strides = [1, 1]} : vector<16x512xf32> to vector<1x512xf32>
    %mul3A_192 = vector.broadcast %slice3A_191 : vector<1x512xf32> to vector<49x512xf32>
    %mul3A_193 = arith.mulf %mul3A_192, %concatenate3A_190 : vector<49x512xf32>
    %reduce_max3A_194 = arith.constant dense<0xFF800000> : vector<512xf32>
    %reduce_max3A_195 = vector.multi_reduction <maximumf>, %mul3A_193, %reduce_max3A_194 [0] : vector<49x512xf32> to vector<512xf32>
    %broadcast_in_dim3A_196 = vector.shape_cast %reduce_max3A_195 : vector<512xf32> to vector<1x512xf32>
    %sub3A_197 = vector.broadcast %broadcast_in_dim3A_196 : vector<1x512xf32> to vector<49x512xf32>
    %sub3A_198 = arith.subf %mul3A_193, %sub3A_197 : vector<49x512xf32>
    %exp3A_199 = math.exp %sub3A_198 : vector<49x512xf32>
    %reduce_sum3A_200 = arith.constant dense<0.000000e+00> : vector<512xf32>
    %reduce_sum3A_201 = vector.multi_reduction <add>, %exp3A_199, %reduce_sum3A_200 [0] : vector<49x512xf32> to vector<512xf32>
    %broadcast_in_dim3A_202 = vector.shape_cast %reduce_sum3A_201 : vector<512xf32> to vector<1x512xf32>
    %mul3A_203 = arith.mulf %exp3A_199, %slice3A_168 : vector<49x512xf32>
    %reduce_sum3A_204 = arith.constant dense<0.000000e+00> : vector<512xf32>
    %reduce_sum3A_205 = vector.multi_reduction <add>, %mul3A_203, %reduce_sum3A_204 [0] : vector<49x512xf32> to vector<512xf32>
    %broadcast_in_dim3A_206 = vector.shape_cast %reduce_sum3A_205 : vector<512xf32> to vector<1x512xf32>
    %div3A_207 = arith.divf %broadcast_in_dim3A_206, %broadcast_in_dim3A_202 : vector<1x512xf32>
    %slice3A_208 = vector.extract_strided_slice %transpose3A {offsets = [5, 0], sizes = [1, 512], strides = [1, 1]} : vector<16x512xf32> to vector<1x512xf32>
    %mul3A_209 = vector.broadcast %slice3A_208 : vector<1x512xf32> to vector<49x512xf32>
    %mul3A_210 = arith.mulf %mul3A_209, %concatenate3A_190 : vector<49x512xf32>
    %reduce_max3A_211 = arith.constant dense<0xFF800000> : vector<512xf32>
    %reduce_max3A_212 = vector.multi_reduction <maximumf>, %mul3A_210, %reduce_max3A_211 [0] : vector<49x512xf32> to vector<512xf32>
    %broadcast_in_dim3A_213 = vector.shape_cast %reduce_max3A_212 : vector<512xf32> to vector<1x512xf32>
    %sub3A_214 = vector.broadcast %broadcast_in_dim3A_213 : vector<1x512xf32> to vector<49x512xf32>
    %sub3A_215 = arith.subf %mul3A_210, %sub3A_214 : vector<49x512xf32>
    %exp3A_216 = math.exp %sub3A_215 : vector<49x512xf32>
    %reduce_sum3A_217 = arith.constant dense<0.000000e+00> : vector<512xf32>
    %reduce_sum3A_218 = vector.multi_reduction <add>, %exp3A_216, %reduce_sum3A_217 [0] : vector<49x512xf32> to vector<512xf32>
    %broadcast_in_dim3A_219 = vector.shape_cast %reduce_sum3A_218 : vector<512xf32> to vector<1x512xf32>
    %mul3A_220 = arith.mulf %exp3A_216, %slice3A_168 : vector<49x512xf32>
    %reduce_sum3A_221 = arith.constant dense<0.000000e+00> : vector<512xf32>
    %reduce_sum3A_222 = vector.multi_reduction <add>, %mul3A_220, %reduce_sum3A_221 [0] : vector<49x512xf32> to vector<512xf32>
    %broadcast_in_dim3A_223 = vector.shape_cast %reduce_sum3A_222 : vector<512xf32> to vector<1x512xf32>
    %div3A_224 = arith.divf %broadcast_in_dim3A_223, %broadcast_in_dim3A_219 : vector<1x512xf32>
    %slice3A_225 = vector.extract_strided_slice %transpose3A {offsets = [6, 0], sizes = [1, 512], strides = [1, 1]} : vector<16x512xf32> to vector<1x512xf32>
    %mul3A_226 = vector.broadcast %slice3A_225 : vector<1x512xf32> to vector<49x512xf32>
    %mul3A_227 = arith.mulf %mul3A_226, %concatenate3A_190 : vector<49x512xf32>
    %reduce_max3A_228 = arith.constant dense<0xFF800000> : vector<512xf32>
    %reduce_max3A_229 = vector.multi_reduction <maximumf>, %mul3A_227, %reduce_max3A_228 [0] : vector<49x512xf32> to vector<512xf32>
    %broadcast_in_dim3A_230 = vector.shape_cast %reduce_max3A_229 : vector<512xf32> to vector<1x512xf32>
    %sub3A_231 = vector.broadcast %broadcast_in_dim3A_230 : vector<1x512xf32> to vector<49x512xf32>
    %sub3A_232 = arith.subf %mul3A_227, %sub3A_231 : vector<49x512xf32>
    %exp3A_233 = math.exp %sub3A_232 : vector<49x512xf32>
    %reduce_sum3A_234 = arith.constant dense<0.000000e+00> : vector<512xf32>
    %reduce_sum3A_235 = vector.multi_reduction <add>, %exp3A_233, %reduce_sum3A_234 [0] : vector<49x512xf32> to vector<512xf32>
    %broadcast_in_dim3A_236 = vector.shape_cast %reduce_sum3A_235 : vector<512xf32> to vector<1x512xf32>
    %mul3A_237 = arith.mulf %exp3A_233, %slice3A_168 : vector<49x512xf32>
    %reduce_sum3A_238 = arith.constant dense<0.000000e+00> : vector<512xf32>
    %reduce_sum3A_239 = vector.multi_reduction <add>, %mul3A_237, %reduce_sum3A_238 [0] : vector<49x512xf32> to vector<512xf32>
    %broadcast_in_dim3A_240 = vector.shape_cast %reduce_sum3A_239 : vector<512xf32> to vector<1x512xf32>
    %div3A_241 = arith.divf %broadcast_in_dim3A_240, %broadcast_in_dim3A_236 : vector<1x512xf32>
    %slice3A_242 = vector.extract_strided_slice %transpose3A {offsets = [7, 0], sizes = [1, 512], strides = [1, 1]} : vector<16x512xf32> to vector<1x512xf32>
    %mul3A_243 = vector.broadcast %slice3A_242 : vector<1x512xf32> to vector<49x512xf32>
    %mul3A_244 = arith.mulf %mul3A_243, %concatenate3A_190 : vector<49x512xf32>
    %reduce_max3A_245 = arith.constant dense<0xFF800000> : vector<512xf32>
    %reduce_max3A_246 = vector.multi_reduction <maximumf>, %mul3A_244, %reduce_max3A_245 [0] : vector<49x512xf32> to vector<512xf32>
    %broadcast_in_dim3A_247 = vector.shape_cast %reduce_max3A_246 : vector<512xf32> to vector<1x512xf32>
    %sub3A_248 = vector.broadcast %broadcast_in_dim3A_247 : vector<1x512xf32> to vector<49x512xf32>
    %sub3A_249 = arith.subf %mul3A_244, %sub3A_248 : vector<49x512xf32>
    %exp3A_250 = math.exp %sub3A_249 : vector<49x512xf32>
    %reduce_sum3A_251 = arith.constant dense<0.000000e+00> : vector<512xf32>
    %reduce_sum3A_252 = vector.multi_reduction <add>, %exp3A_250, %reduce_sum3A_251 [0] : vector<49x512xf32> to vector<512xf32>
    %broadcast_in_dim3A_253 = vector.shape_cast %reduce_sum3A_252 : vector<512xf32> to vector<1x512xf32>
    %mul3A_254 = arith.mulf %exp3A_250, %slice3A_168 : vector<49x512xf32>
    %reduce_sum3A_255 = arith.constant dense<0.000000e+00> : vector<512xf32>
    %reduce_sum3A_256 = vector.multi_reduction <add>, %mul3A_254, %reduce_sum3A_255 [0] : vector<49x512xf32> to vector<512xf32>
    %broadcast_in_dim3A_257 = vector.shape_cast %reduce_sum3A_256 : vector<512xf32> to vector<1x512xf32>
    %div3A_258 = arith.divf %broadcast_in_dim3A_257, %broadcast_in_dim3A_253 : vector<1x512xf32>
    %slice3A_259 = vector.extract_strided_slice %get3A_10 {offsets = [31, 0], sizes = [7, 512], strides = [1, 1]} : vector<256x512xf32> to vector<7x512xf32>
    %slice3A_260 = vector.extract_strided_slice %get3A_10 {offsets = [38, 0], sizes = [7, 512], strides = [1, 1]} : vector<256x512xf32> to vector<7x512xf32>
    %slice3A_261 = vector.extract_strided_slice %get3A_10 {offsets = [158, 0], sizes = [49, 512], strides = [1, 1]} : vector<256x512xf32> to vector<49x512xf32>
    %slice3A_262 = vector.extract_strided_slice %slice3A_259 {offsets = [0, 0], sizes = [1, 512], strides = [1, 1]} : vector<7x512xf32> to vector<1x512xf32>
    %mul3A_263 = vector.broadcast %slice3A_262 : vector<1x512xf32> to vector<7x512xf32>
    %mul3A_264 = arith.mulf %mul3A_263, %slice3A_260 : vector<7x512xf32>
    %slice3A_265 = vector.extract_strided_slice %slice3A_259 {offsets = [1, 0], sizes = [1, 512], strides = [1, 1]} : vector<7x512xf32> to vector<1x512xf32>
    %mul3A_266 = vector.broadcast %slice3A_265 : vector<1x512xf32> to vector<7x512xf32>
    %mul3A_267 = arith.mulf %mul3A_266, %slice3A_260 : vector<7x512xf32>
    %slice3A_268 = vector.extract_strided_slice %slice3A_259 {offsets = [2, 0], sizes = [1, 512], strides = [1, 1]} : vector<7x512xf32> to vector<1x512xf32>
    %mul3A_269 = vector.broadcast %slice3A_268 : vector<1x512xf32> to vector<7x512xf32>
    %mul3A_270 = arith.mulf %mul3A_269, %slice3A_260 : vector<7x512xf32>
    %slice3A_271 = vector.extract_strided_slice %slice3A_259 {offsets = [3, 0], sizes = [1, 512], strides = [1, 1]} : vector<7x512xf32> to vector<1x512xf32>
    %mul3A_272 = vector.broadcast %slice3A_271 : vector<1x512xf32> to vector<7x512xf32>
    %mul3A_273 = arith.mulf %mul3A_272, %slice3A_260 : vector<7x512xf32>
    %slice3A_274 = vector.extract_strided_slice %slice3A_259 {offsets = [4, 0], sizes = [1, 512], strides = [1, 1]} : vector<7x512xf32> to vector<1x512xf32>
    %mul3A_275 = vector.broadcast %slice3A_274 : vector<1x512xf32> to vector<7x512xf32>
    %mul3A_276 = arith.mulf %mul3A_275, %slice3A_260 : vector<7x512xf32>
    %slice3A_277 = vector.extract_strided_slice %slice3A_259 {offsets = [5, 0], sizes = [1, 512], strides = [1, 1]} : vector<7x512xf32> to vector<1x512xf32>
    %mul3A_278 = vector.broadcast %slice3A_277 : vector<1x512xf32> to vector<7x512xf32>
    %mul3A_279 = arith.mulf %mul3A_278, %slice3A_260 : vector<7x512xf32>
    %slice3A_280 = vector.extract_strided_slice %slice3A_259 {offsets = [6, 0], sizes = [1, 512], strides = [1, 1]} : vector<7x512xf32> to vector<1x512xf32>
    %mul3A_281 = vector.broadcast %slice3A_280 : vector<1x512xf32> to vector<7x512xf32>
    %mul3A_282 = arith.mulf %mul3A_281, %slice3A_260 : vector<7x512xf32>
    %concatenate3A_283 = tpu.concatenate %mul3A_264, %mul3A_267, %mul3A_270, %mul3A_273, %mul3A_276, %mul3A_279, %mul3A_282 in 0 : vector<7x512xf32>, vector<7x512xf32>, vector<7x512xf32>, vector<7x512xf32>, vector<7x512xf32>, vector<7x512xf32>, vector<7x512xf32> -> vector<49x512xf32>
    %slice3A_284 = vector.extract_strided_slice %transpose3A {offsets = [8, 0], sizes = [1, 512], strides = [1, 1]} : vector<16x512xf32> to vector<1x512xf32>
    %mul3A_285 = vector.broadcast %slice3A_284 : vector<1x512xf32> to vector<49x512xf32>
    %mul3A_286 = arith.mulf %mul3A_285, %concatenate3A_283 : vector<49x512xf32>
    %reduce_max3A_287 = arith.constant dense<0xFF800000> : vector<512xf32>
    %reduce_max3A_288 = vector.multi_reduction <maximumf>, %mul3A_286, %reduce_max3A_287 [0] : vector<49x512xf32> to vector<512xf32>
    %broadcast_in_dim3A_289 = vector.shape_cast %reduce_max3A_288 : vector<512xf32> to vector<1x512xf32>
    %sub3A_290 = vector.broadcast %broadcast_in_dim3A_289 : vector<1x512xf32> to vector<49x512xf32>
    %sub3A_291 = arith.subf %mul3A_286, %sub3A_290 : vector<49x512xf32>
    %exp3A_292 = math.exp %sub3A_291 : vector<49x512xf32>
    %reduce_sum3A_293 = arith.constant dense<0.000000e+00> : vector<512xf32>
    %reduce_sum3A_294 = vector.multi_reduction <add>, %exp3A_292, %reduce_sum3A_293 [0] : vector<49x512xf32> to vector<512xf32>
    %broadcast_in_dim3A_295 = vector.shape_cast %reduce_sum3A_294 : vector<512xf32> to vector<1x512xf32>
    %mul3A_296 = arith.mulf %exp3A_292, %slice3A_261 : vector<49x512xf32>
    %reduce_sum3A_297 = arith.constant dense<0.000000e+00> : vector<512xf32>
    %reduce_sum3A_298 = vector.multi_reduction <add>, %mul3A_296, %reduce_sum3A_297 [0] : vector<49x512xf32> to vector<512xf32>
    %broadcast_in_dim3A_299 = vector.shape_cast %reduce_sum3A_298 : vector<512xf32> to vector<1x512xf32>
    %div3A_300 = arith.divf %broadcast_in_dim3A_299, %broadcast_in_dim3A_295 : vector<1x512xf32>
    %slice3A_301 = vector.extract_strided_slice %transpose3A {offsets = [9, 0], sizes = [1, 512], strides = [1, 1]} : vector<16x512xf32> to vector<1x512xf32>
    %mul3A_302 = vector.broadcast %slice3A_301 : vector<1x512xf32> to vector<49x512xf32>
    %mul3A_303 = arith.mulf %mul3A_302, %concatenate3A_283 : vector<49x512xf32>
    %reduce_max3A_304 = arith.constant dense<0xFF800000> : vector<512xf32>
    %reduce_max3A_305 = vector.multi_reduction <maximumf>, %mul3A_303, %reduce_max3A_304 [0] : vector<49x512xf32> to vector<512xf32>
    %broadcast_in_dim3A_306 = vector.shape_cast %reduce_max3A_305 : vector<512xf32> to vector<1x512xf32>
    %sub3A_307 = vector.broadcast %broadcast_in_dim3A_306 : vector<1x512xf32> to vector<49x512xf32>
    %sub3A_308 = arith.subf %mul3A_303, %sub3A_307 : vector<49x512xf32>
    %exp3A_309 = math.exp %sub3A_308 : vector<49x512xf32>
    %reduce_sum3A_310 = arith.constant dense<0.000000e+00> : vector<512xf32>
    %reduce_sum3A_311 = vector.multi_reduction <add>, %exp3A_309, %reduce_sum3A_310 [0] : vector<49x512xf32> to vector<512xf32>
    %broadcast_in_dim3A_312 = vector.shape_cast %reduce_sum3A_311 : vector<512xf32> to vector<1x512xf32>
    %mul3A_313 = arith.mulf %exp3A_309, %slice3A_261 : vector<49x512xf32>
    %reduce_sum3A_314 = arith.constant dense<0.000000e+00> : vector<512xf32>
    %reduce_sum3A_315 = vector.multi_reduction <add>, %mul3A_313, %reduce_sum3A_314 [0] : vector<49x512xf32> to vector<512xf32>
    %broadcast_in_dim3A_316 = vector.shape_cast %reduce_sum3A_315 : vector<512xf32> to vector<1x512xf32>
    %div3A_317 = arith.divf %broadcast_in_dim3A_316, %broadcast_in_dim3A_312 : vector<1x512xf32>
    %slice3A_318 = vector.extract_strided_slice %transpose3A {offsets = [10, 0], sizes = [1, 512], strides = [1, 1]} : vector<16x512xf32> to vector<1x512xf32>
    %mul3A_319 = vector.broadcast %slice3A_318 : vector<1x512xf32> to vector<49x512xf32>
    %mul3A_320 = arith.mulf %mul3A_319, %concatenate3A_283 : vector<49x512xf32>
    %reduce_max3A_321 = arith.constant dense<0xFF800000> : vector<512xf32>
    %reduce_max3A_322 = vector.multi_reduction <maximumf>, %mul3A_320, %reduce_max3A_321 [0] : vector<49x512xf32> to vector<512xf32>
    %broadcast_in_dim3A_323 = vector.shape_cast %reduce_max3A_322 : vector<512xf32> to vector<1x512xf32>
    %sub3A_324 = vector.broadcast %broadcast_in_dim3A_323 : vector<1x512xf32> to vector<49x512xf32>
    %sub3A_325 = arith.subf %mul3A_320, %sub3A_324 : vector<49x512xf32>
    %exp3A_326 = math.exp %sub3A_325 : vector<49x512xf32>
    %reduce_sum3A_327 = arith.constant dense<0.000000e+00> : vector<512xf32>
    %reduce_sum3A_328 = vector.multi_reduction <add>, %exp3A_326, %reduce_sum3A_327 [0] : vector<49x512xf32> to vector<512xf32>
    %broadcast_in_dim3A_329 = vector.shape_cast %reduce_sum3A_328 : vector<512xf32> to vector<1x512xf32>
    %mul3A_330 = arith.mulf %exp3A_326, %slice3A_261 : vector<49x512xf32>
    %reduce_sum3A_331 = arith.constant dense<0.000000e+00> : vector<512xf32>
    %reduce_sum3A_332 = vector.multi_reduction <add>, %mul3A_330, %reduce_sum3A_331 [0] : vector<49x512xf32> to vector<512xf32>
    %broadcast_in_dim3A_333 = vector.shape_cast %reduce_sum3A_332 : vector<512xf32> to vector<1x512xf32>
    %div3A_334 = arith.divf %broadcast_in_dim3A_333, %broadcast_in_dim3A_329 : vector<1x512xf32>
    %slice3A_335 = vector.extract_strided_slice %transpose3A {offsets = [11, 0], sizes = [1, 512], strides = [1, 1]} : vector<16x512xf32> to vector<1x512xf32>
    %mul3A_336 = vector.broadcast %slice3A_335 : vector<1x512xf32> to vector<49x512xf32>
    %mul3A_337 = arith.mulf %mul3A_336, %concatenate3A_283 : vector<49x512xf32>
    %reduce_max3A_338 = arith.constant dense<0xFF800000> : vector<512xf32>
    %reduce_max3A_339 = vector.multi_reduction <maximumf>, %mul3A_337, %reduce_max3A_338 [0] : vector<49x512xf32> to vector<512xf32>
    %broadcast_in_dim3A_340 = vector.shape_cast %reduce_max3A_339 : vector<512xf32> to vector<1x512xf32>
    %sub3A_341 = vector.broadcast %broadcast_in_dim3A_340 : vector<1x512xf32> to vector<49x512xf32>
    %sub3A_342 = arith.subf %mul3A_337, %sub3A_341 : vector<49x512xf32>
    %exp3A_343 = math.exp %sub3A_342 : vector<49x512xf32>
    %reduce_sum3A_344 = arith.constant dense<0.000000e+00> : vector<512xf32>
    %reduce_sum3A_345 = vector.multi_reduction <add>, %exp3A_343, %reduce_sum3A_344 [0] : vector<49x512xf32> to vector<512xf32>
    %broadcast_in_dim3A_346 = vector.shape_cast %reduce_sum3A_345 : vector<512xf32> to vector<1x512xf32>
    %mul3A_347 = arith.mulf %exp3A_343, %slice3A_261 : vector<49x512xf32>
    %reduce_sum3A_348 = arith.constant dense<0.000000e+00> : vector<512xf32>
    %reduce_sum3A_349 = vector.multi_reduction <add>, %mul3A_347, %reduce_sum3A_348 [0] : vector<49x512xf32> to vector<512xf32>
    %broadcast_in_dim3A_350 = vector.shape_cast %reduce_sum3A_349 : vector<512xf32> to vector<1x512xf32>
    %div3A_351 = arith.divf %broadcast_in_dim3A_350, %broadcast_in_dim3A_346 : vector<1x512xf32>
    %slice3A_352 = vector.extract_strided_slice %get3A_10 {offsets = [46, 0], sizes = [7, 512], strides = [1, 1]} : vector<256x512xf32> to vector<7x512xf32>
    %slice3A_353 = vector.extract_strided_slice %get3A_10 {offsets = [53, 0], sizes = [7, 512], strides = [1, 1]} : vector<256x512xf32> to vector<7x512xf32>
    %slice3A_354 = vector.extract_strided_slice %get3A_10 {offsets = [207, 0], sizes = [49, 512], strides = [1, 1]} : vector<256x512xf32> to vector<49x512xf32>
    %slice3A_355 = vector.extract_strided_slice %slice3A_352 {offsets = [0, 0], sizes = [1, 512], strides = [1, 1]} : vector<7x512xf32> to vector<1x512xf32>
    %mul3A_356 = vector.broadcast %slice3A_355 : vector<1x512xf32> to vector<7x512xf32>
    %mul3A_357 = arith.mulf %mul3A_356, %slice3A_353 : vector<7x512xf32>
    %slice3A_358 = vector.extract_strided_slice %slice3A_352 {offsets = [1, 0], sizes = [1, 512], strides = [1, 1]} : vector<7x512xf32> to vector<1x512xf32>
    %mul3A_359 = vector.broadcast %slice3A_358 : vector<1x512xf32> to vector<7x512xf32>
    %mul3A_360 = arith.mulf %mul3A_359, %slice3A_353 : vector<7x512xf32>
    %slice3A_361 = vector.extract_strided_slice %slice3A_352 {offsets = [2, 0], sizes = [1, 512], strides = [1, 1]} : vector<7x512xf32> to vector<1x512xf32>
    %mul3A_362 = vector.broadcast %slice3A_361 : vector<1x512xf32> to vector<7x512xf32>
    %mul3A_363 = arith.mulf %mul3A_362, %slice3A_353 : vector<7x512xf32>
    %slice3A_364 = vector.extract_strided_slice %slice3A_352 {offsets = [3, 0], sizes = [1, 512], strides = [1, 1]} : vector<7x512xf32> to vector<1x512xf32>
    %mul3A_365 = vector.broadcast %slice3A_364 : vector<1x512xf32> to vector<7x512xf32>
    %mul3A_366 = arith.mulf %mul3A_365, %slice3A_353 : vector<7x512xf32>
    %slice3A_367 = vector.extract_strided_slice %slice3A_352 {offsets = [4, 0], sizes = [1, 512], strides = [1, 1]} : vector<7x512xf32> to vector<1x512xf32>
    %mul3A_368 = vector.broadcast %slice3A_367 : vector<1x512xf32> to vector<7x512xf32>
    %mul3A_369 = arith.mulf %mul3A_368, %slice3A_353 : vector<7x512xf32>
    %slice3A_370 = vector.extract_strided_slice %slice3A_352 {offsets = [5, 0], sizes = [1, 512], strides = [1, 1]} : vector<7x512xf32> to vector<1x512xf32>
    %mul3A_371 = vector.broadcast %slice3A_370 : vector<1x512xf32> to vector<7x512xf32>
    %mul3A_372 = arith.mulf %mul3A_371, %slice3A_353 : vector<7x512xf32>
    %slice3A_373 = vector.extract_strided_slice %slice3A_352 {offsets = [6, 0], sizes = [1, 512], strides = [1, 1]} : vector<7x512xf32> to vector<1x512xf32>
    %mul3A_374 = vector.broadcast %slice3A_373 : vector<1x512xf32> to vector<7x512xf32>
    %mul3A_375 = arith.mulf %mul3A_374, %slice3A_353 : vector<7x512xf32>
    %concatenate3A_376 = tpu.concatenate %mul3A_357, %mul3A_360, %mul3A_363, %mul3A_366, %mul3A_369, %mul3A_372, %mul3A_375 in 0 : vector<7x512xf32>, vector<7x512xf32>, vector<7x512xf32>, vector<7x512xf32>, vector<7x512xf32>, vector<7x512xf32>, vector<7x512xf32> -> vector<49x512xf32>
    %slice3A_377 = vector.extract_strided_slice %transpose3A {offsets = [12, 0], sizes = [1, 512], strides = [1, 1]} : vector<16x512xf32> to vector<1x512xf32>
    %mul3A_378 = vector.broadcast %slice3A_377 : vector<1x512xf32> to vector<49x512xf32>
    %mul3A_379 = arith.mulf %mul3A_378, %concatenate3A_376 : vector<49x512xf32>
    %reduce_max3A_380 = arith.constant dense<0xFF800000> : vector<512xf32>
    %reduce_max3A_381 = vector.multi_reduction <maximumf>, %mul3A_379, %reduce_max3A_380 [0] : vector<49x512xf32> to vector<512xf32>
    %broadcast_in_dim3A_382 = vector.shape_cast %reduce_max3A_381 : vector<512xf32> to vector<1x512xf32>
    %sub3A_383 = vector.broadcast %broadcast_in_dim3A_382 : vector<1x512xf32> to vector<49x512xf32>
    %sub3A_384 = arith.subf %mul3A_379, %sub3A_383 : vector<49x512xf32>
    %exp3A_385 = math.exp %sub3A_384 : vector<49x512xf32>
    %reduce_sum3A_386 = arith.constant dense<0.000000e+00> : vector<512xf32>
    %reduce_sum3A_387 = vector.multi_reduction <add>, %exp3A_385, %reduce_sum3A_386 [0] : vector<49x512xf32> to vector<512xf32>
    %broadcast_in_dim3A_388 = vector.shape_cast %reduce_sum3A_387 : vector<512xf32> to vector<1x512xf32>
    %mul3A_389 = arith.mulf %exp3A_385, %slice3A_354 : vector<49x512xf32>
    %reduce_sum3A_390 = arith.constant dense<0.000000e+00> : vector<512xf32>
    %reduce_sum3A_391 = vector.multi_reduction <add>, %mul3A_389, %reduce_sum3A_390 [0] : vector<49x512xf32> to vector<512xf32>
    %broadcast_in_dim3A_392 = vector.shape_cast %reduce_sum3A_391 : vector<512xf32> to vector<1x512xf32>
    %div3A_393 = arith.divf %broadcast_in_dim3A_392, %broadcast_in_dim3A_388 : vector<1x512xf32>
    %slice3A_394 = vector.extract_strided_slice %transpose3A {offsets = [13, 0], sizes = [1, 512], strides = [1, 1]} : vector<16x512xf32> to vector<1x512xf32>
    %mul3A_395 = vector.broadcast %slice3A_394 : vector<1x512xf32> to vector<49x512xf32>
    %mul3A_396 = arith.mulf %mul3A_395, %concatenate3A_376 : vector<49x512xf32>
    %reduce_max3A_397 = arith.constant dense<0xFF800000> : vector<512xf32>
    %reduce_max3A_398 = vector.multi_reduction <maximumf>, %mul3A_396, %reduce_max3A_397 [0] : vector<49x512xf32> to vector<512xf32>
    %broadcast_in_dim3A_399 = vector.shape_cast %reduce_max3A_398 : vector<512xf32> to vector<1x512xf32>
    %sub3A_400 = vector.broadcast %broadcast_in_dim3A_399 : vector<1x512xf32> to vector<49x512xf32>
    %sub3A_401 = arith.subf %mul3A_396, %sub3A_400 : vector<49x512xf32>
    %exp3A_402 = math.exp %sub3A_401 : vector<49x512xf32>
    %reduce_sum3A_403 = arith.constant dense<0.000000e+00> : vector<512xf32>
    %reduce_sum3A_404 = vector.multi_reduction <add>, %exp3A_402, %reduce_sum3A_403 [0] : vector<49x512xf32> to vector<512xf32>
    %broadcast_in_dim3A_405 = vector.shape_cast %reduce_sum3A_404 : vector<512xf32> to vector<1x512xf32>
    %mul3A_406 = arith.mulf %exp3A_402, %slice3A_354 : vector<49x512xf32>
    %reduce_sum3A_407 = arith.constant dense<0.000000e+00> : vector<512xf32>
    %reduce_sum3A_408 = vector.multi_reduction <add>, %mul3A_406, %reduce_sum3A_407 [0] : vector<49x512xf32> to vector<512xf32>
    %broadcast_in_dim3A_409 = vector.shape_cast %reduce_sum3A_408 : vector<512xf32> to vector<1x512xf32>
    %div3A_410 = arith.divf %broadcast_in_dim3A_409, %broadcast_in_dim3A_405 : vector<1x512xf32>
    %slice3A_411 = vector.extract_strided_slice %transpose3A {offsets = [14, 0], sizes = [1, 512], strides = [1, 1]} : vector<16x512xf32> to vector<1x512xf32>
    %mul3A_412 = vector.broadcast %slice3A_411 : vector<1x512xf32> to vector<49x512xf32>
    %mul3A_413 = arith.mulf %mul3A_412, %concatenate3A_376 : vector<49x512xf32>
    %reduce_max3A_414 = arith.constant dense<0xFF800000> : vector<512xf32>
    %reduce_max3A_415 = vector.multi_reduction <maximumf>, %mul3A_413, %reduce_max3A_414 [0] : vector<49x512xf32> to vector<512xf32>
    %broadcast_in_dim3A_416 = vector.shape_cast %reduce_max3A_415 : vector<512xf32> to vector<1x512xf32>
    %sub3A_417 = vector.broadcast %broadcast_in_dim3A_416 : vector<1x512xf32> to vector<49x512xf32>
    %sub3A_418 = arith.subf %mul3A_413, %sub3A_417 : vector<49x512xf32>
    %exp3A_419 = math.exp %sub3A_418 : vector<49x512xf32>
    %reduce_sum3A_420 = arith.constant dense<0.000000e+00> : vector<512xf32>
    %reduce_sum3A_421 = vector.multi_reduction <add>, %exp3A_419, %reduce_sum3A_420 [0] : vector<49x512xf32> to vector<512xf32>
    %broadcast_in_dim3A_422 = vector.shape_cast %reduce_sum3A_421 : vector<512xf32> to vector<1x512xf32>
    %mul3A_423 = arith.mulf %exp3A_419, %slice3A_354 : vector<49x512xf32>
    %reduce_sum3A_424 = arith.constant dense<0.000000e+00> : vector<512xf32>
    %reduce_sum3A_425 = vector.multi_reduction <add>, %mul3A_423, %reduce_sum3A_424 [0] : vector<49x512xf32> to vector<512xf32>
    %broadcast_in_dim3A_426 = vector.shape_cast %reduce_sum3A_425 : vector<512xf32> to vector<1x512xf32>
    %div3A_427 = arith.divf %broadcast_in_dim3A_426, %broadcast_in_dim3A_422 : vector<1x512xf32>
    %slice3A_428 = vector.extract_strided_slice %transpose3A {offsets = [15, 0], sizes = [1, 512], strides = [1, 1]} : vector<16x512xf32> to vector<1x512xf32>
    %mul3A_429 = vector.broadcast %slice3A_428 : vector<1x512xf32> to vector<49x512xf32>
    %mul3A_430 = arith.mulf %mul3A_429, %concatenate3A_376 : vector<49x512xf32>
    %reduce_max3A_431 = arith.constant dense<0xFF800000> : vector<512xf32>
    %reduce_max3A_432 = vector.multi_reduction <maximumf>, %mul3A_430, %reduce_max3A_431 [0] : vector<49x512xf32> to vector<512xf32>
    %broadcast_in_dim3A_433 = vector.shape_cast %reduce_max3A_432 : vector<512xf32> to vector<1x512xf32>
    %sub3A_434 = vector.broadcast %broadcast_in_dim3A_433 : vector<1x512xf32> to vector<49x512xf32>
    %sub3A_435 = arith.subf %mul3A_430, %sub3A_434 : vector<49x512xf32>
    %exp3A_436 = math.exp %sub3A_435 : vector<49x512xf32>
    %reduce_sum3A_437 = arith.constant dense<0.000000e+00> : vector<512xf32>
    %reduce_sum3A_438 = vector.multi_reduction <add>, %exp3A_436, %reduce_sum3A_437 [0] : vector<49x512xf32> to vector<512xf32>
    %broadcast_in_dim3A_439 = vector.shape_cast %reduce_sum3A_438 : vector<512xf32> to vector<1x512xf32>
    %mul3A_440 = arith.mulf %exp3A_436, %slice3A_354 : vector<49x512xf32>
    %reduce_sum3A_441 = arith.constant dense<0.000000e+00> : vector<512xf32>
    %reduce_sum3A_442 = vector.multi_reduction <add>, %mul3A_440, %reduce_sum3A_441 [0] : vector<49x512xf32> to vector<512xf32>
    %broadcast_in_dim3A_443 = vector.shape_cast %reduce_sum3A_442 : vector<512xf32> to vector<1x512xf32>
    %div3A_444 = arith.divf %broadcast_in_dim3A_443, %broadcast_in_dim3A_439 : vector<1x512xf32>
    %concatenate3A_445 = tpu.concatenate %div3A, %div3A_131, %div3A_148, %div3A_165, %div3A_207, %div3A_224, %div3A_241, %div3A_258, %div3A_300, %div3A_317, %div3A_334, %div3A_351, %div3A_393, %div3A_410, %div3A_427, %div3A_444 in 0 : vector<1x512xf32>, vector<1x512xf32>, vector<1x512xf32>, vector<1x512xf32>, vector<1x512xf32>, vector<1x512xf32>, vector<1x512xf32>, vector<1x512xf32>, vector<1x512xf32>, vector<1x512xf32>, vector<1x512xf32>, vector<1x512xf32>, vector<1x512xf32>, vector<1x512xf32>, vector<1x512xf32>, vector<1x512xf32> -> vector<16x512xf32>
    %transpose3A_446 = tpu.transpose %concatenate3A_445, [1, 0] : vector<16x512xf32> -> vector<512x16xf32>
    %get3A_447 = arith.constant 0 : index
    %get3A_448 = arith.constant 0 : index
    %get3A_449 = vector.load %arg17[%get3A_447, %get3A_448] : memref<16x64xf32, #tpu.memory_space<vmem>>, vector<16x64xf32>
    %dot_general3A_450 = arith.constant dense<0.000000e+00> : vector<512x64xf32>
    %dot_general3A_451 = tpu.matmul %get3A_1, %get3A_449, %dot_general3A_450 {dimension_numbers = #tpu.dot_dimension_numbers<[1], [0], [0], [1], [0, 0, 1, 1], [], []>, transpose_lhs_hint = false} : vector<512x16xf32>, vector<16x64xf32>, vector<512x64xf32> -> vector<512x64xf32>
    %get3A_452 = arith.constant 0 : index
    %get3A_453 = arith.constant 0 : index
    %get3A_454 = vector.load %arg18[%get3A_452, %get3A_453] : memref<16x64xf32, #tpu.memory_space<vmem>>, vector<16x64xf32>
    %dot_general3A_455 = arith.constant dense<0.000000e+00> : vector<512x64xf32>
    %dot_general3A_456 = tpu.matmul %get3A_4, %get3A_454, %dot_general3A_455 {dimension_numbers = #tpu.dot_dimension_numbers<[1], [0], [0], [1], [0, 0, 1, 1], [], []>, transpose_lhs_hint = false} : vector<512x16xf32>, vector<16x64xf32>, vector<512x64xf32> -> vector<512x64xf32>
    %add3A_457 = arith.addf %dot_general3A_451, %dot_general3A_456 : vector<512x64xf32>
    %get3A_458 = arith.constant 0 : index
    %get3A_459 = arith.constant 0 : index
    %get3A_460 = vector.load %arg19[%get3A_458, %get3A_459] : memref<16x64xf32, #tpu.memory_space<vmem>>, vector<16x64xf32>
    %dot_general3A_461 = arith.constant dense<0.000000e+00> : vector<512x64xf32>
    %dot_general3A_462 = tpu.matmul %get3A_7, %get3A_460, %dot_general3A_461 {dimension_numbers = #tpu.dot_dimension_numbers<[1], [0], [0], [1], [0, 0, 1, 1], [], []>, transpose_lhs_hint = false} : vector<512x16xf32>, vector<16x64xf32>, vector<512x64xf32> -> vector<512x64xf32>
    %add3A_463 = arith.addf %add3A_457, %dot_general3A_462 : vector<512x64xf32>
    %get3A_464 = arith.constant 0 : index
    %get3A_465 = arith.constant 0 : index
    %get3A_466 = vector.load %arg20[%get3A_464, %get3A_465] : memref<16x64xf32, #tpu.memory_space<vmem>>, vector<16x64xf32>
    %dot_general3A_467 = arith.constant dense<0.000000e+00> : vector<512x64xf32>
    %dot_general3A_468 = tpu.matmul %transpose3A_446, %get3A_466, %dot_general3A_467 {dimension_numbers = #tpu.dot_dimension_numbers<[1], [0], [0], [1], [0, 0, 1, 1], [], []>, transpose_lhs_hint = false} : vector<512x16xf32>, vector<16x64xf32>, vector<512x64xf32> -> vector<512x64xf32>
    %add3A_469 = arith.addf %add3A_463, %dot_general3A_468 : vector<512x64xf32>
    %get3A_470 = arith.constant 0 : index
    %get3A_471 = arith.constant 0 : index
    %get3A_472 = vector.load %arg21[%get3A_470, %get3A_471] : memref<1x64xf32, #tpu.memory_space<vmem>>, vector<1x64xf32>
    %add3A_473 = vector.broadcast %get3A_472 : vector<1x64xf32> to vector<512x64xf32>
    %add3A_474 = arith.addf %add3A_469, %add3A_473 : vector<512x64xf32>
    %max3A_475 = arith.constant 0.000000e+00 : f32
    %max3A_476 = vector.broadcast %max3A_475 : f32 to vector<512x64xf32>
    %max3A_477 = arith.maximumf %add3A_474, %max3A_476 : vector<512x64xf32>
    %get3A_478 = arith.constant 0 : index
    %get3A_479 = arith.constant 0 : index
    %get3A_480 = vector.load %arg22[%get3A_478, %get3A_479] : memref<64x64xf32, #tpu.memory_space<vmem>>, vector<64x64xf32>
    %dot_general3A_481 = arith.constant dense<0.000000e+00> : vector<512x64xf32>
    %dot_general3A_482 = tpu.matmul %max3A_477, %get3A_480, %dot_general3A_481 {dimension_numbers = #tpu.dot_dimension_numbers<[1], [0], [0], [1], [0, 0, 1, 1], [], []>, transpose_lhs_hint = false} : vector<512x64xf32>, vector<64x64xf32>, vector<512x64xf32> -> vector<512x64xf32>
    %get3A_483 = arith.constant 0 : index
    %get3A_484 = arith.constant 0 : index
    %get3A_485 = vector.load %arg23[%get3A_483, %get3A_484] : memref<1x64xf32, #tpu.memory_space<vmem>>, vector<1x64xf32>
    %add3A_486 = vector.broadcast %get3A_485 : vector<1x64xf32> to vector<512x64xf32>
    %add3A_487 = arith.addf %dot_general3A_482, %add3A_486 : vector<512x64xf32>
    %max3A_488 = arith.constant 0.000000e+00 : f32
    %max3A_489 = vector.broadcast %max3A_488 : f32 to vector<512x64xf32>
    %max3A_490 = arith.maximumf %add3A_487, %max3A_489 : vector<512x64xf32>
    %get3A_491 = arith.constant 0 : index
    %get3A_492 = arith.constant 0 : index
    %get3A_493 = vector.load %arg24[%get3A_491, %get3A_492] : memref<64x64xf32, #tpu.memory_space<vmem>>, vector<64x64xf32>
    %dot_general3A_494 = arith.constant dense<0.000000e+00> : vector<512x64xf32>
    %dot_general3A_495 = tpu.matmul %max3A_490, %get3A_493, %dot_general3A_494 {dimension_numbers = #tpu.dot_dimension_numbers<[1], [0], [0], [1], [0, 0, 1, 1], [], []>, transpose_lhs_hint = false} : vector<512x64xf32>, vector<64x64xf32>, vector<512x64xf32> -> vector<512x64xf32>
    %get3A_496 = arith.constant 0 : index
    %get3A_497 = arith.constant 0 : index
    %get3A_498 = vector.load %arg25[%get3A_496, %get3A_497] : memref<1x64xf32, #tpu.memory_space<vmem>>, vector<1x64xf32>
    %add3A_499 = vector.broadcast %get3A_498 : vector<1x64xf32> to vector<512x64xf32>
    %add3A_500 = arith.addf %dot_general3A_495, %add3A_499 : vector<512x64xf32>
    %max3A_501 = arith.constant 0.000000e+00 : f32
    %max3A_502 = vector.broadcast %max3A_501 : f32 to vector<512x64xf32>
    %max3A_503 = arith.maximumf %add3A_500, %max3A_502 : vector<512x64xf32>
    %get3A_504 = arith.constant 0 : index
    %get3A_505 = arith.constant 0 : index
    %get3A_506 = vector.load %arg26[%get3A_504, %get3A_505] : memref<64x64xf32, #tpu.memory_space<vmem>>, vector<64x64xf32>
    %dot_general3A_507 = arith.constant dense<0.000000e+00> : vector<512x64xf32>
    %dot_general3A_508 = tpu.matmul %max3A_503, %get3A_506, %dot_general3A_507 {dimension_numbers = #tpu.dot_dimension_numbers<[1], [0], [0], [1], [0, 0, 1, 1], [], []>, transpose_lhs_hint = false} : vector<512x64xf32>, vector<64x64xf32>, vector<512x64xf32> -> vector<512x64xf32>
    %get3A_509 = arith.constant 0 : index
    %get3A_510 = arith.constant 0 : index
    %get3A_511 = vector.load %arg27[%get3A_509, %get3A_510] : memref<1x64xf32, #tpu.memory_space<vmem>>, vector<1x64xf32>
    %add3A_512 = vector.broadcast %get3A_511 : vector<1x64xf32> to vector<512x64xf32>
    %add3A_513 = arith.addf %dot_general3A_508, %add3A_512 : vector<512x64xf32>
    %max3A_514 = arith.constant 0.000000e+00 : f32
    %max3A_515 = vector.broadcast %max3A_514 : f32 to vector<512x64xf32>
    %max3A_516 = arith.maximumf %add3A_513, %max3A_515 : vector<512x64xf32>
    %get3A_517 = arith.constant 0 : index
    %get3A_518 = arith.constant 0 : index
    %get3A_519 = vector.load %arg28[%get3A_517, %get3A_518] : memref<64x80xf32, #tpu.memory_space<vmem>>, vector<64x80xf32>
    %dot_general3A_520 = arith.constant dense<0.000000e+00> : vector<512x80xf32>
    %dot_general3A_521 = tpu.matmul %max3A_516, %get3A_519, %dot_general3A_520 {dimension_numbers = #tpu.dot_dimension_numbers<[1], [0], [0], [1], [0, 0, 1, 1], [], []>, transpose_lhs_hint = false} : vector<512x64xf32>, vector<64x80xf32>, vector<512x80xf32> -> vector<512x80xf32>
    %get3A_522 = arith.constant 0 : index
    %get3A_523 = arith.constant 0 : index
    %get3A_524 = vector.load %arg29[%get3A_522, %get3A_523] : memref<1x80xf32, #tpu.memory_space<vmem>>, vector<1x80xf32>
    %add3A_525 = vector.broadcast %get3A_524 : vector<1x80xf32> to vector<512x80xf32>
    %add3A_526 = arith.addf %dot_general3A_521, %add3A_525 : vector<512x80xf32>
    %slice3A_527 = vector.extract_strided_slice %add3A_526 {offsets = [0, 0], sizes = [512, 1], strides = [1, 1]} : vector<512x80xf32> to vector<512x1xf32>
    %logistic3A = arith.negf %slice3A_527 : vector<512x1xf32>
    %logistic3A_528 = math.exp %logistic3A : vector<512x1xf32>
    %logistic3A_529 = arith.constant 1.000000e+00 : f32
    %logistic3A_530 = vector.broadcast %logistic3A_529 : f32 to vector<512x1xf32>
    %logistic3A_531 = arith.addf %logistic3A_530, %logistic3A_528 : vector<512x1xf32>
    %logistic3A_532 = arith.divf %logistic3A_530, %logistic3A_531 : vector<512x1xf32>
    %broadcast_in_dim3A_533 = arith.constant 1.000000e+00 : f32
    %broadcast_in_dim3A_534 = vector.broadcast %broadcast_in_dim3A_533 : f32 to vector<512x1xf32>
    %broadcast_in_dim3A_535 = arith.constant 0.000000e+00 : f32
    %broadcast_in_dim3A_536 = vector.broadcast %broadcast_in_dim3A_535 : f32 to vector<512x15xf32>
    %slice3A_537 = vector.extract_strided_slice %add3A_526 {offsets = [0, 1], sizes = [512, 32], strides = [1, 1]} : vector<512x80xf32> to vector<512x32xf32>
    %mul3A_538 = vector.broadcast %logistic3A_532 : vector<512x1xf32> to vector<512x32xf32>
    %mul3A_539 = arith.mulf %slice3A_537, %mul3A_538 : vector<512x32xf32>
    %concatenate3A_540 = tpu.concatenate %mul3A_539, %broadcast_in_dim3A_534, %broadcast_in_dim3A_536 in 1 : vector<512x32xf32>, vector<512x1xf32>, vector<512x15xf32> -> vector<512x48xf32>
    %swap3A = arith.constant 0 : index
    %swap3A_541 = arith.constant 0 : index
    %swap3A_542 = vector.load %arg30[%swap3A, %swap3A_541] : memref<512x48xf32, #tpu.memory_space<vmem>>, vector<512x48xf32>
    tpu.vector_store %arg30[%swap3A, %swap3A_541], %concatenate3A_540 {strides = array<i32>} : memref<512x48xf32, #tpu.memory_space<vmem>>, vector<512x48xf32>,
    %slice3A_543 = vector.extract_strided_slice %add3A_526 {offsets = [0, 33], sizes = [512, 32], strides = [1, 1]} : vector<512x80xf32> to vector<512x32xf32>
    %mul3A_544 = vector.broadcast %logistic3A_532 : vector<512x1xf32> to vector<512x32xf32>
    %mul3A_545 = arith.mulf %slice3A_543, %mul3A_544 : vector<512x32xf32>
    %swap3A_546 = arith.constant 0 : index
    %swap3A_547 = arith.constant 0 : index
    %swap3A_548 = vector.load %arg31[%swap3A_546, %swap3A_547] : memref<512x32xf32, #tpu.memory_space<vmem>>, vector<512x32xf32>
    tpu.vector_store %arg31[%swap3A_546, %swap3A_547], %mul3A_545 {strides = array<i32>} : memref<512x32xf32, #tpu.memory_space<vmem>>, vector<512x32xf32>,
    %slice3A_549 = vector.extract_strided_slice %add3A_526 {offsets = [0, 65], sizes = [512, 4], strides = [1, 1]} : vector<512x80xf32> to vector<512x4xf32>
    %swap3A_550 = arith.constant 0 : index
    %swap3A_551 = arith.constant 0 : index
    %swap3A_552 = vector.load %arg32[%swap3A_550, %swap3A_551] : memref<512x4xf32, #tpu.memory_space<vmem>>, vector<512x4xf32>
    tpu.vector_store %arg32[%swap3A_550, %swap3A_551], %slice3A_549 {strides = array<i32>} : memref<512x4xf32, #tpu.memory_space<vmem>>, vector<512x4xf32>,
    return
  }
  func.func @transform_0(%arg0: i32) -> (i32, i32) {
    %c0_i32 = arith.constant 0 : i32
    %c0_i32_0 = arith.constant 0 : i32
    return %arg0, %c0_i32 : i32, i32
  }
  func.func @transform_1(%arg0: i32) -> (i32, i32) {
    %c0_i32 = arith.constant 0 : i32
    %c0_i32_0 = arith.constant 0 : i32
    return %arg0, %c0_i32 : i32, i32
  }
  func.func @transform_2(%arg0: i32) -> (i32, i32) {
    %c0_i32 = arith.constant 0 : i32
    %c0_i32_0 = arith.constant 0 : i32
    return %arg0, %c0_i32 : i32, i32
  }
  func.func @transform_3(%arg0: i32) -> (i32, i32) {
    %c0_i32 = arith.constant 0 : i32
    %c0_i32_0 = arith.constant 0 : i32
    return %c0_i32, %arg0 : i32, i32
  }
  func.func @transform_4(%arg0: i32) -> (i32, i32) {
    %c0_i32 = arith.constant 0 : i32
    %c0_i32_0 = arith.constant 0 : i32
    %c0_i32_1 = arith.constant 0 : i32
    return %c0_i32, %c0_i32_0 : i32, i32
  }
  func.func @transform_5(%arg0: i32) -> (i32, i32) {
    %c0_i32 = arith.constant 0 : i32
    %c0_i32_0 = arith.constant 0 : i32
    %c0_i32_1 = arith.constant 0 : i32
    return %c0_i32, %c0_i32_0 : i32, i32
  }
  func.func @transform_6(%arg0: i32) -> (i32, i32) {
    %c0_i32 = arith.constant 0 : i32
    %c0_i32_0 = arith.constant 0 : i32
    %c0_i32_1 = arith.constant 0 : i32
    return %c0_i32, %c0_i32_0 : i32, i32
  }
  func.func @transform_7(%arg0: i32) -> (i32, i32) {
    %c0_i32 = arith.constant 0 : i32
    %c0_i32_0 = arith.constant 0 : i32
    %c0_i32_1 = arith.constant 0 : i32
    return %c0_i32, %c0_i32_0 : i32, i32
  }
  func.func @transform_8(%arg0: i32) -> (i32, i32) {
    %c0_i32 = arith.constant 0 : i32
    %c0_i32_0 = arith.constant 0 : i32
    %c0_i32_1 = arith.constant 0 : i32
    return %c0_i32, %c0_i32_0 : i32, i32
  }
  func.func @transform_9(%arg0: i32) -> (i32, i32) {
    %c0_i32 = arith.constant 0 : i32
    %c0_i32_0 = arith.constant 0 : i32
    %c0_i32_1 = arith.constant 0 : i32
    return %c0_i32, %c0_i32_0 : i32, i32
  }
  func.func @transform_10(%arg0: i32) -> (i32, i32) {
    %c0_i32 = arith.constant 0 : i32
    %c0_i32_0 = arith.constant 0 : i32
    %c0_i32_1 = arith.constant 0 : i32
    return %c0_i32, %c0_i32_0 : i32, i32
  }
  func.func @transform_11(%arg0: i32) -> (i32, i32) {
    %c0_i32 = arith.constant 0 : i32
    %c0_i32_0 = arith.constant 0 : i32
    %c0_i32_1 = arith.constant 0 : i32
    return %c0_i32, %c0_i32_0 : i32, i32
  }
  func.func @transform_12(%arg0: i32) -> (i32, i32) {
    %c0_i32 = arith.constant 0 : i32
    %c0_i32_0 = arith.constant 0 : i32
    %c0_i32_1 = arith.constant 0 : i32
    return %c0_i32, %c0_i32_0 : i32, i32
  }
  func.func @transform_13(%arg0: i32) -> (i32, i32) {
    %c0_i32 = arith.constant 0 : i32
    %c0_i32_0 = arith.constant 0 : i32
    %c0_i32_1 = arith.constant 0 : i32
    return %c0_i32, %c0_i32_0 : i32, i32
  }
  func.func @transform_14(%arg0: i32) -> (i32, i32) {
    %c0_i32 = arith.constant 0 : i32
    %c0_i32_0 = arith.constant 0 : i32
    %c0_i32_1 = arith.constant 0 : i32
    return %c0_i32, %c0_i32_0 : i32, i32
  }
  func.func @transform_15(%arg0: i32) -> (i32, i32) {
    %c0_i32 = arith.constant 0 : i32
    %c0_i32_0 = arith.constant 0 : i32
    %c0_i32_1 = arith.constant 0 : i32
    return %c0_i32, %c0_i32_0 : i32, i32
  }
  func.func @transform_16(%arg0: i32) -> (i32, i32) {
    %c0_i32 = arith.constant 0 : i32
    %c0_i32_0 = arith.constant 0 : i32
    %c0_i32_1 = arith.constant 0 : i32
    return %c0_i32, %c0_i32_0 : i32, i32
  }
  func.func @transform_17(%arg0: i32) -> (i32, i32) {
    %c0_i32 = arith.constant 0 : i32
    %c0_i32_0 = arith.constant 0 : i32
    %c0_i32_1 = arith.constant 0 : i32
    return %c0_i32, %c0_i32_0 : i32, i32
  }
  func.func @transform_18(%arg0: i32) -> (i32, i32) {
    %c0_i32 = arith.constant 0 : i32
    %c0_i32_0 = arith.constant 0 : i32
    %c0_i32_1 = arith.constant 0 : i32
    return %c0_i32, %c0_i32_0 : i32, i32
  }
  func.func @transform_19(%arg0: i32) -> (i32, i32) {
    %c0_i32 = arith.constant 0 : i32
    %c0_i32_0 = arith.constant 0 : i32
    %c0_i32_1 = arith.constant 0 : i32
    return %c0_i32, %c0_i32_0 : i32, i32
  }
  func.func @transform_20(%arg0: i32) -> (i32, i32) {
    %c0_i32 = arith.constant 0 : i32
    %c0_i32_0 = arith.constant 0 : i32
    %c0_i32_1 = arith.constant 0 : i32
    return %c0_i32, %c0_i32_0 : i32, i32
  }
  func.func @transform_21(%arg0: i32) -> (i32, i32) {
    %c0_i32 = arith.constant 0 : i32
    %c0_i32_0 = arith.constant 0 : i32
    %c0_i32_1 = arith.constant 0 : i32
    return %c0_i32, %c0_i32_0 : i32, i32
  }
  func.func @transform_22(%arg0: i32) -> (i32, i32) {
    %c0_i32 = arith.constant 0 : i32
    %c0_i32_0 = arith.constant 0 : i32
    %c0_i32_1 = arith.constant 0 : i32
    return %c0_i32, %c0_i32_0 : i32, i32
  }
  func.func @transform_23(%arg0: i32) -> (i32, i32) {
    %c0_i32 = arith.constant 0 : i32
    %c0_i32_0 = arith.constant 0 : i32
    %c0_i32_1 = arith.constant 0 : i32
    return %c0_i32, %c0_i32_0 : i32, i32
  }
  func.func @transform_24(%arg0: i32) -> (i32, i32) {
    %c0_i32 = arith.constant 0 : i32
    %c0_i32_0 = arith.constant 0 : i32
    %c0_i32_1 = arith.constant 0 : i32
    return %c0_i32, %c0_i32_0 : i32, i32
  }
  func.func @transform_25(%arg0: i32) -> (i32, i32) {
    %c0_i32 = arith.constant 0 : i32
    %c0_i32_0 = arith.constant 0 : i32
    %c0_i32_1 = arith.constant 0 : i32
    return %c0_i32, %c0_i32_0 : i32, i32
  }
  func.func @transform_26(%arg0: i32) -> (i32, i32) {
    %c0_i32 = arith.constant 0 : i32
    %c0_i32_0 = arith.constant 0 : i32
    %c0_i32_1 = arith.constant 0 : i32
    return %c0_i32, %c0_i32_0 : i32, i32
  }
  func.func @transform_27(%arg0: i32) -> (i32, i32) {
    %c0_i32 = arith.constant 0 : i32
    %c0_i32_0 = arith.constant 0 : i32
    %c0_i32_1 = arith.constant 0 : i32
    return %c0_i32, %c0_i32_0 : i32, i32
  }
  func.func @transform_28(%arg0: i32) -> (i32, i32) {
    %c0_i32 = arith.constant 0 : i32
    %c0_i32_0 = arith.constant 0 : i32
    %c0_i32_1 = arith.constant 0 : i32
    return %c0_i32, %c0_i32_0 : i32, i32
  }
  func.func @transform_29(%arg0: i32) -> (i32, i32) {
    %c0_i32 = arith.constant 0 : i32
    %c0_i32_0 = arith.constant 0 : i32
    return %arg0, %c0_i32 : i32, i32
  }
  func.func @transform_30(%arg0: i32) -> (i32, i32) {
    %c0_i32 = arith.constant 0 : i32
    %c0_i32_0 = arith.constant 0 : i32
    return %arg0, %c0_i32 : i32, i32
  }
  func.func @transform_31(%arg0: i32) -> (i32, i32) {
    %c0_i32 = arith.constant 0 : i32
    %c0_i32_0 = arith.constant 0 : i32
    return %arg0, %c0_i32 : i32, i32
  }
}

module attributes {stable_mosaic.version = 14 : i64} {
  func.func @body(%arg0: i32, %arg1: memref<2560x16xf32, #tpu.memory_space<vmem>>, %arg2: memref<2560x48xf32, #tpu.memory_space<vmem>>, %arg3: memref<2560x48xf32, #tpu.memory_space<vmem>>, %arg4: memref<2560x32xf32, #tpu.memory_space<vmem>>, %arg5: memref<2560x32xf32, #tpu.memory_space<vmem>>, %arg6: memref<16x64xf32, #tpu.memory_space<vmem>>, %arg7: memref<48x64xf32, #tpu.memory_space<vmem>>, %arg8: memref<32x64xf32, #tpu.memory_space<vmem>>, %arg9: memref<1x64xf32, #tpu.memory_space<vmem>>, %arg10: memref<64x64xf32, #tpu.memory_space<vmem>>, %arg11: memref<1x64xf32, #tpu.memory_space<vmem>>, %arg12: memref<64x64xf32, #tpu.memory_space<vmem>>, %arg13: memref<1x64xf32, #tpu.memory_space<vmem>>, %arg14: memref<64x64xf32, #tpu.memory_space<vmem>>, %arg15: memref<1x64xf32, #tpu.memory_space<vmem>>, %arg16: memref<64x16xf32, #tpu.memory_space<vmem>>, %arg17: memref<1x16xf32, #tpu.memory_space<vmem>>, %arg18: memref<2560x16xf32, #tpu.memory_space<vmem>>) attributes {dimension_semantics = [#tpu.dimension_semantics<arbitrary>], iteration_bounds = array<i64: 1>, scalar_prefetch = 0 : i64, scratch_operands = 0 : i64, tpu.core_type = #tpu.core_type<tc>, window_params = [{transform_indices = @transform_0, window_bounds = array<i64: 2560, 16>}, {transform_indices = @transform_1, window_bounds = array<i64: 2560, 48>}, {transform_indices = @transform_2, window_bounds = array<i64: 2560, 48>}, {transform_indices = @transform_3, window_bounds = array<i64: 2560, 32>}, {transform_indices = @transform_4, window_bounds = array<i64: 2560, 32>}, {pipeline_mode = #tpu.pipeline_mode<synchronous>, transform_indices = @transform_5, window_bounds = array<i64: 16, 64>}, {pipeline_mode = #tpu.pipeline_mode<synchronous>, transform_indices = @transform_6, window_bounds = array<i64: 48, 64>}, {pipeline_mode = #tpu.pipeline_mode<synchronous>, transform_indices = @transform_7, window_bounds = array<i64: 32, 64>}, {pipeline_mode = #tpu.pipeline_mode<synchronous>, transform_indices = @transform_8, window_bounds = array<i64: 1, 64>}, {pipeline_mode = #tpu.pipeline_mode<synchronous>, transform_indices = @transform_9, window_bounds = array<i64: 64, 64>}, {pipeline_mode = #tpu.pipeline_mode<synchronous>, transform_indices = @transform_10, window_bounds = array<i64: 1, 64>}, {pipeline_mode = #tpu.pipeline_mode<synchronous>, transform_indices = @transform_11, window_bounds = array<i64: 64, 64>}, {pipeline_mode = #tpu.pipeline_mode<synchronous>, transform_indices = @transform_12, window_bounds = array<i64: 1, 64>}, {pipeline_mode = #tpu.pipeline_mode<synchronous>, transform_indices = @transform_13, window_bounds = array<i64: 64, 64>}, {pipeline_mode = #tpu.pipeline_mode<synchronous>, transform_indices = @transform_14, window_bounds = array<i64: 1, 64>}, {pipeline_mode = #tpu.pipeline_mode<synchronous>, transform_indices = @transform_15, window_bounds = array<i64: 64, 16>}, {pipeline_mode = #tpu.pipeline_mode<synchronous>, transform_indices = @transform_16, window_bounds = array<i64: 1, 16>}, {transform_indices = @transform_17, window_bounds = array<i64: 2560, 16>}]} {
    %get3A = arith.constant 0 : index
    %get3A_0 = arith.constant 0 : index
    %get3A_1 = vector.load %arg1[%get3A, %get3A_0] : memref<2560x16xf32, #tpu.memory_space<vmem>>, vector<2560x16xf32>
    %get3A_2 = arith.constant 0 : index
    %get3A_3 = arith.constant 0 : index
    %get3A_4 = vector.load %arg2[%get3A_2, %get3A_3] : memref<2560x48xf32, #tpu.memory_space<vmem>>, vector<2560x48xf32>
    %get3A_5 = arith.constant 0 : index
    %get3A_6 = arith.constant 0 : index
    %get3A_7 = vector.load %arg3[%get3A_5, %get3A_6] : memref<2560x48xf32, #tpu.memory_space<vmem>>, vector<2560x48xf32>
    %get3A_8 = arith.constant 0 : index
    %get3A_9 = arith.constant 0 : index
    %get3A_10 = vector.load %arg4[%get3A_8, %get3A_9] : memref<2560x32xf32, #tpu.memory_space<vmem>>, vector<2560x32xf32>
    %get3A_11 = arith.constant 0 : index
    %get3A_12 = arith.constant 0 : index
    %get3A_13 = vector.load %arg5[%get3A_11, %get3A_12] : memref<2560x32xf32, #tpu.memory_space<vmem>>, vector<2560x32xf32>
    %add3A = arith.addf %get3A_4, %get3A_7 : vector<2560x48xf32>
    %max3A = arith.maximumf %get3A_10, %get3A_13 : vector<2560x32xf32>
    %slice3A = vector.extract_strided_slice %add3A {offsets = [0, 32], sizes = [2560, 1], strides = [1, 1]} : vector<2560x48xf32> to vector<2560x1xf32>
    %sub3A = arith.subf %max3A, %max3A : vector<2560x32xf32>
    %eq3A = arith.constant 0.000000e+00 : f32
    %eq3A_14 = vector.broadcast %eq3A : f32 to vector<2560x32xf32>
    %eq3A_15 = arith.cmpf oeq, %sub3A, %eq3A_14 : vector<2560x32xf32>
    %gt3A = arith.constant 0.000000e+00 : f32
    %gt3A_16 = vector.broadcast %gt3A : f32 to vector<2560x1xf32>
    %gt3A_17 = arith.cmpf ogt, %slice3A, %gt3A_16 : vector<2560x1xf32>
    %and3A = vector.broadcast %gt3A_17 : vector<2560x1xi1> to vector<2560x32xi1>
    %and3A_18 = arith.andi %eq3A_15, %and3A : vector<2560x32xi1>
    %jit3A = arith.constant 0.000000e+00 : f32
    %broadcast_in_dim3A = vector.broadcast %jit3A : f32 to vector<2560x32xf32>
    %select_n3A = arith.select %and3A_18, %max3A, %broadcast_in_dim3A : vector<2560x32xi1>, vector<2560x32xf32>
    %get3A_19 = arith.constant 0 : index
    %get3A_20 = arith.constant 0 : index
    %get3A_21 = vector.load %arg6[%get3A_19, %get3A_20] : memref<16x64xf32, #tpu.memory_space<vmem>>, vector<16x64xf32>
    %dot_general3A = arith.constant dense<0.000000e+00> : vector<2560x64xf32>
    %dot_general3A_22 = tpu.matmul %get3A_1, %get3A_21, %dot_general3A {dimension_numbers = #tpu.dot_dimension_numbers<[1], [0], [0], [1], [0, 0, 1, 1], [], []>, transpose_lhs_hint = false} : vector<2560x16xf32>, vector<16x64xf32>, vector<2560x64xf32> -> vector<2560x64xf32>
    %get3A_23 = arith.constant 0 : index
    %get3A_24 = arith.constant 0 : index
    %get3A_25 = vector.load %arg7[%get3A_23, %get3A_24] : memref<48x64xf32, #tpu.memory_space<vmem>>, vector<48x64xf32>
    %dot_general3A_26 = arith.constant dense<0.000000e+00> : vector<2560x64xf32>
    %dot_general3A_27 = tpu.matmul %add3A, %get3A_25, %dot_general3A_26 {dimension_numbers = #tpu.dot_dimension_numbers<[1], [0], [0], [1], [0, 0, 1, 1], [], []>, transpose_lhs_hint = false} : vector<2560x48xf32>, vector<48x64xf32>, vector<2560x64xf32> -> vector<2560x64xf32>
    %add3A_28 = arith.addf %dot_general3A_22, %dot_general3A_27 : vector<2560x64xf32>
    %get3A_29 = arith.constant 0 : index
    %get3A_30 = arith.constant 0 : index
    %get3A_31 = vector.load %arg8[%get3A_29, %get3A_30] : memref<32x64xf32, #tpu.memory_space<vmem>>, vector<32x64xf32>
    %dot_general3A_32 = arith.constant dense<0.000000e+00> : vector<2560x64xf32>
    %dot_general3A_33 = tpu.matmul %select_n3A, %get3A_31, %dot_general3A_32 {dimension_numbers = #tpu.dot_dimension_numbers<[1], [0], [0], [1], [0, 0, 1, 1], [], []>, transpose_lhs_hint = false} : vector<2560x32xf32>, vector<32x64xf32>, vector<2560x64xf32> -> vector<2560x64xf32>
    %add3A_34 = arith.addf %add3A_28, %dot_general3A_33 : vector<2560x64xf32>
    %get3A_35 = arith.constant 0 : index
    %get3A_36 = arith.constant 0 : index
    %get3A_37 = vector.load %arg9[%get3A_35, %get3A_36] : memref<1x64xf32, #tpu.memory_space<vmem>>, vector<1x64xf32>
    %add3A_38 = vector.broadcast %get3A_37 : vector<1x64xf32> to vector<2560x64xf32>
    %add3A_39 = arith.addf %add3A_34, %add3A_38 : vector<2560x64xf32>
    %max3A_40 = arith.constant 0.000000e+00 : f32
    %max3A_41 = vector.broadcast %max3A_40 : f32 to vector<2560x64xf32>
    %max3A_42 = arith.maximumf %add3A_39, %max3A_41 : vector<2560x64xf32>
    %get3A_43 = arith.constant 0 : index
    %get3A_44 = arith.constant 0 : index
    %get3A_45 = vector.load %arg10[%get3A_43, %get3A_44] : memref<64x64xf32, #tpu.memory_space<vmem>>, vector<64x64xf32>
    %dot_general3A_46 = arith.constant dense<0.000000e+00> : vector<2560x64xf32>
    %dot_general3A_47 = tpu.matmul %max3A_42, %get3A_45, %dot_general3A_46 {dimension_numbers = #tpu.dot_dimension_numbers<[1], [0], [0], [1], [0, 0, 1, 1], [], []>, transpose_lhs_hint = false} : vector<2560x64xf32>, vector<64x64xf32>, vector<2560x64xf32> -> vector<2560x64xf32>
    %get3A_48 = arith.constant 0 : index
    %get3A_49 = arith.constant 0 : index
    %get3A_50 = vector.load %arg11[%get3A_48, %get3A_49] : memref<1x64xf32, #tpu.memory_space<vmem>>, vector<1x64xf32>
    %add3A_51 = vector.broadcast %get3A_50 : vector<1x64xf32> to vector<2560x64xf32>
    %add3A_52 = arith.addf %dot_general3A_47, %add3A_51 : vector<2560x64xf32>
    %max3A_53 = arith.constant 0.000000e+00 : f32
    %max3A_54 = vector.broadcast %max3A_53 : f32 to vector<2560x64xf32>
    %max3A_55 = arith.maximumf %add3A_52, %max3A_54 : vector<2560x64xf32>
    %get3A_56 = arith.constant 0 : index
    %get3A_57 = arith.constant 0 : index
    %get3A_58 = vector.load %arg12[%get3A_56, %get3A_57] : memref<64x64xf32, #tpu.memory_space<vmem>>, vector<64x64xf32>
    %dot_general3A_59 = arith.constant dense<0.000000e+00> : vector<2560x64xf32>
    %dot_general3A_60 = tpu.matmul %max3A_55, %get3A_58, %dot_general3A_59 {dimension_numbers = #tpu.dot_dimension_numbers<[1], [0], [0], [1], [0, 0, 1, 1], [], []>, transpose_lhs_hint = false} : vector<2560x64xf32>, vector<64x64xf32>, vector<2560x64xf32> -> vector<2560x64xf32>
    %get3A_61 = arith.constant 0 : index
    %get3A_62 = arith.constant 0 : index
    %get3A_63 = vector.load %arg13[%get3A_61, %get3A_62] : memref<1x64xf32, #tpu.memory_space<vmem>>, vector<1x64xf32>
    %add3A_64 = vector.broadcast %get3A_63 : vector<1x64xf32> to vector<2560x64xf32>
    %add3A_65 = arith.addf %dot_general3A_60, %add3A_64 : vector<2560x64xf32>
    %max3A_66 = arith.constant 0.000000e+00 : f32
    %max3A_67 = vector.broadcast %max3A_66 : f32 to vector<2560x64xf32>
    %max3A_68 = arith.maximumf %add3A_65, %max3A_67 : vector<2560x64xf32>
    %get3A_69 = arith.constant 0 : index
    %get3A_70 = arith.constant 0 : index
    %get3A_71 = vector.load %arg14[%get3A_69, %get3A_70] : memref<64x64xf32, #tpu.memory_space<vmem>>, vector<64x64xf32>
    %dot_general3A_72 = arith.constant dense<0.000000e+00> : vector<2560x64xf32>
    %dot_general3A_73 = tpu.matmul %max3A_68, %get3A_71, %dot_general3A_72 {dimension_numbers = #tpu.dot_dimension_numbers<[1], [0], [0], [1], [0, 0, 1, 1], [], []>, transpose_lhs_hint = false} : vector<2560x64xf32>, vector<64x64xf32>, vector<2560x64xf32> -> vector<2560x64xf32>
    %get3A_74 = arith.constant 0 : index
    %get3A_75 = arith.constant 0 : index
    %get3A_76 = vector.load %arg15[%get3A_74, %get3A_75] : memref<1x64xf32, #tpu.memory_space<vmem>>, vector<1x64xf32>
    %add3A_77 = vector.broadcast %get3A_76 : vector<1x64xf32> to vector<2560x64xf32>
    %add3A_78 = arith.addf %dot_general3A_73, %add3A_77 : vector<2560x64xf32>
    %max3A_79 = arith.constant 0.000000e+00 : f32
    %max3A_80 = vector.broadcast %max3A_79 : f32 to vector<2560x64xf32>
    %max3A_81 = arith.maximumf %add3A_78, %max3A_80 : vector<2560x64xf32>
    %get3A_82 = arith.constant 0 : index
    %get3A_83 = arith.constant 0 : index
    %get3A_84 = vector.load %arg16[%get3A_82, %get3A_83] : memref<64x16xf32, #tpu.memory_space<vmem>>, vector<64x16xf32>
    %dot_general3A_85 = arith.constant dense<0.000000e+00> : vector<2560x16xf32>
    %dot_general3A_86 = tpu.matmul %max3A_81, %get3A_84, %dot_general3A_85 {dimension_numbers = #tpu.dot_dimension_numbers<[1], [0], [0], [1], [0, 0, 1, 1], [], []>, transpose_lhs_hint = false} : vector<2560x64xf32>, vector<64x16xf32>, vector<2560x16xf32> -> vector<2560x16xf32>
    %get3A_87 = arith.constant 0 : index
    %get3A_88 = arith.constant 0 : index
    %get3A_89 = vector.load %arg17[%get3A_87, %get3A_88] : memref<1x16xf32, #tpu.memory_space<vmem>>, vector<1x16xf32>
    %add3A_90 = vector.broadcast %get3A_89 : vector<1x16xf32> to vector<2560x16xf32>
    %add3A_91 = arith.addf %dot_general3A_86, %add3A_90 : vector<2560x16xf32>
    %swap3A = arith.constant 0 : index
    %swap3A_92 = arith.constant 0 : index
    %swap3A_93 = vector.load %arg18[%swap3A, %swap3A_92] : memref<2560x16xf32, #tpu.memory_space<vmem>>, vector<2560x16xf32>
    tpu.vector_store %arg18[%swap3A, %swap3A_92], %add3A_91 {strides = array<i32>} : memref<2560x16xf32, #tpu.memory_space<vmem>>, vector<2560x16xf32>,
    return
  }
  func.func @transform_0(%arg0: i32) -> (i32, i32) {
    %c0_i32 = arith.constant 0 : i32
    %c0_i32_0 = arith.constant 0 : i32
    return %arg0, %c0_i32 : i32, i32
  }
  func.func @transform_1(%arg0: i32) -> (i32, i32) {
    %c0_i32 = arith.constant 0 : i32
    %c0_i32_0 = arith.constant 0 : i32
    return %arg0, %c0_i32 : i32, i32
  }
  func.func @transform_2(%arg0: i32) -> (i32, i32) {
    %c0_i32 = arith.constant 0 : i32
    %c0_i32_0 = arith.constant 0 : i32
    return %arg0, %c0_i32 : i32, i32
  }
  func.func @transform_3(%arg0: i32) -> (i32, i32) {
    %c0_i32 = arith.constant 0 : i32
    %c0_i32_0 = arith.constant 0 : i32
    return %arg0, %c0_i32 : i32, i32
  }
  func.func @transform_4(%arg0: i32) -> (i32, i32) {
    %c0_i32 = arith.constant 0 : i32
    %c0_i32_0 = arith.constant 0 : i32
    return %arg0, %c0_i32 : i32, i32
  }
  func.func @transform_5(%arg0: i32) -> (i32, i32) {
    %c0_i32 = arith.constant 0 : i32
    %c0_i32_0 = arith.constant 0 : i32
    %c0_i32_1 = arith.constant 0 : i32
    return %c0_i32, %c0_i32_0 : i32, i32
  }
  func.func @transform_6(%arg0: i32) -> (i32, i32) {
    %c0_i32 = arith.constant 0 : i32
    %c0_i32_0 = arith.constant 0 : i32
    %c0_i32_1 = arith.constant 0 : i32
    return %c0_i32, %c0_i32_0 : i32, i32
  }
  func.func @transform_7(%arg0: i32) -> (i32, i32) {
    %c0_i32 = arith.constant 0 : i32
    %c0_i32_0 = arith.constant 0 : i32
    %c0_i32_1 = arith.constant 0 : i32
    return %c0_i32, %c0_i32_0 : i32, i32
  }
  func.func @transform_8(%arg0: i32) -> (i32, i32) {
    %c0_i32 = arith.constant 0 : i32
    %c0_i32_0 = arith.constant 0 : i32
    %c0_i32_1 = arith.constant 0 : i32
    return %c0_i32, %c0_i32_0 : i32, i32
  }
  func.func @transform_9(%arg0: i32) -> (i32, i32) {
    %c0_i32 = arith.constant 0 : i32
    %c0_i32_0 = arith.constant 0 : i32
    %c0_i32_1 = arith.constant 0 : i32
    return %c0_i32, %c0_i32_0 : i32, i32
  }
  func.func @transform_10(%arg0: i32) -> (i32, i32) {
    %c0_i32 = arith.constant 0 : i32
    %c0_i32_0 = arith.constant 0 : i32
    %c0_i32_1 = arith.constant 0 : i32
    return %c0_i32, %c0_i32_0 : i32, i32
  }
  func.func @transform_11(%arg0: i32) -> (i32, i32) {
    %c0_i32 = arith.constant 0 : i32
    %c0_i32_0 = arith.constant 0 : i32
    %c0_i32_1 = arith.constant 0 : i32
    return %c0_i32, %c0_i32_0 : i32, i32
  }
  func.func @transform_12(%arg0: i32) -> (i32, i32) {
    %c0_i32 = arith.constant 0 : i32
    %c0_i32_0 = arith.constant 0 : i32
    %c0_i32_1 = arith.constant 0 : i32
    return %c0_i32, %c0_i32_0 : i32, i32
  }
  func.func @transform_13(%arg0: i32) -> (i32, i32) {
    %c0_i32 = arith.constant 0 : i32
    %c0_i32_0 = arith.constant 0 : i32
    %c0_i32_1 = arith.constant 0 : i32
    return %c0_i32, %c0_i32_0 : i32, i32
  }
  func.func @transform_14(%arg0: i32) -> (i32, i32) {
    %c0_i32 = arith.constant 0 : i32
    %c0_i32_0 = arith.constant 0 : i32
    %c0_i32_1 = arith.constant 0 : i32
    return %c0_i32, %c0_i32_0 : i32, i32
  }
  func.func @transform_15(%arg0: i32) -> (i32, i32) {
    %c0_i32 = arith.constant 0 : i32
    %c0_i32_0 = arith.constant 0 : i32
    %c0_i32_1 = arith.constant 0 : i32
    return %c0_i32, %c0_i32_0 : i32, i32
  }
  func.func @transform_16(%arg0: i32) -> (i32, i32) {
    %c0_i32 = arith.constant 0 : i32
    %c0_i32_0 = arith.constant 0 : i32
    %c0_i32_1 = arith.constant 0 : i32
    return %c0_i32, %c0_i32_0 : i32, i32
  }
  func.func @transform_17(%arg0: i32) -> (i32, i32) {
    %c0_i32 = arith.constant 0 : i32
    %c0_i32_0 = arith.constant 0 : i32
    return %arg0, %c0_i32 : i32, i32
  }
}

module attributes {stable_mosaic.version = 14 : i64} {
  func.func @body(%arg0: i32, %arg1: memref<880x32xf32, #tpu.memory_space<vmem>>, %arg2: memref<880x32xf32, #tpu.memory_space<vmem>>, %arg3: memref<880x32xf32, #tpu.memory_space<vmem>>, %arg4: memref<32x128xf32, #tpu.memory_space<vmem>>, %arg5: memref<32x128xf32, #tpu.memory_space<vmem>>, %arg6: memref<32x128xf32, #tpu.memory_space<vmem>>, %arg7: memref<1x128xf32, #tpu.memory_space<vmem>>, %arg8: memref<128x128xf32, #tpu.memory_space<vmem>>, %arg9: memref<1x128xf32, #tpu.memory_space<vmem>>, %arg10: memref<128x128xf32, #tpu.memory_space<vmem>>, %arg11: memref<1x128xf32, #tpu.memory_space<vmem>>, %arg12: memref<128x128xf32, #tpu.memory_space<vmem>>, %arg13: memref<1x128xf32, #tpu.memory_space<vmem>>, %arg14: memref<128x32xf32, #tpu.memory_space<vmem>>, %arg15: memref<1x32xf32, #tpu.memory_space<vmem>>, %arg16: memref<1x32xf32, #tpu.memory_space<vmem>>, %arg17: memref<880x32xf32, #tpu.memory_space<vmem>>) attributes {dimension_semantics = [#tpu.dimension_semantics<arbitrary>], iteration_bounds = array<i64: 40>, scalar_prefetch = 0 : i64, scratch_operands = 0 : i64, tpu.core_type = #tpu.core_type<tc>, window_params = [{transform_indices = @transform_0, window_bounds = array<i64: 880, 32>}, {transform_indices = @transform_1, window_bounds = array<i64: 880, 32>}, {transform_indices = @transform_2, window_bounds = array<i64: 880, 32>}, {pipeline_mode = #tpu.pipeline_mode<synchronous>, transform_indices = @transform_3, window_bounds = array<i64: 32, 128>}, {pipeline_mode = #tpu.pipeline_mode<synchronous>, transform_indices = @transform_4, window_bounds = array<i64: 32, 128>}, {pipeline_mode = #tpu.pipeline_mode<synchronous>, transform_indices = @transform_5, window_bounds = array<i64: 32, 128>}, {pipeline_mode = #tpu.pipeline_mode<synchronous>, transform_indices = @transform_6, window_bounds = array<i64: 1, 128>}, {pipeline_mode = #tpu.pipeline_mode<synchronous>, transform_indices = @transform_7, window_bounds = array<i64: 128, 128>}, {pipeline_mode = #tpu.pipeline_mode<synchronous>, transform_indices = @transform_8, window_bounds = array<i64: 1, 128>}, {pipeline_mode = #tpu.pipeline_mode<synchronous>, transform_indices = @transform_9, window_bounds = array<i64: 128, 128>}, {pipeline_mode = #tpu.pipeline_mode<synchronous>, transform_indices = @transform_10, window_bounds = array<i64: 1, 128>}, {pipeline_mode = #tpu.pipeline_mode<synchronous>, transform_indices = @transform_11, window_bounds = array<i64: 128, 128>}, {pipeline_mode = #tpu.pipeline_mode<synchronous>, transform_indices = @transform_12, window_bounds = array<i64: 1, 128>}, {pipeline_mode = #tpu.pipeline_mode<synchronous>, transform_indices = @transform_13, window_bounds = array<i64: 128, 32>}, {pipeline_mode = #tpu.pipeline_mode<synchronous>, transform_indices = @transform_14, window_bounds = array<i64: 1, 32>}, {pipeline_mode = #tpu.pipeline_mode<synchronous>, transform_indices = @transform_15, window_bounds = array<i64: 1, 32>}, {transform_indices = @transform_16, window_bounds = array<i64: 880, 32>}]} {
    %get3A = arith.constant 0 : index
    %get3A_0 = arith.constant 0 : index
    %get3A_1 = vector.load %arg1[%get3A, %get3A_0] : memref<880x32xf32, #tpu.memory_space<vmem>>, vector<880x32xf32>
    %get3A_2 = arith.constant 0 : index
    %get3A_3 = arith.constant 0 : index
    %get3A_4 = vector.load %arg4[%get3A_2, %get3A_3] : memref<32x128xf32, #tpu.memory_space<vmem>>, vector<32x128xf32>
    %dot_general3A = arith.constant dense<0.000000e+00> : vector<880x128xf32>
    %dot_general3A_5 = tpu.matmul %get3A_1, %get3A_4, %dot_general3A {dimension_numbers = #tpu.dot_dimension_numbers<[1], [0], [0], [1], [0, 0, 1, 1], [], []>, transpose_lhs_hint = false} : vector<880x32xf32>, vector<32x128xf32>, vector<880x128xf32> -> vector<880x128xf32>
    %get3A_6 = arith.constant 0 : index
    %get3A_7 = arith.constant 0 : index
    %get3A_8 = vector.load %arg2[%get3A_6, %get3A_7] : memref<880x32xf32, #tpu.memory_space<vmem>>, vector<880x32xf32>
    %get3A_9 = arith.constant 0 : index
    %get3A_10 = arith.constant 0 : index
    %get3A_11 = vector.load %arg5[%get3A_9, %get3A_10] : memref<32x128xf32, #tpu.memory_space<vmem>>, vector<32x128xf32>
    %dot_general3A_12 = arith.constant dense<0.000000e+00> : vector<880x128xf32>
    %dot_general3A_13 = tpu.matmul %get3A_8, %get3A_11, %dot_general3A_12 {dimension_numbers = #tpu.dot_dimension_numbers<[1], [0], [0], [1], [0, 0, 1, 1], [], []>, transpose_lhs_hint = false} : vector<880x32xf32>, vector<32x128xf32>, vector<880x128xf32> -> vector<880x128xf32>
    %add3A = arith.addf %dot_general3A_5, %dot_general3A_13 : vector<880x128xf32>
    %get3A_14 = arith.constant 0 : index
    %get3A_15 = arith.constant 0 : index
    %get3A_16 = vector.load %arg3[%get3A_14, %get3A_15] : memref<880x32xf32, #tpu.memory_space<vmem>>, vector<880x32xf32>
    %get3A_17 = arith.constant 0 : index
    %get3A_18 = arith.constant 0 : index
    %get3A_19 = vector.load %arg6[%get3A_17, %get3A_18] : memref<32x128xf32, #tpu.memory_space<vmem>>, vector<32x128xf32>
    %dot_general3A_20 = arith.constant dense<0.000000e+00> : vector<880x128xf32>
    %dot_general3A_21 = tpu.matmul %get3A_16, %get3A_19, %dot_general3A_20 {dimension_numbers = #tpu.dot_dimension_numbers<[1], [0], [0], [1], [0, 0, 1, 1], [], []>, transpose_lhs_hint = false} : vector<880x32xf32>, vector<32x128xf32>, vector<880x128xf32> -> vector<880x128xf32>
    %add3A_22 = arith.addf %add3A, %dot_general3A_21 : vector<880x128xf32>
    %get3A_23 = arith.constant 0 : index
    %get3A_24 = arith.constant 0 : index
    %get3A_25 = vector.load %arg7[%get3A_23, %get3A_24] : memref<1x128xf32, #tpu.memory_space<vmem>>, vector<1x128xf32>
    %add3A_26 = vector.broadcast %get3A_25 : vector<1x128xf32> to vector<880x128xf32>
    %add3A_27 = arith.addf %add3A_22, %add3A_26 : vector<880x128xf32>
    %max3A = arith.constant 0.000000e+00 : f32
    %max3A_28 = vector.broadcast %max3A : f32 to vector<880x128xf32>
    %max3A_29 = arith.maximumf %add3A_27, %max3A_28 : vector<880x128xf32>
    %get3A_30 = arith.constant 0 : index
    %get3A_31 = arith.constant 0 : index
    %get3A_32 = vector.load %arg8[%get3A_30, %get3A_31] : memref<128x128xf32, #tpu.memory_space<vmem>>, vector<128x128xf32>
    %dot_general3A_33 = arith.constant dense<0.000000e+00> : vector<880x128xf32>
    %dot_general3A_34 = tpu.matmul %max3A_29, %get3A_32, %dot_general3A_33 {dimension_numbers = #tpu.dot_dimension_numbers<[1], [0], [0], [1], [0, 0, 1, 1], [], []>, transpose_lhs_hint = false} : vector<880x128xf32>, vector<128x128xf32>, vector<880x128xf32> -> vector<880x128xf32>
    %get3A_35 = arith.constant 0 : index
    %get3A_36 = arith.constant 0 : index
    %get3A_37 = vector.load %arg9[%get3A_35, %get3A_36] : memref<1x128xf32, #tpu.memory_space<vmem>>, vector<1x128xf32>
    %add3A_38 = vector.broadcast %get3A_37 : vector<1x128xf32> to vector<880x128xf32>
    %add3A_39 = arith.addf %dot_general3A_34, %add3A_38 : vector<880x128xf32>
    %max3A_40 = arith.constant 0.000000e+00 : f32
    %max3A_41 = vector.broadcast %max3A_40 : f32 to vector<880x128xf32>
    %max3A_42 = arith.maximumf %add3A_39, %max3A_41 : vector<880x128xf32>
    %get3A_43 = arith.constant 0 : index
    %get3A_44 = arith.constant 0 : index
    %get3A_45 = vector.load %arg10[%get3A_43, %get3A_44] : memref<128x128xf32, #tpu.memory_space<vmem>>, vector<128x128xf32>
    %dot_general3A_46 = arith.constant dense<0.000000e+00> : vector<880x128xf32>
    %dot_general3A_47 = tpu.matmul %max3A_42, %get3A_45, %dot_general3A_46 {dimension_numbers = #tpu.dot_dimension_numbers<[1], [0], [0], [1], [0, 0, 1, 1], [], []>, transpose_lhs_hint = false} : vector<880x128xf32>, vector<128x128xf32>, vector<880x128xf32> -> vector<880x128xf32>
    %get3A_48 = arith.constant 0 : index
    %get3A_49 = arith.constant 0 : index
    %get3A_50 = vector.load %arg11[%get3A_48, %get3A_49] : memref<1x128xf32, #tpu.memory_space<vmem>>, vector<1x128xf32>
    %add3A_51 = vector.broadcast %get3A_50 : vector<1x128xf32> to vector<880x128xf32>
    %add3A_52 = arith.addf %dot_general3A_47, %add3A_51 : vector<880x128xf32>
    %max3A_53 = arith.constant 0.000000e+00 : f32
    %max3A_54 = vector.broadcast %max3A_53 : f32 to vector<880x128xf32>
    %max3A_55 = arith.maximumf %add3A_52, %max3A_54 : vector<880x128xf32>
    %get3A_56 = arith.constant 0 : index
    %get3A_57 = arith.constant 0 : index
    %get3A_58 = vector.load %arg12[%get3A_56, %get3A_57] : memref<128x128xf32, #tpu.memory_space<vmem>>, vector<128x128xf32>
    %dot_general3A_59 = arith.constant dense<0.000000e+00> : vector<880x128xf32>
    %dot_general3A_60 = tpu.matmul %max3A_55, %get3A_58, %dot_general3A_59 {dimension_numbers = #tpu.dot_dimension_numbers<[1], [0], [0], [1], [0, 0, 1, 1], [], []>, transpose_lhs_hint = false} : vector<880x128xf32>, vector<128x128xf32>, vector<880x128xf32> -> vector<880x128xf32>
    %get3A_61 = arith.constant 0 : index
    %get3A_62 = arith.constant 0 : index
    %get3A_63 = vector.load %arg13[%get3A_61, %get3A_62] : memref<1x128xf32, #tpu.memory_space<vmem>>, vector<1x128xf32>
    %add3A_64 = vector.broadcast %get3A_63 : vector<1x128xf32> to vector<880x128xf32>
    %add3A_65 = arith.addf %dot_general3A_60, %add3A_64 : vector<880x128xf32>
    %max3A_66 = arith.constant 0.000000e+00 : f32
    %max3A_67 = vector.broadcast %max3A_66 : f32 to vector<880x128xf32>
    %max3A_68 = arith.maximumf %add3A_65, %max3A_67 : vector<880x128xf32>
    %get3A_69 = arith.constant 0 : index
    %get3A_70 = arith.constant 0 : index
    %get3A_71 = vector.load %arg14[%get3A_69, %get3A_70] : memref<128x32xf32, #tpu.memory_space<vmem>>, vector<128x32xf32>
    %dot_general3A_72 = arith.constant dense<0.000000e+00> : vector<880x32xf32>
    %dot_general3A_73 = tpu.matmul %max3A_68, %get3A_71, %dot_general3A_72 {dimension_numbers = #tpu.dot_dimension_numbers<[1], [0], [0], [1], [0, 0, 1, 1], [], []>, transpose_lhs_hint = false} : vector<880x128xf32>, vector<128x32xf32>, vector<880x32xf32> -> vector<880x32xf32>
    %get3A_74 = arith.constant 0 : index
    %get3A_75 = arith.constant 0 : index
    %get3A_76 = vector.load %arg15[%get3A_74, %get3A_75] : memref<1x32xf32, #tpu.memory_space<vmem>>, vector<1x32xf32>
    %add3A_77 = vector.broadcast %get3A_76 : vector<1x32xf32> to vector<880x32xf32>
    %add3A_78 = arith.addf %dot_general3A_73, %add3A_77 : vector<880x32xf32>
    %get3A_79 = arith.constant 0 : index
    %get3A_80 = arith.constant 0 : index
    %get3A_81 = vector.load %arg16[%get3A_79, %get3A_80] : memref<1x32xf32, #tpu.memory_space<vmem>>, vector<1x32xf32>
    %mul3A = vector.broadcast %get3A_81 : vector<1x32xf32> to vector<880x32xf32>
    %mul3A_82 = arith.mulf %get3A_1, %mul3A : vector<880x32xf32>
    %add3A_83 = arith.addf %add3A_78, %mul3A_82 : vector<880x32xf32>
    %swap3A = arith.constant 0 : index
    %swap3A_84 = arith.constant 0 : index
    %swap3A_85 = vector.load %arg17[%swap3A, %swap3A_84] : memref<880x32xf32, #tpu.memory_space<vmem>>, vector<880x32xf32>
    tpu.vector_store %arg17[%swap3A, %swap3A_84], %add3A_83 {strides = array<i32>} : memref<880x32xf32, #tpu.memory_space<vmem>>, vector<880x32xf32>,
    return
  }
  func.func @transform_0(%arg0: i32) -> (i32, i32) {
    %c0_i32 = arith.constant 0 : i32
    %c0_i32_0 = arith.constant 0 : i32
    return %arg0, %c0_i32 : i32, i32
  }
  func.func @transform_1(%arg0: i32) -> (i32, i32) {
    %c0_i32 = arith.constant 0 : i32
    %c0_i32_0 = arith.constant 0 : i32
    return %arg0, %c0_i32 : i32, i32
  }
  func.func @transform_2(%arg0: i32) -> (i32, i32) {
    %c0_i32 = arith.constant 0 : i32
    %c0_i32_0 = arith.constant 0 : i32
    return %arg0, %c0_i32 : i32, i32
  }
  func.func @transform_3(%arg0: i32) -> (i32, i32) {
    %c0_i32 = arith.constant 0 : i32
    %c0_i32_0 = arith.constant 0 : i32
    %c0_i32_1 = arith.constant 0 : i32
    return %c0_i32, %c0_i32_0 : i32, i32
  }
  func.func @transform_4(%arg0: i32) -> (i32, i32) {
    %c0_i32 = arith.constant 0 : i32
    %c0_i32_0 = arith.constant 0 : i32
    %c0_i32_1 = arith.constant 0 : i32
    return %c0_i32, %c0_i32_0 : i32, i32
  }
  func.func @transform_5(%arg0: i32) -> (i32, i32) {
    %c0_i32 = arith.constant 0 : i32
    %c0_i32_0 = arith.constant 0 : i32
    %c0_i32_1 = arith.constant 0 : i32
    return %c0_i32, %c0_i32_0 : i32, i32
  }
  func.func @transform_6(%arg0: i32) -> (i32, i32) {
    %c0_i32 = arith.constant 0 : i32
    %c0_i32_0 = arith.constant 0 : i32
    %c0_i32_1 = arith.constant 0 : i32
    return %c0_i32, %c0_i32_0 : i32, i32
  }
  func.func @transform_7(%arg0: i32) -> (i32, i32) {
    %c0_i32 = arith.constant 0 : i32
    %c0_i32_0 = arith.constant 0 : i32
    %c0_i32_1 = arith.constant 0 : i32
    return %c0_i32, %c0_i32_0 : i32, i32
  }
  func.func @transform_8(%arg0: i32) -> (i32, i32) {
    %c0_i32 = arith.constant 0 : i32
    %c0_i32_0 = arith.constant 0 : i32
    %c0_i32_1 = arith.constant 0 : i32
    return %c0_i32, %c0_i32_0 : i32, i32
  }
  func.func @transform_9(%arg0: i32) -> (i32, i32) {
    %c0_i32 = arith.constant 0 : i32
    %c0_i32_0 = arith.constant 0 : i32
    %c0_i32_1 = arith.constant 0 : i32
    return %c0_i32, %c0_i32_0 : i32, i32
  }
  func.func @transform_10(%arg0: i32) -> (i32, i32) {
    %c0_i32 = arith.constant 0 : i32
    %c0_i32_0 = arith.constant 0 : i32
    %c0_i32_1 = arith.constant 0 : i32
    return %c0_i32, %c0_i32_0 : i32, i32
  }
  func.func @transform_11(%arg0: i32) -> (i32, i32) {
    %c0_i32 = arith.constant 0 : i32
    %c0_i32_0 = arith.constant 0 : i32
    %c0_i32_1 = arith.constant 0 : i32
    return %c0_i32, %c0_i32_0 : i32, i32
  }
  func.func @transform_12(%arg0: i32) -> (i32, i32) {
    %c0_i32 = arith.constant 0 : i32
    %c0_i32_0 = arith.constant 0 : i32
    %c0_i32_1 = arith.constant 0 : i32
    return %c0_i32, %c0_i32_0 : i32, i32
  }
  func.func @transform_13(%arg0: i32) -> (i32, i32) {
    %c0_i32 = arith.constant 0 : i32
    %c0_i32_0 = arith.constant 0 : i32
    %c0_i32_1 = arith.constant 0 : i32
    return %c0_i32, %c0_i32_0 : i32, i32
  }
  func.func @transform_14(%arg0: i32) -> (i32, i32) {
    %c0_i32 = arith.constant 0 : i32
    %c0_i32_0 = arith.constant 0 : i32
    %c0_i32_1 = arith.constant 0 : i32
    return %c0_i32, %c0_i32_0 : i32, i32
  }
  func.func @transform_15(%arg0: i32) -> (i32, i32) {
    %c0_i32 = arith.constant 0 : i32
    %c0_i32_0 = arith.constant 0 : i32
    %c0_i32_1 = arith.constant 0 : i32
    return %c0_i32, %c0_i32_0 : i32, i32
  }
  func.func @transform_16(%arg0: i32) -> (i32, i32) {
    %c0_i32 = arith.constant 0 : i32
    %c0_i32_0 = arith.constant 0 : i32
    return %arg0, %c0_i32 : i32, i32
  }
}

</mosaic_0001>

<sc_bundles>
// kernel: kernel.11.cloned.1.call-start
scs
__scs_entry_jumppad:
0x0: {  	(pc) =	sbr.rel $0x88, $3  }
0x1: {  	(tag) =	ssettag $0x0;
	lr =	simm.s32 $0x1  }
0x2: {  	[smem:$0x3F6C] =	sst lr;
	_ =	strace $0xD0000000  }
0x3: {  	_ = 	snop  }
0x4: {  	_ = 	snop  }
0x5: {  	_ = 	snop  }
0x6: {  	_ = 	snop  }
0x7: {  	_ = 	snop  }
__scs_overlays_trampoline_lowered:
0x8: {  	[smem:$0x3F7B] =	sst s0  }
0x9: {  	[smem:$0x3F7C] =	sst s1  }
0xa: {  	[smem:$0x3F7D] =	sst s2  }
0xb: {  	[smem:$0x3F7E] =	sst s3  }
0xc: {  	[smem:$0x3F7F] =	sst s4  }
0xd: {  	[smem:$0x3F80] =	sst s5  }
0xe: {  	[smem:$0x3F81] =	sst s6  }
0xf: {  	[smem:$0x3F82] =	sst s7  }
0x10: {  	[smem:$0x3F83] =	sst s8  }
0x11: {  	[smem:$0x3F84] =	sst s9;
	s0 =	simm.s32 @!p0 $0x0  }
0x12: {  	s1 =	sld [smem:$0x3F6A];
	s0 =	simm.s32 @p0 $0x1  }
0x13: {  	[smem:$0x3F85] =	sst s0;
	s0 =	simm.s32 @!p1 $0x0  }
0x14: {  	s2 =	sld [smem:$0x3F69];
	s0 =	simm.s32 @p1 $0x1  }
0x15: {  	[smem:$0x3F86] =	sst s0;
	s0 =	simm.s32 @!p2 $0x0  }
0x16: {  	s3 =	sld [smem:$0x3FDB];
	s0 =	simm.s32 @p2 $0x1  }
0x17: {  	s4 =	simm.s32 $0x1BF5;
	[smem:$0x3F88] =	sst s0  }
0x18: {  	s0 =	sld [smem:$0x3F6B];
	_ =	swait.ge [sflag:s4], $0x0  }
0x19: {  	s7 =	sld [smem:$0x3F6C]  }
0x1a: {  	s8 =	sadd.s32 $0xFFFFE003, lr  }
0x1b: {  	s9 =	sadd.s32 $0xFFFFFEF7, lr;
	s5 =	simm.s32 $0xFFFFFFFF;
	p2 =	slt.u32 s8, $0xFFFFF086  }
0x1c: {  	p1 =	slt.u32 s9, $0xF7A;
	s5 =	simm.s32 @!p2 $0x0  }
0x1d: {  	s5 =	simm.s32 @p1 $0x1;
	p0 =	seq.s32 s7, s2  }
0x1e: {  	s7 =	smul.u32 @!p0 $0xF7A, s2;
	p2 =	seq.s32 @!p0 s5, $0x0  }
0x1f: {  	s9 =	smul.u32 $0xF7A, s1;
	s8 =	simm.s32 @!p0 $0x1BF5;
	p2 =	por !p2, p0  }
0x20: {  	[sflag:s8] =	ssyncset.s32 @!p0 $0xFFFFF086;
	s6 =	sadd.s32 @!p0 s3, s7;
	s7 =	simm.s32 @!p0 $0x108  }
0x21: {  	s3 =	sadd.s32 s3, s9;
	s6 =	sadd.s32 @!p0 $0x88, s6;
	s7 =	simm.s32 @p2 $0x1082  }
0x22: {  	[simem:s7], [sflag:s8] =	dma.local @!p0 [hbm:s6], $0xF7A  }
0x23: {  	s9 =	sor.u32 $0xD0000000, s2;
	s6 =	simm.s32 $0x108;
	_ =	swait.ge @!p0 [sflag:s8], $0x0  }
0x24: {  	s3 =	sadd.s32 $0x88, s3;
	s6 =	simm.s32 @!p1 $0x1082;
	[sflag:s4] =	ssyncset.s32 $0xFFFFF086  }
0x25: {  	[simem:s6], [sflag:s4] =	dma.local [hbm:s3], $0xF7A  }
0x26: {  	[smem:$0x3F6C] =	sst s1;
	(tag) =	ssettag s2;
	_ =	strace s9  }
0x27: {  	s1 =	sld [smem:$0x3F7C]  }
0x28: {  	s2 =	sld [smem:$0x3F7D]  }
0x29: {  	s4 =	sld [smem:$0x3F7F]  }
0x2a: {  	p0 =	seq.s32 s5, $0x0;
	s5 =	sld [smem:$0x3F80]  }
0x2b: {  	s6 =	sld [smem:$0x3F81]  }
0x2c: {  	s7 =	sld [smem:$0x3F82]  }
0x2d: {  	s3 =	simm.s32 $0x108;
	s8 =	sld [smem:$0x3F83]  }
0x2e: {  	s3 =	simm.s32 @!p0 $0x1082;
	s9 =	sld [smem:$0x3F84]  }
0x2f: {  	lr =	sadd.s32 s0, s3;
	s0 =	sld [smem:$0x3F7B]  }
0x30: {  	s3 =	sld [smem:$0x3F7E]  }
0x31: {  	[smem:$0x3F87] =	sst s10  }
0x32: {  	s10 =	sld [smem:$0x3F85];
	_ =	sdelay $0x3  }
0x33: {  	p0 =	seq.s32 s10, $0x1;
	s10 =	sld [smem:$0x3F87];
	_ =	sdelay $0x3  }
0x34: {  	[smem:$0x3F87] =	sst s10  }
0x35: {  	s10 =	sld [smem:$0x3F86];
	_ =	sdelay $0x3  }
0x36: {  	p1 =	seq.s32 s10, $0x1;
	s10 =	sld [smem:$0x3F87];
	_ =	sdelay $0x3  }
0x37: {  	[smem:$0x3F87] =	sst s10  }
0x38: {  	s10 =	sld [smem:$0x3F88]  }
0x39: {  	_ = 	snop;
	(pc) =	sbr.ind lr, $3  }
0x3a: {  	_ = 	snop  }
0x3b: {  	_ = 	snop  }
0x3c: {  	p2 =	seq.s32 s10, $0x1;
	s10 =	sld [smem:$0x3F87]  }
0x3d: {  	_ =	shalt  }
0x3e: {  	_ =	shalt  }
0x3f: {  	_ =	shalt  }
0x40: {  	_ =	shalt  }
0x41: {  	_ =	shalt  }
0x42: {  	_ =	shalt  }
0x43: {  	_ =	shalt  }
0x44: {  	_ =	shalt  }
0x45: {  	_ =	shalt  }
0x46: {  	_ =	shalt  }
0x47: {  	_ =	shalt  }
0x48: {  	_ =	shalt  }
0x49: {  	_ =	shalt  }
0x4a: {  	_ =	shalt  }
0x4b: {  	_ =	shalt  }
0x4c: {  	_ =	shalt  }
0x4d: {  	_ =	shalt  }
0x4e: {  	_ =	shalt  }
0x4f: {  	_ =	shalt  }
0x50: {  	_ =	shalt  }
0x51: {  	_ =	shalt  }
0x52: {  	_ =	shalt  }
0x53: {  	_ =	shalt  }
0x54: {  	_ =	shalt  }
0x55: {  	_ =	shalt  }
0x56: {  	_ =	shalt  }
0x57: {  	_ =	shalt  }
0x58: {  	_ =	shalt  }
0x59: {  	_ =	shalt  }
0x5a: {  	_ =	shalt  }
0x5b: {  	_ =	shalt  }
0x5c: {  	_ =	shalt  }
0x5d: {  	_ =	shalt  }
0x5e: {  	_ =	shalt  }
0x5f: {  	_ =	shalt  }
0x60: {  	_ =	shalt  }
0x61: {  	_ =	shalt  }
0x62: {  	_ =	shalt  }
0x63: {  	_ =	shalt  }
0x64: {  	_ =	shalt  }
0x65: {  	_ =	shalt  }
0x66: {  	_ =	shalt  }
0x67: {  	_ =	shalt  }
0x68: {  	_ =	shalt  }
0x69: {  	_ =	shalt  }
0x6a: {  	_ =	shalt  }
0x6b: {  	_ =	shalt  }
0x6c: {  	_ =	shalt  }
0x6d: {  	_ =	shalt  }
0x6e: {  	_ =	shalt  }
0x6f: {  	_ =	shalt  }
0x70: {  	_ =	shalt  }
0x71: {  	_ =	shalt  }
0x72: {  	_ =	shalt  }
0x73: {  	_ =	shalt  }
0x74: {  	_ =	shalt  }
0x75: {  	_ =	shalt  }
0x76: {  	_ =	shalt  }
0x77: {  	_ =	shalt  }
0x78: {  	_ =	shalt  }
0x79: {  	_ =	shalt  }
0x7a: {  	_ =	shalt  }
0x7b: {  	_ =	shalt  }
0x7c: {  	_ =	shalt  }
0x7d: {  	_ =	shalt  }
0x7e: {  	_ =	shalt  }
0x7f: {  	_ =	shalt  }
0x80: {  	_ =	shalt  }
0x81: {  	_ =	shalt  }
0x82: {  	_ =	shalt  }
0x83: {  	_ =	shalt  }
0x84: {  	_ =	shalt  }
0x85: {  	_ =	shalt  }
0x86: {  	_ =	shalt  }
0x87: {  	_ =	shalt  }
.Lfunc_end0:
.L_simem_size_0:
called_computation_lowered:
.L_overlay_start_0:
0x88: {  	s2 =	sld [smem:$0x3FD9]  }
0x89: {  	s3 =	sld [smem:$0x3FFE];
	_ =	sdelay $0x1  }
0x8a: {  	s1 =	srdreg.scid  }
0x8b: {  	s0 =	sand.u32 $0x1, s1  }
0x8c: {  	s16 =	sshll.u32 s0, $0xA;
	s2 =	sadd.s32 s3, s2  }
0x8d: {  	s2 =	sadd.s32 s2, s16  }
0x8e: {  	[smem:$0x3F93] =	sst s2  }
0x8f: {  	_ = 	snop  }
0x90: {  	(tm) =	ssettm $0x1  }
0x91: {  	s17 =	sld [smem:$0x3FFB];
	_ =	sdelay $0x3  }
0x92: {  	_ =	strace s17  }
0x93: {  	s2 =	sld [smem:$0x3FFC];
	_ =	sdelay $0x3  }
0x94: {  	_ =	strace s2  }
0x95: {  	s2 =	sld [smem:$0x3FFD];
	_ =	sdelay $0x3  }
0x96: {  	_ =	strace s2  }
0x97: {  	_ =	strace $0x8FFFFFFF  }
0x98: {  	s18 =	sld [smem:$0x3FDB];
	_ =	sdelay $0x1  }
0x99: {  	s19 =	simm.s32 $_scs_section_size  }
0x9a: {  	s4 =	simm.s32 $_size__tile_overlayer_lowered;
	s5 =	simm.s32 $_tile_overlayer_lowered  }
0x9b: {  	s22 =	simm.s32 $0x1BFF;
	s21 =	sshll.u32 s5, $0x1;
	s2 =	sadd.s32 s19, s18  }
0x9c: {  	s6 =	simm.s32 $0x0;
	s20 =	sshll.u32 s4, $0x1;
	s4 =	sadd.s32 s21, s2  }
0x9d: {  	[timem:s6], [sflag:s22] =	dma.local [hbm:s4], s20  }
0x9e: {  	_ =	swait.ge [sflag:s22], s20  }
0x9f: {  	s3 =	ssub.s32 $0x0, s20;
	[sflag:s22] =	ssyncset.done $0x0  }
0xa0: {  	[sflag:s22] =	ssyncadd.s32 s3;
	_ =	sdelay $0x1  }
0xa1: {  	s23 =	simm.s32 $0x1B8B  }
0xa2: {  	_ =	swait.ge [sflag:s23], $0x1  }
0xa3: {  	[sflag:s23] =	ssyncset.done $0x0  }
0xa4: {  	s25 =	simm.s32 $0x1B8E;
	s24 =	sld [smem:$0x3FFE];
	[sflag:s23] =	ssyncadd.s32 $0xFFFFFFFF  }
0xa5: {  	s26 =	simm.s32 $execute0_lowered;
	[smem:$0x3FD2] =	sst s25  }
0xa6: {  	s4 =	sshll.u32 s26, $0x1;
	_ =	strace $0x80000046;
	[dreg:$0x1] =	wrdreg $0xFFFFFFFF  }
0xa7: {  	s28 =	simm.s32 $_size_execute0_lowered;
	s2 =	sadd.s32 s2, s4;
	[dreg:$0x0] =	wrdreg $0x0  }
0xa8: {  	s4 =	sshll.u32 s28, $0x1;
	[dreg:$0x2] =	wrdreg s2  }
0xa9: {  	[dreg:$0x3] =	wrdreg s4  }
0xaa: {  	[dreg:$0x4] =	wrdreg $0xC0  }
0xab: {  	_ =	task [dreg:s6], $0x5FFFF  }
0xac: {  	[dreg:$0x1] =	wrdreg $0xFFFFFFFF  }
0xad: {  	[dreg:$0x0] =	wrdreg $0x60  }
0xae: {  	[dreg:$0x2] =	wrdreg s24  }
0xaf: {  	[dreg:$0x3] =	wrdreg $0x9  }
0xb0: {  	_ =	task.clear_ibuf [dreg:s6], $0x4FFFF;
	_ =	strace $0x90000046  }
0xb1: {  	s29 =	simm.s32 $0x9;
	_ =	strace $0x80000048  }
0xb2: {  	_ =	swait.ge [sflag:s29], $0x1  }
0xb3: {  	[sflag:s29] =	ssyncadd.s32 $0xFFFFFFFF  }
0xb4: {  	_ =	strace $0x90000048  }
0xb5: {  	_ =	sfence  }
0xb6: {  	s30 =	sld [smem:$0x0];
	_ =	sdelay $0x2  }
0xb7: {  	s31 =	sshll.u32 s1, $0xD;
	s1 =	sshrl.u32 s1, $0x2  }
0xb8: {  	s3 =	sand.u32 $0x4000, s31;
	s1 =	sadd.s32 s1, s30  }
0xb9: {  	s0 =	sor.u32 s3, s0;
	s1 =	sshll.u32 s1, $0x11  }
0xba: {  	s0 =	sor.u32 s1, s0  }
0xbb: {  	s0 =	sadd.s32 $0x8F2B, s0  }
0xbc: {  	[sflag:s0] =	ssyncadd.remote.s32 $0x1  }
0xbd: {  	_ =	sfence.sel $0xFFFF  }
0xbe: {  	[dreg:$0x0] =	wrdreg $0xFFFFFFFF;
	(pc) =	sbr.abs _section_cstart, $3  }
0xbf: {  	[dreg:$0x1] =	wrdreg $0xFFFFFFFF  }
0xc0: {  	_ =	task.clear_ibuf [dreg:s6], $0x2FFFF;
	_ =	strace $0x9FFFFFFF  }
0xc1: {  	(tm) =	ssettm $0x7FFFFFFF  }
tec
execute0_lowered:
.L_overlay_start_1:
0x0: {  	(tag) =	ssettag $0x1  }
0x1: {  	s1 =	srdreg.scid;
	s0 =	stileid.u32  }
0x2: {  	s11 =	sand.u32 $0x1, s1;
	s30 =	sshll.u32 s0, $0x1  }
0x3: {  	s6 =	sor.u32 s11, s30  }
0x4: {  	s10 =	rddreg [dreg:$0x0];
	s3 =	smul.u32 $0x13B, s6  }
0x5: {  	s2 =	simm.s32 $0x0;
	s1 =	rddreg [dreg:$0x1]  }
0x6: {  	[smem:$0x7FF] =	sst s2;
	s9 =	sadd.s32 s3, s10  }
0x7: {  	_ =	strace $0x80000047;
	s3 =	simm.s32 $0x2;
	s4 =	sadd.s32 $0x8C00, s9  }
0x8: {  	[tilespmem:s2], [sflag:$0x2] =	stream.linear.gather [hbm4b:s4+s2], $0x9D8, $0x38;
	[tilespmem:$0xA758] =	vst v63  }
0x9: {  	_ =	swait.ge [sflag:s3], $0x9D8  }
0xa: {  	s7 =	simm.s32 $0x1;
	s5 =	sadd.s32 $0xDC00, s10;
	[sflag:s3] =	ssyncset.done $0x0  }
0xb: {  	s8 =	smul.u32 $0x13B0, s6;
	s6 =	simm.s32 $0x9D8;
	[sflag:s3] =	ssyncadd.s32 $0xFFFFF628  }
0xc: {  	[tilespmem:s6], [sflag:$0x1] =	stream.indirect.gather [hbm4b:s5+s6], $0x10, s2, s6, $0xb8;
	[tilespmem:$0xA758] =	vst v63  }
0xd: {  	_ =	swait.ge [sflag:s7], $0x9D80  }
0xe: {  	s12 =	sadd.s32 s8, s10;
	[sflag:s7] =	ssyncset.done $0x0  }
0xf: {  	s8 =	sadd.s32 $0x3F200, s12;
	[sflag:s7] =	ssyncadd.s32 $0xFFFF6280  }
0x10: {  	[hbm4b:s8+s2] =	stream.linear.scatter [tilespmem:s6], [sflag:$0x2], $0x9D80, $0x38;
	[tilespmem:$0xA758] =	vst v63  }
0x11: {  	_ =	swait.ge [sflag:s3], $0x9D80  }
0x12: {  	[sflag:s3] =	ssyncset.done $0x0  }
0x13: {  	s11 =	ssub.s32 $0x2, s11;
	s9 =	sadd.s32 $0xB400, s9;
	[sflag:s3] =	ssyncadd.s32 $0xFFFF6280  }
0x14: {  	[tilespmem:s2], [sflag:$0x2] =	stream.linear.gather [hbm4b:s9+s2], $0x9D8, $0x38;
	[tilespmem:$0xA758] =	vst v63  }
0x15: {  	s13 =	sshrl.u32 s11, $0x1;
	_ =	swait.ge [sflag:s3], $0x9D8  }
0x16: {  	s13 =	ssub.s32 s11, s13;
	[sflag:s3] =	ssyncset.done $0x0  }
0x17: {  	s10 =	sadd.s32 $0x12C00, s10;
	s31 =	smax.u32 s13, $0x1;
	[sflag:s3] =	ssyncadd.s32 $0xFFFFF628  }
0x18: {  	[tilespmem:s6], [sflag:$0x1] =	stream.indirect.gather [hbm4b:s10+s6], $0x10, s2, s6, $0xb8;
	[tilespmem:$0xA758] =	vst v63  }
0x19: {  	p0 =	sne.s32 s31, $0x1;
	_ =	swait.ge [sflag:s7], $0x9D80  }
.Ltmp0:
0x1a: {  	[sflag:s7] =	ssyncset.done $0x0;
	(pc) =	sbr.rel @!p0 .LBB2_2-.Ltmp0, $4  }
0x1b: {  	s11 =	sadd.s32 $0x17C00, s12;
	[sflag:s7] =	ssyncadd.s32 $0xFFFF6280  }
0x1c: {  	[hbm4b:s11+s2] =	stream.linear.scatter [tilespmem:s6], [sflag:$0x2], $0x9D80, $0x38;
	[tilespmem:$0xA758] =	vst v63  }
0x1d: {  	_ =	swait.ge [sflag:s3], $0x9D80  }
0x1e: {  	s12 =	sadd.s32 $0xFFFFFFFF, s31;
	[sflag:s3] =	ssyncset.done $0x0  }
.LBB2_1:
0x1f: {  	p0 =	sne.s32 s12, $0x1;
	s12 =	sadd.s32 $0xFFFFFFFF, s12;
	[sflag:s3] =	ssyncadd.s32 $0xFFFF6280  }
0x20: {  	[tilespmem:s2], [sflag:$0x2] =	stream.linear.gather [hbm4b:s4+s2], $0x9D8, $0x38;
	[tilespmem:$0xA758] =	vst v63  }
0x21: {  	_ =	swait.ge [sflag:s3], $0x9D8  }
0x22: {  	[sflag:s3] =	ssyncset.done $0x0  }
0x23: {  	[sflag:s3] =	ssyncadd.s32 $0xFFFFF628  }
0x24: {  	[tilespmem:s6], [sflag:$0x1] =	stream.indirect.gather [hbm4b:s5+s6], $0x10, s2, s6, $0xb8;
	[tilespmem:$0xA758] =	vst v63  }
0x25: {  	_ =	swait.ge [sflag:s7], $0x9D80  }
0x26: {  	[sflag:s7] =	ssyncset.done $0x0  }
0x27: {  	[sflag:s7] =	ssyncadd.s32 $0xFFFF6280  }
0x28: {  	[hbm4b:s8+s2] =	stream.linear.scatter [tilespmem:s6], [sflag:$0x2], $0x9D80, $0x38;
	[tilespmem:$0xA758] =	vst v63  }
0x29: {  	_ =	swait.ge [sflag:s3], $0x9D80  }
0x2a: {  	[sflag:s3] =	ssyncset.done $0x0  }
0x2b: {  	[sflag:s3] =	ssyncadd.s32 $0xFFFF6280  }
0x2c: {  	[tilespmem:s2], [sflag:$0x2] =	stream.linear.gather [hbm4b:s9+s2], $0x9D8, $0x38;
	[tilespmem:$0xA758] =	vst v63  }
0x2d: {  	_ =	swait.ge [sflag:s3], $0x9D8  }
0x2e: {  	[sflag:s3] =	ssyncset.done $0x0  }
0x2f: {  	[sflag:s3] =	ssyncadd.s32 $0xFFFFF628  }
0x30: {  	[tilespmem:s6], [sflag:$0x1] =	stream.indirect.gather [hbm4b:s10+s6], $0x10, s2, s6, $0xb8;
	[tilespmem:$0xA758] =	vst v63  }
0x31: {  	_ =	swait.ge [sflag:s7], $0x9D80  }
.Ltmp1:
0x32: {  	[sflag:s7] =	ssyncset.done $0x0;
	(pc) =	sbr.rel @p0 .LBB2_1-.Ltmp1, $4  }
0x33: {  	[sflag:s7] =	ssyncadd.s32 $0xFFFF6280  }
0x34: {  	[hbm4b:s11+s2] =	stream.linear.scatter [tilespmem:s6], [sflag:$0x2], $0x9D80, $0x38;
	[tilespmem:$0xA758] =	vst v63  }
0x35: {  	_ =	swait.ge [sflag:s3], $0x9D80  }
0x36: {  	[sflag:s3] =	ssyncset.done $0x0  }
.LBB2_2:
0x37: {  	[sflag:s3] =	ssyncadd.s32 $0xFFFF6280  }
0x38: {  	_ =	sfence.sel $0x180000  }
0x39: {  	[bflag:$0x0] =	sbarrier.arrive $0xFFFF  }
0x3a: {  	p0 =	sne.s32 s0, $0x0;
	_ =	strace $0x90000047  }
0x3b: {  	s0 =	sadd.s32 @!p0 $0x100000, s1;
	[bflag:$0x2] =	sbarrier.arrive $0xFFFF  }
0x3c: {  	[sflag:s0] =	ssyncadd.tile.s32 @!p0 $0x1;
	_ =	shalt  }
.Lfunc_end2:
_tile_overlayer_lowered:
.L_overlay_start_2:
0x3d: {  	(tag) =	ssettag $0x2  }
0x3e: {  	s0 =	rddreg [dreg:$0x0];
	s2 =	stileid.u32  }
0x3f: {  	s1 =	rddreg [dreg:$0x1];
	p0 =	sne.s32 s2, $0x0  }
0x40: {  	s3 =	rddreg [dreg:$0x2];
	[bflag:$0x3] =	sbarrier.arrive $0xFFFF;
	s2 =	simm.s32 @!p0 $0x1C02  }
0x41: {  	[timem:s3], [sflag:s2] =	dma.local @!p0 [hbm:s0], s1  }
0x42: {  	s0 =	simm.s32 @!p0 $0x2  }
0x43: {  	_ =	swait.ge @!p0 [sflag:s0], s1  }
0x44: {  	s1 =	ssub.s32 @!p0 $0x0, s1;
	[sflag:s0] =	ssyncset.done @!p0 $0x0  }
0x45: {  	[sflag:s0] =	ssyncadd.s32 @!p0 s1  }
0x46: {  	[bflag:$0x3] =	sbarrier.arrive $0xFFFF  }
0x47: {  	_ =	shalt  }

// kernel: kernel.14.cloned.1.call-start
scs
__scs_entry_jumppad:
0x0: {  	(pc) =	sbr.rel $0x88, $3  }
0x1: {  	(tag) =	ssettag $0x0;
	lr =	simm.s32 $0x1  }
0x2: {  	[smem:$0x3F6C] =	sst lr;
	_ =	strace $0xD0000000  }
0x3: {  	_ = 	snop  }
0x4: {  	_ = 	snop  }
0x5: {  	_ = 	snop  }
0x6: {  	_ = 	snop  }
0x7: {  	_ = 	snop  }
__scs_overlays_trampoline_lowered:
0x8: {  	[smem:$0x3F7B] =	sst s0  }
0x9: {  	[smem:$0x3F7C] =	sst s1  }
0xa: {  	[smem:$0x3F7D] =	sst s2  }
0xb: {  	[smem:$0x3F7E] =	sst s3  }
0xc: {  	[smem:$0x3F7F] =	sst s4  }
0xd: {  	[smem:$0x3F80] =	sst s5  }
0xe: {  	[smem:$0x3F81] =	sst s6  }
0xf: {  	[smem:$0x3F82] =	sst s7  }
0x10: {  	[smem:$0x3F83] =	sst s8  }
0x11: {  	[smem:$0x3F84] =	sst s9;
	s0 =	simm.s32 @!p0 $0x0  }
0x12: {  	s1 =	sld [smem:$0x3F6A];
	s0 =	simm.s32 @p0 $0x1  }
0x13: {  	[smem:$0x3F85] =	sst s0;
	s0 =	simm.s32 @!p1 $0x0  }
0x14: {  	s2 =	sld [smem:$0x3F69];
	s0 =	simm.s32 @p1 $0x1  }
0x15: {  	[smem:$0x3F86] =	sst s0;
	s0 =	simm.s32 @!p2 $0x0  }
0x16: {  	s3 =	sld [smem:$0x3FDB];
	s0 =	simm.s32 @p2 $0x1  }
0x17: {  	s4 =	simm.s32 $0x1BF5;
	[smem:$0x3F88] =	sst s0  }
0x18: {  	s0 =	sld [smem:$0x3F6B];
	_ =	swait.ge [sflag:s4], $0x0  }
0x19: {  	s7 =	sld [smem:$0x3F6C]  }
0x1a: {  	s8 =	sadd.s32 $0xFFFFE003, lr  }
0x1b: {  	s9 =	sadd.s32 $0xFFFFFEF7, lr;
	s5 =	simm.s32 $0xFFFFFFFF;
	p2 =	slt.u32 s8, $0xFFFFF086  }
0x1c: {  	p1 =	slt.u32 s9, $0xF7A;
	s5 =	simm.s32 @!p2 $0x0  }
0x1d: {  	s5 =	simm.s32 @p1 $0x1;
	p0 =	seq.s32 s7, s2  }
0x1e: {  	s7 =	smul.u32 @!p0 $0xF7A, s2;
	p2 =	seq.s32 @!p0 s5, $0x0  }
0x1f: {  	s9 =	smul.u32 $0xF7A, s1;
	s8 =	simm.s32 @!p0 $0x1BF5;
	p2 =	por !p2, p0  }
0x20: {  	[sflag:s8] =	ssyncset.s32 @!p0 $0xFFFFF086;
	s6 =	sadd.s32 @!p0 s3, s7;
	s7 =	simm.s32 @!p0 $0x108  }
0x21: {  	s3 =	sadd.s32 s3, s9;
	s6 =	sadd.s32 @!p0 $0x88, s6;
	s7 =	simm.s32 @p2 $0x1082  }
0x22: {  	[simem:s7], [sflag:s8] =	dma.local @!p0 [hbm:s6], $0xF7A  }
0x23: {  	s9 =	sor.u32 $0xD0000000, s2;
	s6 =	simm.s32 $0x108;
	_ =	swait.ge @!p0 [sflag:s8], $0x0  }
0x24: {  	s3 =	sadd.s32 $0x88, s3;
	s6 =	simm.s32 @!p1 $0x1082;
	[sflag:s4] =	ssyncset.s32 $0xFFFFF086  }
0x25: {  	[simem:s6], [sflag:s4] =	dma.local [hbm:s3], $0xF7A  }
0x26: {  	[smem:$0x3F6C] =	sst s1;
	(tag) =	ssettag s2;
	_ =	strace s9  }
0x27: {  	s1 =	sld [smem:$0x3F7C]  }
0x28: {  	s2 =	sld [smem:$0x3F7D]  }
0x29: {  	s4 =	sld [smem:$0x3F7F]  }
0x2a: {  	p0 =	seq.s32 s5, $0x0;
	s5 =	sld [smem:$0x3F80]  }
0x2b: {  	s6 =	sld [smem:$0x3F81]  }
0x2c: {  	s7 =	sld [smem:$0x3F82]  }
0x2d: {  	s3 =	simm.s32 $0x108;
	s8 =	sld [smem:$0x3F83]  }
0x2e: {  	s3 =	simm.s32 @!p0 $0x1082;
	s9 =	sld [smem:$0x3F84]  }
0x2f: {  	lr =	sadd.s32 s0, s3;
	s0 =	sld [smem:$0x3F7B]  }
0x30: {  	s3 =	sld [smem:$0x3F7E]  }
0x31: {  	[smem:$0x3F87] =	sst s10  }
0x32: {  	s10 =	sld [smem:$0x3F85];
	_ =	sdelay $0x3  }
0x33: {  	p0 =	seq.s32 s10, $0x1;
	s10 =	sld [smem:$0x3F87];
	_ =	sdelay $0x3  }
0x34: {  	[smem:$0x3F87] =	sst s10  }
0x35: {  	s10 =	sld [smem:$0x3F86];
	_ =	sdelay $0x3  }
0x36: {  	p1 =	seq.s32 s10, $0x1;
	s10 =	sld [smem:$0x3F87];
	_ =	sdelay $0x3  }
0x37: {  	[smem:$0x3F87] =	sst s10  }
0x38: {  	s10 =	sld [smem:$0x3F88]  }
0x39: {  	_ = 	snop;
	(pc) =	sbr.ind lr, $3  }
0x3a: {  	_ = 	snop  }
0x3b: {  	_ = 	snop  }
0x3c: {  	p2 =	seq.s32 s10, $0x1;
	s10 =	sld [smem:$0x3F87]  }
0x3d: {  	_ =	shalt  }
0x3e: {  	_ =	shalt  }
0x3f: {  	_ =	shalt  }
0x40: {  	_ =	shalt  }
0x41: {  	_ =	shalt  }
0x42: {  	_ =	shalt  }
0x43: {  	_ =	shalt  }
0x44: {  	_ =	shalt  }
0x45: {  	_ =	shalt  }
0x46: {  	_ =	shalt  }
0x47: {  	_ =	shalt  }
0x48: {  	_ =	shalt  }
0x49: {  	_ =	shalt  }
0x4a: {  	_ =	shalt  }
0x4b: {  	_ =	shalt  }
0x4c: {  	_ =	shalt  }
0x4d: {  	_ =	shalt  }
0x4e: {  	_ =	shalt  }
0x4f: {  	_ =	shalt  }
0x50: {  	_ =	shalt  }
0x51: {  	_ =	shalt  }
0x52: {  	_ =	shalt  }
0x53: {  	_ =	shalt  }
0x54: {  	_ =	shalt  }
0x55: {  	_ =	shalt  }
0x56: {  	_ =	shalt  }
0x57: {  	_ =	shalt  }
0x58: {  	_ =	shalt  }
0x59: {  	_ =	shalt  }
0x5a: {  	_ =	shalt  }
0x5b: {  	_ =	shalt  }
0x5c: {  	_ =	shalt  }
0x5d: {  	_ =	shalt  }
0x5e: {  	_ =	shalt  }
0x5f: {  	_ =	shalt  }
0x60: {  	_ =	shalt  }
0x61: {  	_ =	shalt  }
0x62: {  	_ =	shalt  }
0x63: {  	_ =	shalt  }
0x64: {  	_ =	shalt  }
0x65: {  	_ =	shalt  }
0x66: {  	_ =	shalt  }
0x67: {  	_ =	shalt  }
0x68: {  	_ =	shalt  }
0x69: {  	_ =	shalt  }
0x6a: {  	_ =	shalt  }
0x6b: {  	_ =	shalt  }
0x6c: {  	_ =	shalt  }
0x6d: {  	_ =	shalt  }
0x6e: {  	_ =	shalt  }
0x6f: {  	_ =	shalt  }
0x70: {  	_ =	shalt  }
0x71: {  	_ =	shalt  }
0x72: {  	_ =	shalt  }
0x73: {  	_ =	shalt  }
0x74: {  	_ =	shalt  }
0x75: {  	_ =	shalt  }
0x76: {  	_ =	shalt  }
0x77: {  	_ =	shalt  }
0x78: {  	_ =	shalt  }
0x79: {  	_ =	shalt  }
0x7a: {  	_ =	shalt  }
0x7b: {  	_ =	shalt  }
0x7c: {  	_ =	shalt  }
0x7d: {  	_ =	shalt  }
0x7e: {  	_ =	shalt  }
0x7f: {  	_ =	shalt  }
0x80: {  	_ =	shalt  }
0x81: {  	_ =	shalt  }
0x82: {  	_ =	shalt  }
0x83: {  	_ =	shalt  }
0x84: {  	_ =	shalt  }
0x85: {  	_ =	shalt  }
0x86: {  	_ =	shalt  }
0x87: {  	_ =	shalt  }
.Lfunc_end0:
.L_simem_size_0:
called_computation.1_lowered:
.L_overlay_start_0:
0x88: {  	s2 =	sld [smem:$0x3FD9]  }
0x89: {  	s3 =	sld [smem:$0x3FFE];
	_ =	sdelay $0x1  }
0x8a: {  	s1 =	srdreg.scid  }
0x8b: {  	s0 =	sand.u32 $0x1, s1  }
0x8c: {  	s14 =	sshll.u32 s0, $0xA;
	s2 =	sadd.s32 s3, s2  }
0x8d: {  	s2 =	sadd.s32 s2, s14  }
0x8e: {  	[smem:$0x3F93] =	sst s2  }
0x8f: {  	_ = 	snop  }
0x90: {  	s2 =	sld [smem:$0x3FD0];
	_ =	sdelay $0x2  }
0x91: {  	s15 =	simm.s32 $0xA;
	s4 =	simm.s32 $0x10  }
0x92: {  	[smem:s4], [sflag:s15] =	dma.local [hbm:s2], $0x1  }
0x93: {  	_ =	swait.eq [sflag:s15], $0x1  }
0x94: {  	[sflag:s15] =	ssyncset.done $0x0  }
0x95: {  	s16 =	sld [smem:$0x10];
	[sflag:s15] =	ssyncadd.s32 $0xFFFFFFFF  }
0x96: {  	s17 =	sld [smem:$0x11];
	(tm) =	ssettm $0x1  }
0x97: {  	s18 =	sld [smem:$0x3FFB];
	_ =	sdelay $0x3  }
0x98: {  	_ =	strace s18  }
0x99: {  	s4 =	sld [smem:$0x3FFC];
	_ =	sdelay $0x3  }
0x9a: {  	_ =	strace s4  }
0x9b: {  	s4 =	sld [smem:$0x3FFD];
	_ =	sdelay $0x3  }
0x9c: {  	_ =	strace s4  }
0x9d: {  	_ =	strace $0x8FFFFFFF  }
0x9e: {  	s19 =	sld [smem:$0x3FDB];
	_ =	sdelay $0x1  }
0x9f: {  	s5 =	simm.s32 $_scs_section_size  }
0xa0: {  	s6 =	simm.s32 $_size__tile_overlayer_lowered;
	s7 =	simm.s32 $_tile_overlayer_lowered  }
0xa1: {  	s22 =	simm.s32 $0x1BFF;
	s21 =	sshll.u32 s7, $0x1;
	s4 =	sadd.s32 s5, s19  }
0xa2: {  	s8 =	simm.s32 $0x0;
	s20 =	sshll.u32 s6, $0x1;
	s6 =	sadd.s32 s21, s4  }
0xa3: {  	[timem:s8], [sflag:s22] =	dma.local [hbm:s6], s20  }
0xa4: {  	_ =	swait.ge [sflag:s22], s20  }
0xa5: {  	s5 =	ssub.s32 $0x0, s20;
	[sflag:s22] =	ssyncset.done $0x0  }
0xa6: {  	[sflag:s22] =	ssyncadd.s32 s5;
	_ =	sdelay $0x1  }
0xa7: {  	s23 =	simm.s32 $0x1B8B  }
0xa8: {  	_ =	swait.ge [sflag:s23], $0x1  }
0xa9: {  	[sflag:s23] =	ssyncset.done $0x0  }
0xaa: {  	s25 =	simm.s32 $0x1B8E;
	s24 =	sld [smem:$0x3FFE];
	[sflag:s23] =	ssyncadd.s32 $0xFFFFFFFF  }
0xab: {  	s26 =	simm.s32 $execute0_lowered;
	[smem:$0x3FD2] =	sst s25  }
0xac: {  	s6 =	sshll.u32 s26, $0x1;
	_ =	strace $0x80000049;
	[dreg:$0x1] =	wrdreg $0xFFFFFFFF  }
0xad: {  	s28 =	simm.s32 $_size_execute0_lowered;
	s4 =	sadd.s32 s4, s6;
	[dreg:$0x0] =	wrdreg $0x0  }
0xae: {  	s6 =	sshll.u32 s28, $0x1;
	[dreg:$0x2] =	wrdreg s4  }
0xaf: {  	[dreg:$0x3] =	wrdreg s6  }
0xb0: {  	[dreg:$0x4] =	wrdreg $0xC0  }
0xb1: {  	_ =	task [dreg:s8], $0x5FFFF  }
0xb2: {  	[dreg:$0x1] =	wrdreg $0xFFFFFFFF  }
0xb3: {  	[dreg:$0x0] =	wrdreg $0x60  }
0xb4: {  	[dreg:$0x2] =	wrdreg s24  }
0xb5: {  	[dreg:$0x3] =	wrdreg s17  }
0xb6: {  	[dreg:$0x4] =	wrdreg s16  }
0xb7: {  	[dreg:$0x5] =	wrdreg $0x179300  }
0xb8: {  	[dreg:$0x6] =	wrdreg $0x9  }
0xb9: {  	_ =	task.clear_ibuf [dreg:s8], $0x7FFFF;
	_ =	strace $0x90000049  }
0xba: {  	s29 =	simm.s32 $0x9;
	_ =	strace $0x8000004B  }
0xbb: {  	_ =	swait.ge [sflag:s29], $0x1  }
0xbc: {  	[sflag:s29] =	ssyncadd.s32 $0xFFFFFFFF  }
0xbd: {  	_ =	strace $0x9000004B  }
0xbe: {  	_ =	sfence  }
0xbf: {  	s30 =	sld [smem:$0x0];
	_ =	sdelay $0x2  }
0xc0: {  	s31 =	sshll.u32 s1, $0xD;
	s1 =	sshrl.u32 s1, $0x2  }
0xc1: {  	s3 =	sand.u32 $0x4000, s31;
	s1 =	sadd.s32 s1, s30  }
0xc2: {  	s0 =	sor.u32 s3, s0;
	s1 =	sshll.u32 s1, $0x11  }
0xc3: {  	s0 =	sor.u32 s1, s0  }
0xc4: {  	s0 =	sadd.s32 $0x8F2B, s0  }
0xc5: {  	[sflag:s0] =	ssyncadd.remote.s32 $0x1  }
0xc6: {  	_ =	sfence.sel $0xFFFF  }
0xc7: {  	[dreg:$0x0] =	wrdreg $0xFFFFFFFF;
	(pc) =	sbr.abs _section_cstart, $3  }
0xc8: {  	[dreg:$0x1] =	wrdreg $0xFFFFFFFF  }
0xc9: {  	_ =	task.clear_ibuf [dreg:s8], $0x2FFFF;
	_ =	strace $0x9FFFFFFF  }
0xca: {  	(tm) =	ssettm $0x7FFFFFFF  }
0xcb: {  	_ =	shalt  }
tec
execute0_lowered:
.L_overlay_start_1:
0x0: {  	(tag) =	ssettag $0x1  }
0x1: {  	s0 =	rddreg [dreg:$0x0]  }
0x2: {  	s1 =	rddreg [dreg:$0x1]  }
0x3: {  	s2 =	rddreg [dreg:$0x2];
	s22 =	stileid.u32  }
0x4: {  	s31 =	rddreg [dreg:$0x3];
	s4 =	smul.u32 $0x2760, s22  }
0x5: {  	s20 =	rddreg [dreg:$0x4];
	s25 =	smul.u32 $0x276, s22  }
0x6: {  	s3 =	simm.s32 $0x0;
	s7 =	srdreg.scid;
	s26 =	smul.u32 $0x50, s22  }
0x7: {  	p2 =	por $0x0, $0x0;
	[smem:$0x7FF] =	sst s3;
	s6 =	smul.u32 $0x226, s22  }
0x8: {  	s5 =	sadd.s32 $0x8C00, s0;
	s9 =	sadd.s32 $0x12C00, s0;
	s8 =	smul.u32 $0x500, s22  }
0x9: {  	s7 =	sand.u32 $0x1, s7;
	s28 =	smul.u32 $0x2260, s22;
	_ =	strace $0x8000004A  }
0xa: {  	[dreg:$0x5] =	wrdreg s5;
	s12 =	ssub.s32 $0x2, s7;
	p0 =	seq.s32 s7, $0x1  }
0xb: {  	s4 =	sadd.s32 s4, s0;
	s3 =	sadd.s32 s25, s0;
	s29 =	sshrl.u32 s12, $0x1  }
0xc: {  	s10 =	sadd.s32 s26, s0;
	s11 =	sadd.s32 s6, s0;
	s12 =	ssub.s32 s12, s29  }
0xd: {  	s25 =	sadd.s32 $0xF000, s0;
	s13 =	sadd.s32 s8, s0;
	s30 =	smax.u32 s12, $0x1  }
0xe: {  	s6 =	sadd.s32 s1, s26;
	s23 =	sadd.s32 s2, s26;
	s26 =	sadd.s32 $0xFFFFFFFF, s30  }
0xf: {  	s0 =	sadd.s32 s28, s0;
	p1 =	sne.s32 @!p0 s22, $0x0;
	p3 =	sne.s32 s26, $0x0  }
.Ltmp0:
0x10: {  	s8 =	sadd.s32 $0x17C00, s4;
	s7 =	sadd.s32 $0x6B600, s3;
	(pc) =	sbr.rel @!p3 .LBB2_1-.Ltmp0, $4  }
0x11: {  	s4 =	sadd.s32 $0xA000, s13;
	s21 =	sadd.s32 $0x3F200, s13;
	s19 =	sadd.s32 $0x66800, s10  }
0x12: {  	s18 =	sadd.s32 $0x44200, s13;
	s17 =	sadd.s32 $0x69200, s11;
	s16 =	sadd.s32 $0x6DE00, s0  }
0x13: {  	s15 =	sadd.s32 $0x66E00, s11;
	p1 =	por p1, p0;
	s14 =	sadd.s32 $0x90400, s0  }
0x14: {  	s13 =	simm.s32 @p0 $0x0;
	s11 =	simm.s32 @p0 $0x2;
	s5 =	sshrl.u32 @!p1 s31, $0x3  }
0x15: {  	s20 =	simm.s32 @p0 $0x13B00  }
0x16: {  	[tilespmem:s20], [sflag:$0x2] =	stream.linear.gather @p0 [hbm4b:s23+s13], $0x280, $0x38;
	[tilespmem:$0x182F8] =	vst v63  }
0x17: {  	_ =	swait.ge @p0 [sflag:s11], $0x280  }
0x18: {  	[sflag:s11] =	ssyncset.done @p0 $0x0  }
0x19: {  	s0 =	simm.s32 @p0 $0x280;
	s22 =	simm.s32 @p0 $0x1;
	[sflag:s11] =	ssyncadd.s32 @p0 $0xFFFFFD80  }
0x1a: {  	[tilespmem:s13], [sflag:$0x1] =	stream.indirect.gather @p0 [hbm4b:s9+s0], $0x10, s20, s0, $0xb8;
	[tilespmem:$0x182F8] =	vst v63  }
0x1b: {  	_ =	swait.ge @p0 [sflag:s22], $0x2800  }
0x1c: {  	[sflag:s22] =	ssyncset.done @p0 $0x0  }
0x1d: {  	[sflag:s22] =	ssyncadd.s32 @p0 $0xFFFFD800  }
0x1e: {  	[hbm4b:s21+s13] =	stream.linear.scatter @p0 [tilespmem:s13], [sflag:$0x2], $0x2800, $0x38;
	[tilespmem:$0x182F8] =	vst v63  }
0x1f: {  	_ =	swait.ge @p0 [sflag:s11], $0x2800  }
0x20: {  	[sflag:s11] =	ssyncset.done @p0 $0x0  }
0x21: {  	[sflag:s11] =	ssyncadd.s32 @p0 $0xFFFFD800  }
0x22: {  	[tilespmem:s20], [sflag:$0x2] =	stream.linear.gather @p0 [hbm4b:s19+s13], $0x280, $0x38;
	[tilespmem:$0x182F8] =	vst v63  }
0x23: {  	_ =	swait.ge @p0 [sflag:s11], $0x280  }
0x24: {  	[sflag:s11] =	ssyncset.done @p0 $0x0  }
0x25: {  	[sflag:s11] =	ssyncadd.s32 @p0 $0xFFFFFD80  }
0x26: {  	[tilespmem:s13], [sflag:$0x1] =	stream.indirect.gather @p0 [hbm4b:s9+s0], $0x10, s20, s0, $0xb8;
	[tilespmem:$0x182F8] =	vst v63  }
0x27: {  	_ =	swait.ge @p0 [sflag:s22], $0x2800  }
0x28: {  	[sflag:s22] =	ssyncset.done @p0 $0x0  }
0x29: {  	[sflag:s22] =	ssyncadd.s32 @p0 $0xFFFFD800  }
0x2a: {  	[hbm4b:s18+s13] =	stream.linear.scatter @p0 [tilespmem:s13], [sflag:$0x2], $0x2800, $0x38;
	[tilespmem:$0x182F8] =	vst v63  }
0x2b: {  	_ =	swait.ge @p0 [sflag:s11], $0x2800  }
0x2c: {  	[sflag:s11] =	ssyncset.done @p0 $0x0  }
0x2d: {  	[sflag:s11] =	ssyncadd.s32 @p0 $0xFFFFD800  }
0x2e: {  	[tilespmem:s20], [sflag:$0x2] =	stream.linear.gather @p0 [hbm4b:s17+s13], $0x1130, $0x38;
	[tilespmem:$0x182F8] =	vst v63  }
0x2f: {  	_ =	swait.ge @p0 [sflag:s11], $0x1130  }
0x30: {  	[sflag:s11] =	ssyncset.done @p0 $0x0  }
0x31: {  	s0 =	simm.s32 @p0 $0x1130;
	[dreg:$0x6] =	wrdreg s21;
	[sflag:s11] =	ssyncadd.s32 @p0 $0xFFFFEED0  }
0x32: {  	[tilespmem:s13], [sflag:$0x1] =	stream.indirect.gather @p0 [hbm4b:s9+s0], $0x10, s20, s0, $0xb8;
	[tilespmem:$0x182F8] =	vst v63  }
0x33: {  	_ =	swait.ge @p0 [sflag:s22], $0x11300  }
0x34: {  	[sflag:s22] =	ssyncset.done @p0 $0x0  }
0x35: {  	[sflag:s22] =	ssyncadd.s32 @p0 $0xFFFEED00  }
0x36: {  	[hbm4b:s16+s13] =	stream.linear.scatter @p0 [tilespmem:s13], [sflag:$0x2], $0x11300, $0x38;
	[tilespmem:$0x182F8] =	vst v63  }
0x37: {  	_ =	swait.ge @p0 [sflag:s11], $0x11300  }
0x38: {  	[sflag:s11] =	ssyncset.done @p0 $0x0  }
0x39: {  	[sflag:s11] =	ssyncadd.s32 @p0 $0xFFFEED00  }
0x3a: {  	[tilespmem:s20], [sflag:$0x2] =	stream.linear.gather @p0 [hbm4b:s15+s13], $0x1130, $0x38;
	[tilespmem:$0x182F8] =	vst v63  }
0x3b: {  	_ =	swait.ge @p0 [sflag:s11], $0x1130  }
0x3c: {  	[sflag:s11] =	ssyncset.done @p0 $0x0  }
0x3d: {  	[sflag:s11] =	ssyncadd.s32 @p0 $0xFFFFEED0  }
0x3e: {  	[tilespmem:s13], [sflag:$0x1] =	stream.indirect.gather @p0 [hbm4b:s9+s0], $0x10, s20, s0, $0xb8;
	[tilespmem:$0x182F8] =	vst v63  }
0x3f: {  	_ =	swait.ge @p0 [sflag:s22], $0x11300  }
0x40: {  	[sflag:s22] =	ssyncset.done @p0 $0x0  }
0x41: {  	[sflag:s22] =	ssyncadd.s32 @p0 $0xFFFEED00  }
0x42: {  	[hbm4b:s14+s13] =	stream.linear.scatter @p0 [tilespmem:s13], [sflag:$0x2], $0x11300, $0x38;
	[tilespmem:$0x182F8] =	vst v63  }
0x43: {  	_ =	swait.ge @p0 [sflag:s11], $0x11300  }
0x44: {  	s3 =	simm.s32 @!p1 $0x1C02;
	[sflag:s11] =	ssyncset.done @p0 $0x0  }
0x45: {  	s24 =	simm.s32 @!p1 $0x2;
	s0 =	rddreg [dreg:$0x5];
	[sflag:s11] =	ssyncadd.s32 @p0 $0xFFFEED00  }
0x46: {  	[spmem:s5], [sflag:s3] =	dma.local @!p1 [hbm:s0], $0x1390  }
0x47: {  	_ =	swait.ge @!p1 [sflag:s24], $0x1390  }
0x48: {  	[sflag:s24] =	ssyncset.done @!p1 $0x0  }
0x49: {  	[sflag:s24] =	ssyncadd.s32 @!p1 $0xFFFFEC70  }
0x4a: {  	s28 =	simm.s32 @!p0 $0x0;
	s29 =	simm.s32 @!p0 $0x2;
	[bflag:$0x0] =	sbarrier.arrive @!p0 $0xFFFF  }
0x4b: {  	[tilespmem:s28], [sflag:$0x2] =	stream.linear.gather @!p0 [hbm4b:s8+s28], $0x13B00, $0x38;
	[tilespmem:$0x182F8] =	vst v63  }
0x4c: {  	_ =	swait.ge @!p0 [sflag:s29], $0x13B00  }
0x4d: {  	[sflag:s29] =	ssyncset.done @!p0 $0x0  }
0x4e: {  	s30 =	simm.s32 @!p0 $0x13B00;
	[sflag:s29] =	ssyncadd.s32 @!p0 $0xFFFEC500  }
0x4f: {  	[tilespmem:s30], [sflag:$0x2] =	stream.linear.gather @!p0 [hbm4b:s7+s28], $0x13B0, $0x38;
	[tilespmem:$0x182F8] =	vst v63  }
0x50: {  	_ =	swait.ge @!p0 [sflag:s29], $0x13B0  }
0x51: {  	[sflag:s29] =	ssyncset.done @!p0 $0x0  }
0x52: {  	s0 =	simm.s32 @!p0 $0x13B0;
	[sflag:s29] =	ssyncadd.s32 @!p0 $0xFFFFEC50  }
0x53: {  	[spmem:s31] =	stream.indirect.scatter.add.f32 @!p0 [tilespmem:s28], [sflag:$0x2], $0x10, s30, s0, $0xb8;
	[tilespmem:$0x182F8] =	vst v63  }
0x54: {  	_ =	swait.ge @!p0 [sflag:s29], $0x13B00  }
0x55: {  	[sflag:s29] =	ssyncset.done @!p0 $0x0  }
0x56: {  	[sflag:s29] =	ssyncadd.s32 @!p0 $0xFFFEC500  }
0x57: {  	s0 =	simm.s32 @!p0 $0x14EB0;
	[bflag:$0x0] =	sbarrier.arrive @!p0 $0xFFFF  }
0x58: {  	[tilespmem:s0], [sflag:$0x2] =	stream.linear.gather @!p0 [hbm4b:s6+s28], $0x280, $0x38;
	[tilespmem:$0x182F8] =	vst v63  }
0x59: {  	_ =	swait.ge @!p0 [sflag:s29], $0x280  }
0x5a: {  	s1 =	simm.s32 @!p0 $0x1;
	[sflag:s29] =	ssyncset.done @!p0 $0x0  }
0x5b: {  	s10 =	simm.s32 @!p0 $0x280;
	s2 =	simm.s32 @!p0 $0x15130;
	[sflag:s29] =	ssyncadd.s32 @!p0 $0xFFFFFD80  }
0x5c: {  	[tilespmem:s2], [sflag:$0x1] =	stream.indirect.gather @!p0 [spmem:s31], $0x10, s0, s10, $0xb8;
	[tilespmem:$0x182F8] =	vst v63  }
0x5d: {  	_ =	swait.ge @!p0 [sflag:s1], $0x2800  }
0x5e: {  	[sflag:s1] =	ssyncset.done @!p0 $0x0  }
0x5f: {  	[sflag:s1] =	ssyncadd.s32 @!p0 $0xFFFFD800  }
0x60: {  	[hbm4b:s4+s28] =	stream.linear.scatter @!p0 [tilespmem:s2], [sflag:$0x2], $0x2800, $0x38;
	[tilespmem:$0x182F8] =	vst v63  }
0x61: {  	s10 =	smov.u32 s4;
	s4 =	smov.u32 s31;
	s31 =	sadd.s32 $0xFFFFFFFF, s26  }
0x62: {  	_ =	swait.ge @!p0 [sflag:s29], $0x2800;
	p3 =	sne.s32 s31, $0x0  }
.Ltmp1:
0x63: {  	[sflag:s29] =	ssyncset.done @!p0 $0x0;
	(pc) =	sbr.rel @!p3 .LBB2_3-.Ltmp1, $4  }
0x64: {  	[sflag:s29] =	ssyncadd.s32 @!p0 $0xFFFFD800  }
0x65: {  	[hbm:s25], [sflag:s3] =	dma.local @!p1 [spmem:s5], $0x1390  }
0x66: {  	p2 =	por $0x1, $0x1;
	_ =	swait.ge @!p1 [sflag:s24], $0x1390  }
0x67: {  	s26 =	smov.u32 s25;
	s3 =	simm.s32 @p0 $0x0;
	[sflag:s24] =	ssyncset.done @!p1 $0x0  }
.LBB2_4:
0x68: {  	[sflag:s24] =	ssyncadd.s32 @!p1 $0xFFFFEC70  }
0x69: {  	[tilespmem:s20], [sflag:$0x2] =	stream.linear.gather @p0 [hbm4b:s23+s13], $0x280, $0x38;
	[tilespmem:$0x182F8] =	vst v63  }
0x6a: {  	_ =	swait.ge @p0 [sflag:s11], $0x280  }
0x6b: {  	[sflag:s11] =	ssyncset.done @p0 $0x0  }
0x6c: {  	s21 =	simm.s32 @p0 $0x280;
	[sflag:s11] =	ssyncadd.s32 @p0 $0xFFFFFD80  }
0x6d: {  	[tilespmem:s13], [sflag:$0x1] =	stream.indirect.gather @p0 [hbm4b:s9+s21], $0x10, s20, s21, $0xb8;
	[tilespmem:$0x182F8] =	vst v63  }
0x6e: {  	_ =	swait.ge @p0 [sflag:s22], $0x2800  }
0x6f: {  	s12 =	smov.u32 s6;
	s6 =	smov.u32 s26;
	[sflag:s22] =	ssyncset.done @p0 $0x0  }
0x70: {  	s26 =	smov.u32 s3;
	s25 =	rddreg [dreg:$0x6];
	[sflag:s22] =	ssyncadd.s32 @p0 $0xFFFFD800  }
0x71: {  	[hbm4b:s25+s26] =	stream.linear.scatter @p0 [tilespmem:s13], [sflag:$0x2], $0x2800, $0x38;
	[tilespmem:$0x182F8] =	vst v63  }
0x72: {  	_ =	swait.ge @p0 [sflag:s11], $0x2800  }
0x73: {  	[sflag:s11] =	ssyncset.done @p0 $0x0  }
0x74: {  	[sflag:s11] =	ssyncadd.s32 @p0 $0xFFFFD800  }
0x75: {  	[tilespmem:s20], [sflag:$0x2] =	stream.linear.gather @p0 [hbm4b:s19+s13], $0x280, $0x38;
	[tilespmem:$0x182F8] =	vst v63  }
0x76: {  	_ =	swait.ge @p0 [sflag:s11], $0x280  }
0x77: {  	[sflag:s11] =	ssyncset.done @p0 $0x0  }
0x78: {  	[sflag:s11] =	ssyncadd.s32 @p0 $0xFFFFFD80  }
0x79: {  	[tilespmem:s13], [sflag:$0x1] =	stream.indirect.gather @p0 [hbm4b:s9+s21], $0x10, s20, s21, $0xb8;
	[tilespmem:$0x182F8] =	vst v63  }
0x7a: {  	_ =	swait.ge @p0 [sflag:s22], $0x2800  }
0x7b: {  	[sflag:s22] =	ssyncset.done @p0 $0x0  }
0x7c: {  	[sflag:s22] =	ssyncadd.s32 @p0 $0xFFFFD800  }
0x7d: {  	[hbm4b:s18+s26] =	stream.linear.scatter @p0 [tilespmem:s13], [sflag:$0x2], $0x2800, $0x38;
	[tilespmem:$0x182F8] =	vst v63  }
0x7e: {  	_ =	swait.ge @p0 [sflag:s11], $0x2800  }
0x7f: {  	[sflag:s11] =	ssyncset.done @p0 $0x0  }
0x80: {  	[sflag:s11] =	ssyncadd.s32 @p0 $0xFFFFD800  }
0x81: {  	[tilespmem:s20], [sflag:$0x2] =	stream.linear.gather @p0 [hbm4b:s17+s13], $0x1130, $0x38;
	[tilespmem:$0x182F8] =	vst v63  }
0x82: {  	_ =	swait.ge @p0 [sflag:s11], $0x1130  }
0x83: {  	[sflag:s11] =	ssyncset.done @p0 $0x0  }
0x84: {  	s21 =	simm.s32 @p0 $0x1130;
	[sflag:s11] =	ssyncadd.s32 @p0 $0xFFFFEED0  }
0x85: {  	[tilespmem:s13], [sflag:$0x1] =	stream.indirect.gather @p0 [hbm4b:s9+s21], $0x10, s20, s21, $0xb8;
	[tilespmem:$0x182F8] =	vst v63  }
0x86: {  	_ =	swait.ge @p0 [sflag:s22], $0x11300  }
0x87: {  	[sflag:s22] =	ssyncset.done @p0 $0x0  }
0x88: {  	[sflag:s22] =	ssyncadd.s32 @p0 $0xFFFEED00  }
0x89: {  	[hbm4b:s16+s26] =	stream.linear.scatter @p0 [tilespmem:s13], [sflag:$0x2], $0x11300, $0x38;
	[tilespmem:$0x182F8] =	vst v63  }
0x8a: {  	_ =	swait.ge @p0 [sflag:s11], $0x11300  }
0x8b: {  	[sflag:s11] =	ssyncset.done @p0 $0x0  }
0x8c: {  	[sflag:s11] =	ssyncadd.s32 @p0 $0xFFFEED00  }
0x8d: {  	[tilespmem:s20], [sflag:$0x2] =	stream.linear.gather @p0 [hbm4b:s15+s13], $0x1130, $0x38;
	[tilespmem:$0x182F8] =	vst v63  }
0x8e: {  	_ =	swait.ge @p0 [sflag:s11], $0x1130  }
0x8f: {  	[sflag:s11] =	ssyncset.done @p0 $0x0  }
0x90: {  	[sflag:s11] =	ssyncadd.s32 @p0 $0xFFFFEED0  }
0x91: {  	[tilespmem:s13], [sflag:$0x1] =	stream.indirect.gather @p0 [hbm4b:s9+s21], $0x10, s20, s21, $0xb8;
	[tilespmem:$0x182F8] =	vst v63  }
0x92: {  	_ =	swait.ge @p0 [sflag:s22], $0x11300  }
0x93: {  	[sflag:s22] =	ssyncset.done @p0 $0x0  }
0x94: {  	[sflag:s22] =	ssyncadd.s32 @p0 $0xFFFEED00  }
0x95: {  	[hbm4b:s14+s13] =	stream.linear.scatter @p0 [tilespmem:s13], [sflag:$0x2], $0x11300, $0x38;
	[tilespmem:$0x182F8] =	vst v63  }
0x96: {  	_ =	swait.ge @p0 [sflag:s11], $0x11300  }
0x97: {  	[sflag:s11] =	ssyncset.done @p0 $0x0  }
0x98: {  	s21 =	simm.s32 @!p1 $0x1C02;
	s26 =	rddreg [dreg:$0x5];
	[sflag:s11] =	ssyncadd.s32 @p0 $0xFFFEED00  }
0x99: {  	[spmem:s5], [sflag:s21] =	dma.local @!p1 [hbm:s26], $0x1390  }
0x9a: {  	_ =	swait.ge @!p1 [sflag:s24], $0x1390  }
0x9b: {  	[sflag:s24] =	ssyncset.done @!p1 $0x0  }
0x9c: {  	[sflag:s24] =	ssyncadd.s32 @!p1 $0xFFFFEC70  }
0x9d: {  	[bflag:$0x0] =	sbarrier.arrive @!p0 $0xFFFF  }
0x9e: {  	[tilespmem:s28], [sflag:$0x2] =	stream.linear.gather @!p0 [hbm4b:s8+s28], $0x13B00, $0x38;
	[tilespmem:$0x182F8] =	vst v63  }
0x9f: {  	_ =	swait.ge @!p0 [sflag:s29], $0x13B00  }
0xa0: {  	[sflag:s29] =	ssyncset.done @!p0 $0x0  }
0xa1: {  	[sflag:s29] =	ssyncadd.s32 @!p0 $0xFFFEC500  }
0xa2: {  	[tilespmem:s30], [sflag:$0x2] =	stream.linear.gather @!p0 [hbm4b:s7+s28], $0x13B0, $0x38;
	[tilespmem:$0x182F8] =	vst v63  }
0xa3: {  	_ =	swait.ge @!p0 [sflag:s29], $0x13B0  }
0xa4: {  	s26 =	smov.u32 s6;
	[sflag:s29] =	ssyncset.done @!p0 $0x0  }
0xa5: {  	s6 =	smov.u32 s12;
	s12 =	simm.s32 @!p0 $0x13B0;
	[sflag:s29] =	ssyncadd.s32 @!p0 $0xFFFFEC50  }
0xa6: {  	[spmem:s4] =	stream.indirect.scatter.add.f32 @!p0 [tilespmem:s28], [sflag:$0x2], $0x10, s30, s12, $0xb8;
	[tilespmem:$0x182F8] =	vst v63  }
0xa7: {  	_ =	swait.ge @!p0 [sflag:s29], $0x13B00  }
0xa8: {  	[sflag:s29] =	ssyncset.done @!p0 $0x0  }
0xa9: {  	[sflag:s29] =	ssyncadd.s32 @!p0 $0xFFFEC500  }
0xaa: {  	[bflag:$0x0] =	sbarrier.arrive @!p0 $0xFFFF  }
0xab: {  	[tilespmem:s0], [sflag:$0x2] =	stream.linear.gather @!p0 [hbm4b:s6+s28], $0x280, $0x38;
	[tilespmem:$0x182F8] =	vst v63  }
0xac: {  	_ =	swait.ge @!p0 [sflag:s29], $0x280  }
0xad: {  	[sflag:s29] =	ssyncset.done @!p0 $0x0  }
0xae: {  	s12 =	simm.s32 @!p0 $0x280;
	[sflag:s29] =	ssyncadd.s32 @!p0 $0xFFFFFD80  }
0xaf: {  	[tilespmem:s2], [sflag:$0x1] =	stream.indirect.gather @!p0 [spmem:s4], $0x10, s0, s12, $0xb8;
	[tilespmem:$0x182F8] =	vst v63  }
0xb0: {  	_ =	swait.ge @!p0 [sflag:s1], $0x2800  }
0xb1: {  	[sflag:s1] =	ssyncset.done @!p0 $0x0  }
0xb2: {  	s31 =	sadd.s32 $0xFFFFFFFF, s31;
	[sflag:s1] =	ssyncadd.s32 @!p0 $0xFFFFD800  }
0xb3: {  	[hbm4b:s10+s28] =	stream.linear.scatter @!p0 [tilespmem:s2], [sflag:$0x2], $0x2800, $0x38;
	[tilespmem:$0x182F8] =	vst v63  }
0xb4: {  	p3 =	sne.s32 s31, $0x0;
	_ =	swait.ge @!p0 [sflag:s29], $0x2800  }
.Ltmp2:
0xb5: {  	[sflag:s29] =	ssyncset.done @!p0 $0x0;
	(pc) =	sbr.rel @p3 .LBB2_4-.Ltmp2, $4  }
0xb6: {  	[sflag:s29] =	ssyncadd.s32 @!p0 $0xFFFFD800  }
0xb7: {  	[hbm:s26], [sflag:s21] =	dma.local @!p1 [spmem:s5], $0x1390  }
0xb8: {  	s3 =	simm.s32 @p0 $0x0;
	_ =	swait.ge @!p1 [sflag:s24], $0x1390  }
0xb9: {  	s13 =	smov.u32 s3;
	[sflag:s24] =	ssyncset.done @!p1 $0x0  }
0xba: {  	s20 =	rddreg [dreg:$0x4];
	s22 =	stileid.u32  }
0xbb: {  	s31 =	smov.u32 s4;
	s4 =	smov.u32 s10;
	s21 =	rddreg [dreg:$0x6]  }
.LBB2_6:
0xbc: {  	p2 =	por p1, !p2  }
0xbd: {  	s0 =	simm.s32 @p0 $0x13B00;
	[sflag:s24] =	ssyncadd.s32 @!p2 $0xFFFFEC70  }
0xbe: {  	[tilespmem:s0], [sflag:$0x2] =	stream.linear.gather @p0 [hbm4b:s23+s13], $0x280, $0x38;
	[tilespmem:$0x182F8] =	vst v63  }
0xbf: {  	_ =	swait.ge @p0 [sflag:s11], $0x280  }
0xc0: {  	[sflag:s11] =	ssyncset.done @p0 $0x0  }
0xc1: {  	s1 =	simm.s32 @p0 $0x280;
	s2 =	simm.s32 @p0 $0x1;
	[sflag:s11] =	ssyncadd.s32 @p0 $0xFFFFFD80  }
0xc2: {  	[tilespmem:s13], [sflag:$0x1] =	stream.indirect.gather @p0 [hbm4b:s9+s1], $0x10, s0, s1, $0xb8;
	[tilespmem:$0x182F8] =	vst v63  }
0xc3: {  	_ =	swait.ge @p0 [sflag:s2], $0x2800  }
0xc4: {  	[sflag:s2] =	ssyncset.done @p0 $0x0  }
0xc5: {  	[sflag:s2] =	ssyncadd.s32 @p0 $0xFFFFD800  }
0xc6: {  	[hbm4b:s21+s3] =	stream.linear.scatter @p0 [tilespmem:s13], [sflag:$0x2], $0x2800, $0x38;
	[tilespmem:$0x182F8] =	vst v63  }
0xc7: {  	_ =	swait.ge @p0 [sflag:s11], $0x2800  }
0xc8: {  	[sflag:s11] =	ssyncset.done @p0 $0x0  }
0xc9: {  	[sflag:s11] =	ssyncadd.s32 @p0 $0xFFFFD800  }
0xca: {  	[tilespmem:s0], [sflag:$0x2] =	stream.linear.gather @p0 [hbm4b:s19+s13], $0x280, $0x38;
	[tilespmem:$0x182F8] =	vst v63  }
0xcb: {  	_ =	swait.ge @p0 [sflag:s11], $0x280  }
0xcc: {  	[sflag:s11] =	ssyncset.done @p0 $0x0  }
0xcd: {  	[sflag:s11] =	ssyncadd.s32 @p0 $0xFFFFFD80  }
0xce: {  	[tilespmem:s13], [sflag:$0x1] =	stream.indirect.gather @p0 [hbm4b:s9+s1], $0x10, s0, s1, $0xb8;
	[tilespmem:$0x182F8] =	vst v63  }
0xcf: {  	_ =	swait.ge @p0 [sflag:s2], $0x2800  }
0xd0: {  	[sflag:s2] =	ssyncset.done @p0 $0x0  }
0xd1: {  	[sflag:s2] =	ssyncadd.s32 @p0 $0xFFFFD800  }
0xd2: {  	[hbm4b:s18+s3] =	stream.linear.scatter @p0 [tilespmem:s13], [sflag:$0x2], $0x2800, $0x38;
	[tilespmem:$0x182F8] =	vst v63  }
0xd3: {  	_ =	swait.ge @p0 [sflag:s11], $0x2800  }
0xd4: {  	[sflag:s11] =	ssyncset.done @p0 $0x0  }
0xd5: {  	[sflag:s11] =	ssyncadd.s32 @p0 $0xFFFFD800  }
0xd6: {  	[tilespmem:s0], [sflag:$0x2] =	stream.linear.gather @p0 [hbm4b:s17+s13], $0x1130, $0x38;
	[tilespmem:$0x182F8] =	vst v63  }
0xd7: {  	_ =	swait.ge @p0 [sflag:s11], $0x1130  }
0xd8: {  	[sflag:s11] =	ssyncset.done @p0 $0x0  }
0xd9: {  	s1 =	simm.s32 @p0 $0x1130;
	[sflag:s11] =	ssyncadd.s32 @p0 $0xFFFFEED0  }
0xda: {  	[tilespmem:s13], [sflag:$0x1] =	stream.indirect.gather @p0 [hbm4b:s9+s1], $0x10, s0, s1, $0xb8;
	[tilespmem:$0x182F8] =	vst v63  }
0xdb: {  	_ =	swait.ge @p0 [sflag:s2], $0x11300  }
0xdc: {  	[sflag:s2] =	ssyncset.done @p0 $0x0  }
0xdd: {  	[sflag:s2] =	ssyncadd.s32 @p0 $0xFFFEED00  }
0xde: {  	[hbm4b:s16+s3] =	stream.linear.scatter @p0 [tilespmem:s13], [sflag:$0x2], $0x11300, $0x38;
	[tilespmem:$0x182F8] =	vst v63  }
0xdf: {  	_ =	swait.ge @p0 [sflag:s11], $0x11300  }
0xe0: {  	[sflag:s11] =	ssyncset.done @p0 $0x0  }
0xe1: {  	[sflag:s11] =	ssyncadd.s32 @p0 $0xFFFEED00  }
0xe2: {  	[tilespmem:s0], [sflag:$0x2] =	stream.linear.gather @p0 [hbm4b:s15+s13], $0x1130, $0x38;
	[tilespmem:$0x182F8] =	vst v63  }
0xe3: {  	_ =	swait.ge @p0 [sflag:s11], $0x1130  }
0xe4: {  	[sflag:s11] =	ssyncset.done @p0 $0x0  }
0xe5: {  	[sflag:s11] =	ssyncadd.s32 @p0 $0xFFFFEED0  }
0xe6: {  	[tilespmem:s13], [sflag:$0x1] =	stream.indirect.gather @p0 [hbm4b:s9+s1], $0x10, s0, s1, $0xb8;
	[tilespmem:$0x182F8] =	vst v63  }
0xe7: {  	_ =	swait.ge @p0 [sflag:s2], $0x11300  }
0xe8: {  	[sflag:s2] =	ssyncset.done @p0 $0x0  }
0xe9: {  	[sflag:s2] =	ssyncadd.s32 @p0 $0xFFFEED00  }
0xea: {  	[hbm4b:s14+s13] =	stream.linear.scatter @p0 [tilespmem:s13], [sflag:$0x2], $0x11300, $0x38;
	[tilespmem:$0x182F8] =	vst v63  }
0xeb: {  	_ =	swait.ge @p0 [sflag:s11], $0x11300  }
0xec: {  	s1 =	simm.s32 @!p1 $0x1C02;
	[sflag:s11] =	ssyncset.done @p0 $0x0  }
0xed: {  	s2 =	simm.s32 @!p1 $0x2;
	s0 =	rddreg [dreg:$0x5];
	[sflag:s11] =	ssyncadd.s32 @p0 $0xFFFEED00  }
0xee: {  	[spmem:s5], [sflag:s1] =	dma.local @!p1 [hbm:s0], $0x1390  }
0xef: {  	_ =	swait.ge @!p1 [sflag:s2], $0x1390  }
0xf0: {  	[sflag:s2] =	ssyncset.done @!p1 $0x0  }
0xf1: {  	[sflag:s2] =	ssyncadd.s32 @!p1 $0xFFFFEC70  }
0xf2: {  	s3 =	simm.s32 @!p0 $0x2;
	s0 =	simm.s32 @!p0 $0x0;
	[bflag:$0x0] =	sbarrier.arrive @!p0 $0xFFFF  }
0xf3: {  	[tilespmem:s0], [sflag:$0x2] =	stream.linear.gather @!p0 [hbm4b:s8+s0], $0x13B00, $0x38;
	[tilespmem:$0x182F8] =	vst v63  }
0xf4: {  	_ =	swait.ge @!p0 [sflag:s3], $0x13B00  }
0xf5: {  	[sflag:s3] =	ssyncset.done @!p0 $0x0  }
0xf6: {  	s8 =	simm.s32 @!p0 $0x13B00;
	[sflag:s3] =	ssyncadd.s32 @!p0 $0xFFFEC500  }
0xf7: {  	[tilespmem:s8], [sflag:$0x2] =	stream.linear.gather @!p0 [hbm4b:s7+s0], $0x13B0, $0x38;
	[tilespmem:$0x182F8] =	vst v63  }
0xf8: {  	_ =	swait.ge @!p0 [sflag:s3], $0x13B0  }
0xf9: {  	[sflag:s3] =	ssyncset.done @!p0 $0x0  }
0xfa: {  	s7 =	simm.s32 @!p0 $0x13B0;
	[sflag:s3] =	ssyncadd.s32 @!p0 $0xFFFFEC50  }
0xfb: {  	[spmem:s31] =	stream.indirect.scatter.add.f32 @!p0 [tilespmem:s0], [sflag:$0x2], $0x10, s8, s7, $0xb8;
	[tilespmem:$0x182F8] =	vst v63  }
0xfc: {  	_ =	swait.ge @!p0 [sflag:s3], $0x13B00  }
0xfd: {  	[sflag:s3] =	ssyncset.done @!p0 $0x0  }
0xfe: {  	[sflag:s3] =	ssyncadd.s32 @!p0 $0xFFFEC500  }
0xff: {  	s7 =	simm.s32 @!p0 $0x14EB0;
	[bflag:$0x0] =	sbarrier.arrive @!p0 $0xFFFF  }
0x100: {  	[tilespmem:s7], [sflag:$0x2] =	stream.linear.gather @!p0 [hbm4b:s6+s0], $0x280, $0x38;
	[tilespmem:$0x182F8] =	vst v63  }
0x101: {  	_ =	swait.ge @!p0 [sflag:s3], $0x280  }
0x102: {  	s9 =	simm.s32 @!p0 $0x15130;
	[sflag:s3] =	ssyncset.done @!p0 $0x0  }
0x103: {  	s8 =	simm.s32 @!p0 $0x280;
	s6 =	simm.s32 @!p0 $0x1;
	[sflag:s3] =	ssyncadd.s32 @!p0 $0xFFFFFD80  }
0x104: {  	[tilespmem:s9], [sflag:$0x1] =	stream.indirect.gather @!p0 [spmem:s31], $0x10, s7, s8, $0xb8;
	[tilespmem:$0x182F8] =	vst v63  }
0x105: {  	_ =	swait.ge @!p0 [sflag:s6], $0x2800  }
0x106: {  	[sflag:s6] =	ssyncset.done @!p0 $0x0  }
0x107: {  	[sflag:s6] =	ssyncadd.s32 @!p0 $0xFFFFD800  }
0x108: {  	[hbm4b:s4+s0] =	stream.linear.scatter @!p0 [tilespmem:s9], [sflag:$0x2], $0x2800, $0x38;
	[tilespmem:$0x182F8] =	vst v63  }
0x109: {  	_ =	swait.ge @!p0 [sflag:s3], $0x2800  }
0x10a: {  	[sflag:s3] =	ssyncset.done @!p0 $0x0  }
0x10b: {  	[sflag:s3] =	ssyncadd.s32 @!p0 $0xFFFFD800  }
0x10c: {  	[hbm:s26], [sflag:s1] =	dma.local @!p1 [spmem:s5], $0x1390  }
0x10d: {  	_ =	swait.ge @!p1 [sflag:s2], $0x1390  }
0x10e: {  	[sflag:s2] =	ssyncset.done @!p1 $0x0  }
0x10f: {  	[sflag:s2] =	ssyncadd.s32 @!p1 $0xFFFFEC70  }
0x110: {  	_ =	sfence.sel $0x180000  }
0x111: {  	[bflag:$0x0] =	sbarrier.arrive $0xFFFF  }
0x112: {  	p0 =	sne.s32 s22, $0x0;
	_ =	strace $0x9000004A  }
0x113: {  	s0 =	sadd.s32 @!p0 $0x100000, s20;
	[bflag:$0x2] =	sbarrier.arrive $0xFFFF  }
0x114: {  	[sflag:s0] =	ssyncadd.tile.s32 @!p0 $0x1;
	_ =	shalt  }
.LBB2_1:
.Ltmp3:
0x115: {  	(pc) =	sbr.rel .LBB2_6-.Ltmp3, $2  }
0x116: {  	_ =	sdelay $0x2  }
0x117: {  	s3 =	simm.s32 @p0 $0x0;
	s26 =	smov.u32 s25  }
.LBB2_3:
.Ltmp4:
0x118: {  	(pc) =	sbr.rel .LBB2_6-.Ltmp4, $3  }
0x119: {  	_ =	sdelay $0x1  }
0x11a: {  	s3 =	simm.s32 @p0 $0x0;
	s20 =	rddreg [dreg:$0x4];
	s22 =	stileid.u32  }
0x11b: {  	s31 =	smov.u32 s4;
	s4 =	smov.u32 s10;
	s21 =	rddreg [dreg:$0x6]  }
.Lfunc_end2:
_tile_overlayer_lowered:
.L_overlay_start_2:
0x11c: {  	(tag) =	ssettag $0x2  }
0x11d: {  	s0 =	rddreg [dreg:$0x0];
	s2 =	stileid.u32  }
0x11e: {  	s1 =	rddreg [dreg:$0x1];
	p0 =	sne.s32 s2, $0x0  }
0x11f: {  	s3 =	rddreg [dreg:$0x2];
	[bflag:$0x3] =	sbarrier.arrive $0xFFFF;
	s2 =	simm.s32 @!p0 $0x1C02  }
0x120: {  	[timem:s3], [sflag:s2] =	dma.local @!p0 [hbm:s0], s1  }
0x121: {  	s0 =	simm.s32 @!p0 $0x2  }
0x122: {  	_ =	swait.ge @!p0 [sflag:s0], s1  }
0x123: {  	s1 =	ssub.s32 @!p0 $0x0, s1;
	[sflag:s0] =	ssyncset.done @!p0 $0x0  }
0x124: {  	[sflag:s0] =	ssyncadd.s32 @!p0 s1  }
0x125: {  	[bflag:$0x3] =	sbarrier.arrive $0xFFFF  }
0x126: {  	_ =	shalt  }

// kernel: kernel.17.cloned.1.call-start
scs
__scs_entry_jumppad:
0x0: {  	(pc) =	sbr.rel $0x88, $3  }
0x1: {  	(tag) =	ssettag $0x0;
	lr =	simm.s32 $0x1  }
0x2: {  	[smem:$0x3F6C] =	sst lr;
	_ =	strace $0xD0000000  }
0x3: {  	_ = 	snop  }
0x4: {  	_ = 	snop  }
0x5: {  	_ = 	snop  }
0x6: {  	_ = 	snop  }
0x7: {  	_ = 	snop  }
__scs_overlays_trampoline_lowered:
0x8: {  	[smem:$0x3F7B] =	sst s0  }
0x9: {  	[smem:$0x3F7C] =	sst s1  }
0xa: {  	[smem:$0x3F7D] =	sst s2  }
0xb: {  	[smem:$0x3F7E] =	sst s3  }
0xc: {  	[smem:$0x3F7F] =	sst s4  }
0xd: {  	[smem:$0x3F80] =	sst s5  }
0xe: {  	[smem:$0x3F81] =	sst s6  }
0xf: {  	[smem:$0x3F82] =	sst s7  }
0x10: {  	[smem:$0x3F83] =	sst s8  }
0x11: {  	[smem:$0x3F84] =	sst s9;
	s0 =	simm.s32 @!p0 $0x0  }
0x12: {  	s1 =	sld [smem:$0x3F6A];
	s0 =	simm.s32 @p0 $0x1  }
0x13: {  	[smem:$0x3F85] =	sst s0;
	s0 =	simm.s32 @!p1 $0x0  }
0x14: {  	s2 =	sld [smem:$0x3F69];
	s0 =	simm.s32 @p1 $0x1  }
0x15: {  	[smem:$0x3F86] =	sst s0;
	s0 =	simm.s32 @!p2 $0x0  }
0x16: {  	s3 =	sld [smem:$0x3FDB];
	s0 =	simm.s32 @p2 $0x1  }
0x17: {  	s4 =	simm.s32 $0x1BF5;
	[smem:$0x3F88] =	sst s0  }
0x18: {  	s0 =	sld [smem:$0x3F6B];
	_ =	swait.ge [sflag:s4], $0x0  }
0x19: {  	s7 =	sld [smem:$0x3F6C]  }
0x1a: {  	s8 =	sadd.s32 $0xFFFFE003, lr  }
0x1b: {  	s9 =	sadd.s32 $0xFFFFFEF7, lr;
	s5 =	simm.s32 $0xFFFFFFFF;
	p2 =	slt.u32 s8, $0xFFFFF086  }
0x1c: {  	p1 =	slt.u32 s9, $0xF7A;
	s5 =	simm.s32 @!p2 $0x0  }
0x1d: {  	s5 =	simm.s32 @p1 $0x1;
	p0 =	seq.s32 s7, s2  }
0x1e: {  	s7 =	smul.u32 @!p0 $0xF7A, s2;
	p2 =	seq.s32 @!p0 s5, $0x0  }
0x1f: {  	s9 =	smul.u32 $0xF7A, s1;
	s8 =	simm.s32 @!p0 $0x1BF5;
	p2 =	por !p2, p0  }
0x20: {  	[sflag:s8] =	ssyncset.s32 @!p0 $0xFFFFF086;
	s6 =	sadd.s32 @!p0 s3, s7;
	s7 =	simm.s32 @!p0 $0x108  }
0x21: {  	s3 =	sadd.s32 s3, s9;
	s6 =	sadd.s32 @!p0 $0x88, s6;
	s7 =	simm.s32 @p2 $0x1082  }
0x22: {  	[simem:s7], [sflag:s8] =	dma.local @!p0 [hbm:s6], $0xF7A  }
0x23: {  	s9 =	sor.u32 $0xD0000000, s2;
	s6 =	simm.s32 $0x108;
	_ =	swait.ge @!p0 [sflag:s8], $0x0  }
0x24: {  	s3 =	sadd.s32 $0x88, s3;
	s6 =	simm.s32 @!p1 $0x1082;
	[sflag:s4] =	ssyncset.s32 $0xFFFFF086  }
0x25: {  	[simem:s6], [sflag:s4] =	dma.local [hbm:s3], $0xF7A  }
0x26: {  	[smem:$0x3F6C] =	sst s1;
	(tag) =	ssettag s2;
	_ =	strace s9  }
0x27: {  	s1 =	sld [smem:$0x3F7C]  }
0x28: {  	s2 =	sld [smem:$0x3F7D]  }
0x29: {  	s4 =	sld [smem:$0x3F7F]  }
0x2a: {  	p0 =	seq.s32 s5, $0x0;
	s5 =	sld [smem:$0x3F80]  }
0x2b: {  	s6 =	sld [smem:$0x3F81]  }
0x2c: {  	s7 =	sld [smem:$0x3F82]  }
0x2d: {  	s3 =	simm.s32 $0x108;
	s8 =	sld [smem:$0x3F83]  }
0x2e: {  	s3 =	simm.s32 @!p0 $0x1082;
	s9 =	sld [smem:$0x3F84]  }
0x2f: {  	lr =	sadd.s32 s0, s3;
	s0 =	sld [smem:$0x3F7B]  }
0x30: {  	s3 =	sld [smem:$0x3F7E]  }
0x31: {  	[smem:$0x3F87] =	sst s10  }
0x32: {  	s10 =	sld [smem:$0x3F85];
	_ =	sdelay $0x3  }
0x33: {  	p0 =	seq.s32 s10, $0x1;
	s10 =	sld [smem:$0x3F87];
	_ =	sdelay $0x3  }
0x34: {  	[smem:$0x3F87] =	sst s10  }
0x35: {  	s10 =	sld [smem:$0x3F86];
	_ =	sdelay $0x3  }
0x36: {  	p1 =	seq.s32 s10, $0x1;
	s10 =	sld [smem:$0x3F87];
	_ =	sdelay $0x3  }
0x37: {  	[smem:$0x3F87] =	sst s10  }
0x38: {  	s10 =	sld [smem:$0x3F88]  }
0x39: {  	_ = 	snop;
	(pc) =	sbr.ind lr, $3  }
0x3a: {  	_ = 	snop  }
0x3b: {  	_ = 	snop  }
0x3c: {  	p2 =	seq.s32 s10, $0x1;
	s10 =	sld [smem:$0x3F87]  }
0x3d: {  	_ =	shalt  }
0x3e: {  	_ =	shalt  }
0x3f: {  	_ =	shalt  }
0x40: {  	_ =	shalt  }
0x41: {  	_ =	shalt  }
0x42: {  	_ =	shalt  }
0x43: {  	_ =	shalt  }
0x44: {  	_ =	shalt  }
0x45: {  	_ =	shalt  }
0x46: {  	_ =	shalt  }
0x47: {  	_ =	shalt  }
0x48: {  	_ =	shalt  }
0x49: {  	_ =	shalt  }
0x4a: {  	_ =	shalt  }
0x4b: {  	_ =	shalt  }
0x4c: {  	_ =	shalt  }
0x4d: {  	_ =	shalt  }
0x4e: {  	_ =	shalt  }
0x4f: {  	_ =	shalt  }
0x50: {  	_ =	shalt  }
0x51: {  	_ =	shalt  }
0x52: {  	_ =	shalt  }
0x53: {  	_ =	shalt  }
0x54: {  	_ =	shalt  }
0x55: {  	_ =	shalt  }
0x56: {  	_ =	shalt  }
0x57: {  	_ =	shalt  }
0x58: {  	_ =	shalt  }
0x59: {  	_ =	shalt  }
0x5a: {  	_ =	shalt  }
0x5b: {  	_ =	shalt  }
0x5c: {  	_ =	shalt  }
0x5d: {  	_ =	shalt  }
0x5e: {  	_ =	shalt  }
0x5f: {  	_ =	shalt  }
0x60: {  	_ =	shalt  }
0x61: {  	_ =	shalt  }
0x62: {  	_ =	shalt  }
0x63: {  	_ =	shalt  }
0x64: {  	_ =	shalt  }
0x65: {  	_ =	shalt  }
0x66: {  	_ =	shalt  }
0x67: {  	_ =	shalt  }
0x68: {  	_ =	shalt  }
0x69: {  	_ =	shalt  }
0x6a: {  	_ =	shalt  }
0x6b: {  	_ =	shalt  }
0x6c: {  	_ =	shalt  }
0x6d: {  	_ =	shalt  }
0x6e: {  	_ =	shalt  }
0x6f: {  	_ =	shalt  }
0x70: {  	_ =	shalt  }
0x71: {  	_ =	shalt  }
0x72: {  	_ =	shalt  }
0x73: {  	_ =	shalt  }
0x74: {  	_ =	shalt  }
0x75: {  	_ =	shalt  }
0x76: {  	_ =	shalt  }
0x77: {  	_ =	shalt  }
0x78: {  	_ =	shalt  }
0x79: {  	_ =	shalt  }
0x7a: {  	_ =	shalt  }
0x7b: {  	_ =	shalt  }
0x7c: {  	_ =	shalt  }
0x7d: {  	_ =	shalt  }
0x7e: {  	_ =	shalt  }
0x7f: {  	_ =	shalt  }
0x80: {  	_ =	shalt  }
0x81: {  	_ =	shalt  }
0x82: {  	_ =	shalt  }
0x83: {  	_ =	shalt  }
0x84: {  	_ =	shalt  }
0x85: {  	_ =	shalt  }
0x86: {  	_ =	shalt  }
0x87: {  	_ =	shalt  }
.Lfunc_end0:
.L_simem_size_0:
called_computation.2_lowered:
.L_overlay_start_0:
0x88: {  	s2 =	sld [smem:$0x3FD9]  }
0x89: {  	s3 =	sld [smem:$0x3FFE];
	_ =	sdelay $0x1  }
0x8a: {  	s1 =	srdreg.scid  }
0x8b: {  	s0 =	sand.u32 $0x1, s1  }
0x8c: {  	s16 =	sshll.u32 s0, $0xA;
	s2 =	sadd.s32 s3, s2  }
0x8d: {  	s2 =	sadd.s32 s2, s16  }
0x8e: {  	[smem:$0x3F93] =	sst s2  }
0x8f: {  	_ = 	snop  }
0x90: {  	(tm) =	ssettm $0x1  }
0x91: {  	s17 =	sld [smem:$0x3FFB];
	_ =	sdelay $0x3  }
0x92: {  	_ =	strace s17  }
0x93: {  	s2 =	sld [smem:$0x3FFC];
	_ =	sdelay $0x3  }
0x94: {  	_ =	strace s2  }
0x95: {  	s2 =	sld [smem:$0x3FFD];
	_ =	sdelay $0x3  }
0x96: {  	_ =	strace s2  }
0x97: {  	_ =	strace $0x8FFFFFFF  }
0x98: {  	s18 =	sld [smem:$0x3FDB];
	_ =	sdelay $0x1  }
0x99: {  	s19 =	simm.s32 $_scs_section_size  }
0x9a: {  	s4 =	simm.s32 $_size__tile_overlayer_lowered;
	s5 =	simm.s32 $_tile_overlayer_lowered  }
0x9b: {  	s22 =	simm.s32 $0x1BFF;
	s21 =	sshll.u32 s5, $0x1;
	s2 =	sadd.s32 s19, s18  }
0x9c: {  	s6 =	simm.s32 $0x0;
	s20 =	sshll.u32 s4, $0x1;
	s4 =	sadd.s32 s21, s2  }
0x9d: {  	[timem:s6], [sflag:s22] =	dma.local [hbm:s4], s20  }
0x9e: {  	_ =	swait.ge [sflag:s22], s20  }
0x9f: {  	s3 =	ssub.s32 $0x0, s20;
	[sflag:s22] =	ssyncset.done $0x0  }
0xa0: {  	[sflag:s22] =	ssyncadd.s32 s3;
	_ =	sdelay $0x1  }
0xa1: {  	s23 =	simm.s32 $0x1B8B  }
0xa2: {  	_ =	swait.ge [sflag:s23], $0x1  }
0xa3: {  	[sflag:s23] =	ssyncset.done $0x0  }
0xa4: {  	s25 =	simm.s32 $0x1B8E;
	s24 =	sld [smem:$0x3FFE];
	[sflag:s23] =	ssyncadd.s32 $0xFFFFFFFF  }
0xa5: {  	s26 =	simm.s32 $execute0_lowered;
	[smem:$0x3FD2] =	sst s25  }
0xa6: {  	s4 =	sshll.u32 s26, $0x1;
	_ =	strace $0x8000004C;
	[dreg:$0x1] =	wrdreg $0xFFFFFFFF  }
0xa7: {  	s28 =	simm.s32 $_size_execute0_lowered;
	s2 =	sadd.s32 s2, s4;
	[dreg:$0x0] =	wrdreg $0x0  }
0xa8: {  	s4 =	sshll.u32 s28, $0x1;
	[dreg:$0x2] =	wrdreg s2  }
0xa9: {  	[dreg:$0x3] =	wrdreg s4  }
0xaa: {  	[dreg:$0x4] =	wrdreg $0xC0  }
0xab: {  	_ =	task [dreg:s6], $0x5FFFF  }
0xac: {  	[dreg:$0x1] =	wrdreg $0xFFFFFFFF  }
0xad: {  	[dreg:$0x0] =	wrdreg $0x60  }
0xae: {  	[dreg:$0x2] =	wrdreg s24  }
0xaf: {  	[dreg:$0x3] =	wrdreg $0xCF200  }
0xb0: {  	[dreg:$0x4] =	wrdreg $0x9  }
0xb1: {  	_ =	task.clear_ibuf [dreg:s6], $0x5FFFF;
	_ =	strace $0x9000004C  }
0xb2: {  	s29 =	simm.s32 $0x9;
	_ =	strace $0x8000004E  }
0xb3: {  	_ =	swait.ge [sflag:s29], $0x1  }
0xb4: {  	[sflag:s29] =	ssyncadd.s32 $0xFFFFFFFF  }
0xb5: {  	_ =	strace $0x9000004E  }
0xb6: {  	_ =	sfence  }
0xb7: {  	s30 =	sld [smem:$0x0];
	_ =	sdelay $0x2  }
0xb8: {  	s31 =	sshll.u32 s1, $0xD;
	s1 =	sshrl.u32 s1, $0x2  }
0xb9: {  	s3 =	sand.u32 $0x4000, s31;
	s1 =	sadd.s32 s1, s30  }
0xba: {  	s0 =	sor.u32 s3, s0;
	s1 =	sshll.u32 s1, $0x11  }
0xbb: {  	s0 =	sor.u32 s1, s0  }
0xbc: {  	s0 =	sadd.s32 $0x8F2B, s0  }
0xbd: {  	[sflag:s0] =	ssyncadd.remote.s32 $0x1  }
0xbe: {  	_ =	sfence.sel $0xFFFF  }
0xbf: {  	[dreg:$0x0] =	wrdreg $0xFFFFFFFF;
	(pc) =	sbr.abs _section_cstart, $3  }
0xc0: {  	[dreg:$0x1] =	wrdreg $0xFFFFFFFF  }
0xc1: {  	_ =	task.clear_ibuf [dreg:s6], $0x2FFFF;
	_ =	strace $0x9FFFFFFF  }
0xc2: {  	(tm) =	ssettm $0x7FFFFFFF  }
0xc3: {  	_ =	shalt  }
tec
execute0_lowered:
.L_overlay_start_1:
0x0: {  	(tag) =	ssettag $0x1  }
0x1: {  	s0 =	srdreg.scid;
	s6 =	rddreg [dreg:$0x0]  }
0x2: {  	s1 =	stileid.u32;
	s14 =	rddreg [dreg:$0x1]  }
0x3: {  	s15 =	simm.s32 $0xCDE0;
	s16 =	simm.s32 $0x140;
	s2 =	smul.u32 $0x140, s1  }
0x4: {  	s17 =	simm.s32 $0x1400;
	s0 =	sand.u32 $0x1, s0;
	s3 =	smul.u32 $0x9E, s1  }
0x5: {  	s19 =	simm.s32 $0x1;
	s20 =	simm.s32 $0x200;
	s21 =	smul.u32 $0x1400, s0  }
0x6: {  	s22 =	simm.s32 $0x7E20;
	s23 =	simm.s32 $0x0;
	s9 =	smul.u32 $0x9E0, s0  }
0x7: {  	s10 =	sadd.s32 $0x10400, s6;
	s11 =	smul.u32 $0x3C00, s0;
	s0 =	ssub.s32 $0x2, s0  }
0x8: {  	s5 =	sadd.s32 $0xA000, s6;
	p0 =	sne.s32 s1, $0x0;
	s12 =	sshrl.u32 s0, $0x1  }
0x9: {  	s18 =	sadd.s32 $0x9E, s3;
	s7 =	sadd.s32 s2, s21;
	s2 =	simm.s32 $0x0  }
0xa: {  	s9 =	sadd.s32 s3, s9;
	s11 =	sadd.s32 s11, s6;
	s0 =	ssub.s32 s0, s12  }
0xb: {  	v2 =	vlaneseq.u32;
	s31 =	sshrl.u32 s21, $0x3;
	s12 =	sshrl.u32 @!p0 s14, $0x3;
	s14 =	simm.s32 $0x2  }
0xc: {  	v1 =	vmov s18;
	s18 =	simm.s32 $0x2A10;
	v2 =	vor.u32 s21, v2;
	s21 =	simm.s32 $0x3E20;
	s4 =	smul.u32 $0x6, s7  }
.Ltmp0:
0xd: {  	[smem:$0x7FF] =	sst s2;
	s9 =	sshll.u32 s9, $0x2;
	(pc) =	sbr.rel .LBB2_1-.Ltmp0, $4  }
0xe: {  	s7 =	sshrl.u32 s7, $0x3;
	_ =	strace $0x8000004D;
	s13 =	sadd.s32 s9, s6  }
0xf: {  	s7 =	sadd.s32 s10, s7;
	s9 =	sadd.s32 s10, s31;
	s8 =	sadd.s32 s4, s6  }
0x10: {  	s4 =	sadd.s32 $0x1FA00, s6;
	s10 =	sadd.s32 $0x31200, s13;
	s13 =	simm.s32 $0x91E0  }
0x11: {  	v3 =	vimm.f32 $-3.399999950e+38;
	v4 =	vimm.s32 $0x0;
	v0 =	vmov s3;
	s6 =	sadd.s32 $0x10A00, s8;
	s8 =	sadd.s32 $0x29A00, s11;
	s11 =	smax.u32 s0, $0x1  }
.LBB2_12:
0x12: {  	s23 =	sadd.s32 $0x1, s23  }
0x13: {  	p1 =	sne.s32 s23, s11  }
.Ltmp1:
0x14: {  	_ = 	snop;
	(pc) =	sbr.rel @!p1 .LBB2_13-.Ltmp1, $4  }
0x15: {  	[hbm4b:s10+s2] =	stream.linear.scatter [tilespmem:s22], [sflag:$0x2], $0x13C0, $0x38;
	[tilespmem:$0xED20] =	vst v63  }
0x16: {  	_ =	swait.ge [sflag:s14], $0x13C0  }
0x17: {  	[sflag:s14] =	ssyncset.done $0x0  }
0x18: {  	[sflag:s14] =	ssyncadd.s32 $0xFFFFEC40  }
.LBB2_1:
0x19: {  	s0 =	simm.s32 @!p0 $0x1C02;
	s1 =	simm.s32 @!p0 $0x2  }
0x1a: {  	[spmem:s12], [sflag:s0] =	dma.local @!p0 [hbm:s5], $0x3C00  }
0x1b: {  	_ =	swait.ge @!p0 [sflag:s1], $0x3C00  }
0x1c: {  	[sflag:s1] =	ssyncset.done @!p0 $0x0  }
0x1d: {  	[sflag:s1] =	ssyncadd.s32 @!p0 $0xFFFFC400  }
0x1e: {  	[bflag:$0x0] =	sbarrier.arrive $0xFFFF  }
0x1f: {  	[tilespmem:s13], [sflag:$0x2] =	stream.linear.gather [hbm4b:s6+s2], $0x3C00, $0x38;
	[tilespmem:$0xED20] =	vst v63  }
0x20: {  	_ =	swait.ge [sflag:s14], $0x3C00  }
0x21: {  	[sflag:s14] =	ssyncset.done $0x0  }
0x22: {  	[sflag:s14] =	ssyncadd.s32 $0xFFFFC400  }
0x23: {  	[tilespmem:s15], [sflag:$0x2] =	stream.linear.gather [hbm4b:s7+s2], $0x140, $0x38;
	[tilespmem:$0xED20] =	vst v63  }
0x24: {  	_ =	swait.ge [sflag:s14], $0x140  }
0x25: {  	[sflag:s14] =	ssyncset.done $0x0  }
0x26: {  	[sflag:s14] =	ssyncadd.s32 $0xFFFFFEC0  }
0x27: {  	s24 =	rddreg [dreg:$0x1]  }
0x28: {  	[spmem:s24] =	stream.indirect.scatter.add.f32 [tilespmem:s13], [sflag:$0x2], $0x30, s15, s16, $0xb8;
	[tilespmem:$0xED20] =	vst v63  }
0x29: {  	_ =	swait.ge [sflag:s14], $0x3C00  }
0x2a: {  	[sflag:s14] =	ssyncset.done $0x0  }
0x2b: {  	[sflag:s14] =	ssyncadd.s32 $0xFFFFC400  }
0x2c: {  	[bflag:$0x0] =	sbarrier.arrive $0xFFFF  }
0x2d: {  	[hbm:s8], [sflag:s0] =	dma.local @!p0 [spmem:s12], $0x3C00  }
0x2e: {  	_ =	swait.ge @!p0 [sflag:s1], $0x3C00  }
0x2f: {  	[sflag:s1] =	ssyncset.done @!p0 $0x0  }
0x30: {  	[sflag:s1] =	ssyncadd.s32 @!p0 $0xFFFFC400  }
0x31: {  	[tilespmem:s2], [sflag:$0x2] =	stream.linear.gather [hbm4b:s9+s2], $0x1400, $0x38;
	[tilespmem:$0xED20] =	vst v63  }
0x32: {  	_ =	swait.ge [sflag:s14], $0x1400  }
0x33: {  	[sflag:s14] =	ssyncset.done $0x0  }
0x34: {  	s0 =	simm.s32 $0x0;
	[sflag:s14] =	ssyncadd.s32 $0xFFFFEC00  }
.LBB2_2:
0x35: {  	p1 =	sne.s32 s0, $0x4E80  }
.Ltmp2:
0x36: {  	_ = 	snop;
	(pc) =	sbr.rel @p1 .LBB2_2-.Ltmp2, $4  }
0x37: {  	_ = 	snop  }
0x38: {  	s1 =	sshra.s32 s0, $0x2  }
0x39: {  	[tilespmem:s1+$0x7E20] =	vst v3  }
0x3a: {  	s0 =	sadd.s32 $0x80, s0;
	[tilespmem:s1+$0x7E30] =	vst v3  }
0x3b: {  	s24 =	simm.s32 $0x0  }
0x3c: {  	v5 =	vld [tilespmem:s24+$0x0]  }
0x3d: {  	v7 =	vimm.s32 $0x0;
	s0 =	simm.s32 $0x10;
	v6 =	vimm.s32 $0x0;
	s25 =	simm.s32 $0x0  }
.LBB2_4:
0x3e: {  	p1 =	sne.s32 s0, $0x13F0;
	_ =	sdelay $0x2  }
0x3f: {  	vm0 =	vge.s32 v5, v0;
	vm1 =	vlt.s32 v5, v1  }
0x40: {  	vm0 =	vmand vm0, vm1  }
0x41: {  	v8 =	vsel vm0, $0x1, v4;
	v9 =	vmpcnt.ones.xlane vm0  }
0x42: {  	(xrf0) =	vadd.scan.msk.s32 $0xffff, v8  }
0x43: {  	v7 =	vadd.s32 v7, v9;
	_ =	sdelay $0x4  }
0x44: {  	v8, _, _ =	vpop (xrf0)  }
0x45: {  	v8 =	vadd.s32 v8, v6;
	v6 =	vmov v7  }
0x46: {  	v8 =	vadd.s32 $0xFFFFFFFF, v8;
	_ =	sdelay $0x3  }
.Ltmp3:
0x47: {  	v9 =	vadd.s32 s24, v2;
	s24 =	smov.u32 s0;
	(pc) =	sbr.rel @p1 .LBB2_4-.Ltmp3, $4  }
0x48: {  	[tilespmem:v8+s17+$0x0] =	vst.idx.msk vm0, v9  }
0x49: {  	s25 =	sadd.s32 $0x10, s25;
	[tilespmem:v8+s18+$0x0] =	vst.idx.msk vm0, v5  }
0x4a: {  	v5 =	vld [tilespmem:s25+$0x0]  }
0x4b: {  	s0 =	sadd.s32 $0x10, s0  }
0x4c: {  	_ =	sdelay $0x2  }
0x4d: {  	vm0 =	vge.s32 v5, v0;
	vm1 =	vlt.s32 v5, v1  }
0x4e: {  	vm0 =	vmand vm0, vm1  }
0x4f: {  	v8 =	vmpcnt.ones.xlane vm0;
	_ =	sdelay $0x1  }
0x50: {  	v7 =	vadd.s32 v7, v8  }
0x51: {  	v63 =	vsel vm0, $0x1, v4;
	(v2sf) =	vpush v7, $0x0  }
0x52: {  	(xrf0) =	vadd.scan.msk.s32 $0xffff, v63;
	_ =	sdelay $0x5  }
0x53: {  	v7, _, _ =	vpop (xrf0)  }
0x54: {  	v6 =	vadd.s32 v7, v6  }
0x55: {  	v6 =	vadd.s32 $0xFFFFFFFF, v6;
	_ =	sdelay $0x3  }
0x56: {  	v7 =	vadd.s32 s24, v2  }
0x57: {  	[tilespmem:v6+s17+$0x0] =	vst.idx.msk vm0, v7  }
0x58: {  	[tilespmem:v6+s18+$0x0] =	vst.idx.msk vm0, v5;
	s24 =	spop (v2sf)  }
0x59: {  	[tilespmem:s24+$0x1400] =	vst v4  }
0x5a: {  	[tilespmem:s24+$0x1410] =	vst v4  }
0x5b: {  	[tilespmem:s24+$0x1420] =	vst v4  }
0x5c: {  	[tilespmem:s24+$0x1430] =	vst v4  }
0x5d: {  	[tilespmem:s24+$0x1440] =	vst v4  }
0x5e: {  	[tilespmem:s24+$0x1450] =	vst v4  }
0x5f: {  	[tilespmem:s24+$0x1460] =	vst v4  }
0x60: {  	[tilespmem:s24+$0x1470] =	vst v4  }
0x61: {  	[tilespmem:s24+$0x1480] =	vst v4  }
0x62: {  	[tilespmem:s24+$0x1490] =	vst v4  }
0x63: {  	[tilespmem:s24+$0x14A0] =	vst v4  }
0x64: {  	[tilespmem:s24+$0x14B0] =	vst v4  }
0x65: {  	[tilespmem:s24+$0x14C0] =	vst v4  }
0x66: {  	[tilespmem:s24+$0x14D0] =	vst v4  }
0x67: {  	[tilespmem:s24+$0x14E0] =	vst v4  }
0x68: {  	[tilespmem:s24+$0x14F0] =	vst v4  }
0x69: {  	[tilespmem:s24+$0x1500] =	vst v4  }
0x6a: {  	[tilespmem:s24+$0x1510] =	vst v4  }
0x6b: {  	[tilespmem:s24+$0x1520] =	vst v4  }
0x6c: {  	[tilespmem:s24+$0x1530] =	vst v4  }
0x6d: {  	[tilespmem:s24+$0x1540] =	vst v4;
	s0 =	sadd.s32 $0x1FF, s24  }
0x6e: {  	[tilespmem:s24+$0x1550] =	vst v4;
	s1 =	sand.u32 $0x1FF, s0  }
0x6f: {  	[tilespmem:s24+$0x1560] =	vst v4;
	s31 =	sshra.s32 s0, $0x1F;
	p2 =	slt.s32 s0, $0x1;
	p1 =	sne.s32 s1, $0x0  }
0x70: {  	[tilespmem:s24+$0x1570] =	vst v4;
	s1 =	sshrl.u32 s31, $0x17;
	p1 =	por !p2, !p1  }
0x71: {  	[tilespmem:s24+$0x1580] =	vst v4;
	s0 =	sadd.s32 s1, s0;
	s1 =	simm.s32 $0x1;
	p1 =	por !p1, !p1  }
0x72: {  	[tilespmem:s24+$0x1590] =	vst v4;
	s0 =	sshra.s32 s0, $0x9;
	s1 =	simm.s32 @!p1 $0x0  }
0x73: {  	[tilespmem:s24+$0x15A0] =	vst v4;
	s25 =	ssub.s32 s0, s1  }
0x74: {  	[tilespmem:s24+$0x15B0] =	vst v4;
	p1 =	slt.s32 s25, $0x1  }
.Ltmp4:
0x75: {  	[tilespmem:s24+$0x15C0] =	vst v4;
	(pc) =	sbr.rel @p1 .LBB2_12-.Ltmp4, $4  }
0x76: {  	[tilespmem:s24+$0x15D0] =	vst v4  }
0x77: {  	[tilespmem:s24+$0x15E0] =	vst v4  }
0x78: {  	[tilespmem:s24+$0x15F0] =	vst v4  }
0x79: {  	[tilespmem:s24+$0x1600] =	vst v4  }
.Ltmp5:
0x7a: {  	(pc) =	sbr.rel .LBB2_7-.Ltmp5, $2  }
0x7b: {  	_ =	sdelay $0x2  }
0x7c: {  	s26 =	simm.s32 $0x0;
	s0 =	simm.s32 $0x2A10;
	s29 =	smov.u32 s24  }
.LBB2_10:
0x7d: {  	[tilespmem:s1+$0x7E30] =	vst v5  }
.LBB2_11:
0x7e: {  	s26 =	sadd.s32 $0x1, s26  }
0x7f: {  	p1 =	sne.s32 s26, s25  }
.Ltmp6:
0x80: {  	_ = 	snop;
	(pc) =	sbr.rel @!p1 .LBB2_12-.Ltmp6, $2  }
0x81: {  	_ =	sdelay $0x2  }
0x82: {  	s29 =	sadd.s32 $0xFFFFFE00, s29;
	s0 =	sadd.s32 $0x200, s0  }
.LBB2_7:
0x83: {  	s1 =	sshll.u32 s26, $0x9  }
0x84: {  	s28 =	sadd.s32 $0x1400, s1;
	s1 =	ssub.s32 s24, s1  }
0x85: {  	p1 =	slt.s32 s1, $0x1  }
.Ltmp7:
0x86: {  	_ = 	snop;
	(pc) =	sbr.rel @p1 .LBB2_11-.Ltmp7, $4  }
0x87: {  	[tilespmem:s21], [sflag:$0x1] =	stream.indirect.gather [hbm4b:s4+s20], $0x20, s28, s20, $0xb8;
	[tilespmem:$0xED20] =	vst v63  }
0x88: {  	_ =	swait.ge [sflag:s19], $0x4000  }
0x89: {  	[sflag:s19] =	ssyncset.done $0x0  }
0x8a: {  	[sflag:s19] =	ssyncadd.s32 $0xFFFFC000  }
0x8b: {  	v5 =	vld [tilespmem:s0+$0x0];
	_ =	sdelay $0x4  }
0x8c: {  	(v2sf) =	vpush v5, $0x0;
	_ =	sdelay $0xe  }
0x8d: {  	s1 =	spop (v2sf)  }
0x8e: {  	s1 =	ssub.s32 s1, s3  }
0x8f: {  	s30 =	simm.s32 $0x3E30;
	s1 =	sshll.u32 s1, $0x7  }
0x90: {  	v5 =	vld [tilespmem:s30+$0xFFFFFFF0];
	s1 =	sshra.s32 s1, $0x2  }
0x91: {  	v6 =	vld [tilespmem:s1+$0x7E20];
	_ =	sdelay $0x3  }
0x92: {  	p1 =	sgt.s32 s29, $0x1;
	s28 =	smov.u32 s29  }
0x93: {  	s28 =	simm.s32 @!p1 $0x1;
	v5 =	vmax.f32 v6, v5  }
0x94: {  	s28 =	smin.u32 s28, $0x200;
	[tilespmem:s1+$0x7E20] =	vst v5;
	v5 =	vld [tilespmem:s1+$0x7E30]  }
0x95: {  	p1 =	sne.s32 s28, $0x1;
	v6 =	vld [tilespmem:s30+$0x0]  }
.Ltmp8:
0x96: {  	_ = 	snop;
	(pc) =	sbr.rel @!p1 .LBB2_10-.Ltmp8, $2  }
0x97: {  	_ =	sdelay $0x2  }
0x98: {  	s31 =	sadd.s32 $0xFFFFFFFF, s28;
	s28 =	smov.u32 s0;
	v5 =	vmax.f32 v5, v6  }
.LBB2_9:
0x99: {  	p1 =	sne.s32 s31, $0x1;
	[tilespmem:s1+$0x7E30] =	vst v5;
	s28 =	sadd.s32 $0x1, s28;
	s30 =	sadd.s32 $0x20, s30  }
0x9a: {  	s31 =	sadd.s32 $0xFFFFFFFF, s31;
	v5 =	vld [tilespmem:s28+$0x0];
	_ =	sdelay $0x4  }
0x9b: {  	(v2sf) =	vpush v5, $0x0;
	_ =	sdelay $0xe  }
0x9c: {  	s1 =	spop (v2sf)  }
0x9d: {  	s1 =	ssub.s32 s1, s3  }
0x9e: {  	s1 =	sshll.u32 s1, $0x7  }
0x9f: {  	s1 =	sshra.s32 s1, $0x2;
	v5 =	vld [tilespmem:s30+$0xFFFFFFF0]  }
0xa0: {  	v6 =	vld [tilespmem:s1+$0x7E20];
	_ =	sdelay $0x4  }
0xa1: {  	v5 =	vmax.f32 v6, v5  }
0xa2: {  	[tilespmem:s1+$0x7E20] =	vst v5;
	v5 =	vld [tilespmem:s1+$0x7E30]  }
0xa3: {  	v6 =	vld [tilespmem:s30+$0x0]  }
.Ltmp9:
0xa4: {  	(pc) =	sbr.rel @p1 .LBB2_9-.Ltmp9, $2  }
0xa5: {  	_ =	sdelay $0x2  }
0xa6: {  	v5 =	vmax.f32 v5, v6  }
.Ltmp10:
0xa7: {  	_ = 	snop;
	(pc) =	sbr.rel .LBB2_10-.Ltmp10, $1  }
0xa8: {  	_ =	sdelay $0x3  }
.LBB2_13:
0xa9: {  	_ =	sfence.sel $0x180000  }
0xaa: {  	[bflag:$0x0] =	sbarrier.arrive $0xFFFF  }
0xab: {  	_ =	strace $0x9000004D  }
0xac: {  	[bflag:$0x2] =	sbarrier.arrive $0xFFFF  }
0xad: {  	s0 =	rddreg [dreg:$0x2]  }
0xae: {  	s0 =	sadd.s32 @!p0 $0x100000, s0  }
0xaf: {  	[sflag:s0] =	ssyncadd.tile.s32 @!p0 $0x1;
	_ =	shalt  }
.Lfunc_end2:
_tile_overlayer_lowered:
.L_overlay_start_2:
0xb0: {  	(tag) =	ssettag $0x2  }
0xb1: {  	s0 =	rddreg [dreg:$0x0];
	s2 =	stileid.u32  }
0xb2: {  	s1 =	rddreg [dreg:$0x1];
	p0 =	sne.s32 s2, $0x0  }
0xb3: {  	s3 =	rddreg [dreg:$0x2];
	[bflag:$0x3] =	sbarrier.arrive $0xFFFF;
	s2 =	simm.s32 @!p0 $0x1C02  }
0xb4: {  	[timem:s3], [sflag:s2] =	dma.local @!p0 [hbm:s0], s1  }
0xb5: {  	s0 =	simm.s32 @!p0 $0x2  }
0xb6: {  	_ =	swait.ge @!p0 [sflag:s0], s1  }
0xb7: {  	s1 =	ssub.s32 @!p0 $0x0, s1;
	[sflag:s0] =	ssyncset.done @!p0 $0x0  }
0xb8: {  	[sflag:s0] =	ssyncadd.s32 @!p0 s1  }
0xb9: {  	[bflag:$0x3] =	sbarrier.arrive $0xFFFF  }
0xba: {  	_ =	shalt  }

// kernel: kernel.20.cloned.1.call-start
scs
__scs_entry_jumppad:
0x0: {  	(pc) =	sbr.rel $0x88, $3  }
0x1: {  	(tag) =	ssettag $0x0;
	lr =	simm.s32 $0x1  }
0x2: {  	[smem:$0x3F6C] =	sst lr;
	_ =	strace $0xD0000000  }
0x3: {  	_ = 	snop  }
0x4: {  	_ = 	snop  }
0x5: {  	_ = 	snop  }
0x6: {  	_ = 	snop  }
0x7: {  	_ = 	snop  }
__scs_overlays_trampoline_lowered:
0x8: {  	[smem:$0x3F7B] =	sst s0  }
0x9: {  	[smem:$0x3F7C] =	sst s1  }
0xa: {  	[smem:$0x3F7D] =	sst s2  }
0xb: {  	[smem:$0x3F7E] =	sst s3  }
0xc: {  	[smem:$0x3F7F] =	sst s4  }
0xd: {  	[smem:$0x3F80] =	sst s5  }
0xe: {  	[smem:$0x3F81] =	sst s6  }
0xf: {  	[smem:$0x3F82] =	sst s7  }
0x10: {  	[smem:$0x3F83] =	sst s8  }
0x11: {  	[smem:$0x3F84] =	sst s9;
	s0 =	simm.s32 @!p0 $0x0  }
0x12: {  	s1 =	sld [smem:$0x3F6A];
	s0 =	simm.s32 @p0 $0x1  }
0x13: {  	[smem:$0x3F85] =	sst s0;
	s0 =	simm.s32 @!p1 $0x0  }
0x14: {  	s2 =	sld [smem:$0x3F69];
	s0 =	simm.s32 @p1 $0x1  }
0x15: {  	[smem:$0x3F86] =	sst s0;
	s0 =	simm.s32 @!p2 $0x0  }
0x16: {  	s3 =	sld [smem:$0x3FDB];
	s0 =	simm.s32 @p2 $0x1  }
0x17: {  	s4 =	simm.s32 $0x1BF5;
	[smem:$0x3F88] =	sst s0  }
0x18: {  	s0 =	sld [smem:$0x3F6B];
	_ =	swait.ge [sflag:s4], $0x0  }
0x19: {  	s7 =	sld [smem:$0x3F6C]  }
0x1a: {  	s8 =	sadd.s32 $0xFFFFE003, lr  }
0x1b: {  	s9 =	sadd.s32 $0xFFFFFEF7, lr;
	s5 =	simm.s32 $0xFFFFFFFF;
	p2 =	slt.u32 s8, $0xFFFFF086  }
0x1c: {  	p1 =	slt.u32 s9, $0xF7A;
	s5 =	simm.s32 @!p2 $0x0  }
0x1d: {  	s5 =	simm.s32 @p1 $0x1;
	p0 =	seq.s32 s7, s2  }
0x1e: {  	s7 =	smul.u32 @!p0 $0xF7A, s2;
	p2 =	seq.s32 @!p0 s5, $0x0  }
0x1f: {  	s9 =	smul.u32 $0xF7A, s1;
	s8 =	simm.s32 @!p0 $0x1BF5;
	p2 =	por !p2, p0  }
0x20: {  	[sflag:s8] =	ssyncset.s32 @!p0 $0xFFFFF086;
	s6 =	sadd.s32 @!p0 s3, s7;
	s7 =	simm.s32 @!p0 $0x108  }
0x21: {  	s3 =	sadd.s32 s3, s9;
	s6 =	sadd.s32 @!p0 $0x88, s6;
	s7 =	simm.s32 @p2 $0x1082  }
0x22: {  	[simem:s7], [sflag:s8] =	dma.local @!p0 [hbm:s6], $0xF7A  }
0x23: {  	s9 =	sor.u32 $0xD0000000, s2;
	s6 =	simm.s32 $0x108;
	_ =	swait.ge @!p0 [sflag:s8], $0x0  }
0x24: {  	s3 =	sadd.s32 $0x88, s3;
	s6 =	simm.s32 @!p1 $0x1082;
	[sflag:s4] =	ssyncset.s32 $0xFFFFF086  }
0x25: {  	[simem:s6], [sflag:s4] =	dma.local [hbm:s3], $0xF7A  }
0x26: {  	[smem:$0x3F6C] =	sst s1;
	(tag) =	ssettag s2;
	_ =	strace s9  }
0x27: {  	s1 =	sld [smem:$0x3F7C]  }
0x28: {  	s2 =	sld [smem:$0x3F7D]  }
0x29: {  	s4 =	sld [smem:$0x3F7F]  }
0x2a: {  	p0 =	seq.s32 s5, $0x0;
	s5 =	sld [smem:$0x3F80]  }
0x2b: {  	s6 =	sld [smem:$0x3F81]  }
0x2c: {  	s7 =	sld [smem:$0x3F82]  }
0x2d: {  	s3 =	simm.s32 $0x108;
	s8 =	sld [smem:$0x3F83]  }
0x2e: {  	s3 =	simm.s32 @!p0 $0x1082;
	s9 =	sld [smem:$0x3F84]  }
0x2f: {  	lr =	sadd.s32 s0, s3;
	s0 =	sld [smem:$0x3F7B]  }
0x30: {  	s3 =	sld [smem:$0x3F7E]  }
0x31: {  	[smem:$0x3F87] =	sst s10  }
0x32: {  	s10 =	sld [smem:$0x3F85];
	_ =	sdelay $0x3  }
0x33: {  	p0 =	seq.s32 s10, $0x1;
	s10 =	sld [smem:$0x3F87];
	_ =	sdelay $0x3  }
0x34: {  	[smem:$0x3F87] =	sst s10  }
0x35: {  	s10 =	sld [smem:$0x3F86];
	_ =	sdelay $0x3  }
0x36: {  	p1 =	seq.s32 s10, $0x1;
	s10 =	sld [smem:$0x3F87];
	_ =	sdelay $0x3  }
0x37: {  	[smem:$0x3F87] =	sst s10  }
0x38: {  	s10 =	sld [smem:$0x3F88]  }
0x39: {  	_ = 	snop;
	(pc) =	sbr.ind lr, $3  }
0x3a: {  	_ = 	snop  }
0x3b: {  	_ = 	snop  }
0x3c: {  	p2 =	seq.s32 s10, $0x1;
	s10 =	sld [smem:$0x3F87]  }
0x3d: {  	_ =	shalt  }
0x3e: {  	_ =	shalt  }
0x3f: {  	_ =	shalt  }
0x40: {  	_ =	shalt  }
0x41: {  	_ =	shalt  }
0x42: {  	_ =	shalt  }
0x43: {  	_ =	shalt  }
0x44: {  	_ =	shalt  }
0x45: {  	_ =	shalt  }
0x46: {  	_ =	shalt  }
0x47: {  	_ =	shalt  }
0x48: {  	_ =	shalt  }
0x49: {  	_ =	shalt  }
0x4a: {  	_ =	shalt  }
0x4b: {  	_ =	shalt  }
0x4c: {  	_ =	shalt  }
0x4d: {  	_ =	shalt  }
0x4e: {  	_ =	shalt  }
0x4f: {  	_ =	shalt  }
0x50: {  	_ =	shalt  }
0x51: {  	_ =	shalt  }
0x52: {  	_ =	shalt  }
0x53: {  	_ =	shalt  }
0x54: {  	_ =	shalt  }
0x55: {  	_ =	shalt  }
0x56: {  	_ =	shalt  }
0x57: {  	_ =	shalt  }
0x58: {  	_ =	shalt  }
0x59: {  	_ =	shalt  }
0x5a: {  	_ =	shalt  }
0x5b: {  	_ =	shalt  }
0x5c: {  	_ =	shalt  }
0x5d: {  	_ =	shalt  }
0x5e: {  	_ =	shalt  }
0x5f: {  	_ =	shalt  }
0x60: {  	_ =	shalt  }
0x61: {  	_ =	shalt  }
0x62: {  	_ =	shalt  }
0x63: {  	_ =	shalt  }
0x64: {  	_ =	shalt  }
0x65: {  	_ =	shalt  }
0x66: {  	_ =	shalt  }
0x67: {  	_ =	shalt  }
0x68: {  	_ =	shalt  }
0x69: {  	_ =	shalt  }
0x6a: {  	_ =	shalt  }
0x6b: {  	_ =	shalt  }
0x6c: {  	_ =	shalt  }
0x6d: {  	_ =	shalt  }
0x6e: {  	_ =	shalt  }
0x6f: {  	_ =	shalt  }
0x70: {  	_ =	shalt  }
0x71: {  	_ =	shalt  }
0x72: {  	_ =	shalt  }
0x73: {  	_ =	shalt  }
0x74: {  	_ =	shalt  }
0x75: {  	_ =	shalt  }
0x76: {  	_ =	shalt  }
0x77: {  	_ =	shalt  }
0x78: {  	_ =	shalt  }
0x79: {  	_ =	shalt  }
0x7a: {  	_ =	shalt  }
0x7b: {  	_ =	shalt  }
0x7c: {  	_ =	shalt  }
0x7d: {  	_ =	shalt  }
0x7e: {  	_ =	shalt  }
0x7f: {  	_ =	shalt  }
0x80: {  	_ =	shalt  }
0x81: {  	_ =	shalt  }
0x82: {  	_ =	shalt  }
0x83: {  	_ =	shalt  }
0x84: {  	_ =	shalt  }
0x85: {  	_ =	shalt  }
0x86: {  	_ =	shalt  }
0x87: {  	_ =	shalt  }
.Lfunc_end0:
.L_simem_size_0:
called_computation.3_lowered:
.L_overlay_start_0:
0x88: {  	s2 =	sld [smem:$0x3FD9]  }
0x89: {  	s3 =	sld [smem:$0x3FFE];
	_ =	sdelay $0x1  }
0x8a: {  	s1 =	srdreg.scid  }
0x8b: {  	s0 =	sand.u32 $0x1, s1  }
0x8c: {  	s16 =	sshll.u32 s0, $0xA;
	s2 =	sadd.s32 s3, s2  }
0x8d: {  	s2 =	sadd.s32 s2, s16  }
0x8e: {  	[smem:$0x3F93] =	sst s2  }
0x8f: {  	_ = 	snop  }
0x90: {  	(tm) =	ssettm $0x1  }
0x91: {  	s17 =	sld [smem:$0x3FFB];
	_ =	sdelay $0x3  }
0x92: {  	_ =	strace s17  }
0x93: {  	s2 =	sld [smem:$0x3FFC];
	_ =	sdelay $0x3  }
0x94: {  	_ =	strace s2  }
0x95: {  	s2 =	sld [smem:$0x3FFD];
	_ =	sdelay $0x3  }
0x96: {  	_ =	strace s2  }
0x97: {  	_ =	strace $0x8FFFFFFF  }
0x98: {  	s18 =	sld [smem:$0x3FDB];
	_ =	sdelay $0x1  }
0x99: {  	s19 =	simm.s32 $_scs_section_size  }
0x9a: {  	s4 =	simm.s32 $_size__tile_overlayer_lowered;
	s5 =	simm.s32 $_tile_overlayer_lowered  }
0x9b: {  	s22 =	simm.s32 $0x1BFF;
	s21 =	sshll.u32 s5, $0x1;
	s2 =	sadd.s32 s19, s18  }
0x9c: {  	s6 =	simm.s32 $0x0;
	s20 =	sshll.u32 s4, $0x1;
	s4 =	sadd.s32 s21, s2  }
0x9d: {  	[timem:s6], [sflag:s22] =	dma.local [hbm:s4], s20  }
0x9e: {  	_ =	swait.ge [sflag:s22], s20  }
0x9f: {  	s3 =	ssub.s32 $0x0, s20;
	[sflag:s22] =	ssyncset.done $0x0  }
0xa0: {  	[sflag:s22] =	ssyncadd.s32 s3;
	_ =	sdelay $0x1  }
0xa1: {  	s23 =	simm.s32 $0x1B8B  }
0xa2: {  	_ =	swait.ge [sflag:s23], $0x1  }
0xa3: {  	[sflag:s23] =	ssyncset.done $0x0  }
0xa4: {  	s25 =	simm.s32 $0x1B8E;
	s24 =	sld [smem:$0x3FFE];
	[sflag:s23] =	ssyncadd.s32 $0xFFFFFFFF  }
0xa5: {  	s26 =	simm.s32 $execute0_lowered;
	[smem:$0x3FD2] =	sst s25  }
0xa6: {  	s4 =	sshll.u32 s26, $0x1;
	_ =	strace $0x8000004F;
	[dreg:$0x1] =	wrdreg $0xFFFFFFFF  }
0xa7: {  	s28 =	simm.s32 $_size_execute0_lowered;
	s2 =	sadd.s32 s2, s4;
	[dreg:$0x0] =	wrdreg $0x0  }
0xa8: {  	s4 =	sshll.u32 s28, $0x1;
	[dreg:$0x2] =	wrdreg s2  }
0xa9: {  	[dreg:$0x3] =	wrdreg s4  }
0xaa: {  	[dreg:$0x4] =	wrdreg $0xC0  }
0xab: {  	_ =	task [dreg:s6], $0x5FFFF  }
0xac: {  	[dreg:$0x1] =	wrdreg $0xFFFFFFFF  }
0xad: {  	[dreg:$0x0] =	wrdreg $0x60  }
0xae: {  	[dreg:$0x2] =	wrdreg s24  }
0xaf: {  	[dreg:$0x3] =	wrdreg $0x9  }
0xb0: {  	_ =	task.clear_ibuf [dreg:s6], $0x4FFFF;
	_ =	strace $0x9000004F  }
0xb1: {  	s29 =	simm.s32 $0x9;
	_ =	strace $0x80000051  }
0xb2: {  	_ =	swait.ge [sflag:s29], $0x1  }
0xb3: {  	[sflag:s29] =	ssyncadd.s32 $0xFFFFFFFF  }
0xb4: {  	_ =	strace $0x90000051  }
0xb5: {  	_ =	sfence  }
0xb6: {  	s30 =	sld [smem:$0x0];
	_ =	sdelay $0x2  }
0xb7: {  	s31 =	sshll.u32 s1, $0xD;
	s1 =	sshrl.u32 s1, $0x2  }
0xb8: {  	s3 =	sand.u32 $0x4000, s31;
	s1 =	sadd.s32 s1, s30  }
0xb9: {  	s0 =	sor.u32 s3, s0;
	s1 =	sshll.u32 s1, $0x11  }
0xba: {  	s0 =	sor.u32 s1, s0  }
0xbb: {  	s0 =	sadd.s32 $0x8F2B, s0  }
0xbc: {  	[sflag:s0] =	ssyncadd.remote.s32 $0x1  }
0xbd: {  	_ =	sfence.sel $0xFFFF  }
0xbe: {  	[dreg:$0x0] =	wrdreg $0xFFFFFFFF;
	(pc) =	sbr.abs _section_cstart, $3  }
0xbf: {  	[dreg:$0x1] =	wrdreg $0xFFFFFFFF  }
0xc0: {  	_ =	task.clear_ibuf [dreg:s6], $0x2FFFF;
	_ =	strace $0x9FFFFFFF  }
0xc1: {  	(tm) =	ssettm $0x7FFFFFFF  }
tec
execute0_lowered:
.L_overlay_start_1:
0x0: {  	(tag) =	ssettag $0x1  }
0x1: {  	s1 =	srdreg.scid;
	s0 =	stileid.u32  }
0x2: {  	s6 =	sand.u32 $0x1, s1;
	s30 =	sshll.u32 s0, $0x1  }
0x3: {  	s8 =	rddreg [dreg:$0x0];
	s7 =	sor.u32 s6, s30  }
0x4: {  	s2 =	simm.s32 $0x0;
	s1 =	rddreg [dreg:$0x1];
	s3 =	smul.u32 $0x113, s7  }
0x5: {  	[smem:$0x7FF] =	sst s2;
	s5 =	sadd.s32 $0xA000, s8  }
0x6: {  	_ =	strace $0x80000050;
	s10 =	ssub.s32 $0x2, s6;
	s3 =	sadd.s32 s3, s8  }
0x7: {  	s6 =	simm.s32 $0x898;
	s4 =	sadd.s32 $0x36200, s3;
	s3 =	simm.s32 $0x2  }
0x8: {  	[tilespmem:s2], [sflag:$0x2] =	stream.linear.gather [hbm4b:s4+s2], $0x898, $0x38;
	[tilespmem:$0x9218] =	vst v63  }
0x9: {  	s9 =	smul.u32 $0x1130, s7;
	s11 =	sshrl.u32 s10, $0x1;
	_ =	swait.ge [sflag:s3], $0x898  }
0xa: {  	s7 =	simm.s32 $0x1;
	s31 =	ssub.s32 s10, s11;
	[sflag:s3] =	ssyncset.done $0x0  }
0xb: {  	s8 =	sadd.s32 s9, s8;
	s9 =	smax.u32 s31, $0x1;
	[sflag:s3] =	ssyncadd.s32 $0xFFFFF768  }
0xc: {  	[tilespmem:s6], [sflag:$0x1] =	stream.indirect.gather [hbm4b:s5+s6], $0x10, s2, s6, $0xb8;
	[tilespmem:$0x9218] =	vst v63  }
0xd: {  	p0 =	sne.s32 s9, $0x1;
	_ =	swait.ge [sflag:s7], $0x8980  }
.Ltmp0:
0xe: {  	[sflag:s7] =	ssyncset.done $0x0;
	(pc) =	sbr.rel @!p0 .LBB2_2-.Ltmp0, $4  }
0xf: {  	s8 =	sadd.s32 $0x10400, s8;
	[sflag:s7] =	ssyncadd.s32 $0xFFFF7680  }
0x10: {  	[hbm4b:s8+s2] =	stream.linear.scatter [tilespmem:s6], [sflag:$0x2], $0x8980, $0x38;
	[tilespmem:$0x9218] =	vst v63  }
0x11: {  	_ =	swait.ge [sflag:s3], $0x8980  }
0x12: {  	s9 =	sadd.s32 $0xFFFFFFFF, s9;
	[sflag:s3] =	ssyncset.done $0x0  }
.LBB2_1:
0x13: {  	p0 =	sne.s32 s9, $0x1;
	s9 =	sadd.s32 $0xFFFFFFFF, s9;
	[sflag:s3] =	ssyncadd.s32 $0xFFFF7680  }
0x14: {  	[tilespmem:s2], [sflag:$0x2] =	stream.linear.gather [hbm4b:s4+s2], $0x898, $0x38;
	[tilespmem:$0x9218] =	vst v63  }
0x15: {  	_ =	swait.ge [sflag:s3], $0x898  }
0x16: {  	[sflag:s3] =	ssyncset.done $0x0  }
0x17: {  	[sflag:s3] =	ssyncadd.s32 $0xFFFFF768  }
0x18: {  	[tilespmem:s6], [sflag:$0x1] =	stream.indirect.gather [hbm4b:s5+s6], $0x10, s2, s6, $0xb8;
	[tilespmem:$0x9218] =	vst v63  }
0x19: {  	_ =	swait.ge [sflag:s7], $0x8980  }
.Ltmp1:
0x1a: {  	[sflag:s7] =	ssyncset.done $0x0;
	(pc) =	sbr.rel @p0 .LBB2_1-.Ltmp1, $4  }
0x1b: {  	[sflag:s7] =	ssyncadd.s32 $0xFFFF7680  }
0x1c: {  	[hbm4b:s8+s2] =	stream.linear.scatter [tilespmem:s6], [sflag:$0x2], $0x8980, $0x38;
	[tilespmem:$0x9218] =	vst v63  }
0x1d: {  	_ =	swait.ge [sflag:s3], $0x8980  }
0x1e: {  	[sflag:s3] =	ssyncset.done $0x0  }
.LBB2_2:
0x1f: {  	[sflag:s3] =	ssyncadd.s32 $0xFFFF7680  }
0x20: {  	_ =	sfence.sel $0x180000  }
0x21: {  	[bflag:$0x0] =	sbarrier.arrive $0xFFFF  }
0x22: {  	p0 =	sne.s32 s0, $0x0;
	_ =	strace $0x90000050  }
0x23: {  	s0 =	sadd.s32 @!p0 $0x100000, s1;
	[bflag:$0x2] =	sbarrier.arrive $0xFFFF  }
0x24: {  	[sflag:s0] =	ssyncadd.tile.s32 @!p0 $0x1;
	_ =	shalt  }
.Lfunc_end2:
_tile_overlayer_lowered:
.L_overlay_start_2:
0x25: {  	(tag) =	ssettag $0x2  }
0x26: {  	s0 =	rddreg [dreg:$0x0];
	s2 =	stileid.u32  }
0x27: {  	s1 =	rddreg [dreg:$0x1];
	p0 =	sne.s32 s2, $0x0  }
0x28: {  	s3 =	rddreg [dreg:$0x2];
	[bflag:$0x3] =	sbarrier.arrive $0xFFFF;
	s2 =	simm.s32 @!p0 $0x1C02  }
0x29: {  	[timem:s3], [sflag:s2] =	dma.local @!p0 [hbm:s0], s1  }
0x2a: {  	s0 =	simm.s32 @!p0 $0x2  }
0x2b: {  	_ =	swait.ge @!p0 [sflag:s0], s1  }
0x2c: {  	s1 =	ssub.s32 @!p0 $0x0, s1;
	[sflag:s0] =	ssyncset.done @!p0 $0x0  }
0x2d: {  	[sflag:s0] =	ssyncadd.s32 @!p0 s1  }
0x2e: {  	[bflag:$0x3] =	sbarrier.arrive $0xFFFF  }
0x2f: {  	_ =	shalt  }

// kernel: kernel.23.cloned.1.call-start
scs
__scs_entry_jumppad:
0x0: {  	(pc) =	sbr.rel $0x88, $3  }
0x1: {  	(tag) =	ssettag $0x0;
	lr =	simm.s32 $0x1  }
0x2: {  	[smem:$0x3F6C] =	sst lr;
	_ =	strace $0xD0000000  }
0x3: {  	_ = 	snop  }
0x4: {  	_ = 	snop  }
0x5: {  	_ = 	snop  }
0x6: {  	_ = 	snop  }
0x7: {  	_ = 	snop  }
__scs_overlays_trampoline_lowered:
0x8: {  	[smem:$0x3F7B] =	sst s0  }
0x9: {  	[smem:$0x3F7C] =	sst s1  }
0xa: {  	[smem:$0x3F7D] =	sst s2  }
0xb: {  	[smem:$0x3F7E] =	sst s3  }
0xc: {  	[smem:$0x3F7F] =	sst s4  }
0xd: {  	[smem:$0x3F80] =	sst s5  }
0xe: {  	[smem:$0x3F81] =	sst s6  }
0xf: {  	[smem:$0x3F82] =	sst s7  }
0x10: {  	[smem:$0x3F83] =	sst s8  }
0x11: {  	[smem:$0x3F84] =	sst s9;
	s0 =	simm.s32 @!p0 $0x0  }
0x12: {  	s1 =	sld [smem:$0x3F6A];
	s0 =	simm.s32 @p0 $0x1  }
0x13: {  	[smem:$0x3F85] =	sst s0;
	s0 =	simm.s32 @!p1 $0x0  }
0x14: {  	s2 =	sld [smem:$0x3F69];
	s0 =	simm.s32 @p1 $0x1  }
0x15: {  	[smem:$0x3F86] =	sst s0;
	s0 =	simm.s32 @!p2 $0x0  }
0x16: {  	s3 =	sld [smem:$0x3FDB];
	s0 =	simm.s32 @p2 $0x1  }
0x17: {  	s4 =	simm.s32 $0x1BF5;
	[smem:$0x3F88] =	sst s0  }
0x18: {  	s0 =	sld [smem:$0x3F6B];
	_ =	swait.ge [sflag:s4], $0x0  }
0x19: {  	s7 =	sld [smem:$0x3F6C]  }
0x1a: {  	s8 =	sadd.s32 $0xFFFFE003, lr  }
0x1b: {  	s9 =	sadd.s32 $0xFFFFFEF7, lr;
	s5 =	simm.s32 $0xFFFFFFFF;
	p2 =	slt.u32 s8, $0xFFFFF086  }
0x1c: {  	p1 =	slt.u32 s9, $0xF7A;
	s5 =	simm.s32 @!p2 $0x0  }
0x1d: {  	s5 =	simm.s32 @p1 $0x1;
	p0 =	seq.s32 s7, s2  }
0x1e: {  	s7 =	smul.u32 @!p0 $0xF7A, s2;
	p2 =	seq.s32 @!p0 s5, $0x0  }
0x1f: {  	s9 =	smul.u32 $0xF7A, s1;
	s8 =	simm.s32 @!p0 $0x1BF5;
	p2 =	por !p2, p0  }
0x20: {  	[sflag:s8] =	ssyncset.s32 @!p0 $0xFFFFF086;
	s6 =	sadd.s32 @!p0 s3, s7;
	s7 =	simm.s32 @!p0 $0x108  }
0x21: {  	s3 =	sadd.s32 s3, s9;
	s6 =	sadd.s32 @!p0 $0x88, s6;
	s7 =	simm.s32 @p2 $0x1082  }
0x22: {  	[simem:s7], [sflag:s8] =	dma.local @!p0 [hbm:s6], $0xF7A  }
0x23: {  	s9 =	sor.u32 $0xD0000000, s2;
	s6 =	simm.s32 $0x108;
	_ =	swait.ge @!p0 [sflag:s8], $0x0  }
0x24: {  	s3 =	sadd.s32 $0x88, s3;
	s6 =	simm.s32 @!p1 $0x1082;
	[sflag:s4] =	ssyncset.s32 $0xFFFFF086  }
0x25: {  	[simem:s6], [sflag:s4] =	dma.local [hbm:s3], $0xF7A  }
0x26: {  	[smem:$0x3F6C] =	sst s1;
	(tag) =	ssettag s2;
	_ =	strace s9  }
0x27: {  	s1 =	sld [smem:$0x3F7C]  }
0x28: {  	s2 =	sld [smem:$0x3F7D]  }
0x29: {  	s4 =	sld [smem:$0x3F7F]  }
0x2a: {  	p0 =	seq.s32 s5, $0x0;
	s5 =	sld [smem:$0x3F80]  }
0x2b: {  	s6 =	sld [smem:$0x3F81]  }
0x2c: {  	s7 =	sld [smem:$0x3F82]  }
0x2d: {  	s3 =	simm.s32 $0x108;
	s8 =	sld [smem:$0x3F83]  }
0x2e: {  	s3 =	simm.s32 @!p0 $0x1082;
	s9 =	sld [smem:$0x3F84]  }
0x2f: {  	lr =	sadd.s32 s0, s3;
	s0 =	sld [smem:$0x3F7B]  }
0x30: {  	s3 =	sld [smem:$0x3F7E]  }
0x31: {  	[smem:$0x3F87] =	sst s10  }
0x32: {  	s10 =	sld [smem:$0x3F85];
	_ =	sdelay $0x3  }
0x33: {  	p0 =	seq.s32 s10, $0x1;
	s10 =	sld [smem:$0x3F87];
	_ =	sdelay $0x3  }
0x34: {  	[smem:$0x3F87] =	sst s10  }
0x35: {  	s10 =	sld [smem:$0x3F86];
	_ =	sdelay $0x3  }
0x36: {  	p1 =	seq.s32 s10, $0x1;
	s10 =	sld [smem:$0x3F87];
	_ =	sdelay $0x3  }
0x37: {  	[smem:$0x3F87] =	sst s10  }
0x38: {  	s10 =	sld [smem:$0x3F88]  }
0x39: {  	_ = 	snop;
	(pc) =	sbr.ind lr, $3  }
0x3a: {  	_ = 	snop  }
0x3b: {  	_ = 	snop  }
0x3c: {  	p2 =	seq.s32 s10, $0x1;
	s10 =	sld [smem:$0x3F87]  }
0x3d: {  	_ =	shalt  }
0x3e: {  	_ =	shalt  }
0x3f: {  	_ =	shalt  }
0x40: {  	_ =	shalt  }
0x41: {  	_ =	shalt  }
0x42: {  	_ =	shalt  }
0x43: {  	_ =	shalt  }
0x44: {  	_ =	shalt  }
0x45: {  	_ =	shalt  }
0x46: {  	_ =	shalt  }
0x47: {  	_ =	shalt  }
0x48: {  	_ =	shalt  }
0x49: {  	_ =	shalt  }
0x4a: {  	_ =	shalt  }
0x4b: {  	_ =	shalt  }
0x4c: {  	_ =	shalt  }
0x4d: {  	_ =	shalt  }
0x4e: {  	_ =	shalt  }
0x4f: {  	_ =	shalt  }
0x50: {  	_ =	shalt  }
0x51: {  	_ =	shalt  }
0x52: {  	_ =	shalt  }
0x53: {  	_ =	shalt  }
0x54: {  	_ =	shalt  }
0x55: {  	_ =	shalt  }
0x56: {  	_ =	shalt  }
0x57: {  	_ =	shalt  }
0x58: {  	_ =	shalt  }
0x59: {  	_ =	shalt  }
0x5a: {  	_ =	shalt  }
0x5b: {  	_ =	shalt  }
0x5c: {  	_ =	shalt  }
0x5d: {  	_ =	shalt  }
0x5e: {  	_ =	shalt  }
0x5f: {  	_ =	shalt  }
0x60: {  	_ =	shalt  }
0x61: {  	_ =	shalt  }
0x62: {  	_ =	shalt  }
0x63: {  	_ =	shalt  }
0x64: {  	_ =	shalt  }
0x65: {  	_ =	shalt  }
0x66: {  	_ =	shalt  }
0x67: {  	_ =	shalt  }
0x68: {  	_ =	shalt  }
0x69: {  	_ =	shalt  }
0x6a: {  	_ =	shalt  }
0x6b: {  	_ =	shalt  }
0x6c: {  	_ =	shalt  }
0x6d: {  	_ =	shalt  }
0x6e: {  	_ =	shalt  }
0x6f: {  	_ =	shalt  }
0x70: {  	_ =	shalt  }
0x71: {  	_ =	shalt  }
0x72: {  	_ =	shalt  }
0x73: {  	_ =	shalt  }
0x74: {  	_ =	shalt  }
0x75: {  	_ =	shalt  }
0x76: {  	_ =	shalt  }
0x77: {  	_ =	shalt  }
0x78: {  	_ =	shalt  }
0x79: {  	_ =	shalt  }
0x7a: {  	_ =	shalt  }
0x7b: {  	_ =	shalt  }
0x7c: {  	_ =	shalt  }
0x7d: {  	_ =	shalt  }
0x7e: {  	_ =	shalt  }
0x7f: {  	_ =	shalt  }
0x80: {  	_ =	shalt  }
0x81: {  	_ =	shalt  }
0x82: {  	_ =	shalt  }
0x83: {  	_ =	shalt  }
0x84: {  	_ =	shalt  }
0x85: {  	_ =	shalt  }
0x86: {  	_ =	shalt  }
0x87: {  	_ =	shalt  }
.Lfunc_end0:
.L_simem_size_0:
called_computation.4_lowered:
.L_overlay_start_0:
0x88: {  	s2 =	sld [smem:$0x3FD9]  }
0x89: {  	s3 =	sld [smem:$0x3FFE];
	_ =	sdelay $0x1  }
0x8a: {  	s1 =	srdreg.scid  }
0x8b: {  	s0 =	sand.u32 $0x1, s1  }
0x8c: {  	s16 =	sshll.u32 s0, $0xA;
	s2 =	sadd.s32 s3, s2  }
0x8d: {  	s2 =	sadd.s32 s2, s16  }
0x8e: {  	[smem:$0x3F93] =	sst s2  }
0x8f: {  	_ = 	snop  }
0x90: {  	(tm) =	ssettm $0x1  }
0x91: {  	s17 =	sld [smem:$0x3FFB];
	_ =	sdelay $0x3  }
0x92: {  	_ =	strace s17  }
0x93: {  	s2 =	sld [smem:$0x3FFC];
	_ =	sdelay $0x3  }
0x94: {  	_ =	strace s2  }
0x95: {  	s2 =	sld [smem:$0x3FFD];
	_ =	sdelay $0x3  }
0x96: {  	_ =	strace s2  }
0x97: {  	_ =	strace $0x8FFFFFFF  }
0x98: {  	s18 =	sld [smem:$0x3FDB];
	_ =	sdelay $0x1  }
0x99: {  	s19 =	simm.s32 $_scs_section_size  }
0x9a: {  	s4 =	simm.s32 $_size__tile_overlayer_lowered;
	s5 =	simm.s32 $_tile_overlayer_lowered  }
0x9b: {  	s22 =	simm.s32 $0x1BFF;
	s21 =	sshll.u32 s5, $0x1;
	s2 =	sadd.s32 s19, s18  }
0x9c: {  	s6 =	simm.s32 $0x0;
	s20 =	sshll.u32 s4, $0x1;
	s4 =	sadd.s32 s21, s2  }
0x9d: {  	[timem:s6], [sflag:s22] =	dma.local [hbm:s4], s20  }
0x9e: {  	_ =	swait.ge [sflag:s22], s20  }
0x9f: {  	s3 =	ssub.s32 $0x0, s20;
	[sflag:s22] =	ssyncset.done $0x0  }
0xa0: {  	[sflag:s22] =	ssyncadd.s32 s3;
	_ =	sdelay $0x1  }
0xa1: {  	s23 =	simm.s32 $0x1B8B  }
0xa2: {  	_ =	swait.ge [sflag:s23], $0x1  }
0xa3: {  	[sflag:s23] =	ssyncset.done $0x0  }
0xa4: {  	s25 =	simm.s32 $0x1B8E;
	s24 =	sld [smem:$0x3FFE];
	[sflag:s23] =	ssyncadd.s32 $0xFFFFFFFF  }
0xa5: {  	s26 =	simm.s32 $execute0_lowered;
	[smem:$0x3FD2] =	sst s25  }
0xa6: {  	s4 =	sshll.u32 s26, $0x1;
	_ =	strace $0x80000052;
	[dreg:$0x1] =	wrdreg $0xFFFFFFFF  }
0xa7: {  	s28 =	simm.s32 $_size_execute0_lowered;
	s2 =	sadd.s32 s2, s4;
	[dreg:$0x0] =	wrdreg $0x0  }
0xa8: {  	s4 =	sshll.u32 s28, $0x1;
	[dreg:$0x2] =	wrdreg s2  }
0xa9: {  	[dreg:$0x3] =	wrdreg s4  }
0xaa: {  	[dreg:$0x4] =	wrdreg $0xC0  }
0xab: {  	_ =	task [dreg:s6], $0x5FFFF  }
0xac: {  	[dreg:$0x1] =	wrdreg $0xFFFFFFFF  }
0xad: {  	[dreg:$0x0] =	wrdreg $0x60  }
0xae: {  	[dreg:$0x2] =	wrdreg s24  }
0xaf: {  	[dreg:$0x3] =	wrdreg $0x124300  }
0xb0: {  	[dreg:$0x4] =	wrdreg $0x9  }
0xb1: {  	_ =	task.clear_ibuf [dreg:s6], $0x5FFFF;
	_ =	strace $0x90000052  }
0xb2: {  	s29 =	simm.s32 $0x9;
	_ =	strace $0x80000054  }
0xb3: {  	_ =	swait.ge [sflag:s29], $0x1  }
0xb4: {  	[sflag:s29] =	ssyncadd.s32 $0xFFFFFFFF  }
0xb5: {  	_ =	strace $0x90000054  }
0xb6: {  	_ =	sfence  }
0xb7: {  	s30 =	sld [smem:$0x0];
	_ =	sdelay $0x2  }
0xb8: {  	s31 =	sshll.u32 s1, $0xD;
	s1 =	sshrl.u32 s1, $0x2  }
0xb9: {  	s3 =	sand.u32 $0x4000, s31;
	s1 =	sadd.s32 s1, s30  }
0xba: {  	s0 =	sor.u32 s3, s0;
	s1 =	sshll.u32 s1, $0x11  }
0xbb: {  	s0 =	sor.u32 s1, s0  }
0xbc: {  	s0 =	sadd.s32 $0x8F2B, s0  }
0xbd: {  	[sflag:s0] =	ssyncadd.remote.s32 $0x1  }
0xbe: {  	_ =	sfence.sel $0xFFFF  }
0xbf: {  	[dreg:$0x0] =	wrdreg $0xFFFFFFFF;
	(pc) =	sbr.abs _section_cstart, $3  }
0xc0: {  	[dreg:$0x1] =	wrdreg $0xFFFFFFFF  }
0xc1: {  	_ =	task.clear_ibuf [dreg:s6], $0x2FFFF;
	_ =	strace $0x9FFFFFFF  }
0xc2: {  	(tm) =	ssettm $0x7FFFFFFF  }
0xc3: {  	_ =	shalt  }
tec
execute0_lowered:
.L_overlay_start_1:
0x0: {  	(tag) =	ssettag $0x1  }
0x1: {  	s0 =	rddreg [dreg:$0x0];
	s2 =	srdreg.scid  }
0x2: {  	s1 =	rddreg [dreg:$0x1];
	s2 =	sand.u32 $0x1, s2  }
0x3: {  	s4 =	simm.s32 $0x0;
	s5 =	stileid.u32;
	p0 =	seq.s32 s2, $0x1  }
0x4: {  	[smem:$0x7FF] =	sst s4;
	p1 =	sne.s32 @!p0 s5, $0x0  }
0x5: {  	s3 =	rddreg [dreg:$0x2];
	_ =	strace $0x80000053;
	p1 =	por p1, p0  }
0x6: {  	s2 =	sadd.s32 $0x8C00, s0;
	s4 =	sshrl.u32 @!p1 s1, $0x3;
	s6 =	simm.s32 @!p1 $0x1C01  }
0x7: {  	[spmem:s4], [sflag:s6] =	dma.local @!p1 [hbm:s2], $0x1390  }
0x8: {  	s2 =	simm.s32 @!p1 $0x1  }
0x9: {  	s7 =	smul.u32 $0x2260, s5;
	_ =	swait.ge @!p1 [sflag:s2], $0x1390  }
0xa: {  	s31 =	smul.u32 $0x226, s5;
	[sflag:s2] =	ssyncset.done @!p1 $0x0  }
0xb: {  	s7 =	sadd.s32 s7, s0;
	s8 =	simm.s32 @!p0 $0x0;
	[sflag:s2] =	ssyncadd.s32 @!p1 $0xFFFFEC70  }
0xc: {  	s9 =	simm.s32 @!p0 $0x1;
	s7 =	sadd.s32 $0x10400, s7;
	[bflag:$0x0] =	sbarrier.arrive @!p0 $0xFFFF  }
0xd: {  	[tilespmem:s8], [sflag:$0x1] =	stream.linear.gather @!p0 [hbm4b:s7+s8], $0x11300, $0x38;
	[tilespmem:$0x12DF8] =	vst v63  }
0xe: {  	_ =	swait.ge @!p0 [sflag:s9], $0x11300  }
0xf: {  	s7 =	sadd.s32 s31, s0;
	[sflag:s9] =	ssyncset.done @!p0 $0x0  }
0x10: {  	s10 =	simm.s32 @!p0 $0x11300;
	s7 =	sadd.s32 $0x32A00, s7;
	[sflag:s9] =	ssyncadd.s32 @!p0 $0xFFFEED00  }
0x11: {  	[tilespmem:s10], [sflag:$0x1] =	stream.linear.gather @!p0 [hbm4b:s7+s8], $0x1130, $0x38;
	[tilespmem:$0x12DF8] =	vst v63  }
0x12: {  	_ =	swait.ge @!p0 [sflag:s9], $0x1130  }
0x13: {  	[sflag:s9] =	ssyncset.done @!p0 $0x0  }
0x14: {  	s7 =	simm.s32 @!p0 $0x1130;
	[sflag:s9] =	ssyncadd.s32 @!p0 $0xFFFFEED0  }
0x15: {  	[spmem:s1] =	stream.indirect.scatter.add.f32 @!p0 [tilespmem:s8], [sflag:$0x1], $0x10, s10, s7, $0xb8;
	[tilespmem:$0x12DF8] =	vst v63  }
0x16: {  	_ =	swait.ge @!p0 [sflag:s9], $0x11300  }
0x17: {  	[sflag:s9] =	ssyncset.done @!p0 $0x0  }
0x18: {  	[sflag:s9] =	ssyncadd.s32 @!p0 $0xFFFEED00  }
0x19: {  	s0 =	sadd.s32 $0xA000, s0;
	[bflag:$0x0] =	sbarrier.arrive @!p0 $0xFFFF  }
0x1a: {  	[hbm:s0], [sflag:s6] =	dma.local @!p1 [spmem:s4], $0x1390  }
0x1b: {  	_ =	swait.ge @!p1 [sflag:s2], $0x1390  }
0x1c: {  	[sflag:s2] =	ssyncset.done @!p1 $0x0  }
0x1d: {  	[sflag:s2] =	ssyncadd.s32 @!p1 $0xFFFFEC70  }
0x1e: {  	_ =	sfence.sel $0x180000  }
0x1f: {  	[bflag:$0x0] =	sbarrier.arrive $0xFFFF  }
0x20: {  	p0 =	sne.s32 s5, $0x0;
	_ =	strace $0x90000053  }
0x21: {  	s0 =	sadd.s32 @!p0 $0x100000, s3;
	[bflag:$0x2] =	sbarrier.arrive $0xFFFF  }
0x22: {  	[sflag:s0] =	ssyncadd.tile.s32 @!p0 $0x1;
	_ =	shalt  }
.Lfunc_end2:
_tile_overlayer_lowered:
.L_overlay_start_2:
0x23: {  	(tag) =	ssettag $0x2  }
0x24: {  	s0 =	rddreg [dreg:$0x0];
	s2 =	stileid.u32  }
0x25: {  	s1 =	rddreg [dreg:$0x1];
	p0 =	sne.s32 s2, $0x0  }
0x26: {  	s3 =	rddreg [dreg:$0x2];
	[bflag:$0x3] =	sbarrier.arrive $0xFFFF;
	s2 =	simm.s32 @!p0 $0x1C01  }
0x27: {  	[timem:s3], [sflag:s2] =	dma.local @!p0 [hbm:s0], s1  }
0x28: {  	s0 =	simm.s32 @!p0 $0x1  }
0x29: {  	_ =	swait.ge @!p0 [sflag:s0], s1  }
0x2a: {  	s1 =	ssub.s32 @!p0 $0x0, s1;
	[sflag:s0] =	ssyncset.done @!p0 $0x0  }
0x2b: {  	[sflag:s0] =	ssyncadd.s32 @!p0 s1  }
0x2c: {  	[bflag:$0x3] =	sbarrier.arrive $0xFFFF  }
0x2d: {  	_ =	shalt  }

</sc_bundles>
